<compile_context>
chip_gen: v7x
topology: tpu7x:2x2x1
jax: 0.10.2.dev20260603
libtpu: 0.0.44.dev20260713+nightly
codegen_flags: <defaults>
</compile_context>

<pallas_src>
import functools

import jax
import jax.numpy as jnp
from jax import lax
from jax.experimental import pallas as pl
from jax.experimental.pallas import tpu as pltpu
from jax.experimental.pallas import tpu_sc as plsc

N = 10000
D = 128
E = 320000
EB = 80
NC, NS, L = 2, 16, 16
ROWS = E // EB
ROWS_PER_SC = ROWS // NC
RT = 128
RT_LAST = ROWS_PER_SC - 15 * RT
DH = D // NC
RTA = 256
RTA_LAST = ROWS - 15 * RTA
ZR = 200

_mesh = plsc.VectorSubcoreMesh(core_axis_name="c", subcore_axis_name="s")


def _zeros16():
    return jnp.zeros((L,), jnp.float32)


@functools.partial(
    pl.kernel,
    out_type=(
        jax.ShapeDtypeStruct((NC * N,), jnp.float32),
        jax.ShapeDtypeStruct((NC * N,), jnp.float32),
    ),
    mesh=_mesh,
    compiler_params=pltpu.CompilerParams(needs_layout_passes=False, use_tc_tiling_on_sc=False),
    scratch_types=[
        pltpu.VMEM((RT, EB), jnp.int32),
        pltpu.VMEM((RT, EB), jnp.int32),
        pltpu.VMEM((EB,), jnp.float32),
        pltpu.VMEM((2000,), jnp.float32),
        pltpu.VMEM_SHARED((N,), jnp.float32),
        pltpu.VMEM_SHARED((N,), jnp.float32),
    ],
)
def _deg(src_hbm, dst_hbm, odeg_out, ideg_out, sidx_v, didx_v, ones_v, zero_v,
         otab, itab):
    c = lax.axis_index("c")
    s = lax.axis_index("s")

    def zb(i, carry):
        zero_v[pl.ds(i * L, L)] = _zeros16()
        return carry
    lax.fori_loop(0, 2000 // L, zb, 0)
    for j in range(EB // L):
        ones_v[pl.ds(j * L, L)] = jnp.ones((L,), jnp.float32)

    @pl.when(s < 5)
    def _():
        pltpu.sync_copy(zero_v, otab.at[pl.ds(s * 2000, 2000)])

    @pl.when((s >= 5) & (s < 10))
    def _():
        pltpu.sync_copy(zero_v, itab.at[pl.ds((s - 5) * 2000, 2000)])

    plsc.subcore_barrier()

    row0 = c * ROWS_PER_SC + s * RT
    nrows = jnp.where(s == NS - 1, RT_LAST, RT)

    @pl.when(s < NS - 1)
    def _():
        pltpu.sync_copy(src_hbm.at[pl.ds(row0, RT)], sidx_v)
        pltpu.sync_copy(dst_hbm.at[pl.ds(row0, RT)], didx_v)

    @pl.when(s == NS - 1)
    def _():
        pltpu.sync_copy(src_hbm.at[pl.ds(row0, RT_LAST)],
                        sidx_v.at[pl.ds(0, RT_LAST)])
        pltpu.sync_copy(dst_hbm.at[pl.ds(row0, RT_LAST)],
                        didx_v.at[pl.ds(0, RT_LAST)])

    def body(j, carry):
        pltpu.sync_copy(ones_v, otab.at[sidx_v.at[j]], add=True)
        pltpu.sync_copy(ones_v, itab.at[didx_v.at[j]], add=True)
        return carry
    lax.fori_loop(0, nrows, body, 0)

    plsc.subcore_barrier()

    @pl.when(s < 5)
    def _():
        pltpu.sync_copy(otab.at[pl.ds(s * 2000, 2000)], zero_v)
        pltpu.sync_copy(zero_v, odeg_out.at[pl.ds(c * N + s * 2000, 2000)])

    @pl.when((s >= 5) & (s < 10))
    def _():
        pltpu.sync_copy(itab.at[pl.ds((s - 5) * 2000, 2000)], zero_v)
        pltpu.sync_copy(zero_v,
                        ideg_out.at[pl.ds(c * N + (s - 5) * 2000, 2000)])


def _dense_body(feat_ref, od_ref, id_ref, wself_ref, w_ref, b_ref,
                hw_ref, base_ref, innorm_ref):
    x = feat_ref[...]
    od = od_ref[0, :] + od_ref[1, :]
    idg = id_ref[0, :] + id_ref[1, :]
    out_norm = lax.rsqrt(jnp.maximum(od, 1.0))
    in_norm = lax.rsqrt(jnp.maximum(idg, 1.0))
    xn = x * out_norm[:, None]
    hw = lax.dot_general(
        xn, w_ref[...], (((1,), (1,)), ((), ())),
        preferred_element_type=jnp.float32)
    hw_ref[0, :, :] = hw[:, :DH]
    hw_ref[1, :, :] = hw[:, DH:]
    hs = lax.dot_general(
        x, wself_ref[...], (((1,), (1,)), ((), ())),
        preferred_element_type=jnp.float32)
    base_ref[...] = hs + b_ref[...][None, :] * in_norm[:, None]
    innorm_ref[...] = in_norm


def _dense(feature, odeg, ideg, W_self, W, b):
    return pl.pallas_call(
        _dense_body,
        out_shape=[
            jax.ShapeDtypeStruct((NC, N, DH), jnp.float32),
            jax.ShapeDtypeStruct((N, D), jnp.float32),
            jax.ShapeDtypeStruct((N,), jnp.float32),
        ],
    )(feature, odeg, ideg, W_self, W, b)


SR = 50
RTA = 250
NST = RTA // SR
NR = 3


@functools.partial(
    pl.kernel,
    out_type=jax.ShapeDtypeStruct((N, D), jnp.float32),
    mesh=_mesh,
    compiler_params=pltpu.CompilerParams(needs_layout_passes=False, use_tc_tiling_on_sc=False),
    scratch_types=[
        pltpu.VMEM((SR, EB), jnp.int32),
        pltpu.VMEM((SR, EB), jnp.int32),
        pltpu.VMEM((SR, EB), jnp.float32),
        pltpu.VMEM((RTA, EB), jnp.float32),
        pltpu.VMEM((N,), jnp.float32),
        pltpu.VMEM((NR, EB, DH), jnp.float32),
        pltpu.VMEM((ZR, DH), jnp.float32),
        pltpu.VMEM_SHARED((N, DH), jnp.float32),
        pltpu.SemaphoreType.DMA((NR,)),
        pltpu.SemaphoreType.DMA((NR,)),
    ],
)
def _agg(hw_hbm, src_hbm, dst_hbm, ew_hbm, innorm_hbm, base_hbm, h_out,
         sidx_v, didx_v, ew_v, s_v, innorm_v, bufs, stage_v, acc, gsem, ssem):
    c = lax.axis_index("c")
    s = lax.axis_index("s")

    @pl.when(s < 10)
    def _():
        def zc(jj, carry):
            off = s * (N // 10) + jj * ZR
            pltpu.sync_copy(
                base_hbm.at[pl.ds(off, ZR), pl.ds(c * DH, DH)], stage_v)
            pltpu.sync_copy(stage_v, acc.at[pl.ds(off, ZR)])
            return carry
        lax.fori_loop(0, N // 10 // ZR, zc, 0)

    pltpu.sync_copy(innorm_hbm, innorm_v)

    plsc.subcore_barrier()

    hw_c = hw_hbm.at[c]
    tile_row0 = s * RTA

    def stage(st, carry):
        j0 = st * SR
        r0 = tile_row0 + j0

        @pl.when(st >= 1)
        def _():
            bp = lax.rem(j0 + 2, NR)
            pltpu.make_async_copy(
                bufs.at[bp], acc.at[didx_v.at[SR - 1]], ssem.at[bp]).wait()

        pltpu.sync_copy(src_hbm.at[pl.ds(r0, SR)], sidx_v)
        pltpu.sync_copy(dst_hbm.at[pl.ds(r0, SR)], didx_v)
        pltpu.sync_copy(ew_hbm.at[pl.ds(r0, SR)], ew_v)

        def sb(q, carry2):
            for k in range(EB // L):
                d16 = didx_v[q, pl.ds(k * L, L)]
                nvals = plsc.load_gather(innorm_v, [d16])
                s_v[j0 + q, pl.ds(k * L, L)] = (
                    nvals * ew_v[q, pl.ds(k * L, L)])
            return carry2
        lax.fori_loop(0, SR, sb, 0)

        def pr(p, carry2):
            b = lax.rem(j0 + p, NR)
            pltpu.async_copy(hw_c.at[sidx_v.at[p]], bufs.at[b], gsem.at[b])
            return carry2
        lax.fori_loop(0, 2, pr, 0)

        def mb(q, carry2):
            j = j0 + q
            b = lax.rem(j, NR)
            bp = lax.rem(j + 2, NR)
            @pl.when(q >= 1)
            def _():
                pltpu.make_async_copy(
                    bufs.at[bp],
                    acc.at[didx_v.at[lax.rem(q + SR - 1, SR)]],
                    ssem.at[bp]).wait()
            @pl.when(q + 2 < SR)
            def _():
                pltpu.async_copy(
                    hw_c.at[sidx_v.at[q + 2]], bufs.at[bp], gsem.at[bp])
            buf = bufs.at[b]
            pltpu.make_async_copy(
                hw_c.at[sidx_v.at[q]], buf, gsem.at[b]).wait()
            dnums = lax.GatherDimensionNumbers(
                offset_dims=(), collapsed_slice_dims=(0,),
                start_index_map=(0,))
            for rg in range(EB // L):
                sv = s_v[j, pl.ds(rg * L, L)]
                for ri in range(L):
                    r = rg * L + ri
                    splat = lax.gather(
                        sv, jnp.full((L, 1), ri, jnp.int32), dnums, (1,),
                        mode=lax.GatherScatterMode.PROMISE_IN_BOUNDS)
                    for k in range(DH // L):
                        bufs[b, r, pl.ds(k * L, L)] = (
                            bufs[b, r, pl.ds(k * L, L)] * splat)
            pltpu.async_copy(buf, acc.at[didx_v.at[q]], ssem.at[b], add=True)
            return carry2
        lax.fori_loop(0, SR, mb, 0)
        return carry
    lax.fori_loop(0, NST, stage, 0)

    bl = lax.rem(RTA - 1, NR)
    pltpu.make_async_copy(
        bufs.at[bl], acc.at[didx_v.at[SR - 1]], ssem.at[bl]).wait()

    plsc.subcore_barrier()

    @pl.when(s < 10)
    def _():
        def wc(jj, carry):
            off = s * (N // 10) + jj * ZR
            pltpu.sync_copy(acc.at[pl.ds(off, ZR)], stage_v)
            pltpu.sync_copy(
                stage_v, h_out.at[pl.ds(off, ZR), pl.ds(c * DH, DH)])
            return carry
        lax.fori_loop(0, N // 10 // ZR, wc, 0)


def kernel(feature, edge_index, e_w, snorm_n, snorm_e, W_self, W, b):
    src = edge_index[0].reshape(ROWS, EB)
    dst = edge_index[1].reshape(ROWS, EB)
    ew2 = e_w.reshape(ROWS, EB)
    odeg, ideg = _deg(src, dst)
    hw, base, innorm = _dense(feature, odeg.reshape(NC, N),
                              ideg.reshape(NC, N), W_self, W, b)
    h = _agg(hw, src, dst, ew2, innorm, base)
    return (h, e_w)

# --- scband reference (transcript-rebuilt; emitter-appended) ---
"""Pipeline reference for scband-gcnlayer-32435593019562 (READ-ONLY COPY).

The authoritative reference and input builder live on the scoring server;
editing this copy changes nothing except your own understanding.
"""

import jax, jax.numpy as jnp
import numpy as np

N = 10000
E = 320000
D_IN = 128
D_OUT = 128

def setup_inputs(seed: int = 0) -> dict:
    key = jax.random.key(seed)
    ks = jax.random.split(key, 8)
    feature = jax.random.normal(ks[0], (N, D_IN), dtype=jnp.float32)
    edge_index = jax.random.randint(ks[1], (2, E), 0, N, dtype=jnp.int32)
    e_w = jax.random.uniform(ks[2], (E, 1), dtype=jnp.float32)
    snorm_n = jax.random.uniform(ks[3], (N, 1), dtype=jnp.float32)
    snorm_e = jax.random.uniform(ks[4], (E, 1), dtype=jnp.float32)
    W_self = jax.random.normal(ks[5], (D_OUT, D_IN), dtype=jnp.float32) * 0.05
    W = jax.random.normal(ks[6], (D_OUT, D_IN), dtype=jnp.float32) * 0.05
    b = jnp.zeros((D_OUT,), dtype=jnp.float32)
    return {"feature": feature, "edge_index": edge_index, "e_w": e_w,
            "snorm_n": snorm_n, "snorm_e": snorm_e,
            "W_self": W_self, "W": W, "b": b}

def reference(feature, edge_index, e_w, snorm_n, snorm_e, W_self, W, b):
    n = feature.shape[0]
    src = edge_index[0]
    dst = edge_index[1]
    # self path: linear_self (no bias)
    h_s = feature @ W_self.T
    # out-degree normalization of source features
    out_deg = jnp.maximum(jnp.bincount(src, length=n).astype(jnp.float32), 1.0)
    out_norm = out_deg ** -0.5
    feat_n = feature * out_norm[:, None]
    # message: u_mul_e('h','w','m') -> gather src features, multiply by edge weight
    m = feat_n[src] * e_w
    # reduce: sum over mailbox per destination node
    agg = jax.ops.segment_sum(m, dst, num_segments=n)
    # linear (with bias)
    h = agg @ W.T + b
    # in-degree normalization
    in_deg = jnp.maximum(jnp.bincount(dst, length=n).astype(jnp.float32), 1.0)
    in_norm = in_deg ** -0.5
    h = h * in_norm[:, None]
    h = h_s + h
    return (h, e_w)

if __name__ == "__main__":
    import jax
    _d = setup_inputs()
    print(jax.jit(kernel)(*tuple(_d.values())))

</pallas_src>

<mosaic_0001>
#map = affine_map<(d0, d1) -> (0, 0)>
#map1 = affine_map<(d0, d1) -> (0)>
module attributes {stable_mosaic.version = 14 : i64} {
  func.func @_deg(%arg0: i32, %arg1: i32, %arg2: memref<4000x80xi32, #tpu.memory_space<hbm>>, %arg3: memref<4000x80xi32, #tpu.memory_space<hbm>>, %arg4: memref<20000xf32, #tpu.memory_space<hbm>>, %arg5: memref<20000xf32, #tpu.memory_space<hbm>>, %arg6: memref<128x80xi32, #tpu.memory_space<vmem>>, %arg7: memref<128x80xi32, #tpu.memory_space<vmem>>, %arg8: memref<80xf32, #tpu.memory_space<vmem>>, %arg9: memref<2000xf32, #tpu.memory_space<vmem>>, %arg10: memref<10000xf32, #tpu.memory_space<vmem_shared>>, %arg11: memref<10000xf32, #tpu.memory_space<vmem_shared>>) attributes {dimension_semantics = [#tpu.dimension_semantics<core_parallel>, #tpu.dimension_semantics<subcore_parallel>], iteration_bounds = array<i64: 2, 16>, scalar_prefetch = 0 : i64, scratch_operands = 6 : i64, tpu.core_type = #tpu.core_type<sc_vector_subcore>, window_params = [{transform_indices = #map}, {transform_indices = #map}, {transform_indices = #map1}, {transform_indices = #map1}]} {
    %scan3A = arith.constant 0 : i32
    %scan3A_0 = arith.constant 0 : i32
    %scan3A_1 = arith.constant 125 : i32
    %scan3A_2 = arith.addi %scan3A_0, %scan3A_1 : i32
    %scan3A_3 = arith.constant 1 : i32
    scf.for %scan3A_69 = %scan3A_0 to %scan3A_2 step %scan3A_3  : i32 {
      %broadcast_in_dim3A_70 = arith.constant 0.000000e+00 : f32
      %broadcast_in_dim3A_71 = vector.broadcast %broadcast_in_dim3A_70 : f32 to vector<16xf32>
      %mul3A_72 = arith.constant 16 : i32
      %mul3A_73 = arith.muli %scan3A_69, %mul3A_72 : i32
      %swap3A_74 = arith.index_cast %mul3A_73 : i32 to index
      %swap3A_75 = tpu.vector_load %arg9[%swap3A_74] {strides = array<i32>} : memref<2000xf32, #tpu.memory_space<vmem>>, vector<16xf32>,
      tpu.vector_store %arg9[%swap3A_74], %broadcast_in_dim3A_71 {strides = array<i32>} : memref<2000xf32, #tpu.memory_space<vmem>>, vector<16xf32>,
    }
    %scan3A_4 = arith.constant 125 : i32
    %broadcast_in_dim3A = arith.constant 1.000000e+00 : f32
    %broadcast_in_dim3A_5 = vector.broadcast %broadcast_in_dim3A : f32 to vector<16xf32>
    %swap3A = arith.constant 0 : index
    %swap3A_6 = tpu.vector_load %arg8[%swap3A] {strides = array<i32>} : memref<80xf32, #tpu.memory_space<vmem>>, vector<16xf32>,
    tpu.vector_store %arg8[%swap3A], %broadcast_in_dim3A_5 {strides = array<i32>} : memref<80xf32, #tpu.memory_space<vmem>>, vector<16xf32>,
    %broadcast_in_dim3A_7 = arith.constant 1.000000e+00 : f32
    %broadcast_in_dim3A_8 = vector.broadcast %broadcast_in_dim3A_7 : f32 to vector<16xf32>
    %swap3A_9 = arith.constant 16 : index
    %swap3A_10 = tpu.vector_load %arg8[%swap3A_9] {strides = array<i32>} : memref<80xf32, #tpu.memory_space<vmem>>, vector<16xf32>,
    tpu.vector_store %arg8[%swap3A_9], %broadcast_in_dim3A_8 {strides = array<i32>} : memref<80xf32, #tpu.memory_space<vmem>>, vector<16xf32>,
    %broadcast_in_dim3A_11 = arith.constant 1.000000e+00 : f32
    %broadcast_in_dim3A_12 = vector.broadcast %broadcast_in_dim3A_11 : f32 to vector<16xf32>
    %swap3A_13 = arith.constant 32 : index
    %swap3A_14 = tpu.vector_load %arg8[%swap3A_13] {strides = array<i32>} : memref<80xf32, #tpu.memory_space<vmem>>, vector<16xf32>,
    tpu.vector_store %arg8[%swap3A_13], %broadcast_in_dim3A_12 {strides = array<i32>} : memref<80xf32, #tpu.memory_space<vmem>>, vector<16xf32>,
    %broadcast_in_dim3A_15 = arith.constant 1.000000e+00 : f32
    %broadcast_in_dim3A_16 = vector.broadcast %broadcast_in_dim3A_15 : f32 to vector<16xf32>
    %swap3A_17 = arith.constant 48 : index
    %swap3A_18 = tpu.vector_load %arg8[%swap3A_17] {strides = array<i32>} : memref<80xf32, #tpu.memory_space<vmem>>, vector<16xf32>,
    tpu.vector_store %arg8[%swap3A_17], %broadcast_in_dim3A_16 {strides = array<i32>} : memref<80xf32, #tpu.memory_space<vmem>>, vector<16xf32>,
    %broadcast_in_dim3A_19 = arith.constant 1.000000e+00 : f32
    %broadcast_in_dim3A_20 = vector.broadcast %broadcast_in_dim3A_19 : f32 to vector<16xf32>
    %swap3A_21 = arith.constant 64 : index
    %swap3A_22 = tpu.vector_load %arg8[%swap3A_21] {strides = array<i32>} : memref<80xf32, #tpu.memory_space<vmem>>, vector<16xf32>,
    tpu.vector_store %arg8[%swap3A_21], %broadcast_in_dim3A_20 {strides = array<i32>} : memref<80xf32, #tpu.memory_space<vmem>>, vector<16xf32>,
    %lt3A = arith.constant 5 : i32
    %lt3A_23 = arith.cmpi slt, %arg1, %lt3A : i32
    %convert_element_type3A = arith.extui %lt3A_23 : i1 to i32
    %cond3A = arith.constant 0 : i32
    %cond3A_24 = arith.cmpi ne, %convert_element_type3A, %cond3A : i32
    scf.if %cond3A_24 {
      %mul3A_69 = arith.constant 2000 : i32
      %mul3A_70 = arith.muli %arg1, %mul3A_69 : i32
      "tpu.region"() ({
        %run_scoped3A = tpu.sem_alloc : memref<!tpu.dma_semaphore, #tpu.memory_space<semaphore_mem>>
        %dma_start3A = tpu.memref_slice %arg10[%mul3A_70] : memref<10000xf32, #tpu.memory_space<vmem_shared>> -> memref<2000xf32, #tpu.memory_space<vmem_shared>>
        %dma_start3A_71 = tpu.memref_slice %arg10[%mul3A_70] : memref<10000xf32, #tpu.memory_space<vmem_shared>> -> memref<2000xf32, #tpu.memory_space<vmem_shared>>
        tpu.enqueue_dma source(%arg9 : memref<2000xf32, #tpu.memory_space<vmem>>) target(%dma_start3A_71 : memref<2000xf32, #tpu.memory_space<vmem_shared>>) target_semaphore(%run_scoped3A : memref<!tpu.dma_semaphore, #tpu.memory_space<semaphore_mem>>)
        %dma_wait3A = tpu.memref_slice %arg10[%mul3A_70] : memref<10000xf32, #tpu.memory_space<vmem_shared>> -> memref<2000xf32, #tpu.memory_space<vmem_shared>>
        %dma_wait3A_72 = tpu.memref_slice %arg10[%mul3A_70] : memref<10000xf32, #tpu.memory_space<vmem_shared>> -> memref<2000xf32, #tpu.memory_space<vmem_shared>>
        tpu.wait_dma2 semaphore(%run_scoped3A : memref<!tpu.dma_semaphore, #tpu.memory_space<semaphore_mem>>) src(%arg9 : memref<2000xf32, #tpu.memory_space<vmem>>) dst(%dma_wait3A_72 : memref<2000xf32, #tpu.memory_space<vmem_shared>>)
        tpu.yield
      }) : () -> ()
    } else {
    }
    %ge3A = arith.constant 5 : i32
    %ge3A_25 = arith.cmpi sge, %arg1, %ge3A : i32
    %lt3A_26 = arith.constant 10 : i32
    %lt3A_27 = arith.cmpi slt, %arg1, %lt3A_26 : i32
    %and3A = arith.andi %ge3A_25, %lt3A_27 : i1
    %convert_element_type3A_28 = arith.extui %and3A : i1 to i32
    %cond3A_29 = arith.constant 0 : i32
    %cond3A_30 = arith.cmpi ne, %convert_element_type3A_28, %cond3A_29 : i32
    scf.if %cond3A_30 {
      %sub3A = arith.constant 5 : i32
      %sub3A_69 = arith.subi %arg1, %sub3A : i32
      %mul3A_70 = arith.constant 2000 : i32
      %mul3A_71 = arith.muli %sub3A_69, %mul3A_70 : i32
      "tpu.region"() ({
        %run_scoped3A = tpu.sem_alloc : memref<!tpu.dma_semaphore, #tpu.memory_space<semaphore_mem>>
        %dma_start3A = tpu.memref_slice %arg11[%mul3A_71] : memref<10000xf32, #tpu.memory_space<vmem_shared>> -> memref<2000xf32, #tpu.memory_space<vmem_shared>>
        %dma_start3A_72 = tpu.memref_slice %arg11[%mul3A_71] : memref<10000xf32, #tpu.memory_space<vmem_shared>> -> memref<2000xf32, #tpu.memory_space<vmem_shared>>
        tpu.enqueue_dma source(%arg9 : memref<2000xf32, #tpu.memory_space<vmem>>) target(%dma_start3A_72 : memref<2000xf32, #tpu.memory_space<vmem_shared>>) target_semaphore(%run_scoped3A : memref<!tpu.dma_semaphore, #tpu.memory_space<semaphore_mem>>)
        %dma_wait3A = tpu.memref_slice %arg11[%mul3A_71] : memref<10000xf32, #tpu.memory_space<vmem_shared>> -> memref<2000xf32, #tpu.memory_space<vmem_shared>>
        %dma_wait3A_73 = tpu.memref_slice %arg11[%mul3A_71] : memref<10000xf32, #tpu.memory_space<vmem_shared>> -> memref<2000xf32, #tpu.memory_space<vmem_shared>>
        tpu.wait_dma2 semaphore(%run_scoped3A : memref<!tpu.dma_semaphore, #tpu.memory_space<semaphore_mem>>) src(%arg9 : memref<2000xf32, #tpu.memory_space<vmem>>) dst(%dma_wait3A_73 : memref<2000xf32, #tpu.memory_space<vmem_shared>>)
        tpu.yield
      }) : () -> ()
    } else {
    }
    %barrier3A = arith.constant 0 : index
    tpu.barrier barrier_id(%barrier3A)
    %mul3A = arith.constant 2000 : i32
    %mul3A_31 = arith.muli %arg0, %mul3A : i32
    %mul3A_32 = arith.constant 128 : i32
    %mul3A_33 = arith.muli %arg1, %mul3A_32 : i32
    %add3A = arith.addi %mul3A_31, %mul3A_33 : i32
    %eq3A = arith.constant 15 : i32
    %eq3A_34 = arith.cmpi eq, %arg1, %eq3A : i32
    %jit3A = arith.constant 80 : i32
    %jit3A_35 = arith.constant 128 : i32
    %select_n3A = arith.select %eq3A_34, %jit3A, %jit3A_35 : i32
    %lt3A_36 = arith.constant 15 : i32
    %lt3A_37 = arith.cmpi slt, %arg1, %lt3A_36 : i32
    %convert_element_type3A_38 = arith.extui %lt3A_37 : i1 to i32
    %cond3A_39 = arith.constant 0 : i32
    %cond3A_40 = arith.cmpi ne, %convert_element_type3A_38, %cond3A_39 : i32
    scf.if %cond3A_40 {
      "tpu.region"() ({
        %run_scoped3A = tpu.sem_alloc : memref<!tpu.dma_semaphore, #tpu.memory_space<semaphore_mem>>
        %dma_start3A = arith.constant 0 : i32
        %dma_start3A_69 = tpu.memref_slice %arg2[%add3A, %dma_start3A] : memref<4000x80xi32, #tpu.memory_space<hbm>> -> memref<128x80xi32, #tpu.memory_space<hbm>>
        %dma_start3A_70 = arith.constant 0 : i32
        %dma_start3A_71 = tpu.memref_slice %arg2[%add3A, %dma_start3A_70] : memref<4000x80xi32, #tpu.memory_space<hbm>> -> memref<128x80xi32, #tpu.memory_space<hbm>>
        tpu.enqueue_dma source(%dma_start3A_71 : memref<128x80xi32, #tpu.memory_space<hbm>>) target(%arg6 : memref<128x80xi32, #tpu.memory_space<vmem>>) target_semaphore(%run_scoped3A : memref<!tpu.dma_semaphore, #tpu.memory_space<semaphore_mem>>)
        %dma_wait3A = arith.constant 0 : i32
        %dma_wait3A_72 = tpu.memref_slice %arg2[%add3A, %dma_wait3A] : memref<4000x80xi32, #tpu.memory_space<hbm>> -> memref<128x80xi32, #tpu.memory_space<hbm>>
        %dma_wait3A_73 = arith.constant 0 : i32
        %dma_wait3A_74 = tpu.memref_slice %arg2[%add3A, %dma_wait3A_73] : memref<4000x80xi32, #tpu.memory_space<hbm>> -> memref<128x80xi32, #tpu.memory_space<hbm>>
        tpu.wait_dma2 semaphore(%run_scoped3A : memref<!tpu.dma_semaphore, #tpu.memory_space<semaphore_mem>>) src(%dma_wait3A_74 : memref<128x80xi32, #tpu.memory_space<hbm>>) dst(%arg6 : memref<128x80xi32, #tpu.memory_space<vmem>>)
        tpu.yield
      }) : () -> ()
      "tpu.region"() ({
        %run_scoped3A = tpu.sem_alloc : memref<!tpu.dma_semaphore, #tpu.memory_space<semaphore_mem>>
        %dma_start3A = arith.constant 0 : i32
        %dma_start3A_69 = tpu.memref_slice %arg3[%add3A, %dma_start3A] : memref<4000x80xi32, #tpu.memory_space<hbm>> -> memref<128x80xi32, #tpu.memory_space<hbm>>
        %dma_start3A_70 = arith.constant 0 : i32
        %dma_start3A_71 = tpu.memref_slice %arg3[%add3A, %dma_start3A_70] : memref<4000x80xi32, #tpu.memory_space<hbm>> -> memref<128x80xi32, #tpu.memory_space<hbm>>
        tpu.enqueue_dma source(%dma_start3A_71 : memref<128x80xi32, #tpu.memory_space<hbm>>) target(%arg7 : memref<128x80xi32, #tpu.memory_space<vmem>>) target_semaphore(%run_scoped3A : memref<!tpu.dma_semaphore, #tpu.memory_space<semaphore_mem>>)
        %dma_wait3A = arith.constant 0 : i32
        %dma_wait3A_72 = tpu.memref_slice %arg3[%add3A, %dma_wait3A] : memref<4000x80xi32, #tpu.memory_space<hbm>> -> memref<128x80xi32, #tpu.memory_space<hbm>>
        %dma_wait3A_73 = arith.constant 0 : i32
        %dma_wait3A_74 = tpu.memref_slice %arg3[%add3A, %dma_wait3A_73] : memref<4000x80xi32, #tpu.memory_space<hbm>> -> memref<128x80xi32, #tpu.memory_space<hbm>>
        tpu.wait_dma2 semaphore(%run_scoped3A : memref<!tpu.dma_semaphore, #tpu.memory_space<semaphore_mem>>) src(%dma_wait3A_74 : memref<128x80xi32, #tpu.memory_space<hbm>>) dst(%arg7 : memref<128x80xi32, #tpu.memory_space<vmem>>)
        tpu.yield
      }) : () -> ()
    } else {
    }
    %eq3A_41 = arith.constant 15 : i32
    %eq3A_42 = arith.cmpi eq, %arg1, %eq3A_41 : i32
    %convert_element_type3A_43 = arith.extui %eq3A_42 : i1 to i32
    %cond3A_44 = arith.constant 0 : i32
    %cond3A_45 = arith.cmpi ne, %convert_element_type3A_43, %cond3A_44 : i32
    scf.if %cond3A_45 {
      "tpu.region"() ({
        %run_scoped3A = tpu.sem_alloc : memref<!tpu.dma_semaphore, #tpu.memory_space<semaphore_mem>>
        %dma_start3A = arith.constant 0 : i32
        %dma_start3A_69 = arith.constant 0 : i32
        %dma_start3A_70 = tpu.memref_slice %arg6[%dma_start3A, %dma_start3A_69] : memref<128x80xi32, #tpu.memory_space<vmem>> -> memref<80x80xi32, #tpu.memory_space<vmem>>
        %dma_start3A_71 = arith.constant 0 : i32
        %dma_start3A_72 = tpu.memref_slice %arg2[%add3A, %dma_start3A_71] : memref<4000x80xi32, #tpu.memory_space<hbm>> -> memref<80x80xi32, #tpu.memory_space<hbm>>
        %dma_start3A_73 = arith.constant 0 : i32
        %dma_start3A_74 = arith.constant 0 : i32
        %dma_start3A_75 = tpu.memref_slice %arg6[%dma_start3A_73, %dma_start3A_74] : memref<128x80xi32, #tpu.memory_space<vmem>> -> memref<80x80xi32, #tpu.memory_space<vmem>>
        %dma_start3A_76 = arith.constant 0 : i32
        %dma_start3A_77 = tpu.memref_slice %arg2[%add3A, %dma_start3A_76] : memref<4000x80xi32, #tpu.memory_space<hbm>> -> memref<80x80xi32, #tpu.memory_space<hbm>>
        tpu.enqueue_dma source(%dma_start3A_77 : memref<80x80xi32, #tpu.memory_space<hbm>>) target(%dma_start3A_75 : memref<80x80xi32, #tpu.memory_space<vmem>>) target_semaphore(%run_scoped3A : memref<!tpu.dma_semaphore, #tpu.memory_space<semaphore_mem>>)
        %dma_wait3A = arith.constant 0 : i32
        %dma_wait3A_78 = arith.constant 0 : i32
        %dma_wait3A_79 = tpu.memref_slice %arg6[%dma_wait3A, %dma_wait3A_78] : memref<128x80xi32, #tpu.memory_space<vmem>> -> memref<80x80xi32, #tpu.memory_space<vmem>>
        %dma_wait3A_80 = arith.constant 0 : i32
        %dma_wait3A_81 = tpu.memref_slice %arg2[%add3A, %dma_wait3A_80] : memref<4000x80xi32, #tpu.memory_space<hbm>> -> memref<80x80xi32, #tpu.memory_space<hbm>>
        %dma_wait3A_82 = arith.constant 0 : i32
        %dma_wait3A_83 = arith.constant 0 : i32
        %dma_wait3A_84 = tpu.memref_slice %arg6[%dma_wait3A_82, %dma_wait3A_83] : memref<128x80xi32, #tpu.memory_space<vmem>> -> memref<80x80xi32, #tpu.memory_space<vmem>>
        %dma_wait3A_85 = arith.constant 0 : i32
        %dma_wait3A_86 = tpu.memref_slice %arg2[%add3A, %dma_wait3A_85] : memref<4000x80xi32, #tpu.memory_space<hbm>> -> memref<80x80xi32, #tpu.memory_space<hbm>>
        tpu.wait_dma2 semaphore(%run_scoped3A : memref<!tpu.dma_semaphore, #tpu.memory_space<semaphore_mem>>) src(%dma_wait3A_86 : memref<80x80xi32, #tpu.memory_space<hbm>>) dst(%dma_wait3A_84 : memref<80x80xi32, #tpu.memory_space<vmem>>)
        tpu.yield
      }) : () -> ()
      "tpu.region"() ({
        %run_scoped3A = tpu.sem_alloc : memref<!tpu.dma_semaphore, #tpu.memory_space<semaphore_mem>>
        %dma_start3A = arith.constant 0 : i32
        %dma_start3A_69 = arith.constant 0 : i32
        %dma_start3A_70 = tpu.memref_slice %arg7[%dma_start3A, %dma_start3A_69] : memref<128x80xi32, #tpu.memory_space<vmem>> -> memref<80x80xi32, #tpu.memory_space<vmem>>
        %dma_start3A_71 = arith.constant 0 : i32
        %dma_start3A_72 = tpu.memref_slice %arg3[%add3A, %dma_start3A_71] : memref<4000x80xi32, #tpu.memory_space<hbm>> -> memref<80x80xi32, #tpu.memory_space<hbm>>
        %dma_start3A_73 = arith.constant 0 : i32
        %dma_start3A_74 = arith.constant 0 : i32
        %dma_start3A_75 = tpu.memref_slice %arg7[%dma_start3A_73, %dma_start3A_74] : memref<128x80xi32, #tpu.memory_space<vmem>> -> memref<80x80xi32, #tpu.memory_space<vmem>>
        %dma_start3A_76 = arith.constant 0 : i32
        %dma_start3A_77 = tpu.memref_slice %arg3[%add3A, %dma_start3A_76] : memref<4000x80xi32, #tpu.memory_space<hbm>> -> memref<80x80xi32, #tpu.memory_space<hbm>>
        tpu.enqueue_dma source(%dma_start3A_77 : memref<80x80xi32, #tpu.memory_space<hbm>>) target(%dma_start3A_75 : memref<80x80xi32, #tpu.memory_space<vmem>>) target_semaphore(%run_scoped3A : memref<!tpu.dma_semaphore, #tpu.memory_space<semaphore_mem>>)
        %dma_wait3A = arith.constant 0 : i32
        %dma_wait3A_78 = arith.constant 0 : i32
        %dma_wait3A_79 = tpu.memref_slice %arg7[%dma_wait3A, %dma_wait3A_78] : memref<128x80xi32, #tpu.memory_space<vmem>> -> memref<80x80xi32, #tpu.memory_space<vmem>>
        %dma_wait3A_80 = arith.constant 0 : i32
        %dma_wait3A_81 = tpu.memref_slice %arg3[%add3A, %dma_wait3A_80] : memref<4000x80xi32, #tpu.memory_space<hbm>> -> memref<80x80xi32, #tpu.memory_space<hbm>>
        %dma_wait3A_82 = arith.constant 0 : i32
        %dma_wait3A_83 = arith.constant 0 : i32
        %dma_wait3A_84 = tpu.memref_slice %arg7[%dma_wait3A_82, %dma_wait3A_83] : memref<128x80xi32, #tpu.memory_space<vmem>> -> memref<80x80xi32, #tpu.memory_space<vmem>>
        %dma_wait3A_85 = arith.constant 0 : i32
        %dma_wait3A_86 = tpu.memref_slice %arg3[%add3A, %dma_wait3A_85] : memref<4000x80xi32, #tpu.memory_space<hbm>> -> memref<80x80xi32, #tpu.memory_space<hbm>>
        tpu.wait_dma2 semaphore(%run_scoped3A : memref<!tpu.dma_semaphore, #tpu.memory_space<semaphore_mem>>) src(%dma_wait3A_86 : memref<80x80xi32, #tpu.memory_space<hbm>>) dst(%dma_wait3A_84 : memref<80x80xi32, #tpu.memory_space<vmem>>)
        tpu.yield
      }) : () -> ()
    } else {
    }
    %while3A = arith.constant 0 : i32
    %while3A_46 = arith.constant 0 : i32
    %while3A_47 = arith.subi %select_n3A, %while3A_46 : i32
    %while3A_48 = arith.addi %while3A_46, %while3A_47 : i32
    %while3A_49 = arith.constant 1 : i32
    %while3A_50 = arith.divsi %while3A_47, %while3A_49 : i32
    %while3A_51 = arith.muli %while3A_50, %while3A_49 : i32
    %while3A_52 = arith.addi %while3A_46, %while3A_51 : i32
    %while3A_53 = arith.constant 1 : i32
    scf.for %while3A_69 = %while3A_46 to %while3A_52 step %while3A_53  : i32 {
      "tpu.region"() ({
        %run_scoped3A = tpu.sem_alloc : memref<!tpu.dma_semaphore, #tpu.memory_space<semaphore_mem>>
        %dma_start3A = arith.constant 0 : i32
        %dma_start3A_70 = tpu.memref_slice %arg6[%while3A_69, %dma_start3A] : memref<128x80xi32, #tpu.memory_space<vmem>> -> memref<1x80xi32, #tpu.memory_space<vmem>>
        %dma_start3A_71 = tpu.memref_squeeze %dma_start3A_70 : memref<1x80xi32, #tpu.memory_space<vmem>> -> memref<80xi32, #tpu.memory_space<vmem>>
        %dma_start3A_72 = arith.constant 0 : i32
        %dma_start3A_73 = tpu.memref_slice %arg10[%dma_start3A_72] : memref<10000xf32, #tpu.memory_space<vmem_shared>> -> memref<10000xf32, #tpu.memory_space<vmem_shared>>
        tpu.enqueue_indirect_dma source(%arg8 : memref<80xf32, #tpu.memory_space<vmem>>) target(%dma_start3A_73 : memref<10000xf32, #tpu.memory_space<vmem_shared>>) offsets(%dma_start3A_71 : memref<80xi32, #tpu.memory_space<vmem>>) semaphore(%run_scoped3A : memref<!tpu.dma_semaphore, #tpu.memory_space<semaphore_mem>>) {add = true}
        %dma_wait3A = arith.constant 0 : i32
        %dma_wait3A_74 = tpu.memref_slice %arg6[%while3A_69, %dma_wait3A] : memref<128x80xi32, #tpu.memory_space<vmem>> -> memref<1x80xi32, #tpu.memory_space<vmem>>
        %dma_wait3A_75 = tpu.memref_squeeze %dma_wait3A_74 : memref<1x80xi32, #tpu.memory_space<vmem>> -> memref<80xi32, #tpu.memory_space<vmem>>
        %dma_wait3A_76 = arith.constant 0 : i32
        %dma_wait3A_77 = tpu.memref_slice %arg10[%dma_wait3A_76] : memref<10000xf32, #tpu.memory_space<vmem_shared>> -> memref<10000xf32, #tpu.memory_space<vmem_shared>>
        tpu.wait_indirect_dma semaphore(%run_scoped3A : memref<!tpu.dma_semaphore, #tpu.memory_space<semaphore_mem>>) src(%arg8 : memref<80xf32, #tpu.memory_space<vmem>>) dst(%dma_wait3A_77 : memref<10000xf32, #tpu.memory_space<vmem_shared>>)
        tpu.yield
      }) : () -> ()
      "tpu.region"() ({
        %run_scoped3A = tpu.sem_alloc : memref<!tpu.dma_semaphore, #tpu.memory_space<semaphore_mem>>
        %dma_start3A = arith.constant 0 : i32
        %dma_start3A_70 = tpu.memref_slice %arg7[%while3A_69, %dma_start3A] : memref<128x80xi32, #tpu.memory_space<vmem>> -> memref<1x80xi32, #tpu.memory_space<vmem>>
        %dma_start3A_71 = tpu.memref_squeeze %dma_start3A_70 : memref<1x80xi32, #tpu.memory_space<vmem>> -> memref<80xi32, #tpu.memory_space<vmem>>
        %dma_start3A_72 = arith.constant 0 : i32
        %dma_start3A_73 = tpu.memref_slice %arg11[%dma_start3A_72] : memref<10000xf32, #tpu.memory_space<vmem_shared>> -> memref<10000xf32, #tpu.memory_space<vmem_shared>>
        tpu.enqueue_indirect_dma source(%arg8 : memref<80xf32, #tpu.memory_space<vmem>>) target(%dma_start3A_73 : memref<10000xf32, #tpu.memory_space<vmem_shared>>) offsets(%dma_start3A_71 : memref<80xi32, #tpu.memory_space<vmem>>) semaphore(%run_scoped3A : memref<!tpu.dma_semaphore, #tpu.memory_space<semaphore_mem>>) {add = true}
        %dma_wait3A = arith.constant 0 : i32
        %dma_wait3A_74 = tpu.memref_slice %arg7[%while3A_69, %dma_wait3A] : memref<128x80xi32, #tpu.memory_space<vmem>> -> memref<1x80xi32, #tpu.memory_space<vmem>>
        %dma_wait3A_75 = tpu.memref_squeeze %dma_wait3A_74 : memref<1x80xi32, #tpu.memory_space<vmem>> -> memref<80xi32, #tpu.memory_space<vmem>>
        %dma_wait3A_76 = arith.constant 0 : i32
        %dma_wait3A_77 = tpu.memref_slice %arg11[%dma_wait3A_76] : memref<10000xf32, #tpu.memory_space<vmem_shared>> -> memref<10000xf32, #tpu.memory_space<vmem_shared>>
        tpu.wait_indirect_dma semaphore(%run_scoped3A : memref<!tpu.dma_semaphore, #tpu.memory_space<semaphore_mem>>) src(%arg8 : memref<80xf32, #tpu.memory_space<vmem>>) dst(%dma_wait3A_77 : memref<10000xf32, #tpu.memory_space<vmem_shared>>)
        tpu.yield
      }) : () -> ()
    }
    %while3A_54 = arith.constant 1 : i32
    scf.for %while3A_69 = %while3A_52 to %while3A_48 step %while3A_54  : i32 {
      "tpu.region"() ({
        %run_scoped3A = tpu.sem_alloc : memref<!tpu.dma_semaphore, #tpu.memory_space<semaphore_mem>>
        %dma_start3A = arith.constant 0 : i32
        %dma_start3A_70 = tpu.memref_slice %arg6[%while3A_69, %dma_start3A] : memref<128x80xi32, #tpu.memory_space<vmem>> -> memref<1x80xi32, #tpu.memory_space<vmem>>
        %dma_start3A_71 = tpu.memref_squeeze %dma_start3A_70 : memref<1x80xi32, #tpu.memory_space<vmem>> -> memref<80xi32, #tpu.memory_space<vmem>>
        %dma_start3A_72 = arith.constant 0 : i32
        %dma_start3A_73 = tpu.memref_slice %arg10[%dma_start3A_72] : memref<10000xf32, #tpu.memory_space<vmem_shared>> -> memref<10000xf32, #tpu.memory_space<vmem_shared>>
        tpu.enqueue_indirect_dma source(%arg8 : memref<80xf32, #tpu.memory_space<vmem>>) target(%dma_start3A_73 : memref<10000xf32, #tpu.memory_space<vmem_shared>>) offsets(%dma_start3A_71 : memref<80xi32, #tpu.memory_space<vmem>>) semaphore(%run_scoped3A : memref<!tpu.dma_semaphore, #tpu.memory_space<semaphore_mem>>) {add = true}
        %dma_wait3A = arith.constant 0 : i32
        %dma_wait3A_74 = tpu.memref_slice %arg6[%while3A_69, %dma_wait3A] : memref<128x80xi32, #tpu.memory_space<vmem>> -> memref<1x80xi32, #tpu.memory_space<vmem>>
        %dma_wait3A_75 = tpu.memref_squeeze %dma_wait3A_74 : memref<1x80xi32, #tpu.memory_space<vmem>> -> memref<80xi32, #tpu.memory_space<vmem>>
        %dma_wait3A_76 = arith.constant 0 : i32
        %dma_wait3A_77 = tpu.memref_slice %arg10[%dma_wait3A_76] : memref<10000xf32, #tpu.memory_space<vmem_shared>> -> memref<10000xf32, #tpu.memory_space<vmem_shared>>
        tpu.wait_indirect_dma semaphore(%run_scoped3A : memref<!tpu.dma_semaphore, #tpu.memory_space<semaphore_mem>>) src(%arg8 : memref<80xf32, #tpu.memory_space<vmem>>) dst(%dma_wait3A_77 : memref<10000xf32, #tpu.memory_space<vmem_shared>>)
        tpu.yield
      }) : () -> ()
      "tpu.region"() ({
        %run_scoped3A = tpu.sem_alloc : memref<!tpu.dma_semaphore, #tpu.memory_space<semaphore_mem>>
        %dma_start3A = arith.constant 0 : i32
        %dma_start3A_70 = tpu.memref_slice %arg7[%while3A_69, %dma_start3A] : memref<128x80xi32, #tpu.memory_space<vmem>> -> memref<1x80xi32, #tpu.memory_space<vmem>>
        %dma_start3A_71 = tpu.memref_squeeze %dma_start3A_70 : memref<1x80xi32, #tpu.memory_space<vmem>> -> memref<80xi32, #tpu.memory_space<vmem>>
        %dma_start3A_72 = arith.constant 0 : i32
        %dma_start3A_73 = tpu.memref_slice %arg11[%dma_start3A_72] : memref<10000xf32, #tpu.memory_space<vmem_shared>> -> memref<10000xf32, #tpu.memory_space<vmem_shared>>
        tpu.enqueue_indirect_dma source(%arg8 : memref<80xf32, #tpu.memory_space<vmem>>) target(%dma_start3A_73 : memref<10000xf32, #tpu.memory_space<vmem_shared>>) offsets(%dma_start3A_71 : memref<80xi32, #tpu.memory_space<vmem>>) semaphore(%run_scoped3A : memref<!tpu.dma_semaphore, #tpu.memory_space<semaphore_mem>>) {add = true}
        %dma_wait3A = arith.constant 0 : i32
        %dma_wait3A_74 = tpu.memref_slice %arg7[%while3A_69, %dma_wait3A] : memref<128x80xi32, #tpu.memory_space<vmem>> -> memref<1x80xi32, #tpu.memory_space<vmem>>
        %dma_wait3A_75 = tpu.memref_squeeze %dma_wait3A_74 : memref<1x80xi32, #tpu.memory_space<vmem>> -> memref<80xi32, #tpu.memory_space<vmem>>
        %dma_wait3A_76 = arith.constant 0 : i32
        %dma_wait3A_77 = tpu.memref_slice %arg11[%dma_wait3A_76] : memref<10000xf32, #tpu.memory_space<vmem_shared>> -> memref<10000xf32, #tpu.memory_space<vmem_shared>>
        tpu.wait_indirect_dma semaphore(%run_scoped3A : memref<!tpu.dma_semaphore, #tpu.memory_space<semaphore_mem>>) src(%arg8 : memref<80xf32, #tpu.memory_space<vmem>>) dst(%dma_wait3A_77 : memref<10000xf32, #tpu.memory_space<vmem_shared>>)
        tpu.yield
      }) : () -> ()
    }
    %barrier3A_55 = arith.constant 0 : index
    tpu.barrier barrier_id(%barrier3A_55)
    %lt3A_56 = arith.constant 5 : i32
    %lt3A_57 = arith.cmpi slt, %arg1, %lt3A_56 : i32
    %convert_element_type3A_58 = arith.extui %lt3A_57 : i1 to i32
    %cond3A_59 = arith.constant 0 : i32
    %cond3A_60 = arith.cmpi ne, %convert_element_type3A_58, %cond3A_59 : i32
    scf.if %cond3A_60 {
      %mul3A_69 = arith.constant 2000 : i32
      %mul3A_70 = arith.muli %arg1, %mul3A_69 : i32
      "tpu.region"() ({
        %run_scoped3A = tpu.sem_alloc : memref<!tpu.dma_semaphore, #tpu.memory_space<semaphore_mem>>
        %dma_start3A = tpu.memref_slice %arg10[%mul3A_70] : memref<10000xf32, #tpu.memory_space<vmem_shared>> -> memref<2000xf32, #tpu.memory_space<vmem_shared>>
        %dma_start3A_76 = tpu.memref_slice %arg10[%mul3A_70] : memref<10000xf32, #tpu.memory_space<vmem_shared>> -> memref<2000xf32, #tpu.memory_space<vmem_shared>>
        tpu.enqueue_dma source(%dma_start3A_76 : memref<2000xf32, #tpu.memory_space<vmem_shared>>) target(%arg9 : memref<2000xf32, #tpu.memory_space<vmem>>) target_semaphore(%run_scoped3A : memref<!tpu.dma_semaphore, #tpu.memory_space<semaphore_mem>>)
        %dma_wait3A = tpu.memref_slice %arg10[%mul3A_70] : memref<10000xf32, #tpu.memory_space<vmem_shared>> -> memref<2000xf32, #tpu.memory_space<vmem_shared>>
        %dma_wait3A_77 = tpu.memref_slice %arg10[%mul3A_70] : memref<10000xf32, #tpu.memory_space<vmem_shared>> -> memref<2000xf32, #tpu.memory_space<vmem_shared>>
        tpu.wait_dma2 semaphore(%run_scoped3A : memref<!tpu.dma_semaphore, #tpu.memory_space<semaphore_mem>>) src(%dma_wait3A_77 : memref<2000xf32, #tpu.memory_space<vmem_shared>>) dst(%arg9 : memref<2000xf32, #tpu.memory_space<vmem>>)
        tpu.yield
      }) : () -> ()
      %mul3A_71 = arith.constant 10000 : i32
      %mul3A_72 = arith.muli %arg0, %mul3A_71 : i32
      %mul3A_73 = arith.constant 2000 : i32
      %mul3A_74 = arith.muli %arg1, %mul3A_73 : i32
      %add3A_75 = arith.addi %mul3A_72, %mul3A_74 : i32
      "tpu.region"() ({
        %run_scoped3A = tpu.sem_alloc : memref<!tpu.dma_semaphore, #tpu.memory_space<semaphore_mem>>
        %dma_start3A = tpu.memref_slice %arg4[%add3A_75] : memref<20000xf32, #tpu.memory_space<hbm>> -> memref<2000xf32, #tpu.memory_space<hbm>>
        %dma_start3A_76 = tpu.memref_slice %arg4[%add3A_75] : memref<20000xf32, #tpu.memory_space<hbm>> -> memref<2000xf32, #tpu.memory_space<hbm>>
        tpu.enqueue_dma source(%arg9 : memref<2000xf32, #tpu.memory_space<vmem>>) target(%dma_start3A_76 : memref<2000xf32, #tpu.memory_space<hbm>>) target_semaphore(%run_scoped3A : memref<!tpu.dma_semaphore, #tpu.memory_space<semaphore_mem>>)
        %dma_wait3A = tpu.memref_slice %arg4[%add3A_75] : memref<20000xf32, #tpu.memory_space<hbm>> -> memref<2000xf32, #tpu.memory_space<hbm>>
        %dma_wait3A_77 = tpu.memref_slice %arg4[%add3A_75] : memref<20000xf32, #tpu.memory_space<hbm>> -> memref<2000xf32, #tpu.memory_space<hbm>>
        tpu.wait_dma2 semaphore(%run_scoped3A : memref<!tpu.dma_semaphore, #tpu.memory_space<semaphore_mem>>) src(%arg9 : memref<2000xf32, #tpu.memory_space<vmem>>) dst(%dma_wait3A_77 : memref<2000xf32, #tpu.memory_space<hbm>>)
        tpu.yield
      }) : () -> ()
    } else {
    }
    %ge3A_61 = arith.constant 5 : i32
    %ge3A_62 = arith.cmpi sge, %arg1, %ge3A_61 : i32
    %lt3A_63 = arith.constant 10 : i32
    %lt3A_64 = arith.cmpi slt, %arg1, %lt3A_63 : i32
    %and3A_65 = arith.andi %ge3A_62, %lt3A_64 : i1
    %convert_element_type3A_66 = arith.extui %and3A_65 : i1 to i32
    %cond3A_67 = arith.constant 0 : i32
    %cond3A_68 = arith.cmpi ne, %convert_element_type3A_66, %cond3A_67 : i32
    scf.if %cond3A_68 {
      %sub3A = arith.constant 5 : i32
      %sub3A_69 = arith.subi %arg1, %sub3A : i32
      %mul3A_70 = arith.constant 2000 : i32
      %mul3A_71 = arith.muli %sub3A_69, %mul3A_70 : i32
      "tpu.region"() ({
        %run_scoped3A = tpu.sem_alloc : memref<!tpu.dma_semaphore, #tpu.memory_space<semaphore_mem>>
        %dma_start3A = tpu.memref_slice %arg11[%mul3A_71] : memref<10000xf32, #tpu.memory_space<vmem_shared>> -> memref<2000xf32, #tpu.memory_space<vmem_shared>>
        %dma_start3A_79 = tpu.memref_slice %arg11[%mul3A_71] : memref<10000xf32, #tpu.memory_space<vmem_shared>> -> memref<2000xf32, #tpu.memory_space<vmem_shared>>
        tpu.enqueue_dma source(%dma_start3A_79 : memref<2000xf32, #tpu.memory_space<vmem_shared>>) target(%arg9 : memref<2000xf32, #tpu.memory_space<vmem>>) target_semaphore(%run_scoped3A : memref<!tpu.dma_semaphore, #tpu.memory_space<semaphore_mem>>)
        %dma_wait3A = tpu.memref_slice %arg11[%mul3A_71] : memref<10000xf32, #tpu.memory_space<vmem_shared>> -> memref<2000xf32, #tpu.memory_space<vmem_shared>>
        %dma_wait3A_80 = tpu.memref_slice %arg11[%mul3A_71] : memref<10000xf32, #tpu.memory_space<vmem_shared>> -> memref<2000xf32, #tpu.memory_space<vmem_shared>>
        tpu.wait_dma2 semaphore(%run_scoped3A : memref<!tpu.dma_semaphore, #tpu.memory_space<semaphore_mem>>) src(%dma_wait3A_80 : memref<2000xf32, #tpu.memory_space<vmem_shared>>) dst(%arg9 : memref<2000xf32, #tpu.memory_space<vmem>>)
        tpu.yield
      }) : () -> ()
      %mul3A_72 = arith.constant 10000 : i32
      %mul3A_73 = arith.muli %arg0, %mul3A_72 : i32
      %sub3A_74 = arith.constant 5 : i32
      %sub3A_75 = arith.subi %arg1, %sub3A_74 : i32
      %mul3A_76 = arith.constant 2000 : i32
      %mul3A_77 = arith.muli %sub3A_75, %mul3A_76 : i32
      %add3A_78 = arith.addi %mul3A_73, %mul3A_77 : i32
      "tpu.region"() ({
        %run_scoped3A = tpu.sem_alloc : memref<!tpu.dma_semaphore, #tpu.memory_space<semaphore_mem>>
        %dma_start3A = tpu.memref_slice %arg5[%add3A_78] : memref<20000xf32, #tpu.memory_space<hbm>> -> memref<2000xf32, #tpu.memory_space<hbm>>
        %dma_start3A_79 = tpu.memref_slice %arg5[%add3A_78] : memref<20000xf32, #tpu.memory_space<hbm>> -> memref<2000xf32, #tpu.memory_space<hbm>>
        tpu.enqueue_dma source(%arg9 : memref<2000xf32, #tpu.memory_space<vmem>>) target(%dma_start3A_79 : memref<2000xf32, #tpu.memory_space<hbm>>) target_semaphore(%run_scoped3A : memref<!tpu.dma_semaphore, #tpu.memory_space<semaphore_mem>>)
        %dma_wait3A = tpu.memref_slice %arg5[%add3A_78] : memref<20000xf32, #tpu.memory_space<hbm>> -> memref<2000xf32, #tpu.memory_space<hbm>>
        %dma_wait3A_80 = tpu.memref_slice %arg5[%add3A_78] : memref<20000xf32, #tpu.memory_space<hbm>> -> memref<2000xf32, #tpu.memory_space<hbm>>
        tpu.wait_dma2 semaphore(%run_scoped3A : memref<!tpu.dma_semaphore, #tpu.memory_space<semaphore_mem>>) src(%arg9 : memref<2000xf32, #tpu.memory_space<vmem>>) dst(%dma_wait3A_80 : memref<2000xf32, #tpu.memory_space<hbm>>)
        tpu.yield
      }) : () -> ()
    } else {
    }
    return
  }
}

#map = affine_map<(d0, d1) -> (0, 0, 0)>
#map1 = affine_map<(d0, d1) -> (0, 0)>
#map2 = affine_map<(d0, d1) -> (0)>
module attributes {stable_mosaic.version = 14 : i64} {
  func.func @_agg(%arg0: i32, %arg1: i32, %arg2: memref<2x10000x64xf32, #tpu.memory_space<hbm>>, %arg3: memref<4000x80xi32, #tpu.memory_space<hbm>>, %arg4: memref<4000x80xi32, #tpu.memory_space<hbm>>, %arg5: memref<4000x80xf32, #tpu.memory_space<hbm>>, %arg6: memref<10000xf32, #tpu.memory_space<hbm>>, %arg7: memref<10000x128xf32, #tpu.memory_space<hbm>>, %arg8: memref<10000x128xf32, #tpu.memory_space<hbm>>, %arg9: memref<50x80xi32, #tpu.memory_space<vmem>>, %arg10: memref<50x80xi32, #tpu.memory_space<vmem>>, %arg11: memref<50x80xf32, #tpu.memory_space<vmem>>, %arg12: memref<250x80xf32, #tpu.memory_space<vmem>>, %arg13: memref<10000xf32, #tpu.memory_space<vmem>>, %arg14: memref<3x80x64xf32, #tpu.memory_space<vmem>>, %arg15: memref<200x64xf32, #tpu.memory_space<vmem>>, %arg16: memref<10000x64xf32, #tpu.memory_space<vmem_shared>>, %arg17: memref<3x!tpu.dma_semaphore, #tpu.memory_space<semaphore_mem>>, %arg18: memref<3x!tpu.dma_semaphore, #tpu.memory_space<semaphore_mem>>) attributes {dimension_semantics = [#tpu.dimension_semantics<core_parallel>, #tpu.dimension_semantics<subcore_parallel>], iteration_bounds = array<i64: 2, 16>, scalar_prefetch = 0 : i64, scratch_operands = 10 : i64, tpu.core_type = #tpu.core_type<sc_vector_subcore>, window_params = [{transform_indices = #map}, {transform_indices = #map1}, {transform_indices = #map1}, {transform_indices = #map1}, {transform_indices = #map2}, {transform_indices = #map1}, {transform_indices = #map1}]} {
    %lt3A = arith.constant 10 : i32
    %lt3A_0 = arith.cmpi slt, %arg1, %lt3A : i32
    %convert_element_type3A = arith.extui %lt3A_0 : i1 to i32
    %cond3A = arith.constant 0 : i32
    %cond3A_1 = arith.cmpi ne, %convert_element_type3A, %cond3A : i32
    scf.if %cond3A_1 {
      %scan3A_28 = arith.constant 0 : i32
      %scan3A_29 = arith.constant 0 : i32
      %scan3A_30 = arith.constant 5 : i32
      %scan3A_31 = arith.addi %scan3A_29, %scan3A_30 : i32
      %scan3A_32 = arith.constant 1 : i32
      scf.for %scan3A_34 = %scan3A_29 to %scan3A_31 step %scan3A_32  : i32 {
        %mul3A_35 = arith.constant 1000 : i32
        %mul3A_36 = arith.muli %arg1, %mul3A_35 : i32
        %mul3A_37 = arith.constant 200 : i32
        %mul3A_38 = arith.muli %scan3A_34, %mul3A_37 : i32
        %add3A = arith.addi %mul3A_36, %mul3A_38 : i32
        %mul3A_39 = arith.constant 64 : i32
        %mul3A_40 = arith.muli %arg0, %mul3A_39 : i32
        "tpu.region"() ({
          %run_scoped3A = tpu.sem_alloc : memref<!tpu.dma_semaphore, #tpu.memory_space<semaphore_mem>>
          %dma_start3A = tpu.memref_slice %arg7[%add3A, %mul3A_40] : memref<10000x128xf32, #tpu.memory_space<hbm>> -> memref<200x64xf32, #tpu.memory_space<hbm>>
          %dma_start3A_41 = tpu.memref_slice %arg7[%add3A, %mul3A_40] : memref<10000x128xf32, #tpu.memory_space<hbm>> -> memref<200x64xf32, #tpu.memory_space<hbm>>
          tpu.enqueue_dma source(%dma_start3A_41 : memref<200x64xf32, #tpu.memory_space<hbm>>) target(%arg15 : memref<200x64xf32, #tpu.memory_space<vmem>>) target_semaphore(%run_scoped3A : memref<!tpu.dma_semaphore, #tpu.memory_space<semaphore_mem>>)
          %dma_wait3A_42 = tpu.memref_slice %arg7[%add3A, %mul3A_40] : memref<10000x128xf32, #tpu.memory_space<hbm>> -> memref<200x64xf32, #tpu.memory_space<hbm>>
          %dma_wait3A_43 = tpu.memref_slice %arg7[%add3A, %mul3A_40] : memref<10000x128xf32, #tpu.memory_space<hbm>> -> memref<200x64xf32, #tpu.memory_space<hbm>>
          tpu.wait_dma2 semaphore(%run_scoped3A : memref<!tpu.dma_semaphore, #tpu.memory_space<semaphore_mem>>) src(%dma_wait3A_43 : memref<200x64xf32, #tpu.memory_space<hbm>>) dst(%arg15 : memref<200x64xf32, #tpu.memory_space<vmem>>)
          tpu.yield
        }) : () -> ()
        "tpu.region"() ({
          %run_scoped3A = tpu.sem_alloc : memref<!tpu.dma_semaphore, #tpu.memory_space<semaphore_mem>>
          %dma_start3A = arith.constant 0 : i32
          %dma_start3A_41 = tpu.memref_slice %arg16[%add3A, %dma_start3A] : memref<10000x64xf32, #tpu.memory_space<vmem_shared>> -> memref<200x64xf32, #tpu.memory_space<vmem_shared>>
          %dma_start3A_42 = arith.constant 0 : i32
          %dma_start3A_43 = tpu.memref_slice %arg16[%add3A, %dma_start3A_42] : memref<10000x64xf32, #tpu.memory_space<vmem_shared>> -> memref<200x64xf32, #tpu.memory_space<vmem_shared>>
          tpu.enqueue_dma source(%arg15 : memref<200x64xf32, #tpu.memory_space<vmem>>) target(%dma_start3A_43 : memref<200x64xf32, #tpu.memory_space<vmem_shared>>) target_semaphore(%run_scoped3A : memref<!tpu.dma_semaphore, #tpu.memory_space<semaphore_mem>>)
          %dma_wait3A_44 = arith.constant 0 : i32
          %dma_wait3A_45 = tpu.memref_slice %arg16[%add3A, %dma_wait3A_44] : memref<10000x64xf32, #tpu.memory_space<vmem_shared>> -> memref<200x64xf32, #tpu.memory_space<vmem_shared>>
          %dma_wait3A_46 = arith.constant 0 : i32
          %dma_wait3A_47 = tpu.memref_slice %arg16[%add3A, %dma_wait3A_46] : memref<10000x64xf32, #tpu.memory_space<vmem_shared>> -> memref<200x64xf32, #tpu.memory_space<vmem_shared>>
          tpu.wait_dma2 semaphore(%run_scoped3A : memref<!tpu.dma_semaphore, #tpu.memory_space<semaphore_mem>>) src(%arg15 : memref<200x64xf32, #tpu.memory_space<vmem>>) dst(%dma_wait3A_47 : memref<200x64xf32, #tpu.memory_space<vmem_shared>>)
          tpu.yield
        }) : () -> ()
      }
      %scan3A_33 = arith.constant 5 : i32
    } else {
    }
    "tpu.region"() ({
      %run_scoped3A = tpu.sem_alloc : memref<!tpu.dma_semaphore, #tpu.memory_space<semaphore_mem>>
      tpu.enqueue_dma source(%arg6 : memref<10000xf32, #tpu.memory_space<hbm>>) target(%arg13 : memref<10000xf32, #tpu.memory_space<vmem>>) target_semaphore(%run_scoped3A : memref<!tpu.dma_semaphore, #tpu.memory_space<semaphore_mem>>)
      tpu.wait_dma2 semaphore(%run_scoped3A : memref<!tpu.dma_semaphore, #tpu.memory_space<semaphore_mem>>) src(%arg6 : memref<10000xf32, #tpu.memory_space<hbm>>) dst(%arg13 : memref<10000xf32, #tpu.memory_space<vmem>>)
      tpu.yield
    }) : () -> ()
    %barrier3A = arith.constant 0 : index
    tpu.barrier barrier_id(%barrier3A)
    %mul3A = arith.constant 250 : i32
    %mul3A_2 = arith.muli %arg1, %mul3A : i32
    %scan3A = arith.constant 0 : i32
    %scan3A_3 = arith.constant 0 : i32
    %scan3A_4 = arith.constant 5 : i32
    %scan3A_5 = arith.addi %scan3A_3, %scan3A_4 : i32
    %scan3A_6 = arith.constant 1 : i32
    scf.for %scan3A_28 = %scan3A_3 to %scan3A_5 step %scan3A_6  : i32 {
      %mul3A_29 = arith.constant 50 : i32
      %mul3A_30 = arith.muli %scan3A_28, %mul3A_29 : i32
      %add3A = arith.addi %mul3A_2, %mul3A_30 : i32
      %ge3A = arith.constant 1 : i32
      %ge3A_31 = arith.cmpi sge, %scan3A_28, %ge3A : i32
      %convert_element_type3A_32 = arith.extui %ge3A_31 : i1 to i32
      %cond3A_33 = arith.constant 0 : i32
      %cond3A_34 = arith.cmpi ne, %convert_element_type3A_32, %cond3A_33 : i32
      scf.if %cond3A_34 {
        %add3A_53 = arith.constant 2 : i32
        %add3A_54 = arith.addi %mul3A_30, %add3A_53 : i32
        %rem3A_55 = arith.constant 3 : i32
        %rem3A_56 = arith.remsi %add3A_54, %rem3A_55 : i32
        %dma_wait3A_57 = arith.constant 49 : i32
        %dma_wait3A_58 = arith.constant 0 : i32
        %dma_wait3A_59 = arith.constant 0 : i32
        %dma_wait3A_60 = tpu.memref_slice %arg14[%rem3A_56, %dma_wait3A_58, %dma_wait3A_59] : memref<3x80x64xf32, #tpu.memory_space<vmem>> -> memref<1x80x64xf32, #tpu.memory_space<vmem>>
        %dma_wait3A_61 = tpu.memref_squeeze %dma_wait3A_60 : memref<1x80x64xf32, #tpu.memory_space<vmem>> -> memref<80x64xf32, #tpu.memory_space<vmem>>
        %dma_wait3A_62 = arith.constant 0 : i32
        %dma_wait3A_63 = tpu.memref_slice %arg10[%dma_wait3A_57, %dma_wait3A_62] : memref<50x80xi32, #tpu.memory_space<vmem>> -> memref<1x80xi32, #tpu.memory_space<vmem>>
        %dma_wait3A_64 = tpu.memref_squeeze %dma_wait3A_63 : memref<1x80xi32, #tpu.memory_space<vmem>> -> memref<80xi32, #tpu.memory_space<vmem>>
        %dma_wait3A_65 = arith.constant 0 : i32
        %dma_wait3A_66 = arith.constant 0 : i32
        %dma_wait3A_67 = tpu.memref_slice %arg16[%dma_wait3A_65, %dma_wait3A_66] : memref<10000x64xf32, #tpu.memory_space<vmem_shared>> -> memref<10000x64xf32, #tpu.memory_space<vmem_shared>>
        %dma_wait3A_68 = tpu.memref_slice %arg18[%rem3A_56] : memref<3x!tpu.dma_semaphore, #tpu.memory_space<semaphore_mem>> -> memref<1x!tpu.dma_semaphore, #tpu.memory_space<semaphore_mem>>
        %dma_wait3A_69 = tpu.memref_squeeze %dma_wait3A_68 : memref<1x!tpu.dma_semaphore, #tpu.memory_space<semaphore_mem>> -> memref<!tpu.dma_semaphore, #tpu.memory_space<semaphore_mem>>
        tpu.wait_indirect_dma semaphore(%dma_wait3A_69 : memref<!tpu.dma_semaphore, #tpu.memory_space<semaphore_mem>>) src(%dma_wait3A_61 : memref<80x64xf32, #tpu.memory_space<vmem>>) dst(%dma_wait3A_67 : memref<10000x64xf32, #tpu.memory_space<vmem_shared>>)
      } else {
      }
      "tpu.region"() ({
        %run_scoped3A = tpu.sem_alloc : memref<!tpu.dma_semaphore, #tpu.memory_space<semaphore_mem>>
        %dma_start3A = arith.constant 0 : i32
        %dma_start3A_53 = tpu.memref_slice %arg3[%add3A, %dma_start3A] : memref<4000x80xi32, #tpu.memory_space<hbm>> -> memref<50x80xi32, #tpu.memory_space<hbm>>
        %dma_start3A_54 = arith.constant 0 : i32
        %dma_start3A_55 = tpu.memref_slice %arg3[%add3A, %dma_start3A_54] : memref<4000x80xi32, #tpu.memory_space<hbm>> -> memref<50x80xi32, #tpu.memory_space<hbm>>
        tpu.enqueue_dma source(%dma_start3A_55 : memref<50x80xi32, #tpu.memory_space<hbm>>) target(%arg9 : memref<50x80xi32, #tpu.memory_space<vmem>>) target_semaphore(%run_scoped3A : memref<!tpu.dma_semaphore, #tpu.memory_space<semaphore_mem>>)
        %dma_wait3A_56 = arith.constant 0 : i32
        %dma_wait3A_57 = tpu.memref_slice %arg3[%add3A, %dma_wait3A_56] : memref<4000x80xi32, #tpu.memory_space<hbm>> -> memref<50x80xi32, #tpu.memory_space<hbm>>
        %dma_wait3A_58 = arith.constant 0 : i32
        %dma_wait3A_59 = tpu.memref_slice %arg3[%add3A, %dma_wait3A_58] : memref<4000x80xi32, #tpu.memory_space<hbm>> -> memref<50x80xi32, #tpu.memory_space<hbm>>
        tpu.wait_dma2 semaphore(%run_scoped3A : memref<!tpu.dma_semaphore, #tpu.memory_space<semaphore_mem>>) src(%dma_wait3A_59 : memref<50x80xi32, #tpu.memory_space<hbm>>) dst(%arg9 : memref<50x80xi32, #tpu.memory_space<vmem>>)
        tpu.yield
      }) : () -> ()
      "tpu.region"() ({
        %run_scoped3A = tpu.sem_alloc : memref<!tpu.dma_semaphore, #tpu.memory_space<semaphore_mem>>
        %dma_start3A = arith.constant 0 : i32
        %dma_start3A_53 = tpu.memref_slice %arg4[%add3A, %dma_start3A] : memref<4000x80xi32, #tpu.memory_space<hbm>> -> memref<50x80xi32, #tpu.memory_space<hbm>>
        %dma_start3A_54 = arith.constant 0 : i32
        %dma_start3A_55 = tpu.memref_slice %arg4[%add3A, %dma_start3A_54] : memref<4000x80xi32, #tpu.memory_space<hbm>> -> memref<50x80xi32, #tpu.memory_space<hbm>>
        tpu.enqueue_dma source(%dma_start3A_55 : memref<50x80xi32, #tpu.memory_space<hbm>>) target(%arg10 : memref<50x80xi32, #tpu.memory_space<vmem>>) target_semaphore(%run_scoped3A : memref<!tpu.dma_semaphore, #tpu.memory_space<semaphore_mem>>)
        %dma_wait3A_56 = arith.constant 0 : i32
        %dma_wait3A_57 = tpu.memref_slice %arg4[%add3A, %dma_wait3A_56] : memref<4000x80xi32, #tpu.memory_space<hbm>> -> memref<50x80xi32, #tpu.memory_space<hbm>>
        %dma_wait3A_58 = arith.constant 0 : i32
        %dma_wait3A_59 = tpu.memref_slice %arg4[%add3A, %dma_wait3A_58] : memref<4000x80xi32, #tpu.memory_space<hbm>> -> memref<50x80xi32, #tpu.memory_space<hbm>>
        tpu.wait_dma2 semaphore(%run_scoped3A : memref<!tpu.dma_semaphore, #tpu.memory_space<semaphore_mem>>) src(%dma_wait3A_59 : memref<50x80xi32, #tpu.memory_space<hbm>>) dst(%arg10 : memref<50x80xi32, #tpu.memory_space<vmem>>)
        tpu.yield
      }) : () -> ()
      "tpu.region"() ({
        %run_scoped3A = tpu.sem_alloc : memref<!tpu.dma_semaphore, #tpu.memory_space<semaphore_mem>>
        %dma_start3A = arith.constant 0 : i32
        %dma_start3A_53 = tpu.memref_slice %arg5[%add3A, %dma_start3A] : memref<4000x80xf32, #tpu.memory_space<hbm>> -> memref<50x80xf32, #tpu.memory_space<hbm>>
        %dma_start3A_54 = arith.constant 0 : i32
        %dma_start3A_55 = tpu.memref_slice %arg5[%add3A, %dma_start3A_54] : memref<4000x80xf32, #tpu.memory_space<hbm>> -> memref<50x80xf32, #tpu.memory_space<hbm>>
        tpu.enqueue_dma source(%dma_start3A_55 : memref<50x80xf32, #tpu.memory_space<hbm>>) target(%arg11 : memref<50x80xf32, #tpu.memory_space<vmem>>) target_semaphore(%run_scoped3A : memref<!tpu.dma_semaphore, #tpu.memory_space<semaphore_mem>>)
        %dma_wait3A_56 = arith.constant 0 : i32
        %dma_wait3A_57 = tpu.memref_slice %arg5[%add3A, %dma_wait3A_56] : memref<4000x80xf32, #tpu.memory_space<hbm>> -> memref<50x80xf32, #tpu.memory_space<hbm>>
        %dma_wait3A_58 = arith.constant 0 : i32
        %dma_wait3A_59 = tpu.memref_slice %arg5[%add3A, %dma_wait3A_58] : memref<4000x80xf32, #tpu.memory_space<hbm>> -> memref<50x80xf32, #tpu.memory_space<hbm>>
        tpu.wait_dma2 semaphore(%run_scoped3A : memref<!tpu.dma_semaphore, #tpu.memory_space<semaphore_mem>>) src(%dma_wait3A_59 : memref<50x80xf32, #tpu.memory_space<hbm>>) dst(%arg11 : memref<50x80xf32, #tpu.memory_space<vmem>>)
        tpu.yield
      }) : () -> ()
      %scan3A_35 = arith.constant 0 : i32
      %scan3A_36 = arith.constant 0 : i32
      %scan3A_37 = arith.constant 50 : i32
      %scan3A_38 = arith.addi %scan3A_36, %scan3A_37 : i32
      %scan3A_39 = arith.constant 1 : i32
      scf.for %scan3A_53 = %scan3A_36 to %scan3A_38 step %scan3A_39  : i32 {
        %get3A = arith.index_cast %scan3A_53 : i32 to index
        %get3A_54 = arith.constant 0 : index
        %get3A_55 = tpu.vector_load %arg10[%get3A, %get3A_54] {strides = array<i32>} : memref<50x80xi32, #tpu.memory_space<vmem>>, vector<16xi32>,
        %gather3A = tpu.vector_load_idx %arg13[%get3A_55] : memref<10000xf32, #tpu.memory_space<vmem>>[vector<16xi32>], vector<16xf32>,
        %get3A_56 = arith.index_cast %scan3A_53 : i32 to index
        %get3A_57 = arith.constant 0 : index
        %get3A_58 = tpu.vector_load %arg11[%get3A_56, %get3A_57] {strides = array<i32>} : memref<50x80xf32, #tpu.memory_space<vmem>>, vector<16xf32>,
        %mul3A_59 = arith.mulf %gather3A, %get3A_58 : vector<16xf32>
        %add3A_60 = arith.addi %mul3A_30, %scan3A_53 : i32
        %swap3A = arith.index_cast %add3A_60 : i32 to index
        %swap3A_61 = arith.constant 0 : index
        %swap3A_62 = tpu.vector_load %arg12[%swap3A, %swap3A_61] {strides = array<i32>} : memref<250x80xf32, #tpu.memory_space<vmem>>, vector<16xf32>,
        tpu.vector_store %arg12[%swap3A, %swap3A_61], %mul3A_59 {strides = array<i32>} : memref<250x80xf32, #tpu.memory_space<vmem>>, vector<16xf32>,
        %get3A_63 = arith.index_cast %scan3A_53 : i32 to index
        %get3A_64 = arith.constant 16 : index
        %get3A_65 = tpu.vector_load %arg10[%get3A_63, %get3A_64] {strides = array<i32>} : memref<50x80xi32, #tpu.memory_space<vmem>>, vector<16xi32>,
        %gather3A_66 = tpu.vector_load_idx %arg13[%get3A_65] : memref<10000xf32, #tpu.memory_space<vmem>>[vector<16xi32>], vector<16xf32>,
        %get3A_67 = arith.index_cast %scan3A_53 : i32 to index
        %get3A_68 = arith.constant 16 : index
        %get3A_69 = tpu.vector_load %arg11[%get3A_67, %get3A_68] {strides = array<i32>} : memref<50x80xf32, #tpu.memory_space<vmem>>, vector<16xf32>,
        %mul3A_70 = arith.mulf %gather3A_66, %get3A_69 : vector<16xf32>
        %add3A_71 = arith.addi %mul3A_30, %scan3A_53 : i32
        %swap3A_72 = arith.index_cast %add3A_71 : i32 to index
        %swap3A_73 = arith.constant 16 : index
        %swap3A_74 = tpu.vector_load %arg12[%swap3A_72, %swap3A_73] {strides = array<i32>} : memref<250x80xf32, #tpu.memory_space<vmem>>, vector<16xf32>,
        tpu.vector_store %arg12[%swap3A_72, %swap3A_73], %mul3A_70 {strides = array<i32>} : memref<250x80xf32, #tpu.memory_space<vmem>>, vector<16xf32>,
        %get3A_75 = arith.index_cast %scan3A_53 : i32 to index
        %get3A_76 = arith.constant 32 : index
        %get3A_77 = tpu.vector_load %arg10[%get3A_75, %get3A_76] {strides = array<i32>} : memref<50x80xi32, #tpu.memory_space<vmem>>, vector<16xi32>,
        %gather3A_78 = tpu.vector_load_idx %arg13[%get3A_77] : memref<10000xf32, #tpu.memory_space<vmem>>[vector<16xi32>], vector<16xf32>,
        %get3A_79 = arith.index_cast %scan3A_53 : i32 to index
        %get3A_80 = arith.constant 32 : index
        %get3A_81 = tpu.vector_load %arg11[%get3A_79, %get3A_80] {strides = array<i32>} : memref<50x80xf32, #tpu.memory_space<vmem>>, vector<16xf32>,
        %mul3A_82 = arith.mulf %gather3A_78, %get3A_81 : vector<16xf32>
        %add3A_83 = arith.addi %mul3A_30, %scan3A_53 : i32
        %swap3A_84 = arith.index_cast %add3A_83 : i32 to index
        %swap3A_85 = arith.constant 32 : index
        %swap3A_86 = tpu.vector_load %arg12[%swap3A_84, %swap3A_85] {strides = array<i32>} : memref<250x80xf32, #tpu.memory_space<vmem>>, vector<16xf32>,
        tpu.vector_store %arg12[%swap3A_84, %swap3A_85], %mul3A_82 {strides = array<i32>} : memref<250x80xf32, #tpu.memory_space<vmem>>, vector<16xf32>,
        %get3A_87 = arith.index_cast %scan3A_53 : i32 to index
        %get3A_88 = arith.constant 48 : index
        %get3A_89 = tpu.vector_load %arg10[%get3A_87, %get3A_88] {strides = array<i32>} : memref<50x80xi32, #tpu.memory_space<vmem>>, vector<16xi32>,
        %gather3A_90 = tpu.vector_load_idx %arg13[%get3A_89] : memref<10000xf32, #tpu.memory_space<vmem>>[vector<16xi32>], vector<16xf32>,
        %get3A_91 = arith.index_cast %scan3A_53 : i32 to index
        %get3A_92 = arith.constant 48 : index
        %get3A_93 = tpu.vector_load %arg11[%get3A_91, %get3A_92] {strides = array<i32>} : memref<50x80xf32, #tpu.memory_space<vmem>>, vector<16xf32>,
        %mul3A_94 = arith.mulf %gather3A_90, %get3A_93 : vector<16xf32>
        %add3A_95 = arith.addi %mul3A_30, %scan3A_53 : i32
        %swap3A_96 = arith.index_cast %add3A_95 : i32 to index
        %swap3A_97 = arith.constant 48 : index
        %swap3A_98 = tpu.vector_load %arg12[%swap3A_96, %swap3A_97] {strides = array<i32>} : memref<250x80xf32, #tpu.memory_space<vmem>>, vector<16xf32>,
        tpu.vector_store %arg12[%swap3A_96, %swap3A_97], %mul3A_94 {strides = array<i32>} : memref<250x80xf32, #tpu.memory_space<vmem>>, vector<16xf32>,
        %get3A_99 = arith.index_cast %scan3A_53 : i32 to index
        %get3A_100 = arith.constant 64 : index
        %get3A_101 = tpu.vector_load %arg10[%get3A_99, %get3A_100] {strides = array<i32>} : memref<50x80xi32, #tpu.memory_space<vmem>>, vector<16xi32>,
        %gather3A_102 = tpu.vector_load_idx %arg13[%get3A_101] : memref<10000xf32, #tpu.memory_space<vmem>>[vector<16xi32>], vector<16xf32>,
        %get3A_103 = arith.index_cast %scan3A_53 : i32 to index
        %get3A_104 = arith.constant 64 : index
        %get3A_105 = tpu.vector_load %arg11[%get3A_103, %get3A_104] {strides = array<i32>} : memref<50x80xf32, #tpu.memory_space<vmem>>, vector<16xf32>,
        %mul3A_106 = arith.mulf %gather3A_102, %get3A_105 : vector<16xf32>
        %add3A_107 = arith.addi %mul3A_30, %scan3A_53 : i32
        %swap3A_108 = arith.index_cast %add3A_107 : i32 to index
        %swap3A_109 = arith.constant 64 : index
        %swap3A_110 = tpu.vector_load %arg12[%swap3A_108, %swap3A_109] {strides = array<i32>} : memref<250x80xf32, #tpu.memory_space<vmem>>, vector<16xf32>,
        tpu.vector_store %arg12[%swap3A_108, %swap3A_109], %mul3A_106 {strides = array<i32>} : memref<250x80xf32, #tpu.memory_space<vmem>>, vector<16xf32>,
      }
      %scan3A_40 = arith.constant 50 : i32
      %scan3A_41 = arith.constant 0 : i32
      %scan3A_42 = arith.constant 0 : i32
      %scan3A_43 = arith.constant 2 : i32
      %scan3A_44 = arith.addi %scan3A_42, %scan3A_43 : i32
      %scan3A_45 = arith.constant 1 : i32
      scf.for %scan3A_53 = %scan3A_42 to %scan3A_44 step %scan3A_45  : i32 {
        %add3A_54 = arith.addi %mul3A_30, %scan3A_53 : i32
        %rem3A_55 = arith.constant 3 : i32
        %rem3A_56 = arith.remsi %add3A_54, %rem3A_55 : i32
        %dma_start3A = arith.constant 0 : i32
        %dma_start3A_57 = arith.constant 0 : i32
        %dma_start3A_58 = tpu.memref_slice %arg14[%rem3A_56, %dma_start3A, %dma_start3A_57] : memref<3x80x64xf32, #tpu.memory_space<vmem>> -> memref<1x80x64xf32, #tpu.memory_space<vmem>>
        %dma_start3A_59 = tpu.memref_squeeze %dma_start3A_58 : memref<1x80x64xf32, #tpu.memory_space<vmem>> -> memref<80x64xf32, #tpu.memory_space<vmem>>
        %dma_start3A_60 = arith.constant 0 : i32
        %dma_start3A_61 = tpu.memref_slice %arg9[%scan3A_53, %dma_start3A_60] : memref<50x80xi32, #tpu.memory_space<vmem>> -> memref<1x80xi32, #tpu.memory_space<vmem>>
        %dma_start3A_62 = tpu.memref_squeeze %dma_start3A_61 : memref<1x80xi32, #tpu.memory_space<vmem>> -> memref<80xi32, #tpu.memory_space<vmem>>
        %dma_start3A_63 = arith.constant 0 : i32
        %dma_start3A_64 = arith.constant 0 : i32
        %dma_start3A_65 = tpu.memref_slice %arg2[%arg0, %dma_start3A_63, %dma_start3A_64] : memref<2x10000x64xf32, #tpu.memory_space<hbm>> -> memref<1x10000x64xf32, #tpu.memory_space<hbm>>
        %dma_start3A_66 = tpu.memref_squeeze %dma_start3A_65 : memref<1x10000x64xf32, #tpu.memory_space<hbm>> -> memref<10000x64xf32, #tpu.memory_space<hbm>>
        %dma_start3A_67 = arith.constant 0 : i32
        %dma_start3A_68 = arith.constant 0 : i32
        %dma_start3A_69 = tpu.memref_slice %dma_start3A_66[%dma_start3A_67, %dma_start3A_68] : memref<10000x64xf32, #tpu.memory_space<hbm>> -> memref<10000x64xf32, #tpu.memory_space<hbm>>
        %dma_start3A_70 = tpu.memref_slice %arg17[%rem3A_56] : memref<3x!tpu.dma_semaphore, #tpu.memory_space<semaphore_mem>> -> memref<1x!tpu.dma_semaphore, #tpu.memory_space<semaphore_mem>>
        %dma_start3A_71 = tpu.memref_squeeze %dma_start3A_70 : memref<1x!tpu.dma_semaphore, #tpu.memory_space<semaphore_mem>> -> memref<!tpu.dma_semaphore, #tpu.memory_space<semaphore_mem>>
        tpu.enqueue_indirect_dma source(%dma_start3A_69 : memref<10000x64xf32, #tpu.memory_space<hbm>>) target(%dma_start3A_59 : memref<80x64xf32, #tpu.memory_space<vmem>>) offsets(%dma_start3A_62 : memref<80xi32, #tpu.memory_space<vmem>>) semaphore(%dma_start3A_71 : memref<!tpu.dma_semaphore, #tpu.memory_space<semaphore_mem>>)
      }
      %scan3A_46 = arith.constant 2 : i32
      %scan3A_47 = arith.constant 0 : i32
      %scan3A_48 = arith.constant 0 : i32
      %scan3A_49 = arith.constant 50 : i32
      %scan3A_50 = arith.addi %scan3A_48, %scan3A_49 : i32
      %scan3A_51 = arith.constant 1 : i32
      scf.for %scan3A_53 = %scan3A_48 to %scan3A_50 step %scan3A_51  : i32 {
        %add3A_54 = arith.addi %mul3A_30, %scan3A_53 : i32
        %rem3A_55 = arith.constant 3 : i32
        %rem3A_56 = arith.remsi %add3A_54, %rem3A_55 : i32
        %add3A_57 = arith.constant 2 : i32
        %add3A_58 = arith.addi %add3A_54, %add3A_57 : i32
        %rem3A_59 = arith.constant 3 : i32
        %rem3A_60 = arith.remsi %add3A_58, %rem3A_59 : i32
        %ge3A_61 = arith.constant 1 : i32
        %ge3A_62 = arith.cmpi sge, %scan3A_53, %ge3A_61 : i32
        %convert_element_type3A_63 = arith.extui %ge3A_62 : i1 to i32
        %cond3A_64 = arith.constant 0 : i32
        %cond3A_65 = arith.cmpi ne, %convert_element_type3A_63, %cond3A_64 : i32
        scf.if %cond3A_65 {
          %add3A_3951 = arith.constant 50 : i32
          %add3A_3952 = arith.addi %scan3A_53, %add3A_3951 : i32
          %sub3A = arith.constant 1 : i32
          %sub3A_3953 = arith.subi %add3A_3952, %sub3A : i32
          %rem3A_3954 = arith.constant 50 : i32
          %rem3A_3955 = arith.remsi %sub3A_3953, %rem3A_3954 : i32
          %dma_wait3A_3956 = arith.constant 0 : i32
          %dma_wait3A_3957 = arith.constant 0 : i32
          %dma_wait3A_3958 = tpu.memref_slice %arg14[%rem3A_60, %dma_wait3A_3956, %dma_wait3A_3957] : memref<3x80x64xf32, #tpu.memory_space<vmem>> -> memref<1x80x64xf32, #tpu.memory_space<vmem>>
          %dma_wait3A_3959 = tpu.memref_squeeze %dma_wait3A_3958 : memref<1x80x64xf32, #tpu.memory_space<vmem>> -> memref<80x64xf32, #tpu.memory_space<vmem>>
          %dma_wait3A_3960 = arith.constant 0 : i32
          %dma_wait3A_3961 = tpu.memref_slice %arg10[%rem3A_3955, %dma_wait3A_3960] : memref<50x80xi32, #tpu.memory_space<vmem>> -> memref<1x80xi32, #tpu.memory_space<vmem>>
          %dma_wait3A_3962 = tpu.memref_squeeze %dma_wait3A_3961 : memref<1x80xi32, #tpu.memory_space<vmem>> -> memref<80xi32, #tpu.memory_space<vmem>>
          %dma_wait3A_3963 = arith.constant 0 : i32
          %dma_wait3A_3964 = arith.constant 0 : i32
          %dma_wait3A_3965 = tpu.memref_slice %arg16[%dma_wait3A_3963, %dma_wait3A_3964] : memref<10000x64xf32, #tpu.memory_space<vmem_shared>> -> memref<10000x64xf32, #tpu.memory_space<vmem_shared>>
          %dma_wait3A_3966 = tpu.memref_slice %arg18[%rem3A_60] : memref<3x!tpu.dma_semaphore, #tpu.memory_space<semaphore_mem>> -> memref<1x!tpu.dma_semaphore, #tpu.memory_space<semaphore_mem>>
          %dma_wait3A_3967 = tpu.memref_squeeze %dma_wait3A_3966 : memref<1x!tpu.dma_semaphore, #tpu.memory_space<semaphore_mem>> -> memref<!tpu.dma_semaphore, #tpu.memory_space<semaphore_mem>>
          tpu.wait_indirect_dma semaphore(%dma_wait3A_3967 : memref<!tpu.dma_semaphore, #tpu.memory_space<semaphore_mem>>) src(%dma_wait3A_3959 : memref<80x64xf32, #tpu.memory_space<vmem>>) dst(%dma_wait3A_3965 : memref<10000x64xf32, #tpu.memory_space<vmem_shared>>)
        } else {
        }
        %add3A_66 = arith.constant 2 : i32
        %add3A_67 = arith.addi %scan3A_53, %add3A_66 : i32
        %lt3A_68 = arith.constant 50 : i32
        %lt3A_69 = arith.cmpi slt, %add3A_67, %lt3A_68 : i32
        %convert_element_type3A_70 = arith.extui %lt3A_69 : i1 to i32
        %cond3A_71 = arith.constant 0 : i32
        %cond3A_72 = arith.cmpi ne, %convert_element_type3A_70, %cond3A_71 : i32
        scf.if %cond3A_72 {
          %add3A_3951 = arith.constant 2 : i32
          %add3A_3952 = arith.addi %scan3A_53, %add3A_3951 : i32
          %dma_start3A_3953 = arith.constant 0 : i32
          %dma_start3A_3954 = arith.constant 0 : i32
          %dma_start3A_3955 = tpu.memref_slice %arg14[%rem3A_60, %dma_start3A_3953, %dma_start3A_3954] : memref<3x80x64xf32, #tpu.memory_space<vmem>> -> memref<1x80x64xf32, #tpu.memory_space<vmem>>
          %dma_start3A_3956 = tpu.memref_squeeze %dma_start3A_3955 : memref<1x80x64xf32, #tpu.memory_space<vmem>> -> memref<80x64xf32, #tpu.memory_space<vmem>>
          %dma_start3A_3957 = arith.constant 0 : i32
          %dma_start3A_3958 = tpu.memref_slice %arg9[%add3A_3952, %dma_start3A_3957] : memref<50x80xi32, #tpu.memory_space<vmem>> -> memref<1x80xi32, #tpu.memory_space<vmem>>
          %dma_start3A_3959 = tpu.memref_squeeze %dma_start3A_3958 : memref<1x80xi32, #tpu.memory_space<vmem>> -> memref<80xi32, #tpu.memory_space<vmem>>
          %dma_start3A_3960 = arith.constant 0 : i32
          %dma_start3A_3961 = arith.constant 0 : i32
          %dma_start3A_3962 = tpu.memref_slice %arg2[%arg0, %dma_start3A_3960, %dma_start3A_3961] : memref<2x10000x64xf32, #tpu.memory_space<hbm>> -> memref<1x10000x64xf32, #tpu.memory_space<hbm>>
          %dma_start3A_3963 = tpu.memref_squeeze %dma_start3A_3962 : memref<1x10000x64xf32, #tpu.memory_space<hbm>> -> memref<10000x64xf32, #tpu.memory_space<hbm>>
          %dma_start3A_3964 = arith.constant 0 : i32
          %dma_start3A_3965 = arith.constant 0 : i32
          %dma_start3A_3966 = tpu.memref_slice %dma_start3A_3963[%dma_start3A_3964, %dma_start3A_3965] : memref<10000x64xf32, #tpu.memory_space<hbm>> -> memref<10000x64xf32, #tpu.memory_space<hbm>>
          %dma_start3A_3967 = tpu.memref_slice %arg17[%rem3A_60] : memref<3x!tpu.dma_semaphore, #tpu.memory_space<semaphore_mem>> -> memref<1x!tpu.dma_semaphore, #tpu.memory_space<semaphore_mem>>
          %dma_start3A_3968 = tpu.memref_squeeze %dma_start3A_3967 : memref<1x!tpu.dma_semaphore, #tpu.memory_space<semaphore_mem>> -> memref<!tpu.dma_semaphore, #tpu.memory_space<semaphore_mem>>
          tpu.enqueue_indirect_dma source(%dma_start3A_3966 : memref<10000x64xf32, #tpu.memory_space<hbm>>) target(%dma_start3A_3956 : memref<80x64xf32, #tpu.memory_space<vmem>>) offsets(%dma_start3A_3959 : memref<80xi32, #tpu.memory_space<vmem>>) semaphore(%dma_start3A_3968 : memref<!tpu.dma_semaphore, #tpu.memory_space<semaphore_mem>>)
        } else {
        }
        %dma_wait3A_73 = arith.constant 0 : i32
        %dma_wait3A_74 = arith.constant 0 : i32
        %dma_wait3A_75 = tpu.memref_slice %arg14[%rem3A_56, %dma_wait3A_73, %dma_wait3A_74] : memref<3x80x64xf32, #tpu.memory_space<vmem>> -> memref<1x80x64xf32, #tpu.memory_space<vmem>>
        %dma_wait3A_76 = tpu.memref_squeeze %dma_wait3A_75 : memref<1x80x64xf32, #tpu.memory_space<vmem>> -> memref<80x64xf32, #tpu.memory_space<vmem>>
        %dma_wait3A_77 = arith.constant 0 : i32
        %dma_wait3A_78 = tpu.memref_slice %arg9[%scan3A_53, %dma_wait3A_77] : memref<50x80xi32, #tpu.memory_space<vmem>> -> memref<1x80xi32, #tpu.memory_space<vmem>>
        %dma_wait3A_79 = tpu.memref_squeeze %dma_wait3A_78 : memref<1x80xi32, #tpu.memory_space<vmem>> -> memref<80xi32, #tpu.memory_space<vmem>>
        %dma_wait3A_80 = arith.constant 0 : i32
        %dma_wait3A_81 = arith.constant 0 : i32
        %dma_wait3A_82 = tpu.memref_slice %arg2[%arg0, %dma_wait3A_80, %dma_wait3A_81] : memref<2x10000x64xf32, #tpu.memory_space<hbm>> -> memref<1x10000x64xf32, #tpu.memory_space<hbm>>
        %dma_wait3A_83 = tpu.memref_squeeze %dma_wait3A_82 : memref<1x10000x64xf32, #tpu.memory_space<hbm>> -> memref<10000x64xf32, #tpu.memory_space<hbm>>
        %dma_wait3A_84 = arith.constant 0 : i32
        %dma_wait3A_85 = arith.constant 0 : i32
        %dma_wait3A_86 = tpu.memref_slice %dma_wait3A_83[%dma_wait3A_84, %dma_wait3A_85] : memref<10000x64xf32, #tpu.memory_space<hbm>> -> memref<10000x64xf32, #tpu.memory_space<hbm>>
        %dma_wait3A_87 = tpu.memref_slice %arg17[%rem3A_56] : memref<3x!tpu.dma_semaphore, #tpu.memory_space<semaphore_mem>> -> memref<1x!tpu.dma_semaphore, #tpu.memory_space<semaphore_mem>>
        %dma_wait3A_88 = tpu.memref_squeeze %dma_wait3A_87 : memref<1x!tpu.dma_semaphore, #tpu.memory_space<semaphore_mem>> -> memref<!tpu.dma_semaphore, #tpu.memory_space<semaphore_mem>>
        tpu.wait_indirect_dma semaphore(%dma_wait3A_88 : memref<!tpu.dma_semaphore, #tpu.memory_space<semaphore_mem>>) src(%dma_wait3A_86 : memref<10000x64xf32, #tpu.memory_space<hbm>>) dst(%dma_wait3A_76 : memref<80x64xf32, #tpu.memory_space<vmem>>)
        %get3A = arith.index_cast %add3A_54 : i32 to index
        %get3A_89 = arith.constant 0 : index
        %get3A_90 = tpu.vector_load %arg12[%get3A, %get3A_89] {strides = array<i32>} : memref<250x80xf32, #tpu.memory_space<vmem>>, vector<16xf32>,
        %broadcast_in_dim3A = arith.constant 0 : i32
        %broadcast_in_dim3A_91 = vector.broadcast %broadcast_in_dim3A : i32 to vector<16x1xi32>
        %gather3A = vector.shape_cast %broadcast_in_dim3A_91 : vector<16x1xi32> to vector<16xi32>
        %gather3A_92 = tpu.dynamic_gather %get3A_90[%gather3A] in [0] : vector<16xf32>, vector<16xi32> -> vector<16xf32>
        %get3A_93 = arith.constant 0 : i32
        %get3A_94 = arith.index_cast %rem3A_56 : i32 to index
        %get3A_95 = arith.index_cast %get3A_93 : i32 to index
        %get3A_96 = arith.constant 0 : index
        %get3A_97 = tpu.vector_load %arg14[%get3A_94, %get3A_95, %get3A_96] {strides = array<i32>} : memref<3x80x64xf32, #tpu.memory_space<vmem>>, vector<16xf32>,
        %mul3A_98 = arith.mulf %get3A_97, %gather3A_92 : vector<16xf32>
        %swap3A = arith.constant 0 : i32
        %swap3A_99 = arith.index_cast %rem3A_56 : i32 to index
        %swap3A_100 = arith.index_cast %swap3A : i32 to index
        %swap3A_101 = arith.constant 0 : index
        %swap3A_102 = tpu.vector_load %arg14[%swap3A_99, %swap3A_100, %swap3A_101] {strides = array<i32>} : memref<3x80x64xf32, #tpu.memory_space<vmem>>, vector<16xf32>,
        tpu.vector_store %arg14[%swap3A_99, %swap3A_100, %swap3A_101], %mul3A_98 {strides = array<i32>} : memref<3x80x64xf32, #tpu.memory_space<vmem>>, vector<16xf32>,
        %get3A_103 = arith.constant 0 : i32
        %get3A_104 = arith.index_cast %rem3A_56 : i32 to index
        %get3A_105 = arith.index_cast %get3A_103 : i32 to index
        %get3A_106 = arith.constant 16 : index
        %get3A_107 = tpu.vector_load %arg14[%get3A_104, %get3A_105, %get3A_106] {strides = array<i32>} : memref<3x80x64xf32, #tpu.memory_space<vmem>>, vector<16xf32>,
        %mul3A_108 = arith.mulf %get3A_107, %gather3A_92 : vector<16xf32>
        %swap3A_109 = arith.constant 0 : i32
        %swap3A_110 = arith.index_cast %rem3A_56 : i32 to index
        %swap3A_111 = arith.index_cast %swap3A_109 : i32 to index
        %swap3A_112 = arith.constant 16 : index
        %swap3A_113 = tpu.vector_load %arg14[%swap3A_110, %swap3A_111, %swap3A_112] {strides = array<i32>} : memref<3x80x64xf32, #tpu.memory_space<vmem>>, vector<16xf32>,
        tpu.vector_store %arg14[%swap3A_110, %swap3A_111, %swap3A_112], %mul3A_108 {strides = array<i32>} : memref<3x80x64xf32, #tpu.memory_space<vmem>>, vector<16xf32>,
        %get3A_114 = arith.constant 0 : i32
        %get3A_115 = arith.index_cast %rem3A_56 : i32 to index
        %get3A_116 = arith.index_cast %get3A_114 : i32 to index
        %get3A_117 = arith.constant 32 : index
        %get3A_118 = tpu.vector_load %arg14[%get3A_115, %get3A_116, %get3A_117] {strides = array<i32>} : memref<3x80x64xf32, #tpu.memory_space<vmem>>, vector<16xf32>,
        %mul3A_119 = arith.mulf %get3A_118, %gather3A_92 : vector<16xf32>
        %swap3A_120 = arith.constant 0 : i32
        %swap3A_121 = arith.index_cast %rem3A_56 : i32 to index
        %swap3A_122 = arith.index_cast %swap3A_120 : i32 to index
        %swap3A_123 = arith.constant 32 : index
        %swap3A_124 = tpu.vector_load %arg14[%swap3A_121, %swap3A_122, %swap3A_123] {strides = array<i32>} : memref<3x80x64xf32, #tpu.memory_space<vmem>>, vector<16xf32>,
        tpu.vector_store %arg14[%swap3A_121, %swap3A_122, %swap3A_123], %mul3A_119 {strides = array<i32>} : memref<3x80x64xf32, #tpu.memory_space<vmem>>, vector<16xf32>,
        %get3A_125 = arith.constant 0 : i32
        %get3A_126 = arith.index_cast %rem3A_56 : i32 to index
        %get3A_127 = arith.index_cast %get3A_125 : i32 to index
        %get3A_128 = arith.constant 48 : index
        %get3A_129 = tpu.vector_load %arg14[%get3A_126, %get3A_127, %get3A_128] {strides = array<i32>} : memref<3x80x64xf32, #tpu.memory_space<vmem>>, vector<16xf32>,
        %mul3A_130 = arith.mulf %get3A_129, %gather3A_92 : vector<16xf32>
        %swap3A_131 = arith.constant 0 : i32
        %swap3A_132 = arith.index_cast %rem3A_56 : i32 to index
        %swap3A_133 = arith.index_cast %swap3A_131 : i32 to index
        %swap3A_134 = arith.constant 48 : index
        %swap3A_135 = tpu.vector_load %arg14[%swap3A_132, %swap3A_133, %swap3A_134] {strides = array<i32>} : memref<3x80x64xf32, #tpu.memory_space<vmem>>, vector<16xf32>,
        tpu.vector_store %arg14[%swap3A_132, %swap3A_133, %swap3A_134], %mul3A_130 {strides = array<i32>} : memref<3x80x64xf32, #tpu.memory_space<vmem>>, vector<16xf32>,
        %broadcast_in_dim3A_136 = arith.constant 1 : i32
        %broadcast_in_dim3A_137 = vector.broadcast %broadcast_in_dim3A_136 : i32 to vector<16x1xi32>
        %gather3A_138 = vector.shape_cast %broadcast_in_dim3A_137 : vector<16x1xi32> to vector<16xi32>
        %gather3A_139 = tpu.dynamic_gather %get3A_90[%gather3A_138] in [0] : vector<16xf32>, vector<16xi32> -> vector<16xf32>
        %get3A_140 = arith.constant 1 : i32
        %get3A_141 = arith.index_cast %rem3A_56 : i32 to index
        %get3A_142 = arith.index_cast %get3A_140 : i32 to index
        %get3A_143 = arith.constant 0 : index
        %get3A_144 = tpu.vector_load %arg14[%get3A_141, %get3A_142, %get3A_143] {strides = array<i32>} : memref<3x80x64xf32, #tpu.memory_space<vmem>>, vector<16xf32>,
        %mul3A_145 = arith.mulf %get3A_144, %gather3A_139 : vector<16xf32>
        %swap3A_146 = arith.constant 1 : i32
        %swap3A_147 = arith.index_cast %rem3A_56 : i32 to index
        %swap3A_148 = arith.index_cast %swap3A_146 : i32 to index
        %swap3A_149 = arith.constant 0 : index
        %swap3A_150 = tpu.vector_load %arg14[%swap3A_147, %swap3A_148, %swap3A_149] {strides = array<i32>} : memref<3x80x64xf32, #tpu.memory_space<vmem>>, vector<16xf32>,
        tpu.vector_store %arg14[%swap3A_147, %swap3A_148, %swap3A_149], %mul3A_145 {strides = array<i32>} : memref<3x80x64xf32, #tpu.memory_space<vmem>>, vector<16xf32>,
        %get3A_151 = arith.constant 1 : i32
        %get3A_152 = arith.index_cast %rem3A_56 : i32 to index
        %get3A_153 = arith.index_cast %get3A_151 : i32 to index
        %get3A_154 = arith.constant 16 : index
        %get3A_155 = tpu.vector_load %arg14[%get3A_152, %get3A_153, %get3A_154] {strides = array<i32>} : memref<3x80x64xf32, #tpu.memory_space<vmem>>, vector<16xf32>,
        %mul3A_156 = arith.mulf %get3A_155, %gather3A_139 : vector<16xf32>
        %swap3A_157 = arith.constant 1 : i32
        %swap3A_158 = arith.index_cast %rem3A_56 : i32 to index
        %swap3A_159 = arith.index_cast %swap3A_157 : i32 to index
        %swap3A_160 = arith.constant 16 : index
        %swap3A_161 = tpu.vector_load %arg14[%swap3A_158, %swap3A_159, %swap3A_160] {strides = array<i32>} : memref<3x80x64xf32, #tpu.memory_space<vmem>>, vector<16xf32>,
        tpu.vector_store %arg14[%swap3A_158, %swap3A_159, %swap3A_160], %mul3A_156 {strides = array<i32>} : memref<3x80x64xf32, #tpu.memory_space<vmem>>, vector<16xf32>,
        %get3A_162 = arith.constant 1 : i32
        %get3A_163 = arith.index_cast %rem3A_56 : i32 to index
        %get3A_164 = arith.index_cast %get3A_162 : i32 to index
        %get3A_165 = arith.constant 32 : index
        %get3A_166 = tpu.vector_load %arg14[%get3A_163, %get3A_164, %get3A_165] {strides = array<i32>} : memref<3x80x64xf32, #tpu.memory_space<vmem>>, vector<16xf32>,
        %mul3A_167 = arith.mulf %get3A_166, %gather3A_139 : vector<16xf32>
        %swap3A_168 = arith.constant 1 : i32
        %swap3A_169 = arith.index_cast %rem3A_56 : i32 to index
        %swap3A_170 = arith.index_cast %swap3A_168 : i32 to index
        %swap3A_171 = arith.constant 32 : index
        %swap3A_172 = tpu.vector_load %arg14[%swap3A_169, %swap3A_170, %swap3A_171] {strides = array<i32>} : memref<3x80x64xf32, #tpu.memory_space<vmem>>, vector<16xf32>,
        tpu.vector_store %arg14[%swap3A_169, %swap3A_170, %swap3A_171], %mul3A_167 {strides = array<i32>} : memref<3x80x64xf32, #tpu.memory_space<vmem>>, vector<16xf32>,
        %get3A_173 = arith.constant 1 : i32
        %get3A_174 = arith.index_cast %rem3A_56 : i32 to index
        %get3A_175 = arith.index_cast %get3A_173 : i32 to index
        %get3A_176 = arith.constant 48 : index
        %get3A_177 = tpu.vector_load %arg14[%get3A_174, %get3A_175, %get3A_176] {strides = array<i32>} : memref<3x80x64xf32, #tpu.memory_space<vmem>>, vector<16xf32>,
        %mul3A_178 = arith.mulf %get3A_177, %gather3A_139 : vector<16xf32>
        %swap3A_179 = arith.constant 1 : i32
        %swap3A_180 = arith.index_cast %rem3A_56 : i32 to index
        %swap3A_181 = arith.index_cast %swap3A_179 : i32 to index
        %swap3A_182 = arith.constant 48 : index
        %swap3A_183 = tpu.vector_load %arg14[%swap3A_180, %swap3A_181, %swap3A_182] {strides = array<i32>} : memref<3x80x64xf32, #tpu.memory_space<vmem>>, vector<16xf32>,
        tpu.vector_store %arg14[%swap3A_180, %swap3A_181, %swap3A_182], %mul3A_178 {strides = array<i32>} : memref<3x80x64xf32, #tpu.memory_space<vmem>>, vector<16xf32>,
        %broadcast_in_dim3A_184 = arith.constant 2 : i32
        %broadcast_in_dim3A_185 = vector.broadcast %broadcast_in_dim3A_184 : i32 to vector<16x1xi32>
        %gather3A_186 = vector.shape_cast %broadcast_in_dim3A_185 : vector<16x1xi32> to vector<16xi32>
        %gather3A_187 = tpu.dynamic_gather %get3A_90[%gather3A_186] in [0] : vector<16xf32>, vector<16xi32> -> vector<16xf32>
        %get3A_188 = arith.constant 2 : i32
        %get3A_189 = arith.index_cast %rem3A_56 : i32 to index
        %get3A_190 = arith.index_cast %get3A_188 : i32 to index
        %get3A_191 = arith.constant 0 : index
        %get3A_192 = tpu.vector_load %arg14[%get3A_189, %get3A_190, %get3A_191] {strides = array<i32>} : memref<3x80x64xf32, #tpu.memory_space<vmem>>, vector<16xf32>,
        %mul3A_193 = arith.mulf %get3A_192, %gather3A_187 : vector<16xf32>
        %swap3A_194 = arith.constant 2 : i32
        %swap3A_195 = arith.index_cast %rem3A_56 : i32 to index
        %swap3A_196 = arith.index_cast %swap3A_194 : i32 to index
        %swap3A_197 = arith.constant 0 : index
        %swap3A_198 = tpu.vector_load %arg14[%swap3A_195, %swap3A_196, %swap3A_197] {strides = array<i32>} : memref<3x80x64xf32, #tpu.memory_space<vmem>>, vector<16xf32>,
        tpu.vector_store %arg14[%swap3A_195, %swap3A_196, %swap3A_197], %mul3A_193 {strides = array<i32>} : memref<3x80x64xf32, #tpu.memory_space<vmem>>, vector<16xf32>,
        %get3A_199 = arith.constant 2 : i32
        %get3A_200 = arith.index_cast %rem3A_56 : i32 to index
        %get3A_201 = arith.index_cast %get3A_199 : i32 to index
        %get3A_202 = arith.constant 16 : index
        %get3A_203 = tpu.vector_load %arg14[%get3A_200, %get3A_201, %get3A_202] {strides = array<i32>} : memref<3x80x64xf32, #tpu.memory_space<vmem>>, vector<16xf32>,
        %mul3A_204 = arith.mulf %get3A_203, %gather3A_187 : vector<16xf32>
        %swap3A_205 = arith.constant 2 : i32
        %swap3A_206 = arith.index_cast %rem3A_56 : i32 to index
        %swap3A_207 = arith.index_cast %swap3A_205 : i32 to index
        %swap3A_208 = arith.constant 16 : index
        %swap3A_209 = tpu.vector_load %arg14[%swap3A_206, %swap3A_207, %swap3A_208] {strides = array<i32>} : memref<3x80x64xf32, #tpu.memory_space<vmem>>, vector<16xf32>,
        tpu.vector_store %arg14[%swap3A_206, %swap3A_207, %swap3A_208], %mul3A_204 {strides = array<i32>} : memref<3x80x64xf32, #tpu.memory_space<vmem>>, vector<16xf32>,
        %get3A_210 = arith.constant 2 : i32
        %get3A_211 = arith.index_cast %rem3A_56 : i32 to index
        %get3A_212 = arith.index_cast %get3A_210 : i32 to index
        %get3A_213 = arith.constant 32 : index
        %get3A_214 = tpu.vector_load %arg14[%get3A_211, %get3A_212, %get3A_213] {strides = array<i32>} : memref<3x80x64xf32, #tpu.memory_space<vmem>>, vector<16xf32>,
        %mul3A_215 = arith.mulf %get3A_214, %gather3A_187 : vector<16xf32>
        %swap3A_216 = arith.constant 2 : i32
        %swap3A_217 = arith.index_cast %rem3A_56 : i32 to index
        %swap3A_218 = arith.index_cast %swap3A_216 : i32 to index
        %swap3A_219 = arith.constant 32 : index
        %swap3A_220 = tpu.vector_load %arg14[%swap3A_217, %swap3A_218, %swap3A_219] {strides = array<i32>} : memref<3x80x64xf32, #tpu.memory_space<vmem>>, vector<16xf32>,
        tpu.vector_store %arg14[%swap3A_217, %swap3A_218, %swap3A_219], %mul3A_215 {strides = array<i32>} : memref<3x80x64xf32, #tpu.memory_space<vmem>>, vector<16xf32>,
        %get3A_221 = arith.constant 2 : i32
        %get3A_222 = arith.index_cast %rem3A_56 : i32 to index
        %get3A_223 = arith.index_cast %get3A_221 : i32 to index
        %get3A_224 = arith.constant 48 : index
        %get3A_225 = tpu.vector_load %arg14[%get3A_222, %get3A_223, %get3A_224] {strides = array<i32>} : memref<3x80x64xf32, #tpu.memory_space<vmem>>, vector<16xf32>,
        %mul3A_226 = arith.mulf %get3A_225, %gather3A_187 : vector<16xf32>
        %swap3A_227 = arith.constant 2 : i32
        %swap3A_228 = arith.index_cast %rem3A_56 : i32 to index
        %swap3A_229 = arith.index_cast %swap3A_227 : i32 to index
        %swap3A_230 = arith.constant 48 : index
        %swap3A_231 = tpu.vector_load %arg14[%swap3A_228, %swap3A_229, %swap3A_230] {strides = array<i32>} : memref<3x80x64xf32, #tpu.memory_space<vmem>>, vector<16xf32>,
        tpu.vector_store %arg14[%swap3A_228, %swap3A_229, %swap3A_230], %mul3A_226 {strides = array<i32>} : memref<3x80x64xf32, #tpu.memory_space<vmem>>, vector<16xf32>,
        %broadcast_in_dim3A_232 = arith.constant 3 : i32
        %broadcast_in_dim3A_233 = vector.broadcast %broadcast_in_dim3A_232 : i32 to vector<16x1xi32>
        %gather3A_234 = vector.shape_cast %broadcast_in_dim3A_233 : vector<16x1xi32> to vector<16xi32>
        %gather3A_235 = tpu.dynamic_gather %get3A_90[%gather3A_234] in [0] : vector<16xf32>, vector<16xi32> -> vector<16xf32>
        %get3A_236 = arith.constant 3 : i32
        %get3A_237 = arith.index_cast %rem3A_56 : i32 to index
        %get3A_238 = arith.index_cast %get3A_236 : i32 to index
        %get3A_239 = arith.constant 0 : index
        %get3A_240 = tpu.vector_load %arg14[%get3A_237, %get3A_238, %get3A_239] {strides = array<i32>} : memref<3x80x64xf32, #tpu.memory_space<vmem>>, vector<16xf32>,
        %mul3A_241 = arith.mulf %get3A_240, %gather3A_235 : vector<16xf32>
        %swap3A_242 = arith.constant 3 : i32
        %swap3A_243 = arith.index_cast %rem3A_56 : i32 to index
        %swap3A_244 = arith.index_cast %swap3A_242 : i32 to index
        %swap3A_245 = arith.constant 0 : index
        %swap3A_246 = tpu.vector_load %arg14[%swap3A_243, %swap3A_244, %swap3A_245] {strides = array<i32>} : memref<3x80x64xf32, #tpu.memory_space<vmem>>, vector<16xf32>,
        tpu.vector_store %arg14[%swap3A_243, %swap3A_244, %swap3A_245], %mul3A_241 {strides = array<i32>} : memref<3x80x64xf32, #tpu.memory_space<vmem>>, vector<16xf32>,
        %get3A_247 = arith.constant 3 : i32
        %get3A_248 = arith.index_cast %rem3A_56 : i32 to index
        %get3A_249 = arith.index_cast %get3A_247 : i32 to index
        %get3A_250 = arith.constant 16 : index
        %get3A_251 = tpu.vector_load %arg14[%get3A_248, %get3A_249, %get3A_250] {strides = array<i32>} : memref<3x80x64xf32, #tpu.memory_space<vmem>>, vector<16xf32>,
        %mul3A_252 = arith.mulf %get3A_251, %gather3A_235 : vector<16xf32>
        %swap3A_253 = arith.constant 3 : i32
        %swap3A_254 = arith.index_cast %rem3A_56 : i32 to index
        %swap3A_255 = arith.index_cast %swap3A_253 : i32 to index
        %swap3A_256 = arith.constant 16 : index
        %swap3A_257 = tpu.vector_load %arg14[%swap3A_254, %swap3A_255, %swap3A_256] {strides = array<i32>} : memref<3x80x64xf32, #tpu.memory_space<vmem>>, vector<16xf32>,
        tpu.vector_store %arg14[%swap3A_254, %swap3A_255, %swap3A_256], %mul3A_252 {strides = array<i32>} : memref<3x80x64xf32, #tpu.memory_space<vmem>>, vector<16xf32>,
        %get3A_258 = arith.constant 3 : i32
        %get3A_259 = arith.index_cast %rem3A_56 : i32 to index
        %get3A_260 = arith.index_cast %get3A_258 : i32 to index
        %get3A_261 = arith.constant 32 : index
        %get3A_262 = tpu.vector_load %arg14[%get3A_259, %get3A_260, %get3A_261] {strides = array<i32>} : memref<3x80x64xf32, #tpu.memory_space<vmem>>, vector<16xf32>,
        %mul3A_263 = arith.mulf %get3A_262, %gather3A_235 : vector<16xf32>
        %swap3A_264 = arith.constant 3 : i32
        %swap3A_265 = arith.index_cast %rem3A_56 : i32 to index
        %swap3A_266 = arith.index_cast %swap3A_264 : i32 to index
        %swap3A_267 = arith.constant 32 : index
        %swap3A_268 = tpu.vector_load %arg14[%swap3A_265, %swap3A_266, %swap3A_267] {strides = array<i32>} : memref<3x80x64xf32, #tpu.memory_space<vmem>>, vector<16xf32>,
        tpu.vector_store %arg14[%swap3A_265, %swap3A_266, %swap3A_267], %mul3A_263 {strides = array<i32>} : memref<3x80x64xf32, #tpu.memory_space<vmem>>, vector<16xf32>,
        %get3A_269 = arith.constant 3 : i32
        %get3A_270 = arith.index_cast %rem3A_56 : i32 to index
        %get3A_271 = arith.index_cast %get3A_269 : i32 to index
        %get3A_272 = arith.constant 48 : index
        %get3A_273 = tpu.vector_load %arg14[%get3A_270, %get3A_271, %get3A_272] {strides = array<i32>} : memref<3x80x64xf32, #tpu.memory_space<vmem>>, vector<16xf32>,
        %mul3A_274 = arith.mulf %get3A_273, %gather3A_235 : vector<16xf32>
        %swap3A_275 = arith.constant 3 : i32
        %swap3A_276 = arith.index_cast %rem3A_56 : i32 to index
        %swap3A_277 = arith.index_cast %swap3A_275 : i32 to index
        %swap3A_278 = arith.constant 48 : index
        %swap3A_279 = tpu.vector_load %arg14[%swap3A_276, %swap3A_277, %swap3A_278] {strides = array<i32>} : memref<3x80x64xf32, #tpu.memory_space<vmem>>, vector<16xf32>,
        tpu.vector_store %arg14[%swap3A_276, %swap3A_277, %swap3A_278], %mul3A_274 {strides = array<i32>} : memref<3x80x64xf32, #tpu.memory_space<vmem>>, vector<16xf32>,
        %broadcast_in_dim3A_280 = arith.constant 4 : i32
        %broadcast_in_dim3A_281 = vector.broadcast %broadcast_in_dim3A_280 : i32 to vector<16x1xi32>
        %gather3A_282 = vector.shape_cast %broadcast_in_dim3A_281 : vector<16x1xi32> to vector<16xi32>
        %gather3A_283 = tpu.dynamic_gather %get3A_90[%gather3A_282] in [0] : vector<16xf32>, vector<16xi32> -> vector<16xf32>
        %get3A_284 = arith.constant 4 : i32
        %get3A_285 = arith.index_cast %rem3A_56 : i32 to index
        %get3A_286 = arith.index_cast %get3A_284 : i32 to index
        %get3A_287 = arith.constant 0 : index
        %get3A_288 = tpu.vector_load %arg14[%get3A_285, %get3A_286, %get3A_287] {strides = array<i32>} : memref<3x80x64xf32, #tpu.memory_space<vmem>>, vector<16xf32>,
        %mul3A_289 = arith.mulf %get3A_288, %gather3A_283 : vector<16xf32>
        %swap3A_290 = arith.constant 4 : i32
        %swap3A_291 = arith.index_cast %rem3A_56 : i32 to index
        %swap3A_292 = arith.index_cast %swap3A_290 : i32 to index
        %swap3A_293 = arith.constant 0 : index
        %swap3A_294 = tpu.vector_load %arg14[%swap3A_291, %swap3A_292, %swap3A_293] {strides = array<i32>} : memref<3x80x64xf32, #tpu.memory_space<vmem>>, vector<16xf32>,
        tpu.vector_store %arg14[%swap3A_291, %swap3A_292, %swap3A_293], %mul3A_289 {strides = array<i32>} : memref<3x80x64xf32, #tpu.memory_space<vmem>>, vector<16xf32>,
        %get3A_295 = arith.constant 4 : i32
        %get3A_296 = arith.index_cast %rem3A_56 : i32 to index
        %get3A_297 = arith.index_cast %get3A_295 : i32 to index
        %get3A_298 = arith.constant 16 : index
        %get3A_299 = tpu.vector_load %arg14[%get3A_296, %get3A_297, %get3A_298] {strides = array<i32>} : memref<3x80x64xf32, #tpu.memory_space<vmem>>, vector<16xf32>,
        %mul3A_300 = arith.mulf %get3A_299, %gather3A_283 : vector<16xf32>
        %swap3A_301 = arith.constant 4 : i32
        %swap3A_302 = arith.index_cast %rem3A_56 : i32 to index
        %swap3A_303 = arith.index_cast %swap3A_301 : i32 to index
        %swap3A_304 = arith.constant 16 : index
        %swap3A_305 = tpu.vector_load %arg14[%swap3A_302, %swap3A_303, %swap3A_304] {strides = array<i32>} : memref<3x80x64xf32, #tpu.memory_space<vmem>>, vector<16xf32>,
        tpu.vector_store %arg14[%swap3A_302, %swap3A_303, %swap3A_304], %mul3A_300 {strides = array<i32>} : memref<3x80x64xf32, #tpu.memory_space<vmem>>, vector<16xf32>,
        %get3A_306 = arith.constant 4 : i32
        %get3A_307 = arith.index_cast %rem3A_56 : i32 to index
        %get3A_308 = arith.index_cast %get3A_306 : i32 to index
        %get3A_309 = arith.constant 32 : index
        %get3A_310 = tpu.vector_load %arg14[%get3A_307, %get3A_308, %get3A_309] {strides = array<i32>} : memref<3x80x64xf32, #tpu.memory_space<vmem>>, vector<16xf32>,
        %mul3A_311 = arith.mulf %get3A_310, %gather3A_283 : vector<16xf32>
        %swap3A_312 = arith.constant 4 : i32
        %swap3A_313 = arith.index_cast %rem3A_56 : i32 to index
        %swap3A_314 = arith.index_cast %swap3A_312 : i32 to index
        %swap3A_315 = arith.constant 32 : index
        %swap3A_316 = tpu.vector_load %arg14[%swap3A_313, %swap3A_314, %swap3A_315] {strides = array<i32>} : memref<3x80x64xf32, #tpu.memory_space<vmem>>, vector<16xf32>,
        tpu.vector_store %arg14[%swap3A_313, %swap3A_314, %swap3A_315], %mul3A_311 {strides = array<i32>} : memref<3x80x64xf32, #tpu.memory_space<vmem>>, vector<16xf32>,
        %get3A_317 = arith.constant 4 : i32
        %get3A_318 = arith.index_cast %rem3A_56 : i32 to index
        %get3A_319 = arith.index_cast %get3A_317 : i32 to index
        %get3A_320 = arith.constant 48 : index
        %get3A_321 = tpu.vector_load %arg14[%get3A_318, %get3A_319, %get3A_320] {strides = array<i32>} : memref<3x80x64xf32, #tpu.memory_space<vmem>>, vector<16xf32>,
        %mul3A_322 = arith.mulf %get3A_321, %gather3A_283 : vector<16xf32>
        %swap3A_323 = arith.constant 4 : i32
        %swap3A_324 = arith.index_cast %rem3A_56 : i32 to index
        %swap3A_325 = arith.index_cast %swap3A_323 : i32 to index
        %swap3A_326 = arith.constant 48 : index
        %swap3A_327 = tpu.vector_load %arg14[%swap3A_324, %swap3A_325, %swap3A_326] {strides = array<i32>} : memref<3x80x64xf32, #tpu.memory_space<vmem>>, vector<16xf32>,
        tpu.vector_store %arg14[%swap3A_324, %swap3A_325, %swap3A_326], %mul3A_322 {strides = array<i32>} : memref<3x80x64xf32, #tpu.memory_space<vmem>>, vector<16xf32>,
        %broadcast_in_dim3A_328 = arith.constant 5 : i32
        %broadcast_in_dim3A_329 = vector.broadcast %broadcast_in_dim3A_328 : i32 to vector<16x1xi32>
        %gather3A_330 = vector.shape_cast %broadcast_in_dim3A_329 : vector<16x1xi32> to vector<16xi32>
        %gather3A_331 = tpu.dynamic_gather %get3A_90[%gather3A_330] in [0] : vector<16xf32>, vector<16xi32> -> vector<16xf32>
        %get3A_332 = arith.constant 5 : i32
        %get3A_333 = arith.index_cast %rem3A_56 : i32 to index
        %get3A_334 = arith.index_cast %get3A_332 : i32 to index
        %get3A_335 = arith.constant 0 : index
        %get3A_336 = tpu.vector_load %arg14[%get3A_333, %get3A_334, %get3A_335] {strides = array<i32>} : memref<3x80x64xf32, #tpu.memory_space<vmem>>, vector<16xf32>,
        %mul3A_337 = arith.mulf %get3A_336, %gather3A_331 : vector<16xf32>
        %swap3A_338 = arith.constant 5 : i32
        %swap3A_339 = arith.index_cast %rem3A_56 : i32 to index
        %swap3A_340 = arith.index_cast %swap3A_338 : i32 to index
        %swap3A_341 = arith.constant 0 : index
        %swap3A_342 = tpu.vector_load %arg14[%swap3A_339, %swap3A_340, %swap3A_341] {strides = array<i32>} : memref<3x80x64xf32, #tpu.memory_space<vmem>>, vector<16xf32>,
        tpu.vector_store %arg14[%swap3A_339, %swap3A_340, %swap3A_341], %mul3A_337 {strides = array<i32>} : memref<3x80x64xf32, #tpu.memory_space<vmem>>, vector<16xf32>,
        %get3A_343 = arith.constant 5 : i32
        %get3A_344 = arith.index_cast %rem3A_56 : i32 to index
        %get3A_345 = arith.index_cast %get3A_343 : i32 to index
        %get3A_346 = arith.constant 16 : index
        %get3A_347 = tpu.vector_load %arg14[%get3A_344, %get3A_345, %get3A_346] {strides = array<i32>} : memref<3x80x64xf32, #tpu.memory_space<vmem>>, vector<16xf32>,
        %mul3A_348 = arith.mulf %get3A_347, %gather3A_331 : vector<16xf32>
        %swap3A_349 = arith.constant 5 : i32
        %swap3A_350 = arith.index_cast %rem3A_56 : i32 to index
        %swap3A_351 = arith.index_cast %swap3A_349 : i32 to index
        %swap3A_352 = arith.constant 16 : index
        %swap3A_353 = tpu.vector_load %arg14[%swap3A_350, %swap3A_351, %swap3A_352] {strides = array<i32>} : memref<3x80x64xf32, #tpu.memory_space<vmem>>, vector<16xf32>,
        tpu.vector_store %arg14[%swap3A_350, %swap3A_351, %swap3A_352], %mul3A_348 {strides = array<i32>} : memref<3x80x64xf32, #tpu.memory_space<vmem>>, vector<16xf32>,
        %get3A_354 = arith.constant 5 : i32
        %get3A_355 = arith.index_cast %rem3A_56 : i32 to index
        %get3A_356 = arith.index_cast %get3A_354 : i32 to index
        %get3A_357 = arith.constant 32 : index
        %get3A_358 = tpu.vector_load %arg14[%get3A_355, %get3A_356, %get3A_357] {strides = array<i32>} : memref<3x80x64xf32, #tpu.memory_space<vmem>>, vector<16xf32>,
        %mul3A_359 = arith.mulf %get3A_358, %gather3A_331 : vector<16xf32>
        %swap3A_360 = arith.constant 5 : i32
        %swap3A_361 = arith.index_cast %rem3A_56 : i32 to index
        %swap3A_362 = arith.index_cast %swap3A_360 : i32 to index
        %swap3A_363 = arith.constant 32 : index
        %swap3A_364 = tpu.vector_load %arg14[%swap3A_361, %swap3A_362, %swap3A_363] {strides = array<i32>} : memref<3x80x64xf32, #tpu.memory_space<vmem>>, vector<16xf32>,
        tpu.vector_store %arg14[%swap3A_361, %swap3A_362, %swap3A_363], %mul3A_359 {strides = array<i32>} : memref<3x80x64xf32, #tpu.memory_space<vmem>>, vector<16xf32>,
        %get3A_365 = arith.constant 5 : i32
        %get3A_366 = arith.index_cast %rem3A_56 : i32 to index
        %get3A_367 = arith.index_cast %get3A_365 : i32 to index
        %get3A_368 = arith.constant 48 : index
        %get3A_369 = tpu.vector_load %arg14[%get3A_366, %get3A_367, %get3A_368] {strides = array<i32>} : memref<3x80x64xf32, #tpu.memory_space<vmem>>, vector<16xf32>,
        %mul3A_370 = arith.mulf %get3A_369, %gather3A_331 : vector<16xf32>
        %swap3A_371 = arith.constant 5 : i32
        %swap3A_372 = arith.index_cast %rem3A_56 : i32 to index
        %swap3A_373 = arith.index_cast %swap3A_371 : i32 to index
        %swap3A_374 = arith.constant 48 : index
        %swap3A_375 = tpu.vector_load %arg14[%swap3A_372, %swap3A_373, %swap3A_374] {strides = array<i32>} : memref<3x80x64xf32, #tpu.memory_space<vmem>>, vector<16xf32>,
        tpu.vector_store %arg14[%swap3A_372, %swap3A_373, %swap3A_374], %mul3A_370 {strides = array<i32>} : memref<3x80x64xf32, #tpu.memory_space<vmem>>, vector<16xf32>,
        %broadcast_in_dim3A_376 = arith.constant 6 : i32
        %broadcast_in_dim3A_377 = vector.broadcast %broadcast_in_dim3A_376 : i32 to vector<16x1xi32>
        %gather3A_378 = vector.shape_cast %broadcast_in_dim3A_377 : vector<16x1xi32> to vector<16xi32>
        %gather3A_379 = tpu.dynamic_gather %get3A_90[%gather3A_378] in [0] : vector<16xf32>, vector<16xi32> -> vector<16xf32>
        %get3A_380 = arith.constant 6 : i32
        %get3A_381 = arith.index_cast %rem3A_56 : i32 to index
        %get3A_382 = arith.index_cast %get3A_380 : i32 to index
        %get3A_383 = arith.constant 0 : index
        %get3A_384 = tpu.vector_load %arg14[%get3A_381, %get3A_382, %get3A_383] {strides = array<i32>} : memref<3x80x64xf32, #tpu.memory_space<vmem>>, vector<16xf32>,
        %mul3A_385 = arith.mulf %get3A_384, %gather3A_379 : vector<16xf32>
        %swap3A_386 = arith.constant 6 : i32
        %swap3A_387 = arith.index_cast %rem3A_56 : i32 to index
        %swap3A_388 = arith.index_cast %swap3A_386 : i32 to index
        %swap3A_389 = arith.constant 0 : index
        %swap3A_390 = tpu.vector_load %arg14[%swap3A_387, %swap3A_388, %swap3A_389] {strides = array<i32>} : memref<3x80x64xf32, #tpu.memory_space<vmem>>, vector<16xf32>,
        tpu.vector_store %arg14[%swap3A_387, %swap3A_388, %swap3A_389], %mul3A_385 {strides = array<i32>} : memref<3x80x64xf32, #tpu.memory_space<vmem>>, vector<16xf32>,
        %get3A_391 = arith.constant 6 : i32
        %get3A_392 = arith.index_cast %rem3A_56 : i32 to index
        %get3A_393 = arith.index_cast %get3A_391 : i32 to index
        %get3A_394 = arith.constant 16 : index
        %get3A_395 = tpu.vector_load %arg14[%get3A_392, %get3A_393, %get3A_394] {strides = array<i32>} : memref<3x80x64xf32, #tpu.memory_space<vmem>>, vector<16xf32>,
        %mul3A_396 = arith.mulf %get3A_395, %gather3A_379 : vector<16xf32>
        %swap3A_397 = arith.constant 6 : i32
        %swap3A_398 = arith.index_cast %rem3A_56 : i32 to index
        %swap3A_399 = arith.index_cast %swap3A_397 : i32 to index
        %swap3A_400 = arith.constant 16 : index
        %swap3A_401 = tpu.vector_load %arg14[%swap3A_398, %swap3A_399, %swap3A_400] {strides = array<i32>} : memref<3x80x64xf32, #tpu.memory_space<vmem>>, vector<16xf32>,
        tpu.vector_store %arg14[%swap3A_398, %swap3A_399, %swap3A_400], %mul3A_396 {strides = array<i32>} : memref<3x80x64xf32, #tpu.memory_space<vmem>>, vector<16xf32>,
        %get3A_402 = arith.constant 6 : i32
        %get3A_403 = arith.index_cast %rem3A_56 : i32 to index
        %get3A_404 = arith.index_cast %get3A_402 : i32 to index
        %get3A_405 = arith.constant 32 : index
        %get3A_406 = tpu.vector_load %arg14[%get3A_403, %get3A_404, %get3A_405] {strides = array<i32>} : memref<3x80x64xf32, #tpu.memory_space<vmem>>, vector<16xf32>,
        %mul3A_407 = arith.mulf %get3A_406, %gather3A_379 : vector<16xf32>
        %swap3A_408 = arith.constant 6 : i32
        %swap3A_409 = arith.index_cast %rem3A_56 : i32 to index
        %swap3A_410 = arith.index_cast %swap3A_408 : i32 to index
        %swap3A_411 = arith.constant 32 : index
        %swap3A_412 = tpu.vector_load %arg14[%swap3A_409, %swap3A_410, %swap3A_411] {strides = array<i32>} : memref<3x80x64xf32, #tpu.memory_space<vmem>>, vector<16xf32>,
        tpu.vector_store %arg14[%swap3A_409, %swap3A_410, %swap3A_411], %mul3A_407 {strides = array<i32>} : memref<3x80x64xf32, #tpu.memory_space<vmem>>, vector<16xf32>,
        %get3A_413 = arith.constant 6 : i32
        %get3A_414 = arith.index_cast %rem3A_56 : i32 to index
        %get3A_415 = arith.index_cast %get3A_413 : i32 to index
        %get3A_416 = arith.constant 48 : index
        %get3A_417 = tpu.vector_load %arg14[%get3A_414, %get3A_415, %get3A_416] {strides = array<i32>} : memref<3x80x64xf32, #tpu.memory_space<vmem>>, vector<16xf32>,
        %mul3A_418 = arith.mulf %get3A_417, %gather3A_379 : vector<16xf32>
        %swap3A_419 = arith.constant 6 : i32
        %swap3A_420 = arith.index_cast %rem3A_56 : i32 to index
        %swap3A_421 = arith.index_cast %swap3A_419 : i32 to index
        %swap3A_422 = arith.constant 48 : index
        %swap3A_423 = tpu.vector_load %arg14[%swap3A_420, %swap3A_421, %swap3A_422] {strides = array<i32>} : memref<3x80x64xf32, #tpu.memory_space<vmem>>, vector<16xf32>,
        tpu.vector_store %arg14[%swap3A_420, %swap3A_421, %swap3A_422], %mul3A_418 {strides = array<i32>} : memref<3x80x64xf32, #tpu.memory_space<vmem>>, vector<16xf32>,
        %broadcast_in_dim3A_424 = arith.constant 7 : i32
        %broadcast_in_dim3A_425 = vector.broadcast %broadcast_in_dim3A_424 : i32 to vector<16x1xi32>
        %gather3A_426 = vector.shape_cast %broadcast_in_dim3A_425 : vector<16x1xi32> to vector<16xi32>
        %gather3A_427 = tpu.dynamic_gather %get3A_90[%gather3A_426] in [0] : vector<16xf32>, vector<16xi32> -> vector<16xf32>
        %get3A_428 = arith.constant 7 : i32
        %get3A_429 = arith.index_cast %rem3A_56 : i32 to index
        %get3A_430 = arith.index_cast %get3A_428 : i32 to index
        %get3A_431 = arith.constant 0 : index
        %get3A_432 = tpu.vector_load %arg14[%get3A_429, %get3A_430, %get3A_431] {strides = array<i32>} : memref<3x80x64xf32, #tpu.memory_space<vmem>>, vector<16xf32>,
        %mul3A_433 = arith.mulf %get3A_432, %gather3A_427 : vector<16xf32>
        %swap3A_434 = arith.constant 7 : i32
        %swap3A_435 = arith.index_cast %rem3A_56 : i32 to index
        %swap3A_436 = arith.index_cast %swap3A_434 : i32 to index
        %swap3A_437 = arith.constant 0 : index
        %swap3A_438 = tpu.vector_load %arg14[%swap3A_435, %swap3A_436, %swap3A_437] {strides = array<i32>} : memref<3x80x64xf32, #tpu.memory_space<vmem>>, vector<16xf32>,
        tpu.vector_store %arg14[%swap3A_435, %swap3A_436, %swap3A_437], %mul3A_433 {strides = array<i32>} : memref<3x80x64xf32, #tpu.memory_space<vmem>>, vector<16xf32>,
        %get3A_439 = arith.constant 7 : i32
        %get3A_440 = arith.index_cast %rem3A_56 : i32 to index
        %get3A_441 = arith.index_cast %get3A_439 : i32 to index
        %get3A_442 = arith.constant 16 : index
        %get3A_443 = tpu.vector_load %arg14[%get3A_440, %get3A_441, %get3A_442] {strides = array<i32>} : memref<3x80x64xf32, #tpu.memory_space<vmem>>, vector<16xf32>,
        %mul3A_444 = arith.mulf %get3A_443, %gather3A_427 : vector<16xf32>
        %swap3A_445 = arith.constant 7 : i32
        %swap3A_446 = arith.index_cast %rem3A_56 : i32 to index
        %swap3A_447 = arith.index_cast %swap3A_445 : i32 to index
        %swap3A_448 = arith.constant 16 : index
        %swap3A_449 = tpu.vector_load %arg14[%swap3A_446, %swap3A_447, %swap3A_448] {strides = array<i32>} : memref<3x80x64xf32, #tpu.memory_space<vmem>>, vector<16xf32>,
        tpu.vector_store %arg14[%swap3A_446, %swap3A_447, %swap3A_448], %mul3A_444 {strides = array<i32>} : memref<3x80x64xf32, #tpu.memory_space<vmem>>, vector<16xf32>,
        %get3A_450 = arith.constant 7 : i32
        %get3A_451 = arith.index_cast %rem3A_56 : i32 to index
        %get3A_452 = arith.index_cast %get3A_450 : i32 to index
        %get3A_453 = arith.constant 32 : index
        %get3A_454 = tpu.vector_load %arg14[%get3A_451, %get3A_452, %get3A_453] {strides = array<i32>} : memref<3x80x64xf32, #tpu.memory_space<vmem>>, vector<16xf32>,
        %mul3A_455 = arith.mulf %get3A_454, %gather3A_427 : vector<16xf32>
        %swap3A_456 = arith.constant 7 : i32
        %swap3A_457 = arith.index_cast %rem3A_56 : i32 to index
        %swap3A_458 = arith.index_cast %swap3A_456 : i32 to index
        %swap3A_459 = arith.constant 32 : index
        %swap3A_460 = tpu.vector_load %arg14[%swap3A_457, %swap3A_458, %swap3A_459] {strides = array<i32>} : memref<3x80x64xf32, #tpu.memory_space<vmem>>, vector<16xf32>,
        tpu.vector_store %arg14[%swap3A_457, %swap3A_458, %swap3A_459], %mul3A_455 {strides = array<i32>} : memref<3x80x64xf32, #tpu.memory_space<vmem>>, vector<16xf32>,
        %get3A_461 = arith.constant 7 : i32
        %get3A_462 = arith.index_cast %rem3A_56 : i32 to index
        %get3A_463 = arith.index_cast %get3A_461 : i32 to index
        %get3A_464 = arith.constant 48 : index
        %get3A_465 = tpu.vector_load %arg14[%get3A_462, %get3A_463, %get3A_464] {strides = array<i32>} : memref<3x80x64xf32, #tpu.memory_space<vmem>>, vector<16xf32>,
        %mul3A_466 = arith.mulf %get3A_465, %gather3A_427 : vector<16xf32>
        %swap3A_467 = arith.constant 7 : i32
        %swap3A_468 = arith.index_cast %rem3A_56 : i32 to index
        %swap3A_469 = arith.index_cast %swap3A_467 : i32 to index
        %swap3A_470 = arith.constant 48 : index
        %swap3A_471 = tpu.vector_load %arg14[%swap3A_468, %swap3A_469, %swap3A_470] {strides = array<i32>} : memref<3x80x64xf32, #tpu.memory_space<vmem>>, vector<16xf32>,
        tpu.vector_store %arg14[%swap3A_468, %swap3A_469, %swap3A_470], %mul3A_466 {strides = array<i32>} : memref<3x80x64xf32, #tpu.memory_space<vmem>>, vector<16xf32>,
        %broadcast_in_dim3A_472 = arith.constant 8 : i32
        %broadcast_in_dim3A_473 = vector.broadcast %broadcast_in_dim3A_472 : i32 to vector<16x1xi32>
        %gather3A_474 = vector.shape_cast %broadcast_in_dim3A_473 : vector<16x1xi32> to vector<16xi32>
        %gather3A_475 = tpu.dynamic_gather %get3A_90[%gather3A_474] in [0] : vector<16xf32>, vector<16xi32> -> vector<16xf32>
        %get3A_476 = arith.constant 8 : i32
        %get3A_477 = arith.index_cast %rem3A_56 : i32 to index
        %get3A_478 = arith.index_cast %get3A_476 : i32 to index
        %get3A_479 = arith.constant 0 : index
        %get3A_480 = tpu.vector_load %arg14[%get3A_477, %get3A_478, %get3A_479] {strides = array<i32>} : memref<3x80x64xf32, #tpu.memory_space<vmem>>, vector<16xf32>,
        %mul3A_481 = arith.mulf %get3A_480, %gather3A_475 : vector<16xf32>
        %swap3A_482 = arith.constant 8 : i32
        %swap3A_483 = arith.index_cast %rem3A_56 : i32 to index
        %swap3A_484 = arith.index_cast %swap3A_482 : i32 to index
        %swap3A_485 = arith.constant 0 : index
        %swap3A_486 = tpu.vector_load %arg14[%swap3A_483, %swap3A_484, %swap3A_485] {strides = array<i32>} : memref<3x80x64xf32, #tpu.memory_space<vmem>>, vector<16xf32>,
        tpu.vector_store %arg14[%swap3A_483, %swap3A_484, %swap3A_485], %mul3A_481 {strides = array<i32>} : memref<3x80x64xf32, #tpu.memory_space<vmem>>, vector<16xf32>,
        %get3A_487 = arith.constant 8 : i32
        %get3A_488 = arith.index_cast %rem3A_56 : i32 to index
        %get3A_489 = arith.index_cast %get3A_487 : i32 to index
        %get3A_490 = arith.constant 16 : index
        %get3A_491 = tpu.vector_load %arg14[%get3A_488, %get3A_489, %get3A_490] {strides = array<i32>} : memref<3x80x64xf32, #tpu.memory_space<vmem>>, vector<16xf32>,
        %mul3A_492 = arith.mulf %get3A_491, %gather3A_475 : vector<16xf32>
        %swap3A_493 = arith.constant 8 : i32
        %swap3A_494 = arith.index_cast %rem3A_56 : i32 to index
        %swap3A_495 = arith.index_cast %swap3A_493 : i32 to index
        %swap3A_496 = arith.constant 16 : index
        %swap3A_497 = tpu.vector_load %arg14[%swap3A_494, %swap3A_495, %swap3A_496] {strides = array<i32>} : memref<3x80x64xf32, #tpu.memory_space<vmem>>, vector<16xf32>,
        tpu.vector_store %arg14[%swap3A_494, %swap3A_495, %swap3A_496], %mul3A_492 {strides = array<i32>} : memref<3x80x64xf32, #tpu.memory_space<vmem>>, vector<16xf32>,
        %get3A_498 = arith.constant 8 : i32
        %get3A_499 = arith.index_cast %rem3A_56 : i32 to index
        %get3A_500 = arith.index_cast %get3A_498 : i32 to index
        %get3A_501 = arith.constant 32 : index
        %get3A_502 = tpu.vector_load %arg14[%get3A_499, %get3A_500, %get3A_501] {strides = array<i32>} : memref<3x80x64xf32, #tpu.memory_space<vmem>>, vector<16xf32>,
        %mul3A_503 = arith.mulf %get3A_502, %gather3A_475 : vector<16xf32>
        %swap3A_504 = arith.constant 8 : i32
        %swap3A_505 = arith.index_cast %rem3A_56 : i32 to index
        %swap3A_506 = arith.index_cast %swap3A_504 : i32 to index
        %swap3A_507 = arith.constant 32 : index
        %swap3A_508 = tpu.vector_load %arg14[%swap3A_505, %swap3A_506, %swap3A_507] {strides = array<i32>} : memref<3x80x64xf32, #tpu.memory_space<vmem>>, vector<16xf32>,
        tpu.vector_store %arg14[%swap3A_505, %swap3A_506, %swap3A_507], %mul3A_503 {strides = array<i32>} : memref<3x80x64xf32, #tpu.memory_space<vmem>>, vector<16xf32>,
        %get3A_509 = arith.constant 8 : i32
        %get3A_510 = arith.index_cast %rem3A_56 : i32 to index
        %get3A_511 = arith.index_cast %get3A_509 : i32 to index
        %get3A_512 = arith.constant 48 : index
        %get3A_513 = tpu.vector_load %arg14[%get3A_510, %get3A_511, %get3A_512] {strides = array<i32>} : memref<3x80x64xf32, #tpu.memory_space<vmem>>, vector<16xf32>,
        %mul3A_514 = arith.mulf %get3A_513, %gather3A_475 : vector<16xf32>
        %swap3A_515 = arith.constant 8 : i32
        %swap3A_516 = arith.index_cast %rem3A_56 : i32 to index
        %swap3A_517 = arith.index_cast %swap3A_515 : i32 to index
        %swap3A_518 = arith.constant 48 : index
        %swap3A_519 = tpu.vector_load %arg14[%swap3A_516, %swap3A_517, %swap3A_518] {strides = array<i32>} : memref<3x80x64xf32, #tpu.memory_space<vmem>>, vector<16xf32>,
        tpu.vector_store %arg14[%swap3A_516, %swap3A_517, %swap3A_518], %mul3A_514 {strides = array<i32>} : memref<3x80x64xf32, #tpu.memory_space<vmem>>, vector<16xf32>,
        %broadcast_in_dim3A_520 = arith.constant 9 : i32
        %broadcast_in_dim3A_521 = vector.broadcast %broadcast_in_dim3A_520 : i32 to vector<16x1xi32>
        %gather3A_522 = vector.shape_cast %broadcast_in_dim3A_521 : vector<16x1xi32> to vector<16xi32>
        %gather3A_523 = tpu.dynamic_gather %get3A_90[%gather3A_522] in [0] : vector<16xf32>, vector<16xi32> -> vector<16xf32>
        %get3A_524 = arith.constant 9 : i32
        %get3A_525 = arith.index_cast %rem3A_56 : i32 to index
        %get3A_526 = arith.index_cast %get3A_524 : i32 to index
        %get3A_527 = arith.constant 0 : index
        %get3A_528 = tpu.vector_load %arg14[%get3A_525, %get3A_526, %get3A_527] {strides = array<i32>} : memref<3x80x64xf32, #tpu.memory_space<vmem>>, vector<16xf32>,
        %mul3A_529 = arith.mulf %get3A_528, %gather3A_523 : vector<16xf32>
        %swap3A_530 = arith.constant 9 : i32
        %swap3A_531 = arith.index_cast %rem3A_56 : i32 to index
        %swap3A_532 = arith.index_cast %swap3A_530 : i32 to index
        %swap3A_533 = arith.constant 0 : index
        %swap3A_534 = tpu.vector_load %arg14[%swap3A_531, %swap3A_532, %swap3A_533] {strides = array<i32>} : memref<3x80x64xf32, #tpu.memory_space<vmem>>, vector<16xf32>,
        tpu.vector_store %arg14[%swap3A_531, %swap3A_532, %swap3A_533], %mul3A_529 {strides = array<i32>} : memref<3x80x64xf32, #tpu.memory_space<vmem>>, vector<16xf32>,
        %get3A_535 = arith.constant 9 : i32
        %get3A_536 = arith.index_cast %rem3A_56 : i32 to index
        %get3A_537 = arith.index_cast %get3A_535 : i32 to index
        %get3A_538 = arith.constant 16 : index
        %get3A_539 = tpu.vector_load %arg14[%get3A_536, %get3A_537, %get3A_538] {strides = array<i32>} : memref<3x80x64xf32, #tpu.memory_space<vmem>>, vector<16xf32>,
        %mul3A_540 = arith.mulf %get3A_539, %gather3A_523 : vector<16xf32>
        %swap3A_541 = arith.constant 9 : i32
        %swap3A_542 = arith.index_cast %rem3A_56 : i32 to index
        %swap3A_543 = arith.index_cast %swap3A_541 : i32 to index
        %swap3A_544 = arith.constant 16 : index
        %swap3A_545 = tpu.vector_load %arg14[%swap3A_542, %swap3A_543, %swap3A_544] {strides = array<i32>} : memref<3x80x64xf32, #tpu.memory_space<vmem>>, vector<16xf32>,
        tpu.vector_store %arg14[%swap3A_542, %swap3A_543, %swap3A_544], %mul3A_540 {strides = array<i32>} : memref<3x80x64xf32, #tpu.memory_space<vmem>>, vector<16xf32>,
        %get3A_546 = arith.constant 9 : i32
        %get3A_547 = arith.index_cast %rem3A_56 : i32 to index
        %get3A_548 = arith.index_cast %get3A_546 : i32 to index
        %get3A_549 = arith.constant 32 : index
        %get3A_550 = tpu.vector_load %arg14[%get3A_547, %get3A_548, %get3A_549] {strides = array<i32>} : memref<3x80x64xf32, #tpu.memory_space<vmem>>, vector<16xf32>,
        %mul3A_551 = arith.mulf %get3A_550, %gather3A_523 : vector<16xf32>
        %swap3A_552 = arith.constant 9 : i32
        %swap3A_553 = arith.index_cast %rem3A_56 : i32 to index
        %swap3A_554 = arith.index_cast %swap3A_552 : i32 to index
        %swap3A_555 = arith.constant 32 : index
        %swap3A_556 = tpu.vector_load %arg14[%swap3A_553, %swap3A_554, %swap3A_555] {strides = array<i32>} : memref<3x80x64xf32, #tpu.memory_space<vmem>>, vector<16xf32>,
        tpu.vector_store %arg14[%swap3A_553, %swap3A_554, %swap3A_555], %mul3A_551 {strides = array<i32>} : memref<3x80x64xf32, #tpu.memory_space<vmem>>, vector<16xf32>,
        %get3A_557 = arith.constant 9 : i32
        %get3A_558 = arith.index_cast %rem3A_56 : i32 to index
        %get3A_559 = arith.index_cast %get3A_557 : i32 to index
        %get3A_560 = arith.constant 48 : index
        %get3A_561 = tpu.vector_load %arg14[%get3A_558, %get3A_559, %get3A_560] {strides = array<i32>} : memref<3x80x64xf32, #tpu.memory_space<vmem>>, vector<16xf32>,
        %mul3A_562 = arith.mulf %get3A_561, %gather3A_523 : vector<16xf32>
        %swap3A_563 = arith.constant 9 : i32
        %swap3A_564 = arith.index_cast %rem3A_56 : i32 to index
        %swap3A_565 = arith.index_cast %swap3A_563 : i32 to index
        %swap3A_566 = arith.constant 48 : index
        %swap3A_567 = tpu.vector_load %arg14[%swap3A_564, %swap3A_565, %swap3A_566] {strides = array<i32>} : memref<3x80x64xf32, #tpu.memory_space<vmem>>, vector<16xf32>,
        tpu.vector_store %arg14[%swap3A_564, %swap3A_565, %swap3A_566], %mul3A_562 {strides = array<i32>} : memref<3x80x64xf32, #tpu.memory_space<vmem>>, vector<16xf32>,
        %broadcast_in_dim3A_568 = arith.constant 10 : i32
        %broadcast_in_dim3A_569 = vector.broadcast %broadcast_in_dim3A_568 : i32 to vector<16x1xi32>
        %gather3A_570 = vector.shape_cast %broadcast_in_dim3A_569 : vector<16x1xi32> to vector<16xi32>
        %gather3A_571 = tpu.dynamic_gather %get3A_90[%gather3A_570] in [0] : vector<16xf32>, vector<16xi32> -> vector<16xf32>
        %get3A_572 = arith.constant 10 : i32
        %get3A_573 = arith.index_cast %rem3A_56 : i32 to index
        %get3A_574 = arith.index_cast %get3A_572 : i32 to index
        %get3A_575 = arith.constant 0 : index
        %get3A_576 = tpu.vector_load %arg14[%get3A_573, %get3A_574, %get3A_575] {strides = array<i32>} : memref<3x80x64xf32, #tpu.memory_space<vmem>>, vector<16xf32>,
        %mul3A_577 = arith.mulf %get3A_576, %gather3A_571 : vector<16xf32>
        %swap3A_578 = arith.constant 10 : i32
        %swap3A_579 = arith.index_cast %rem3A_56 : i32 to index
        %swap3A_580 = arith.index_cast %swap3A_578 : i32 to index
        %swap3A_581 = arith.constant 0 : index
        %swap3A_582 = tpu.vector_load %arg14[%swap3A_579, %swap3A_580, %swap3A_581] {strides = array<i32>} : memref<3x80x64xf32, #tpu.memory_space<vmem>>, vector<16xf32>,
        tpu.vector_store %arg14[%swap3A_579, %swap3A_580, %swap3A_581], %mul3A_577 {strides = array<i32>} : memref<3x80x64xf32, #tpu.memory_space<vmem>>, vector<16xf32>,
        %get3A_583 = arith.constant 10 : i32
        %get3A_584 = arith.index_cast %rem3A_56 : i32 to index
        %get3A_585 = arith.index_cast %get3A_583 : i32 to index
        %get3A_586 = arith.constant 16 : index
        %get3A_587 = tpu.vector_load %arg14[%get3A_584, %get3A_585, %get3A_586] {strides = array<i32>} : memref<3x80x64xf32, #tpu.memory_space<vmem>>, vector<16xf32>,
        %mul3A_588 = arith.mulf %get3A_587, %gather3A_571 : vector<16xf32>
        %swap3A_589 = arith.constant 10 : i32
        %swap3A_590 = arith.index_cast %rem3A_56 : i32 to index
        %swap3A_591 = arith.index_cast %swap3A_589 : i32 to index
        %swap3A_592 = arith.constant 16 : index
        %swap3A_593 = tpu.vector_load %arg14[%swap3A_590, %swap3A_591, %swap3A_592] {strides = array<i32>} : memref<3x80x64xf32, #tpu.memory_space<vmem>>, vector<16xf32>,
        tpu.vector_store %arg14[%swap3A_590, %swap3A_591, %swap3A_592], %mul3A_588 {strides = array<i32>} : memref<3x80x64xf32, #tpu.memory_space<vmem>>, vector<16xf32>,
        %get3A_594 = arith.constant 10 : i32
        %get3A_595 = arith.index_cast %rem3A_56 : i32 to index
        %get3A_596 = arith.index_cast %get3A_594 : i32 to index
        %get3A_597 = arith.constant 32 : index
        %get3A_598 = tpu.vector_load %arg14[%get3A_595, %get3A_596, %get3A_597] {strides = array<i32>} : memref<3x80x64xf32, #tpu.memory_space<vmem>>, vector<16xf32>,
        %mul3A_599 = arith.mulf %get3A_598, %gather3A_571 : vector<16xf32>
        %swap3A_600 = arith.constant 10 : i32
        %swap3A_601 = arith.index_cast %rem3A_56 : i32 to index
        %swap3A_602 = arith.index_cast %swap3A_600 : i32 to index
        %swap3A_603 = arith.constant 32 : index
        %swap3A_604 = tpu.vector_load %arg14[%swap3A_601, %swap3A_602, %swap3A_603] {strides = array<i32>} : memref<3x80x64xf32, #tpu.memory_space<vmem>>, vector<16xf32>,
        tpu.vector_store %arg14[%swap3A_601, %swap3A_602, %swap3A_603], %mul3A_599 {strides = array<i32>} : memref<3x80x64xf32, #tpu.memory_space<vmem>>, vector<16xf32>,
        %get3A_605 = arith.constant 10 : i32
        %get3A_606 = arith.index_cast %rem3A_56 : i32 to index
        %get3A_607 = arith.index_cast %get3A_605 : i32 to index
        %get3A_608 = arith.constant 48 : index
        %get3A_609 = tpu.vector_load %arg14[%get3A_606, %get3A_607, %get3A_608] {strides = array<i32>} : memref<3x80x64xf32, #tpu.memory_space<vmem>>, vector<16xf32>,
        %mul3A_610 = arith.mulf %get3A_609, %gather3A_571 : vector<16xf32>
        %swap3A_611 = arith.constant 10 : i32
        %swap3A_612 = arith.index_cast %rem3A_56 : i32 to index
        %swap3A_613 = arith.index_cast %swap3A_611 : i32 to index
        %swap3A_614 = arith.constant 48 : index
        %swap3A_615 = tpu.vector_load %arg14[%swap3A_612, %swap3A_613, %swap3A_614] {strides = array<i32>} : memref<3x80x64xf32, #tpu.memory_space<vmem>>, vector<16xf32>,
        tpu.vector_store %arg14[%swap3A_612, %swap3A_613, %swap3A_614], %mul3A_610 {strides = array<i32>} : memref<3x80x64xf32, #tpu.memory_space<vmem>>, vector<16xf32>,
        %broadcast_in_dim3A_616 = arith.constant 11 : i32
        %broadcast_in_dim3A_617 = vector.broadcast %broadcast_in_dim3A_616 : i32 to vector<16x1xi32>
        %gather3A_618 = vector.shape_cast %broadcast_in_dim3A_617 : vector<16x1xi32> to vector<16xi32>
        %gather3A_619 = tpu.dynamic_gather %get3A_90[%gather3A_618] in [0] : vector<16xf32>, vector<16xi32> -> vector<16xf32>
        %get3A_620 = arith.constant 11 : i32
        %get3A_621 = arith.index_cast %rem3A_56 : i32 to index
        %get3A_622 = arith.index_cast %get3A_620 : i32 to index
        %get3A_623 = arith.constant 0 : index
        %get3A_624 = tpu.vector_load %arg14[%get3A_621, %get3A_622, %get3A_623] {strides = array<i32>} : memref<3x80x64xf32, #tpu.memory_space<vmem>>, vector<16xf32>,
        %mul3A_625 = arith.mulf %get3A_624, %gather3A_619 : vector<16xf32>
        %swap3A_626 = arith.constant 11 : i32
        %swap3A_627 = arith.index_cast %rem3A_56 : i32 to index
        %swap3A_628 = arith.index_cast %swap3A_626 : i32 to index
        %swap3A_629 = arith.constant 0 : index
        %swap3A_630 = tpu.vector_load %arg14[%swap3A_627, %swap3A_628, %swap3A_629] {strides = array<i32>} : memref<3x80x64xf32, #tpu.memory_space<vmem>>, vector<16xf32>,
        tpu.vector_store %arg14[%swap3A_627, %swap3A_628, %swap3A_629], %mul3A_625 {strides = array<i32>} : memref<3x80x64xf32, #tpu.memory_space<vmem>>, vector<16xf32>,
        %get3A_631 = arith.constant 11 : i32
        %get3A_632 = arith.index_cast %rem3A_56 : i32 to index
        %get3A_633 = arith.index_cast %get3A_631 : i32 to index
        %get3A_634 = arith.constant 16 : index
        %get3A_635 = tpu.vector_load %arg14[%get3A_632, %get3A_633, %get3A_634] {strides = array<i32>} : memref<3x80x64xf32, #tpu.memory_space<vmem>>, vector<16xf32>,
        %mul3A_636 = arith.mulf %get3A_635, %gather3A_619 : vector<16xf32>
        %swap3A_637 = arith.constant 11 : i32
        %swap3A_638 = arith.index_cast %rem3A_56 : i32 to index
        %swap3A_639 = arith.index_cast %swap3A_637 : i32 to index
        %swap3A_640 = arith.constant 16 : index
        %swap3A_641 = tpu.vector_load %arg14[%swap3A_638, %swap3A_639, %swap3A_640] {strides = array<i32>} : memref<3x80x64xf32, #tpu.memory_space<vmem>>, vector<16xf32>,
        tpu.vector_store %arg14[%swap3A_638, %swap3A_639, %swap3A_640], %mul3A_636 {strides = array<i32>} : memref<3x80x64xf32, #tpu.memory_space<vmem>>, vector<16xf32>,
        %get3A_642 = arith.constant 11 : i32
        %get3A_643 = arith.index_cast %rem3A_56 : i32 to index
        %get3A_644 = arith.index_cast %get3A_642 : i32 to index
        %get3A_645 = arith.constant 32 : index
        %get3A_646 = tpu.vector_load %arg14[%get3A_643, %get3A_644, %get3A_645] {strides = array<i32>} : memref<3x80x64xf32, #tpu.memory_space<vmem>>, vector<16xf32>,
        %mul3A_647 = arith.mulf %get3A_646, %gather3A_619 : vector<16xf32>
        %swap3A_648 = arith.constant 11 : i32
        %swap3A_649 = arith.index_cast %rem3A_56 : i32 to index
        %swap3A_650 = arith.index_cast %swap3A_648 : i32 to index
        %swap3A_651 = arith.constant 32 : index
        %swap3A_652 = tpu.vector_load %arg14[%swap3A_649, %swap3A_650, %swap3A_651] {strides = array<i32>} : memref<3x80x64xf32, #tpu.memory_space<vmem>>, vector<16xf32>,
        tpu.vector_store %arg14[%swap3A_649, %swap3A_650, %swap3A_651], %mul3A_647 {strides = array<i32>} : memref<3x80x64xf32, #tpu.memory_space<vmem>>, vector<16xf32>,
        %get3A_653 = arith.constant 11 : i32
        %get3A_654 = arith.index_cast %rem3A_56 : i32 to index
        %get3A_655 = arith.index_cast %get3A_653 : i32 to index
        %get3A_656 = arith.constant 48 : index
        %get3A_657 = tpu.vector_load %arg14[%get3A_654, %get3A_655, %get3A_656] {strides = array<i32>} : memref<3x80x64xf32, #tpu.memory_space<vmem>>, vector<16xf32>,
        %mul3A_658 = arith.mulf %get3A_657, %gather3A_619 : vector<16xf32>
        %swap3A_659 = arith.constant 11 : i32
        %swap3A_660 = arith.index_cast %rem3A_56 : i32 to index
        %swap3A_661 = arith.index_cast %swap3A_659 : i32 to index
        %swap3A_662 = arith.constant 48 : index
        %swap3A_663 = tpu.vector_load %arg14[%swap3A_660, %swap3A_661, %swap3A_662] {strides = array<i32>} : memref<3x80x64xf32, #tpu.memory_space<vmem>>, vector<16xf32>,
        tpu.vector_store %arg14[%swap3A_660, %swap3A_661, %swap3A_662], %mul3A_658 {strides = array<i32>} : memref<3x80x64xf32, #tpu.memory_space<vmem>>, vector<16xf32>,
        %broadcast_in_dim3A_664 = arith.constant 12 : i32
        %broadcast_in_dim3A_665 = vector.broadcast %broadcast_in_dim3A_664 : i32 to vector<16x1xi32>
        %gather3A_666 = vector.shape_cast %broadcast_in_dim3A_665 : vector<16x1xi32> to vector<16xi32>
        %gather3A_667 = tpu.dynamic_gather %get3A_90[%gather3A_666] in [0] : vector<16xf32>, vector<16xi32> -> vector<16xf32>
        %get3A_668 = arith.constant 12 : i32
        %get3A_669 = arith.index_cast %rem3A_56 : i32 to index
        %get3A_670 = arith.index_cast %get3A_668 : i32 to index
        %get3A_671 = arith.constant 0 : index
        %get3A_672 = tpu.vector_load %arg14[%get3A_669, %get3A_670, %get3A_671] {strides = array<i32>} : memref<3x80x64xf32, #tpu.memory_space<vmem>>, vector<16xf32>,
        %mul3A_673 = arith.mulf %get3A_672, %gather3A_667 : vector<16xf32>
        %swap3A_674 = arith.constant 12 : i32
        %swap3A_675 = arith.index_cast %rem3A_56 : i32 to index
        %swap3A_676 = arith.index_cast %swap3A_674 : i32 to index
        %swap3A_677 = arith.constant 0 : index
        %swap3A_678 = tpu.vector_load %arg14[%swap3A_675, %swap3A_676, %swap3A_677] {strides = array<i32>} : memref<3x80x64xf32, #tpu.memory_space<vmem>>, vector<16xf32>,
        tpu.vector_store %arg14[%swap3A_675, %swap3A_676, %swap3A_677], %mul3A_673 {strides = array<i32>} : memref<3x80x64xf32, #tpu.memory_space<vmem>>, vector<16xf32>,
        %get3A_679 = arith.constant 12 : i32
        %get3A_680 = arith.index_cast %rem3A_56 : i32 to index
        %get3A_681 = arith.index_cast %get3A_679 : i32 to index
        %get3A_682 = arith.constant 16 : index
        %get3A_683 = tpu.vector_load %arg14[%get3A_680, %get3A_681, %get3A_682] {strides = array<i32>} : memref<3x80x64xf32, #tpu.memory_space<vmem>>, vector<16xf32>,
        %mul3A_684 = arith.mulf %get3A_683, %gather3A_667 : vector<16xf32>
        %swap3A_685 = arith.constant 12 : i32
        %swap3A_686 = arith.index_cast %rem3A_56 : i32 to index
        %swap3A_687 = arith.index_cast %swap3A_685 : i32 to index
        %swap3A_688 = arith.constant 16 : index
        %swap3A_689 = tpu.vector_load %arg14[%swap3A_686, %swap3A_687, %swap3A_688] {strides = array<i32>} : memref<3x80x64xf32, #tpu.memory_space<vmem>>, vector<16xf32>,
        tpu.vector_store %arg14[%swap3A_686, %swap3A_687, %swap3A_688], %mul3A_684 {strides = array<i32>} : memref<3x80x64xf32, #tpu.memory_space<vmem>>, vector<16xf32>,
        %get3A_690 = arith.constant 12 : i32
        %get3A_691 = arith.index_cast %rem3A_56 : i32 to index
        %get3A_692 = arith.index_cast %get3A_690 : i32 to index
        %get3A_693 = arith.constant 32 : index
        %get3A_694 = tpu.vector_load %arg14[%get3A_691, %get3A_692, %get3A_693] {strides = array<i32>} : memref<3x80x64xf32, #tpu.memory_space<vmem>>, vector<16xf32>,
        %mul3A_695 = arith.mulf %get3A_694, %gather3A_667 : vector<16xf32>
        %swap3A_696 = arith.constant 12 : i32
        %swap3A_697 = arith.index_cast %rem3A_56 : i32 to index
        %swap3A_698 = arith.index_cast %swap3A_696 : i32 to index
        %swap3A_699 = arith.constant 32 : index
        %swap3A_700 = tpu.vector_load %arg14[%swap3A_697, %swap3A_698, %swap3A_699] {strides = array<i32>} : memref<3x80x64xf32, #tpu.memory_space<vmem>>, vector<16xf32>,
        tpu.vector_store %arg14[%swap3A_697, %swap3A_698, %swap3A_699], %mul3A_695 {strides = array<i32>} : memref<3x80x64xf32, #tpu.memory_space<vmem>>, vector<16xf32>,
        %get3A_701 = arith.constant 12 : i32
        %get3A_702 = arith.index_cast %rem3A_56 : i32 to index
        %get3A_703 = arith.index_cast %get3A_701 : i32 to index
        %get3A_704 = arith.constant 48 : index
        %get3A_705 = tpu.vector_load %arg14[%get3A_702, %get3A_703, %get3A_704] {strides = array<i32>} : memref<3x80x64xf32, #tpu.memory_space<vmem>>, vector<16xf32>,
        %mul3A_706 = arith.mulf %get3A_705, %gather3A_667 : vector<16xf32>
        %swap3A_707 = arith.constant 12 : i32
        %swap3A_708 = arith.index_cast %rem3A_56 : i32 to index
        %swap3A_709 = arith.index_cast %swap3A_707 : i32 to index
        %swap3A_710 = arith.constant 48 : index
        %swap3A_711 = tpu.vector_load %arg14[%swap3A_708, %swap3A_709, %swap3A_710] {strides = array<i32>} : memref<3x80x64xf32, #tpu.memory_space<vmem>>, vector<16xf32>,
        tpu.vector_store %arg14[%swap3A_708, %swap3A_709, %swap3A_710], %mul3A_706 {strides = array<i32>} : memref<3x80x64xf32, #tpu.memory_space<vmem>>, vector<16xf32>,
        %broadcast_in_dim3A_712 = arith.constant 13 : i32
        %broadcast_in_dim3A_713 = vector.broadcast %broadcast_in_dim3A_712 : i32 to vector<16x1xi32>
        %gather3A_714 = vector.shape_cast %broadcast_in_dim3A_713 : vector<16x1xi32> to vector<16xi32>
        %gather3A_715 = tpu.dynamic_gather %get3A_90[%gather3A_714] in [0] : vector<16xf32>, vector<16xi32> -> vector<16xf32>
        %get3A_716 = arith.constant 13 : i32
        %get3A_717 = arith.index_cast %rem3A_56 : i32 to index
        %get3A_718 = arith.index_cast %get3A_716 : i32 to index
        %get3A_719 = arith.constant 0 : index
        %get3A_720 = tpu.vector_load %arg14[%get3A_717, %get3A_718, %get3A_719] {strides = array<i32>} : memref<3x80x64xf32, #tpu.memory_space<vmem>>, vector<16xf32>,
        %mul3A_721 = arith.mulf %get3A_720, %gather3A_715 : vector<16xf32>
        %swap3A_722 = arith.constant 13 : i32
        %swap3A_723 = arith.index_cast %rem3A_56 : i32 to index
        %swap3A_724 = arith.index_cast %swap3A_722 : i32 to index
        %swap3A_725 = arith.constant 0 : index
        %swap3A_726 = tpu.vector_load %arg14[%swap3A_723, %swap3A_724, %swap3A_725] {strides = array<i32>} : memref<3x80x64xf32, #tpu.memory_space<vmem>>, vector<16xf32>,
        tpu.vector_store %arg14[%swap3A_723, %swap3A_724, %swap3A_725], %mul3A_721 {strides = array<i32>} : memref<3x80x64xf32, #tpu.memory_space<vmem>>, vector<16xf32>,
        %get3A_727 = arith.constant 13 : i32
        %get3A_728 = arith.index_cast %rem3A_56 : i32 to index
        %get3A_729 = arith.index_cast %get3A_727 : i32 to index
        %get3A_730 = arith.constant 16 : index
        %get3A_731 = tpu.vector_load %arg14[%get3A_728, %get3A_729, %get3A_730] {strides = array<i32>} : memref<3x80x64xf32, #tpu.memory_space<vmem>>, vector<16xf32>,
        %mul3A_732 = arith.mulf %get3A_731, %gather3A_715 : vector<16xf32>
        %swap3A_733 = arith.constant 13 : i32
        %swap3A_734 = arith.index_cast %rem3A_56 : i32 to index
        %swap3A_735 = arith.index_cast %swap3A_733 : i32 to index
        %swap3A_736 = arith.constant 16 : index
        %swap3A_737 = tpu.vector_load %arg14[%swap3A_734, %swap3A_735, %swap3A_736] {strides = array<i32>} : memref<3x80x64xf32, #tpu.memory_space<vmem>>, vector<16xf32>,
        tpu.vector_store %arg14[%swap3A_734, %swap3A_735, %swap3A_736], %mul3A_732 {strides = array<i32>} : memref<3x80x64xf32, #tpu.memory_space<vmem>>, vector<16xf32>,
        %get3A_738 = arith.constant 13 : i32
        %get3A_739 = arith.index_cast %rem3A_56 : i32 to index
        %get3A_740 = arith.index_cast %get3A_738 : i32 to index
        %get3A_741 = arith.constant 32 : index
        %get3A_742 = tpu.vector_load %arg14[%get3A_739, %get3A_740, %get3A_741] {strides = array<i32>} : memref<3x80x64xf32, #tpu.memory_space<vmem>>, vector<16xf32>,
        %mul3A_743 = arith.mulf %get3A_742, %gather3A_715 : vector<16xf32>
        %swap3A_744 = arith.constant 13 : i32
        %swap3A_745 = arith.index_cast %rem3A_56 : i32 to index
        %swap3A_746 = arith.index_cast %swap3A_744 : i32 to index
        %swap3A_747 = arith.constant 32 : index
        %swap3A_748 = tpu.vector_load %arg14[%swap3A_745, %swap3A_746, %swap3A_747] {strides = array<i32>} : memref<3x80x64xf32, #tpu.memory_space<vmem>>, vector<16xf32>,
        tpu.vector_store %arg14[%swap3A_745, %swap3A_746, %swap3A_747], %mul3A_743 {strides = array<i32>} : memref<3x80x64xf32, #tpu.memory_space<vmem>>, vector<16xf32>,
        %get3A_749 = arith.constant 13 : i32
        %get3A_750 = arith.index_cast %rem3A_56 : i32 to index
        %get3A_751 = arith.index_cast %get3A_749 : i32 to index
        %get3A_752 = arith.constant 48 : index
        %get3A_753 = tpu.vector_load %arg14[%get3A_750, %get3A_751, %get3A_752] {strides = array<i32>} : memref<3x80x64xf32, #tpu.memory_space<vmem>>, vector<16xf32>,
        %mul3A_754 = arith.mulf %get3A_753, %gather3A_715 : vector<16xf32>
        %swap3A_755 = arith.constant 13 : i32
        %swap3A_756 = arith.index_cast %rem3A_56 : i32 to index
        %swap3A_757 = arith.index_cast %swap3A_755 : i32 to index
        %swap3A_758 = arith.constant 48 : index
        %swap3A_759 = tpu.vector_load %arg14[%swap3A_756, %swap3A_757, %swap3A_758] {strides = array<i32>} : memref<3x80x64xf32, #tpu.memory_space<vmem>>, vector<16xf32>,
        tpu.vector_store %arg14[%swap3A_756, %swap3A_757, %swap3A_758], %mul3A_754 {strides = array<i32>} : memref<3x80x64xf32, #tpu.memory_space<vmem>>, vector<16xf32>,
        %broadcast_in_dim3A_760 = arith.constant 14 : i32
        %broadcast_in_dim3A_761 = vector.broadcast %broadcast_in_dim3A_760 : i32 to vector<16x1xi32>
        %gather3A_762 = vector.shape_cast %broadcast_in_dim3A_761 : vector<16x1xi32> to vector<16xi32>
        %gather3A_763 = tpu.dynamic_gather %get3A_90[%gather3A_762] in [0] : vector<16xf32>, vector<16xi32> -> vector<16xf32>
        %get3A_764 = arith.constant 14 : i32
        %get3A_765 = arith.index_cast %rem3A_56 : i32 to index
        %get3A_766 = arith.index_cast %get3A_764 : i32 to index
        %get3A_767 = arith.constant 0 : index
        %get3A_768 = tpu.vector_load %arg14[%get3A_765, %get3A_766, %get3A_767] {strides = array<i32>} : memref<3x80x64xf32, #tpu.memory_space<vmem>>, vector<16xf32>,
        %mul3A_769 = arith.mulf %get3A_768, %gather3A_763 : vector<16xf32>
        %swap3A_770 = arith.constant 14 : i32
        %swap3A_771 = arith.index_cast %rem3A_56 : i32 to index
        %swap3A_772 = arith.index_cast %swap3A_770 : i32 to index
        %swap3A_773 = arith.constant 0 : index
        %swap3A_774 = tpu.vector_load %arg14[%swap3A_771, %swap3A_772, %swap3A_773] {strides = array<i32>} : memref<3x80x64xf32, #tpu.memory_space<vmem>>, vector<16xf32>,
        tpu.vector_store %arg14[%swap3A_771, %swap3A_772, %swap3A_773], %mul3A_769 {strides = array<i32>} : memref<3x80x64xf32, #tpu.memory_space<vmem>>, vector<16xf32>,
        %get3A_775 = arith.constant 14 : i32
        %get3A_776 = arith.index_cast %rem3A_56 : i32 to index
        %get3A_777 = arith.index_cast %get3A_775 : i32 to index
        %get3A_778 = arith.constant 16 : index
        %get3A_779 = tpu.vector_load %arg14[%get3A_776, %get3A_777, %get3A_778] {strides = array<i32>} : memref<3x80x64xf32, #tpu.memory_space<vmem>>, vector<16xf32>,
        %mul3A_780 = arith.mulf %get3A_779, %gather3A_763 : vector<16xf32>
        %swap3A_781 = arith.constant 14 : i32
        %swap3A_782 = arith.index_cast %rem3A_56 : i32 to index
        %swap3A_783 = arith.index_cast %swap3A_781 : i32 to index
        %swap3A_784 = arith.constant 16 : index
        %swap3A_785 = tpu.vector_load %arg14[%swap3A_782, %swap3A_783, %swap3A_784] {strides = array<i32>} : memref<3x80x64xf32, #tpu.memory_space<vmem>>, vector<16xf32>,
        tpu.vector_store %arg14[%swap3A_782, %swap3A_783, %swap3A_784], %mul3A_780 {strides = array<i32>} : memref<3x80x64xf32, #tpu.memory_space<vmem>>, vector<16xf32>,
        %get3A_786 = arith.constant 14 : i32
        %get3A_787 = arith.index_cast %rem3A_56 : i32 to index
        %get3A_788 = arith.index_cast %get3A_786 : i32 to index
        %get3A_789 = arith.constant 32 : index
        %get3A_790 = tpu.vector_load %arg14[%get3A_787, %get3A_788, %get3A_789] {strides = array<i32>} : memref<3x80x64xf32, #tpu.memory_space<vmem>>, vector<16xf32>,
        %mul3A_791 = arith.mulf %get3A_790, %gather3A_763 : vector<16xf32>
        %swap3A_792 = arith.constant 14 : i32
        %swap3A_793 = arith.index_cast %rem3A_56 : i32 to index
        %swap3A_794 = arith.index_cast %swap3A_792 : i32 to index
        %swap3A_795 = arith.constant 32 : index
        %swap3A_796 = tpu.vector_load %arg14[%swap3A_793, %swap3A_794, %swap3A_795] {strides = array<i32>} : memref<3x80x64xf32, #tpu.memory_space<vmem>>, vector<16xf32>,
        tpu.vector_store %arg14[%swap3A_793, %swap3A_794, %swap3A_795], %mul3A_791 {strides = array<i32>} : memref<3x80x64xf32, #tpu.memory_space<vmem>>, vector<16xf32>,
        %get3A_797 = arith.constant 14 : i32
        %get3A_798 = arith.index_cast %rem3A_56 : i32 to index
        %get3A_799 = arith.index_cast %get3A_797 : i32 to index
        %get3A_800 = arith.constant 48 : index
        %get3A_801 = tpu.vector_load %arg14[%get3A_798, %get3A_799, %get3A_800] {strides = array<i32>} : memref<3x80x64xf32, #tpu.memory_space<vmem>>, vector<16xf32>,
        %mul3A_802 = arith.mulf %get3A_801, %gather3A_763 : vector<16xf32>
        %swap3A_803 = arith.constant 14 : i32
        %swap3A_804 = arith.index_cast %rem3A_56 : i32 to index
        %swap3A_805 = arith.index_cast %swap3A_803 : i32 to index
        %swap3A_806 = arith.constant 48 : index
        %swap3A_807 = tpu.vector_load %arg14[%swap3A_804, %swap3A_805, %swap3A_806] {strides = array<i32>} : memref<3x80x64xf32, #tpu.memory_space<vmem>>, vector<16xf32>,
        tpu.vector_store %arg14[%swap3A_804, %swap3A_805, %swap3A_806], %mul3A_802 {strides = array<i32>} : memref<3x80x64xf32, #tpu.memory_space<vmem>>, vector<16xf32>,
        %broadcast_in_dim3A_808 = arith.constant 15 : i32
        %broadcast_in_dim3A_809 = vector.broadcast %broadcast_in_dim3A_808 : i32 to vector<16x1xi32>
        %gather3A_810 = vector.shape_cast %broadcast_in_dim3A_809 : vector<16x1xi32> to vector<16xi32>
        %gather3A_811 = tpu.dynamic_gather %get3A_90[%gather3A_810] in [0] : vector<16xf32>, vector<16xi32> -> vector<16xf32>
        %get3A_812 = arith.constant 15 : i32
        %get3A_813 = arith.index_cast %rem3A_56 : i32 to index
        %get3A_814 = arith.index_cast %get3A_812 : i32 to index
        %get3A_815 = arith.constant 0 : index
        %get3A_816 = tpu.vector_load %arg14[%get3A_813, %get3A_814, %get3A_815] {strides = array<i32>} : memref<3x80x64xf32, #tpu.memory_space<vmem>>, vector<16xf32>,
        %mul3A_817 = arith.mulf %get3A_816, %gather3A_811 : vector<16xf32>
        %swap3A_818 = arith.constant 15 : i32
        %swap3A_819 = arith.index_cast %rem3A_56 : i32 to index
        %swap3A_820 = arith.index_cast %swap3A_818 : i32 to index
        %swap3A_821 = arith.constant 0 : index
        %swap3A_822 = tpu.vector_load %arg14[%swap3A_819, %swap3A_820, %swap3A_821] {strides = array<i32>} : memref<3x80x64xf32, #tpu.memory_space<vmem>>, vector<16xf32>,
        tpu.vector_store %arg14[%swap3A_819, %swap3A_820, %swap3A_821], %mul3A_817 {strides = array<i32>} : memref<3x80x64xf32, #tpu.memory_space<vmem>>, vector<16xf32>,
        %get3A_823 = arith.constant 15 : i32
        %get3A_824 = arith.index_cast %rem3A_56 : i32 to index
        %get3A_825 = arith.index_cast %get3A_823 : i32 to index
        %get3A_826 = arith.constant 16 : index
        %get3A_827 = tpu.vector_load %arg14[%get3A_824, %get3A_825, %get3A_826] {strides = array<i32>} : memref<3x80x64xf32, #tpu.memory_space<vmem>>, vector<16xf32>,
        %mul3A_828 = arith.mulf %get3A_827, %gather3A_811 : vector<16xf32>
        %swap3A_829 = arith.constant 15 : i32
        %swap3A_830 = arith.index_cast %rem3A_56 : i32 to index
        %swap3A_831 = arith.index_cast %swap3A_829 : i32 to index
        %swap3A_832 = arith.constant 16 : index
        %swap3A_833 = tpu.vector_load %arg14[%swap3A_830, %swap3A_831, %swap3A_832] {strides = array<i32>} : memref<3x80x64xf32, #tpu.memory_space<vmem>>, vector<16xf32>,
        tpu.vector_store %arg14[%swap3A_830, %swap3A_831, %swap3A_832], %mul3A_828 {strides = array<i32>} : memref<3x80x64xf32, #tpu.memory_space<vmem>>, vector<16xf32>,
        %get3A_834 = arith.constant 15 : i32
        %get3A_835 = arith.index_cast %rem3A_56 : i32 to index
        %get3A_836 = arith.index_cast %get3A_834 : i32 to index
        %get3A_837 = arith.constant 32 : index
        %get3A_838 = tpu.vector_load %arg14[%get3A_835, %get3A_836, %get3A_837] {strides = array<i32>} : memref<3x80x64xf32, #tpu.memory_space<vmem>>, vector<16xf32>,
        %mul3A_839 = arith.mulf %get3A_838, %gather3A_811 : vector<16xf32>
        %swap3A_840 = arith.constant 15 : i32
        %swap3A_841 = arith.index_cast %rem3A_56 : i32 to index
        %swap3A_842 = arith.index_cast %swap3A_840 : i32 to index
        %swap3A_843 = arith.constant 32 : index
        %swap3A_844 = tpu.vector_load %arg14[%swap3A_841, %swap3A_842, %swap3A_843] {strides = array<i32>} : memref<3x80x64xf32, #tpu.memory_space<vmem>>, vector<16xf32>,
        tpu.vector_store %arg14[%swap3A_841, %swap3A_842, %swap3A_843], %mul3A_839 {strides = array<i32>} : memref<3x80x64xf32, #tpu.memory_space<vmem>>, vector<16xf32>,
        %get3A_845 = arith.constant 15 : i32
        %get3A_846 = arith.index_cast %rem3A_56 : i32 to index
        %get3A_847 = arith.index_cast %get3A_845 : i32 to index
        %get3A_848 = arith.constant 48 : index
        %get3A_849 = tpu.vector_load %arg14[%get3A_846, %get3A_847, %get3A_848] {strides = array<i32>} : memref<3x80x64xf32, #tpu.memory_space<vmem>>, vector<16xf32>,
        %mul3A_850 = arith.mulf %get3A_849, %gather3A_811 : vector<16xf32>
        %swap3A_851 = arith.constant 15 : i32
        %swap3A_852 = arith.index_cast %rem3A_56 : i32 to index
        %swap3A_853 = arith.index_cast %swap3A_851 : i32 to index
        %swap3A_854 = arith.constant 48 : index
        %swap3A_855 = tpu.vector_load %arg14[%swap3A_852, %swap3A_853, %swap3A_854] {strides = array<i32>} : memref<3x80x64xf32, #tpu.memory_space<vmem>>, vector<16xf32>,
        tpu.vector_store %arg14[%swap3A_852, %swap3A_853, %swap3A_854], %mul3A_850 {strides = array<i32>} : memref<3x80x64xf32, #tpu.memory_space<vmem>>, vector<16xf32>,
        %get3A_856 = arith.index_cast %add3A_54 : i32 to index
        %get3A_857 = arith.constant 16 : index
        %get3A_858 = tpu.vector_load %arg12[%get3A_856, %get3A_857] {strides = array<i32>} : memref<250x80xf32, #tpu.memory_space<vmem>>, vector<16xf32>,
        %broadcast_in_dim3A_859 = arith.constant 0 : i32
        %broadcast_in_dim3A_860 = vector.broadcast %broadcast_in_dim3A_859 : i32 to vector<16x1xi32>
        %gather3A_861 = vector.shape_cast %broadcast_in_dim3A_860 : vector<16x1xi32> to vector<16xi32>
        %gather3A_862 = tpu.dynamic_gather %get3A_858[%gather3A_861] in [0] : vector<16xf32>, vector<16xi32> -> vector<16xf32>
        %get3A_863 = arith.constant 16 : i32
        %get3A_864 = arith.index_cast %rem3A_56 : i32 to index
        %get3A_865 = arith.index_cast %get3A_863 : i32 to index
        %get3A_866 = arith.constant 0 : index
        %get3A_867 = tpu.vector_load %arg14[%get3A_864, %get3A_865, %get3A_866] {strides = array<i32>} : memref<3x80x64xf32, #tpu.memory_space<vmem>>, vector<16xf32>,
        %mul3A_868 = arith.mulf %get3A_867, %gather3A_862 : vector<16xf32>
        %swap3A_869 = arith.constant 16 : i32
        %swap3A_870 = arith.index_cast %rem3A_56 : i32 to index
        %swap3A_871 = arith.index_cast %swap3A_869 : i32 to index
        %swap3A_872 = arith.constant 0 : index
        %swap3A_873 = tpu.vector_load %arg14[%swap3A_870, %swap3A_871, %swap3A_872] {strides = array<i32>} : memref<3x80x64xf32, #tpu.memory_space<vmem>>, vector<16xf32>,
        tpu.vector_store %arg14[%swap3A_870, %swap3A_871, %swap3A_872], %mul3A_868 {strides = array<i32>} : memref<3x80x64xf32, #tpu.memory_space<vmem>>, vector<16xf32>,
        %get3A_874 = arith.constant 16 : i32
        %get3A_875 = arith.index_cast %rem3A_56 : i32 to index
        %get3A_876 = arith.index_cast %get3A_874 : i32 to index
        %get3A_877 = arith.constant 16 : index
        %get3A_878 = tpu.vector_load %arg14[%get3A_875, %get3A_876, %get3A_877] {strides = array<i32>} : memref<3x80x64xf32, #tpu.memory_space<vmem>>, vector<16xf32>,
        %mul3A_879 = arith.mulf %get3A_878, %gather3A_862 : vector<16xf32>
        %swap3A_880 = arith.constant 16 : i32
        %swap3A_881 = arith.index_cast %rem3A_56 : i32 to index
        %swap3A_882 = arith.index_cast %swap3A_880 : i32 to index
        %swap3A_883 = arith.constant 16 : index
        %swap3A_884 = tpu.vector_load %arg14[%swap3A_881, %swap3A_882, %swap3A_883] {strides = array<i32>} : memref<3x80x64xf32, #tpu.memory_space<vmem>>, vector<16xf32>,
        tpu.vector_store %arg14[%swap3A_881, %swap3A_882, %swap3A_883], %mul3A_879 {strides = array<i32>} : memref<3x80x64xf32, #tpu.memory_space<vmem>>, vector<16xf32>,
        %get3A_885 = arith.constant 16 : i32
        %get3A_886 = arith.index_cast %rem3A_56 : i32 to index
        %get3A_887 = arith.index_cast %get3A_885 : i32 to index
        %get3A_888 = arith.constant 32 : index
        %get3A_889 = tpu.vector_load %arg14[%get3A_886, %get3A_887, %get3A_888] {strides = array<i32>} : memref<3x80x64xf32, #tpu.memory_space<vmem>>, vector<16xf32>,
        %mul3A_890 = arith.mulf %get3A_889, %gather3A_862 : vector<16xf32>
        %swap3A_891 = arith.constant 16 : i32
        %swap3A_892 = arith.index_cast %rem3A_56 : i32 to index
        %swap3A_893 = arith.index_cast %swap3A_891 : i32 to index
        %swap3A_894 = arith.constant 32 : index
        %swap3A_895 = tpu.vector_load %arg14[%swap3A_892, %swap3A_893, %swap3A_894] {strides = array<i32>} : memref<3x80x64xf32, #tpu.memory_space<vmem>>, vector<16xf32>,
        tpu.vector_store %arg14[%swap3A_892, %swap3A_893, %swap3A_894], %mul3A_890 {strides = array<i32>} : memref<3x80x64xf32, #tpu.memory_space<vmem>>, vector<16xf32>,
        %get3A_896 = arith.constant 16 : i32
        %get3A_897 = arith.index_cast %rem3A_56 : i32 to index
        %get3A_898 = arith.index_cast %get3A_896 : i32 to index
        %get3A_899 = arith.constant 48 : index
        %get3A_900 = tpu.vector_load %arg14[%get3A_897, %get3A_898, %get3A_899] {strides = array<i32>} : memref<3x80x64xf32, #tpu.memory_space<vmem>>, vector<16xf32>,
        %mul3A_901 = arith.mulf %get3A_900, %gather3A_862 : vector<16xf32>
        %swap3A_902 = arith.constant 16 : i32
        %swap3A_903 = arith.index_cast %rem3A_56 : i32 to index
        %swap3A_904 = arith.index_cast %swap3A_902 : i32 to index
        %swap3A_905 = arith.constant 48 : index
        %swap3A_906 = tpu.vector_load %arg14[%swap3A_903, %swap3A_904, %swap3A_905] {strides = array<i32>} : memref<3x80x64xf32, #tpu.memory_space<vmem>>, vector<16xf32>,
        tpu.vector_store %arg14[%swap3A_903, %swap3A_904, %swap3A_905], %mul3A_901 {strides = array<i32>} : memref<3x80x64xf32, #tpu.memory_space<vmem>>, vector<16xf32>,
        %broadcast_in_dim3A_907 = arith.constant 1 : i32
        %broadcast_in_dim3A_908 = vector.broadcast %broadcast_in_dim3A_907 : i32 to vector<16x1xi32>
        %gather3A_909 = vector.shape_cast %broadcast_in_dim3A_908 : vector<16x1xi32> to vector<16xi32>
        %gather3A_910 = tpu.dynamic_gather %get3A_858[%gather3A_909] in [0] : vector<16xf32>, vector<16xi32> -> vector<16xf32>
        %get3A_911 = arith.constant 17 : i32
        %get3A_912 = arith.index_cast %rem3A_56 : i32 to index
        %get3A_913 = arith.index_cast %get3A_911 : i32 to index
        %get3A_914 = arith.constant 0 : index
        %get3A_915 = tpu.vector_load %arg14[%get3A_912, %get3A_913, %get3A_914] {strides = array<i32>} : memref<3x80x64xf32, #tpu.memory_space<vmem>>, vector<16xf32>,
        %mul3A_916 = arith.mulf %get3A_915, %gather3A_910 : vector<16xf32>
        %swap3A_917 = arith.constant 17 : i32
        %swap3A_918 = arith.index_cast %rem3A_56 : i32 to index
        %swap3A_919 = arith.index_cast %swap3A_917 : i32 to index
        %swap3A_920 = arith.constant 0 : index
        %swap3A_921 = tpu.vector_load %arg14[%swap3A_918, %swap3A_919, %swap3A_920] {strides = array<i32>} : memref<3x80x64xf32, #tpu.memory_space<vmem>>, vector<16xf32>,
        tpu.vector_store %arg14[%swap3A_918, %swap3A_919, %swap3A_920], %mul3A_916 {strides = array<i32>} : memref<3x80x64xf32, #tpu.memory_space<vmem>>, vector<16xf32>,
        %get3A_922 = arith.constant 17 : i32
        %get3A_923 = arith.index_cast %rem3A_56 : i32 to index
        %get3A_924 = arith.index_cast %get3A_922 : i32 to index
        %get3A_925 = arith.constant 16 : index
        %get3A_926 = tpu.vector_load %arg14[%get3A_923, %get3A_924, %get3A_925] {strides = array<i32>} : memref<3x80x64xf32, #tpu.memory_space<vmem>>, vector<16xf32>,
        %mul3A_927 = arith.mulf %get3A_926, %gather3A_910 : vector<16xf32>
        %swap3A_928 = arith.constant 17 : i32
        %swap3A_929 = arith.index_cast %rem3A_56 : i32 to index
        %swap3A_930 = arith.index_cast %swap3A_928 : i32 to index
        %swap3A_931 = arith.constant 16 : index
        %swap3A_932 = tpu.vector_load %arg14[%swap3A_929, %swap3A_930, %swap3A_931] {strides = array<i32>} : memref<3x80x64xf32, #tpu.memory_space<vmem>>, vector<16xf32>,
        tpu.vector_store %arg14[%swap3A_929, %swap3A_930, %swap3A_931], %mul3A_927 {strides = array<i32>} : memref<3x80x64xf32, #tpu.memory_space<vmem>>, vector<16xf32>,
        %get3A_933 = arith.constant 17 : i32
        %get3A_934 = arith.index_cast %rem3A_56 : i32 to index
        %get3A_935 = arith.index_cast %get3A_933 : i32 to index
        %get3A_936 = arith.constant 32 : index
        %get3A_937 = tpu.vector_load %arg14[%get3A_934, %get3A_935, %get3A_936] {strides = array<i32>} : memref<3x80x64xf32, #tpu.memory_space<vmem>>, vector<16xf32>,
        %mul3A_938 = arith.mulf %get3A_937, %gather3A_910 : vector<16xf32>
        %swap3A_939 = arith.constant 17 : i32
        %swap3A_940 = arith.index_cast %rem3A_56 : i32 to index
        %swap3A_941 = arith.index_cast %swap3A_939 : i32 to index
        %swap3A_942 = arith.constant 32 : index
        %swap3A_943 = tpu.vector_load %arg14[%swap3A_940, %swap3A_941, %swap3A_942] {strides = array<i32>} : memref<3x80x64xf32, #tpu.memory_space<vmem>>, vector<16xf32>,
        tpu.vector_store %arg14[%swap3A_940, %swap3A_941, %swap3A_942], %mul3A_938 {strides = array<i32>} : memref<3x80x64xf32, #tpu.memory_space<vmem>>, vector<16xf32>,
        %get3A_944 = arith.constant 17 : i32
        %get3A_945 = arith.index_cast %rem3A_56 : i32 to index
        %get3A_946 = arith.index_cast %get3A_944 : i32 to index
        %get3A_947 = arith.constant 48 : index
        %get3A_948 = tpu.vector_load %arg14[%get3A_945, %get3A_946, %get3A_947] {strides = array<i32>} : memref<3x80x64xf32, #tpu.memory_space<vmem>>, vector<16xf32>,
        %mul3A_949 = arith.mulf %get3A_948, %gather3A_910 : vector<16xf32>
        %swap3A_950 = arith.constant 17 : i32
        %swap3A_951 = arith.index_cast %rem3A_56 : i32 to index
        %swap3A_952 = arith.index_cast %swap3A_950 : i32 to index
        %swap3A_953 = arith.constant 48 : index
        %swap3A_954 = tpu.vector_load %arg14[%swap3A_951, %swap3A_952, %swap3A_953] {strides = array<i32>} : memref<3x80x64xf32, #tpu.memory_space<vmem>>, vector<16xf32>,
        tpu.vector_store %arg14[%swap3A_951, %swap3A_952, %swap3A_953], %mul3A_949 {strides = array<i32>} : memref<3x80x64xf32, #tpu.memory_space<vmem>>, vector<16xf32>,
        %broadcast_in_dim3A_955 = arith.constant 2 : i32
        %broadcast_in_dim3A_956 = vector.broadcast %broadcast_in_dim3A_955 : i32 to vector<16x1xi32>
        %gather3A_957 = vector.shape_cast %broadcast_in_dim3A_956 : vector<16x1xi32> to vector<16xi32>
        %gather3A_958 = tpu.dynamic_gather %get3A_858[%gather3A_957] in [0] : vector<16xf32>, vector<16xi32> -> vector<16xf32>
        %get3A_959 = arith.constant 18 : i32
        %get3A_960 = arith.index_cast %rem3A_56 : i32 to index
        %get3A_961 = arith.index_cast %get3A_959 : i32 to index
        %get3A_962 = arith.constant 0 : index
        %get3A_963 = tpu.vector_load %arg14[%get3A_960, %get3A_961, %get3A_962] {strides = array<i32>} : memref<3x80x64xf32, #tpu.memory_space<vmem>>, vector<16xf32>,
        %mul3A_964 = arith.mulf %get3A_963, %gather3A_958 : vector<16xf32>
        %swap3A_965 = arith.constant 18 : i32
        %swap3A_966 = arith.index_cast %rem3A_56 : i32 to index
        %swap3A_967 = arith.index_cast %swap3A_965 : i32 to index
        %swap3A_968 = arith.constant 0 : index
        %swap3A_969 = tpu.vector_load %arg14[%swap3A_966, %swap3A_967, %swap3A_968] {strides = array<i32>} : memref<3x80x64xf32, #tpu.memory_space<vmem>>, vector<16xf32>,
        tpu.vector_store %arg14[%swap3A_966, %swap3A_967, %swap3A_968], %mul3A_964 {strides = array<i32>} : memref<3x80x64xf32, #tpu.memory_space<vmem>>, vector<16xf32>,
        %get3A_970 = arith.constant 18 : i32
        %get3A_971 = arith.index_cast %rem3A_56 : i32 to index
        %get3A_972 = arith.index_cast %get3A_970 : i32 to index
        %get3A_973 = arith.constant 16 : index
        %get3A_974 = tpu.vector_load %arg14[%get3A_971, %get3A_972, %get3A_973] {strides = array<i32>} : memref<3x80x64xf32, #tpu.memory_space<vmem>>, vector<16xf32>,
        %mul3A_975 = arith.mulf %get3A_974, %gather3A_958 : vector<16xf32>
        %swap3A_976 = arith.constant 18 : i32
        %swap3A_977 = arith.index_cast %rem3A_56 : i32 to index
        %swap3A_978 = arith.index_cast %swap3A_976 : i32 to index
        %swap3A_979 = arith.constant 16 : index
        %swap3A_980 = tpu.vector_load %arg14[%swap3A_977, %swap3A_978, %swap3A_979] {strides = array<i32>} : memref<3x80x64xf32, #tpu.memory_space<vmem>>, vector<16xf32>,
        tpu.vector_store %arg14[%swap3A_977, %swap3A_978, %swap3A_979], %mul3A_975 {strides = array<i32>} : memref<3x80x64xf32, #tpu.memory_space<vmem>>, vector<16xf32>,
        %get3A_981 = arith.constant 18 : i32
        %get3A_982 = arith.index_cast %rem3A_56 : i32 to index
        %get3A_983 = arith.index_cast %get3A_981 : i32 to index
        %get3A_984 = arith.constant 32 : index
        %get3A_985 = tpu.vector_load %arg14[%get3A_982, %get3A_983, %get3A_984] {strides = array<i32>} : memref<3x80x64xf32, #tpu.memory_space<vmem>>, vector<16xf32>,
        %mul3A_986 = arith.mulf %get3A_985, %gather3A_958 : vector<16xf32>
        %swap3A_987 = arith.constant 18 : i32
        %swap3A_988 = arith.index_cast %rem3A_56 : i32 to index
        %swap3A_989 = arith.index_cast %swap3A_987 : i32 to index
        %swap3A_990 = arith.constant 32 : index
        %swap3A_991 = tpu.vector_load %arg14[%swap3A_988, %swap3A_989, %swap3A_990] {strides = array<i32>} : memref<3x80x64xf32, #tpu.memory_space<vmem>>, vector<16xf32>,
        tpu.vector_store %arg14[%swap3A_988, %swap3A_989, %swap3A_990], %mul3A_986 {strides = array<i32>} : memref<3x80x64xf32, #tpu.memory_space<vmem>>, vector<16xf32>,
        %get3A_992 = arith.constant 18 : i32
        %get3A_993 = arith.index_cast %rem3A_56 : i32 to index
        %get3A_994 = arith.index_cast %get3A_992 : i32 to index
        %get3A_995 = arith.constant 48 : index
        %get3A_996 = tpu.vector_load %arg14[%get3A_993, %get3A_994, %get3A_995] {strides = array<i32>} : memref<3x80x64xf32, #tpu.memory_space<vmem>>, vector<16xf32>,
        %mul3A_997 = arith.mulf %get3A_996, %gather3A_958 : vector<16xf32>
        %swap3A_998 = arith.constant 18 : i32
        %swap3A_999 = arith.index_cast %rem3A_56 : i32 to index
        %swap3A_1000 = arith.index_cast %swap3A_998 : i32 to index
        %swap3A_1001 = arith.constant 48 : index
        %swap3A_1002 = tpu.vector_load %arg14[%swap3A_999, %swap3A_1000, %swap3A_1001] {strides = array<i32>} : memref<3x80x64xf32, #tpu.memory_space<vmem>>, vector<16xf32>,
        tpu.vector_store %arg14[%swap3A_999, %swap3A_1000, %swap3A_1001], %mul3A_997 {strides = array<i32>} : memref<3x80x64xf32, #tpu.memory_space<vmem>>, vector<16xf32>,
        %broadcast_in_dim3A_1003 = arith.constant 3 : i32
        %broadcast_in_dim3A_1004 = vector.broadcast %broadcast_in_dim3A_1003 : i32 to vector<16x1xi32>
        %gather3A_1005 = vector.shape_cast %broadcast_in_dim3A_1004 : vector<16x1xi32> to vector<16xi32>
        %gather3A_1006 = tpu.dynamic_gather %get3A_858[%gather3A_1005] in [0] : vector<16xf32>, vector<16xi32> -> vector<16xf32>
        %get3A_1007 = arith.constant 19 : i32
        %get3A_1008 = arith.index_cast %rem3A_56 : i32 to index
        %get3A_1009 = arith.index_cast %get3A_1007 : i32 to index
        %get3A_1010 = arith.constant 0 : index
        %get3A_1011 = tpu.vector_load %arg14[%get3A_1008, %get3A_1009, %get3A_1010] {strides = array<i32>} : memref<3x80x64xf32, #tpu.memory_space<vmem>>, vector<16xf32>,
        %mul3A_1012 = arith.mulf %get3A_1011, %gather3A_1006 : vector<16xf32>
        %swap3A_1013 = arith.constant 19 : i32
        %swap3A_1014 = arith.index_cast %rem3A_56 : i32 to index
        %swap3A_1015 = arith.index_cast %swap3A_1013 : i32 to index
        %swap3A_1016 = arith.constant 0 : index
        %swap3A_1017 = tpu.vector_load %arg14[%swap3A_1014, %swap3A_1015, %swap3A_1016] {strides = array<i32>} : memref<3x80x64xf32, #tpu.memory_space<vmem>>, vector<16xf32>,
        tpu.vector_store %arg14[%swap3A_1014, %swap3A_1015, %swap3A_1016], %mul3A_1012 {strides = array<i32>} : memref<3x80x64xf32, #tpu.memory_space<vmem>>, vector<16xf32>,
        %get3A_1018 = arith.constant 19 : i32
        %get3A_1019 = arith.index_cast %rem3A_56 : i32 to index
        %get3A_1020 = arith.index_cast %get3A_1018 : i32 to index
        %get3A_1021 = arith.constant 16 : index
        %get3A_1022 = tpu.vector_load %arg14[%get3A_1019, %get3A_1020, %get3A_1021] {strides = array<i32>} : memref<3x80x64xf32, #tpu.memory_space<vmem>>, vector<16xf32>,
        %mul3A_1023 = arith.mulf %get3A_1022, %gather3A_1006 : vector<16xf32>
        %swap3A_1024 = arith.constant 19 : i32
        %swap3A_1025 = arith.index_cast %rem3A_56 : i32 to index
        %swap3A_1026 = arith.index_cast %swap3A_1024 : i32 to index
        %swap3A_1027 = arith.constant 16 : index
        %swap3A_1028 = tpu.vector_load %arg14[%swap3A_1025, %swap3A_1026, %swap3A_1027] {strides = array<i32>} : memref<3x80x64xf32, #tpu.memory_space<vmem>>, vector<16xf32>,
        tpu.vector_store %arg14[%swap3A_1025, %swap3A_1026, %swap3A_1027], %mul3A_1023 {strides = array<i32>} : memref<3x80x64xf32, #tpu.memory_space<vmem>>, vector<16xf32>,
        %get3A_1029 = arith.constant 19 : i32
        %get3A_1030 = arith.index_cast %rem3A_56 : i32 to index
        %get3A_1031 = arith.index_cast %get3A_1029 : i32 to index
        %get3A_1032 = arith.constant 32 : index
        %get3A_1033 = tpu.vector_load %arg14[%get3A_1030, %get3A_1031, %get3A_1032] {strides = array<i32>} : memref<3x80x64xf32, #tpu.memory_space<vmem>>, vector<16xf32>,
        %mul3A_1034 = arith.mulf %get3A_1033, %gather3A_1006 : vector<16xf32>
        %swap3A_1035 = arith.constant 19 : i32
        %swap3A_1036 = arith.index_cast %rem3A_56 : i32 to index
        %swap3A_1037 = arith.index_cast %swap3A_1035 : i32 to index
        %swap3A_1038 = arith.constant 32 : index
        %swap3A_1039 = tpu.vector_load %arg14[%swap3A_1036, %swap3A_1037, %swap3A_1038] {strides = array<i32>} : memref<3x80x64xf32, #tpu.memory_space<vmem>>, vector<16xf32>,
        tpu.vector_store %arg14[%swap3A_1036, %swap3A_1037, %swap3A_1038], %mul3A_1034 {strides = array<i32>} : memref<3x80x64xf32, #tpu.memory_space<vmem>>, vector<16xf32>,
        %get3A_1040 = arith.constant 19 : i32
        %get3A_1041 = arith.index_cast %rem3A_56 : i32 to index
        %get3A_1042 = arith.index_cast %get3A_1040 : i32 to index
        %get3A_1043 = arith.constant 48 : index
        %get3A_1044 = tpu.vector_load %arg14[%get3A_1041, %get3A_1042, %get3A_1043] {strides = array<i32>} : memref<3x80x64xf32, #tpu.memory_space<vmem>>, vector<16xf32>,
        %mul3A_1045 = arith.mulf %get3A_1044, %gather3A_1006 : vector<16xf32>
        %swap3A_1046 = arith.constant 19 : i32
        %swap3A_1047 = arith.index_cast %rem3A_56 : i32 to index
        %swap3A_1048 = arith.index_cast %swap3A_1046 : i32 to index
        %swap3A_1049 = arith.constant 48 : index
        %swap3A_1050 = tpu.vector_load %arg14[%swap3A_1047, %swap3A_1048, %swap3A_1049] {strides = array<i32>} : memref<3x80x64xf32, #tpu.memory_space<vmem>>, vector<16xf32>,
        tpu.vector_store %arg14[%swap3A_1047, %swap3A_1048, %swap3A_1049], %mul3A_1045 {strides = array<i32>} : memref<3x80x64xf32, #tpu.memory_space<vmem>>, vector<16xf32>,
        %broadcast_in_dim3A_1051 = arith.constant 4 : i32
        %broadcast_in_dim3A_1052 = vector.broadcast %broadcast_in_dim3A_1051 : i32 to vector<16x1xi32>
        %gather3A_1053 = vector.shape_cast %broadcast_in_dim3A_1052 : vector<16x1xi32> to vector<16xi32>
        %gather3A_1054 = tpu.dynamic_gather %get3A_858[%gather3A_1053] in [0] : vector<16xf32>, vector<16xi32> -> vector<16xf32>
        %get3A_1055 = arith.constant 20 : i32
        %get3A_1056 = arith.index_cast %rem3A_56 : i32 to index
        %get3A_1057 = arith.index_cast %get3A_1055 : i32 to index
        %get3A_1058 = arith.constant 0 : index
        %get3A_1059 = tpu.vector_load %arg14[%get3A_1056, %get3A_1057, %get3A_1058] {strides = array<i32>} : memref<3x80x64xf32, #tpu.memory_space<vmem>>, vector<16xf32>,
        %mul3A_1060 = arith.mulf %get3A_1059, %gather3A_1054 : vector<16xf32>
        %swap3A_1061 = arith.constant 20 : i32
        %swap3A_1062 = arith.index_cast %rem3A_56 : i32 to index
        %swap3A_1063 = arith.index_cast %swap3A_1061 : i32 to index
        %swap3A_1064 = arith.constant 0 : index
        %swap3A_1065 = tpu.vector_load %arg14[%swap3A_1062, %swap3A_1063, %swap3A_1064] {strides = array<i32>} : memref<3x80x64xf32, #tpu.memory_space<vmem>>, vector<16xf32>,
        tpu.vector_store %arg14[%swap3A_1062, %swap3A_1063, %swap3A_1064], %mul3A_1060 {strides = array<i32>} : memref<3x80x64xf32, #tpu.memory_space<vmem>>, vector<16xf32>,
        %get3A_1066 = arith.constant 20 : i32
        %get3A_1067 = arith.index_cast %rem3A_56 : i32 to index
        %get3A_1068 = arith.index_cast %get3A_1066 : i32 to index
        %get3A_1069 = arith.constant 16 : index
        %get3A_1070 = tpu.vector_load %arg14[%get3A_1067, %get3A_1068, %get3A_1069] {strides = array<i32>} : memref<3x80x64xf32, #tpu.memory_space<vmem>>, vector<16xf32>,
        %mul3A_1071 = arith.mulf %get3A_1070, %gather3A_1054 : vector<16xf32>
        %swap3A_1072 = arith.constant 20 : i32
        %swap3A_1073 = arith.index_cast %rem3A_56 : i32 to index
        %swap3A_1074 = arith.index_cast %swap3A_1072 : i32 to index
        %swap3A_1075 = arith.constant 16 : index
        %swap3A_1076 = tpu.vector_load %arg14[%swap3A_1073, %swap3A_1074, %swap3A_1075] {strides = array<i32>} : memref<3x80x64xf32, #tpu.memory_space<vmem>>, vector<16xf32>,
        tpu.vector_store %arg14[%swap3A_1073, %swap3A_1074, %swap3A_1075], %mul3A_1071 {strides = array<i32>} : memref<3x80x64xf32, #tpu.memory_space<vmem>>, vector<16xf32>,
        %get3A_1077 = arith.constant 20 : i32
        %get3A_1078 = arith.index_cast %rem3A_56 : i32 to index
        %get3A_1079 = arith.index_cast %get3A_1077 : i32 to index
        %get3A_1080 = arith.constant 32 : index
        %get3A_1081 = tpu.vector_load %arg14[%get3A_1078, %get3A_1079, %get3A_1080] {strides = array<i32>} : memref<3x80x64xf32, #tpu.memory_space<vmem>>, vector<16xf32>,
        %mul3A_1082 = arith.mulf %get3A_1081, %gather3A_1054 : vector<16xf32>
        %swap3A_1083 = arith.constant 20 : i32
        %swap3A_1084 = arith.index_cast %rem3A_56 : i32 to index
        %swap3A_1085 = arith.index_cast %swap3A_1083 : i32 to index
        %swap3A_1086 = arith.constant 32 : index
        %swap3A_1087 = tpu.vector_load %arg14[%swap3A_1084, %swap3A_1085, %swap3A_1086] {strides = array<i32>} : memref<3x80x64xf32, #tpu.memory_space<vmem>>, vector<16xf32>,
        tpu.vector_store %arg14[%swap3A_1084, %swap3A_1085, %swap3A_1086], %mul3A_1082 {strides = array<i32>} : memref<3x80x64xf32, #tpu.memory_space<vmem>>, vector<16xf32>,
        %get3A_1088 = arith.constant 20 : i32
        %get3A_1089 = arith.index_cast %rem3A_56 : i32 to index
        %get3A_1090 = arith.index_cast %get3A_1088 : i32 to index
        %get3A_1091 = arith.constant 48 : index
        %get3A_1092 = tpu.vector_load %arg14[%get3A_1089, %get3A_1090, %get3A_1091] {strides = array<i32>} : memref<3x80x64xf32, #tpu.memory_space<vmem>>, vector<16xf32>,
        %mul3A_1093 = arith.mulf %get3A_1092, %gather3A_1054 : vector<16xf32>
        %swap3A_1094 = arith.constant 20 : i32
        %swap3A_1095 = arith.index_cast %rem3A_56 : i32 to index
        %swap3A_1096 = arith.index_cast %swap3A_1094 : i32 to index
        %swap3A_1097 = arith.constant 48 : index
        %swap3A_1098 = tpu.vector_load %arg14[%swap3A_1095, %swap3A_1096, %swap3A_1097] {strides = array<i32>} : memref<3x80x64xf32, #tpu.memory_space<vmem>>, vector<16xf32>,
        tpu.vector_store %arg14[%swap3A_1095, %swap3A_1096, %swap3A_1097], %mul3A_1093 {strides = array<i32>} : memref<3x80x64xf32, #tpu.memory_space<vmem>>, vector<16xf32>,
        %broadcast_in_dim3A_1099 = arith.constant 5 : i32
        %broadcast_in_dim3A_1100 = vector.broadcast %broadcast_in_dim3A_1099 : i32 to vector<16x1xi32>
        %gather3A_1101 = vector.shape_cast %broadcast_in_dim3A_1100 : vector<16x1xi32> to vector<16xi32>
        %gather3A_1102 = tpu.dynamic_gather %get3A_858[%gather3A_1101] in [0] : vector<16xf32>, vector<16xi32> -> vector<16xf32>
        %get3A_1103 = arith.constant 21 : i32
        %get3A_1104 = arith.index_cast %rem3A_56 : i32 to index
        %get3A_1105 = arith.index_cast %get3A_1103 : i32 to index
        %get3A_1106 = arith.constant 0 : index
        %get3A_1107 = tpu.vector_load %arg14[%get3A_1104, %get3A_1105, %get3A_1106] {strides = array<i32>} : memref<3x80x64xf32, #tpu.memory_space<vmem>>, vector<16xf32>,
        %mul3A_1108 = arith.mulf %get3A_1107, %gather3A_1102 : vector<16xf32>
        %swap3A_1109 = arith.constant 21 : i32
        %swap3A_1110 = arith.index_cast %rem3A_56 : i32 to index
        %swap3A_1111 = arith.index_cast %swap3A_1109 : i32 to index
        %swap3A_1112 = arith.constant 0 : index
        %swap3A_1113 = tpu.vector_load %arg14[%swap3A_1110, %swap3A_1111, %swap3A_1112] {strides = array<i32>} : memref<3x80x64xf32, #tpu.memory_space<vmem>>, vector<16xf32>,
        tpu.vector_store %arg14[%swap3A_1110, %swap3A_1111, %swap3A_1112], %mul3A_1108 {strides = array<i32>} : memref<3x80x64xf32, #tpu.memory_space<vmem>>, vector<16xf32>,
        %get3A_1114 = arith.constant 21 : i32
        %get3A_1115 = arith.index_cast %rem3A_56 : i32 to index
        %get3A_1116 = arith.index_cast %get3A_1114 : i32 to index
        %get3A_1117 = arith.constant 16 : index
        %get3A_1118 = tpu.vector_load %arg14[%get3A_1115, %get3A_1116, %get3A_1117] {strides = array<i32>} : memref<3x80x64xf32, #tpu.memory_space<vmem>>, vector<16xf32>,
        %mul3A_1119 = arith.mulf %get3A_1118, %gather3A_1102 : vector<16xf32>
        %swap3A_1120 = arith.constant 21 : i32
        %swap3A_1121 = arith.index_cast %rem3A_56 : i32 to index
        %swap3A_1122 = arith.index_cast %swap3A_1120 : i32 to index
        %swap3A_1123 = arith.constant 16 : index
        %swap3A_1124 = tpu.vector_load %arg14[%swap3A_1121, %swap3A_1122, %swap3A_1123] {strides = array<i32>} : memref<3x80x64xf32, #tpu.memory_space<vmem>>, vector<16xf32>,
        tpu.vector_store %arg14[%swap3A_1121, %swap3A_1122, %swap3A_1123], %mul3A_1119 {strides = array<i32>} : memref<3x80x64xf32, #tpu.memory_space<vmem>>, vector<16xf32>,
        %get3A_1125 = arith.constant 21 : i32
        %get3A_1126 = arith.index_cast %rem3A_56 : i32 to index
        %get3A_1127 = arith.index_cast %get3A_1125 : i32 to index
        %get3A_1128 = arith.constant 32 : index
        %get3A_1129 = tpu.vector_load %arg14[%get3A_1126, %get3A_1127, %get3A_1128] {strides = array<i32>} : memref<3x80x64xf32, #tpu.memory_space<vmem>>, vector<16xf32>,
        %mul3A_1130 = arith.mulf %get3A_1129, %gather3A_1102 : vector<16xf32>
        %swap3A_1131 = arith.constant 21 : i32
        %swap3A_1132 = arith.index_cast %rem3A_56 : i32 to index
        %swap3A_1133 = arith.index_cast %swap3A_1131 : i32 to index
        %swap3A_1134 = arith.constant 32 : index
        %swap3A_1135 = tpu.vector_load %arg14[%swap3A_1132, %swap3A_1133, %swap3A_1134] {strides = array<i32>} : memref<3x80x64xf32, #tpu.memory_space<vmem>>, vector<16xf32>,
        tpu.vector_store %arg14[%swap3A_1132, %swap3A_1133, %swap3A_1134], %mul3A_1130 {strides = array<i32>} : memref<3x80x64xf32, #tpu.memory_space<vmem>>, vector<16xf32>,
        %get3A_1136 = arith.constant 21 : i32
        %get3A_1137 = arith.index_cast %rem3A_56 : i32 to index
        %get3A_1138 = arith.index_cast %get3A_1136 : i32 to index
        %get3A_1139 = arith.constant 48 : index
        %get3A_1140 = tpu.vector_load %arg14[%get3A_1137, %get3A_1138, %get3A_1139] {strides = array<i32>} : memref<3x80x64xf32, #tpu.memory_space<vmem>>, vector<16xf32>,
        %mul3A_1141 = arith.mulf %get3A_1140, %gather3A_1102 : vector<16xf32>
        %swap3A_1142 = arith.constant 21 : i32
        %swap3A_1143 = arith.index_cast %rem3A_56 : i32 to index
        %swap3A_1144 = arith.index_cast %swap3A_1142 : i32 to index
        %swap3A_1145 = arith.constant 48 : index
        %swap3A_1146 = tpu.vector_load %arg14[%swap3A_1143, %swap3A_1144, %swap3A_1145] {strides = array<i32>} : memref<3x80x64xf32, #tpu.memory_space<vmem>>, vector<16xf32>,
        tpu.vector_store %arg14[%swap3A_1143, %swap3A_1144, %swap3A_1145], %mul3A_1141 {strides = array<i32>} : memref<3x80x64xf32, #tpu.memory_space<vmem>>, vector<16xf32>,
        %broadcast_in_dim3A_1147 = arith.constant 6 : i32
        %broadcast_in_dim3A_1148 = vector.broadcast %broadcast_in_dim3A_1147 : i32 to vector<16x1xi32>
        %gather3A_1149 = vector.shape_cast %broadcast_in_dim3A_1148 : vector<16x1xi32> to vector<16xi32>
        %gather3A_1150 = tpu.dynamic_gather %get3A_858[%gather3A_1149] in [0] : vector<16xf32>, vector<16xi32> -> vector<16xf32>
        %get3A_1151 = arith.constant 22 : i32
        %get3A_1152 = arith.index_cast %rem3A_56 : i32 to index
        %get3A_1153 = arith.index_cast %get3A_1151 : i32 to index
        %get3A_1154 = arith.constant 0 : index
        %get3A_1155 = tpu.vector_load %arg14[%get3A_1152, %get3A_1153, %get3A_1154] {strides = array<i32>} : memref<3x80x64xf32, #tpu.memory_space<vmem>>, vector<16xf32>,
        %mul3A_1156 = arith.mulf %get3A_1155, %gather3A_1150 : vector<16xf32>
        %swap3A_1157 = arith.constant 22 : i32
        %swap3A_1158 = arith.index_cast %rem3A_56 : i32 to index
        %swap3A_1159 = arith.index_cast %swap3A_1157 : i32 to index
        %swap3A_1160 = arith.constant 0 : index
        %swap3A_1161 = tpu.vector_load %arg14[%swap3A_1158, %swap3A_1159, %swap3A_1160] {strides = array<i32>} : memref<3x80x64xf32, #tpu.memory_space<vmem>>, vector<16xf32>,
        tpu.vector_store %arg14[%swap3A_1158, %swap3A_1159, %swap3A_1160], %mul3A_1156 {strides = array<i32>} : memref<3x80x64xf32, #tpu.memory_space<vmem>>, vector<16xf32>,
        %get3A_1162 = arith.constant 22 : i32
        %get3A_1163 = arith.index_cast %rem3A_56 : i32 to index
        %get3A_1164 = arith.index_cast %get3A_1162 : i32 to index
        %get3A_1165 = arith.constant 16 : index
        %get3A_1166 = tpu.vector_load %arg14[%get3A_1163, %get3A_1164, %get3A_1165] {strides = array<i32>} : memref<3x80x64xf32, #tpu.memory_space<vmem>>, vector<16xf32>,
        %mul3A_1167 = arith.mulf %get3A_1166, %gather3A_1150 : vector<16xf32>
        %swap3A_1168 = arith.constant 22 : i32
        %swap3A_1169 = arith.index_cast %rem3A_56 : i32 to index
        %swap3A_1170 = arith.index_cast %swap3A_1168 : i32 to index
        %swap3A_1171 = arith.constant 16 : index
        %swap3A_1172 = tpu.vector_load %arg14[%swap3A_1169, %swap3A_1170, %swap3A_1171] {strides = array<i32>} : memref<3x80x64xf32, #tpu.memory_space<vmem>>, vector<16xf32>,
        tpu.vector_store %arg14[%swap3A_1169, %swap3A_1170, %swap3A_1171], %mul3A_1167 {strides = array<i32>} : memref<3x80x64xf32, #tpu.memory_space<vmem>>, vector<16xf32>,
        %get3A_1173 = arith.constant 22 : i32
        %get3A_1174 = arith.index_cast %rem3A_56 : i32 to index
        %get3A_1175 = arith.index_cast %get3A_1173 : i32 to index
        %get3A_1176 = arith.constant 32 : index
        %get3A_1177 = tpu.vector_load %arg14[%get3A_1174, %get3A_1175, %get3A_1176] {strides = array<i32>} : memref<3x80x64xf32, #tpu.memory_space<vmem>>, vector<16xf32>,
        %mul3A_1178 = arith.mulf %get3A_1177, %gather3A_1150 : vector<16xf32>
        %swap3A_1179 = arith.constant 22 : i32
        %swap3A_1180 = arith.index_cast %rem3A_56 : i32 to index
        %swap3A_1181 = arith.index_cast %swap3A_1179 : i32 to index
        %swap3A_1182 = arith.constant 32 : index
        %swap3A_1183 = tpu.vector_load %arg14[%swap3A_1180, %swap3A_1181, %swap3A_1182] {strides = array<i32>} : memref<3x80x64xf32, #tpu.memory_space<vmem>>, vector<16xf32>,
        tpu.vector_store %arg14[%swap3A_1180, %swap3A_1181, %swap3A_1182], %mul3A_1178 {strides = array<i32>} : memref<3x80x64xf32, #tpu.memory_space<vmem>>, vector<16xf32>,
        %get3A_1184 = arith.constant 22 : i32
        %get3A_1185 = arith.index_cast %rem3A_56 : i32 to index
        %get3A_1186 = arith.index_cast %get3A_1184 : i32 to index
        %get3A_1187 = arith.constant 48 : index
        %get3A_1188 = tpu.vector_load %arg14[%get3A_1185, %get3A_1186, %get3A_1187] {strides = array<i32>} : memref<3x80x64xf32, #tpu.memory_space<vmem>>, vector<16xf32>,
        %mul3A_1189 = arith.mulf %get3A_1188, %gather3A_1150 : vector<16xf32>
        %swap3A_1190 = arith.constant 22 : i32
        %swap3A_1191 = arith.index_cast %rem3A_56 : i32 to index
        %swap3A_1192 = arith.index_cast %swap3A_1190 : i32 to index
        %swap3A_1193 = arith.constant 48 : index
        %swap3A_1194 = tpu.vector_load %arg14[%swap3A_1191, %swap3A_1192, %swap3A_1193] {strides = array<i32>} : memref<3x80x64xf32, #tpu.memory_space<vmem>>, vector<16xf32>,
        tpu.vector_store %arg14[%swap3A_1191, %swap3A_1192, %swap3A_1193], %mul3A_1189 {strides = array<i32>} : memref<3x80x64xf32, #tpu.memory_space<vmem>>, vector<16xf32>,
        %broadcast_in_dim3A_1195 = arith.constant 7 : i32
        %broadcast_in_dim3A_1196 = vector.broadcast %broadcast_in_dim3A_1195 : i32 to vector<16x1xi32>
        %gather3A_1197 = vector.shape_cast %broadcast_in_dim3A_1196 : vector<16x1xi32> to vector<16xi32>
        %gather3A_1198 = tpu.dynamic_gather %get3A_858[%gather3A_1197] in [0] : vector<16xf32>, vector<16xi32> -> vector<16xf32>
        %get3A_1199 = arith.constant 23 : i32
        %get3A_1200 = arith.index_cast %rem3A_56 : i32 to index
        %get3A_1201 = arith.index_cast %get3A_1199 : i32 to index
        %get3A_1202 = arith.constant 0 : index
        %get3A_1203 = tpu.vector_load %arg14[%get3A_1200, %get3A_1201, %get3A_1202] {strides = array<i32>} : memref<3x80x64xf32, #tpu.memory_space<vmem>>, vector<16xf32>,
        %mul3A_1204 = arith.mulf %get3A_1203, %gather3A_1198 : vector<16xf32>
        %swap3A_1205 = arith.constant 23 : i32
        %swap3A_1206 = arith.index_cast %rem3A_56 : i32 to index
        %swap3A_1207 = arith.index_cast %swap3A_1205 : i32 to index
        %swap3A_1208 = arith.constant 0 : index
        %swap3A_1209 = tpu.vector_load %arg14[%swap3A_1206, %swap3A_1207, %swap3A_1208] {strides = array<i32>} : memref<3x80x64xf32, #tpu.memory_space<vmem>>, vector<16xf32>,
        tpu.vector_store %arg14[%swap3A_1206, %swap3A_1207, %swap3A_1208], %mul3A_1204 {strides = array<i32>} : memref<3x80x64xf32, #tpu.memory_space<vmem>>, vector<16xf32>,
        %get3A_1210 = arith.constant 23 : i32
        %get3A_1211 = arith.index_cast %rem3A_56 : i32 to index
        %get3A_1212 = arith.index_cast %get3A_1210 : i32 to index
        %get3A_1213 = arith.constant 16 : index
        %get3A_1214 = tpu.vector_load %arg14[%get3A_1211, %get3A_1212, %get3A_1213] {strides = array<i32>} : memref<3x80x64xf32, #tpu.memory_space<vmem>>, vector<16xf32>,
        %mul3A_1215 = arith.mulf %get3A_1214, %gather3A_1198 : vector<16xf32>
        %swap3A_1216 = arith.constant 23 : i32
        %swap3A_1217 = arith.index_cast %rem3A_56 : i32 to index
        %swap3A_1218 = arith.index_cast %swap3A_1216 : i32 to index
        %swap3A_1219 = arith.constant 16 : index
        %swap3A_1220 = tpu.vector_load %arg14[%swap3A_1217, %swap3A_1218, %swap3A_1219] {strides = array<i32>} : memref<3x80x64xf32, #tpu.memory_space<vmem>>, vector<16xf32>,
        tpu.vector_store %arg14[%swap3A_1217, %swap3A_1218, %swap3A_1219], %mul3A_1215 {strides = array<i32>} : memref<3x80x64xf32, #tpu.memory_space<vmem>>, vector<16xf32>,
        %get3A_1221 = arith.constant 23 : i32
        %get3A_1222 = arith.index_cast %rem3A_56 : i32 to index
        %get3A_1223 = arith.index_cast %get3A_1221 : i32 to index
        %get3A_1224 = arith.constant 32 : index
        %get3A_1225 = tpu.vector_load %arg14[%get3A_1222, %get3A_1223, %get3A_1224] {strides = array<i32>} : memref<3x80x64xf32, #tpu.memory_space<vmem>>, vector<16xf32>,
        %mul3A_1226 = arith.mulf %get3A_1225, %gather3A_1198 : vector<16xf32>
        %swap3A_1227 = arith.constant 23 : i32
        %swap3A_1228 = arith.index_cast %rem3A_56 : i32 to index
        %swap3A_1229 = arith.index_cast %swap3A_1227 : i32 to index
        %swap3A_1230 = arith.constant 32 : index
        %swap3A_1231 = tpu.vector_load %arg14[%swap3A_1228, %swap3A_1229, %swap3A_1230] {strides = array<i32>} : memref<3x80x64xf32, #tpu.memory_space<vmem>>, vector<16xf32>,
        tpu.vector_store %arg14[%swap3A_1228, %swap3A_1229, %swap3A_1230], %mul3A_1226 {strides = array<i32>} : memref<3x80x64xf32, #tpu.memory_space<vmem>>, vector<16xf32>,
        %get3A_1232 = arith.constant 23 : i32
        %get3A_1233 = arith.index_cast %rem3A_56 : i32 to index
        %get3A_1234 = arith.index_cast %get3A_1232 : i32 to index
        %get3A_1235 = arith.constant 48 : index
        %get3A_1236 = tpu.vector_load %arg14[%get3A_1233, %get3A_1234, %get3A_1235] {strides = array<i32>} : memref<3x80x64xf32, #tpu.memory_space<vmem>>, vector<16xf32>,
        %mul3A_1237 = arith.mulf %get3A_1236, %gather3A_1198 : vector<16xf32>
        %swap3A_1238 = arith.constant 23 : i32
        %swap3A_1239 = arith.index_cast %rem3A_56 : i32 to index
        %swap3A_1240 = arith.index_cast %swap3A_1238 : i32 to index
        %swap3A_1241 = arith.constant 48 : index
        %swap3A_1242 = tpu.vector_load %arg14[%swap3A_1239, %swap3A_1240, %swap3A_1241] {strides = array<i32>} : memref<3x80x64xf32, #tpu.memory_space<vmem>>, vector<16xf32>,
        tpu.vector_store %arg14[%swap3A_1239, %swap3A_1240, %swap3A_1241], %mul3A_1237 {strides = array<i32>} : memref<3x80x64xf32, #tpu.memory_space<vmem>>, vector<16xf32>,
        %broadcast_in_dim3A_1243 = arith.constant 8 : i32
        %broadcast_in_dim3A_1244 = vector.broadcast %broadcast_in_dim3A_1243 : i32 to vector<16x1xi32>
        %gather3A_1245 = vector.shape_cast %broadcast_in_dim3A_1244 : vector<16x1xi32> to vector<16xi32>
        %gather3A_1246 = tpu.dynamic_gather %get3A_858[%gather3A_1245] in [0] : vector<16xf32>, vector<16xi32> -> vector<16xf32>
        %get3A_1247 = arith.constant 24 : i32
        %get3A_1248 = arith.index_cast %rem3A_56 : i32 to index
        %get3A_1249 = arith.index_cast %get3A_1247 : i32 to index
        %get3A_1250 = arith.constant 0 : index
        %get3A_1251 = tpu.vector_load %arg14[%get3A_1248, %get3A_1249, %get3A_1250] {strides = array<i32>} : memref<3x80x64xf32, #tpu.memory_space<vmem>>, vector<16xf32>,
        %mul3A_1252 = arith.mulf %get3A_1251, %gather3A_1246 : vector<16xf32>
        %swap3A_1253 = arith.constant 24 : i32
        %swap3A_1254 = arith.index_cast %rem3A_56 : i32 to index
        %swap3A_1255 = arith.index_cast %swap3A_1253 : i32 to index
        %swap3A_1256 = arith.constant 0 : index
        %swap3A_1257 = tpu.vector_load %arg14[%swap3A_1254, %swap3A_1255, %swap3A_1256] {strides = array<i32>} : memref<3x80x64xf32, #tpu.memory_space<vmem>>, vector<16xf32>,
        tpu.vector_store %arg14[%swap3A_1254, %swap3A_1255, %swap3A_1256], %mul3A_1252 {strides = array<i32>} : memref<3x80x64xf32, #tpu.memory_space<vmem>>, vector<16xf32>,
        %get3A_1258 = arith.constant 24 : i32
        %get3A_1259 = arith.index_cast %rem3A_56 : i32 to index
        %get3A_1260 = arith.index_cast %get3A_1258 : i32 to index
        %get3A_1261 = arith.constant 16 : index
        %get3A_1262 = tpu.vector_load %arg14[%get3A_1259, %get3A_1260, %get3A_1261] {strides = array<i32>} : memref<3x80x64xf32, #tpu.memory_space<vmem>>, vector<16xf32>,
        %mul3A_1263 = arith.mulf %get3A_1262, %gather3A_1246 : vector<16xf32>
        %swap3A_1264 = arith.constant 24 : i32
        %swap3A_1265 = arith.index_cast %rem3A_56 : i32 to index
        %swap3A_1266 = arith.index_cast %swap3A_1264 : i32 to index
        %swap3A_1267 = arith.constant 16 : index
        %swap3A_1268 = tpu.vector_load %arg14[%swap3A_1265, %swap3A_1266, %swap3A_1267] {strides = array<i32>} : memref<3x80x64xf32, #tpu.memory_space<vmem>>, vector<16xf32>,
        tpu.vector_store %arg14[%swap3A_1265, %swap3A_1266, %swap3A_1267], %mul3A_1263 {strides = array<i32>} : memref<3x80x64xf32, #tpu.memory_space<vmem>>, vector<16xf32>,
        %get3A_1269 = arith.constant 24 : i32
        %get3A_1270 = arith.index_cast %rem3A_56 : i32 to index
        %get3A_1271 = arith.index_cast %get3A_1269 : i32 to index
        %get3A_1272 = arith.constant 32 : index
        %get3A_1273 = tpu.vector_load %arg14[%get3A_1270, %get3A_1271, %get3A_1272] {strides = array<i32>} : memref<3x80x64xf32, #tpu.memory_space<vmem>>, vector<16xf32>,
        %mul3A_1274 = arith.mulf %get3A_1273, %gather3A_1246 : vector<16xf32>
        %swap3A_1275 = arith.constant 24 : i32
        %swap3A_1276 = arith.index_cast %rem3A_56 : i32 to index
        %swap3A_1277 = arith.index_cast %swap3A_1275 : i32 to index
        %swap3A_1278 = arith.constant 32 : index
        %swap3A_1279 = tpu.vector_load %arg14[%swap3A_1276, %swap3A_1277, %swap3A_1278] {strides = array<i32>} : memref<3x80x64xf32, #tpu.memory_space<vmem>>, vector<16xf32>,
        tpu.vector_store %arg14[%swap3A_1276, %swap3A_1277, %swap3A_1278], %mul3A_1274 {strides = array<i32>} : memref<3x80x64xf32, #tpu.memory_space<vmem>>, vector<16xf32>,
        %get3A_1280 = arith.constant 24 : i32
        %get3A_1281 = arith.index_cast %rem3A_56 : i32 to index
        %get3A_1282 = arith.index_cast %get3A_1280 : i32 to index
        %get3A_1283 = arith.constant 48 : index
        %get3A_1284 = tpu.vector_load %arg14[%get3A_1281, %get3A_1282, %get3A_1283] {strides = array<i32>} : memref<3x80x64xf32, #tpu.memory_space<vmem>>, vector<16xf32>,
        %mul3A_1285 = arith.mulf %get3A_1284, %gather3A_1246 : vector<16xf32>
        %swap3A_1286 = arith.constant 24 : i32
        %swap3A_1287 = arith.index_cast %rem3A_56 : i32 to index
        %swap3A_1288 = arith.index_cast %swap3A_1286 : i32 to index
        %swap3A_1289 = arith.constant 48 : index
        %swap3A_1290 = tpu.vector_load %arg14[%swap3A_1287, %swap3A_1288, %swap3A_1289] {strides = array<i32>} : memref<3x80x64xf32, #tpu.memory_space<vmem>>, vector<16xf32>,
        tpu.vector_store %arg14[%swap3A_1287, %swap3A_1288, %swap3A_1289], %mul3A_1285 {strides = array<i32>} : memref<3x80x64xf32, #tpu.memory_space<vmem>>, vector<16xf32>,
        %broadcast_in_dim3A_1291 = arith.constant 9 : i32
        %broadcast_in_dim3A_1292 = vector.broadcast %broadcast_in_dim3A_1291 : i32 to vector<16x1xi32>
        %gather3A_1293 = vector.shape_cast %broadcast_in_dim3A_1292 : vector<16x1xi32> to vector<16xi32>
        %gather3A_1294 = tpu.dynamic_gather %get3A_858[%gather3A_1293] in [0] : vector<16xf32>, vector<16xi32> -> vector<16xf32>
        %get3A_1295 = arith.constant 25 : i32
        %get3A_1296 = arith.index_cast %rem3A_56 : i32 to index
        %get3A_1297 = arith.index_cast %get3A_1295 : i32 to index
        %get3A_1298 = arith.constant 0 : index
        %get3A_1299 = tpu.vector_load %arg14[%get3A_1296, %get3A_1297, %get3A_1298] {strides = array<i32>} : memref<3x80x64xf32, #tpu.memory_space<vmem>>, vector<16xf32>,
        %mul3A_1300 = arith.mulf %get3A_1299, %gather3A_1294 : vector<16xf32>
        %swap3A_1301 = arith.constant 25 : i32
        %swap3A_1302 = arith.index_cast %rem3A_56 : i32 to index
        %swap3A_1303 = arith.index_cast %swap3A_1301 : i32 to index
        %swap3A_1304 = arith.constant 0 : index
        %swap3A_1305 = tpu.vector_load %arg14[%swap3A_1302, %swap3A_1303, %swap3A_1304] {strides = array<i32>} : memref<3x80x64xf32, #tpu.memory_space<vmem>>, vector<16xf32>,
        tpu.vector_store %arg14[%swap3A_1302, %swap3A_1303, %swap3A_1304], %mul3A_1300 {strides = array<i32>} : memref<3x80x64xf32, #tpu.memory_space<vmem>>, vector<16xf32>,
        %get3A_1306 = arith.constant 25 : i32
        %get3A_1307 = arith.index_cast %rem3A_56 : i32 to index
        %get3A_1308 = arith.index_cast %get3A_1306 : i32 to index
        %get3A_1309 = arith.constant 16 : index
        %get3A_1310 = tpu.vector_load %arg14[%get3A_1307, %get3A_1308, %get3A_1309] {strides = array<i32>} : memref<3x80x64xf32, #tpu.memory_space<vmem>>, vector<16xf32>,
        %mul3A_1311 = arith.mulf %get3A_1310, %gather3A_1294 : vector<16xf32>
        %swap3A_1312 = arith.constant 25 : i32
        %swap3A_1313 = arith.index_cast %rem3A_56 : i32 to index
        %swap3A_1314 = arith.index_cast %swap3A_1312 : i32 to index
        %swap3A_1315 = arith.constant 16 : index
        %swap3A_1316 = tpu.vector_load %arg14[%swap3A_1313, %swap3A_1314, %swap3A_1315] {strides = array<i32>} : memref<3x80x64xf32, #tpu.memory_space<vmem>>, vector<16xf32>,
        tpu.vector_store %arg14[%swap3A_1313, %swap3A_1314, %swap3A_1315], %mul3A_1311 {strides = array<i32>} : memref<3x80x64xf32, #tpu.memory_space<vmem>>, vector<16xf32>,
        %get3A_1317 = arith.constant 25 : i32
        %get3A_1318 = arith.index_cast %rem3A_56 : i32 to index
        %get3A_1319 = arith.index_cast %get3A_1317 : i32 to index
        %get3A_1320 = arith.constant 32 : index
        %get3A_1321 = tpu.vector_load %arg14[%get3A_1318, %get3A_1319, %get3A_1320] {strides = array<i32>} : memref<3x80x64xf32, #tpu.memory_space<vmem>>, vector<16xf32>,
        %mul3A_1322 = arith.mulf %get3A_1321, %gather3A_1294 : vector<16xf32>
        %swap3A_1323 = arith.constant 25 : i32
        %swap3A_1324 = arith.index_cast %rem3A_56 : i32 to index
        %swap3A_1325 = arith.index_cast %swap3A_1323 : i32 to index
        %swap3A_1326 = arith.constant 32 : index
        %swap3A_1327 = tpu.vector_load %arg14[%swap3A_1324, %swap3A_1325, %swap3A_1326] {strides = array<i32>} : memref<3x80x64xf32, #tpu.memory_space<vmem>>, vector<16xf32>,
        tpu.vector_store %arg14[%swap3A_1324, %swap3A_1325, %swap3A_1326], %mul3A_1322 {strides = array<i32>} : memref<3x80x64xf32, #tpu.memory_space<vmem>>, vector<16xf32>,
        %get3A_1328 = arith.constant 25 : i32
        %get3A_1329 = arith.index_cast %rem3A_56 : i32 to index
        %get3A_1330 = arith.index_cast %get3A_1328 : i32 to index
        %get3A_1331 = arith.constant 48 : index
        %get3A_1332 = tpu.vector_load %arg14[%get3A_1329, %get3A_1330, %get3A_1331] {strides = array<i32>} : memref<3x80x64xf32, #tpu.memory_space<vmem>>, vector<16xf32>,
        %mul3A_1333 = arith.mulf %get3A_1332, %gather3A_1294 : vector<16xf32>
        %swap3A_1334 = arith.constant 25 : i32
        %swap3A_1335 = arith.index_cast %rem3A_56 : i32 to index
        %swap3A_1336 = arith.index_cast %swap3A_1334 : i32 to index
        %swap3A_1337 = arith.constant 48 : index
        %swap3A_1338 = tpu.vector_load %arg14[%swap3A_1335, %swap3A_1336, %swap3A_1337] {strides = array<i32>} : memref<3x80x64xf32, #tpu.memory_space<vmem>>, vector<16xf32>,
        tpu.vector_store %arg14[%swap3A_1335, %swap3A_1336, %swap3A_1337], %mul3A_1333 {strides = array<i32>} : memref<3x80x64xf32, #tpu.memory_space<vmem>>, vector<16xf32>,
        %broadcast_in_dim3A_1339 = arith.constant 10 : i32
        %broadcast_in_dim3A_1340 = vector.broadcast %broadcast_in_dim3A_1339 : i32 to vector<16x1xi32>
        %gather3A_1341 = vector.shape_cast %broadcast_in_dim3A_1340 : vector<16x1xi32> to vector<16xi32>
        %gather3A_1342 = tpu.dynamic_gather %get3A_858[%gather3A_1341] in [0] : vector<16xf32>, vector<16xi32> -> vector<16xf32>
        %get3A_1343 = arith.constant 26 : i32
        %get3A_1344 = arith.index_cast %rem3A_56 : i32 to index
        %get3A_1345 = arith.index_cast %get3A_1343 : i32 to index
        %get3A_1346 = arith.constant 0 : index
        %get3A_1347 = tpu.vector_load %arg14[%get3A_1344, %get3A_1345, %get3A_1346] {strides = array<i32>} : memref<3x80x64xf32, #tpu.memory_space<vmem>>, vector<16xf32>,
        %mul3A_1348 = arith.mulf %get3A_1347, %gather3A_1342 : vector<16xf32>
        %swap3A_1349 = arith.constant 26 : i32
        %swap3A_1350 = arith.index_cast %rem3A_56 : i32 to index
        %swap3A_1351 = arith.index_cast %swap3A_1349 : i32 to index
        %swap3A_1352 = arith.constant 0 : index
        %swap3A_1353 = tpu.vector_load %arg14[%swap3A_1350, %swap3A_1351, %swap3A_1352] {strides = array<i32>} : memref<3x80x64xf32, #tpu.memory_space<vmem>>, vector<16xf32>,
        tpu.vector_store %arg14[%swap3A_1350, %swap3A_1351, %swap3A_1352], %mul3A_1348 {strides = array<i32>} : memref<3x80x64xf32, #tpu.memory_space<vmem>>, vector<16xf32>,
        %get3A_1354 = arith.constant 26 : i32
        %get3A_1355 = arith.index_cast %rem3A_56 : i32 to index
        %get3A_1356 = arith.index_cast %get3A_1354 : i32 to index
        %get3A_1357 = arith.constant 16 : index
        %get3A_1358 = tpu.vector_load %arg14[%get3A_1355, %get3A_1356, %get3A_1357] {strides = array<i32>} : memref<3x80x64xf32, #tpu.memory_space<vmem>>, vector<16xf32>,
        %mul3A_1359 = arith.mulf %get3A_1358, %gather3A_1342 : vector<16xf32>
        %swap3A_1360 = arith.constant 26 : i32
        %swap3A_1361 = arith.index_cast %rem3A_56 : i32 to index
        %swap3A_1362 = arith.index_cast %swap3A_1360 : i32 to index
        %swap3A_1363 = arith.constant 16 : index
        %swap3A_1364 = tpu.vector_load %arg14[%swap3A_1361, %swap3A_1362, %swap3A_1363] {strides = array<i32>} : memref<3x80x64xf32, #tpu.memory_space<vmem>>, vector<16xf32>,
        tpu.vector_store %arg14[%swap3A_1361, %swap3A_1362, %swap3A_1363], %mul3A_1359 {strides = array<i32>} : memref<3x80x64xf32, #tpu.memory_space<vmem>>, vector<16xf32>,
        %get3A_1365 = arith.constant 26 : i32
        %get3A_1366 = arith.index_cast %rem3A_56 : i32 to index
        %get3A_1367 = arith.index_cast %get3A_1365 : i32 to index
        %get3A_1368 = arith.constant 32 : index
        %get3A_1369 = tpu.vector_load %arg14[%get3A_1366, %get3A_1367, %get3A_1368] {strides = array<i32>} : memref<3x80x64xf32, #tpu.memory_space<vmem>>, vector<16xf32>,
        %mul3A_1370 = arith.mulf %get3A_1369, %gather3A_1342 : vector<16xf32>
        %swap3A_1371 = arith.constant 26 : i32
        %swap3A_1372 = arith.index_cast %rem3A_56 : i32 to index
        %swap3A_1373 = arith.index_cast %swap3A_1371 : i32 to index
        %swap3A_1374 = arith.constant 32 : index
        %swap3A_1375 = tpu.vector_load %arg14[%swap3A_1372, %swap3A_1373, %swap3A_1374] {strides = array<i32>} : memref<3x80x64xf32, #tpu.memory_space<vmem>>, vector<16xf32>,
        tpu.vector_store %arg14[%swap3A_1372, %swap3A_1373, %swap3A_1374], %mul3A_1370 {strides = array<i32>} : memref<3x80x64xf32, #tpu.memory_space<vmem>>, vector<16xf32>,
        %get3A_1376 = arith.constant 26 : i32
        %get3A_1377 = arith.index_cast %rem3A_56 : i32 to index
        %get3A_1378 = arith.index_cast %get3A_1376 : i32 to index
        %get3A_1379 = arith.constant 48 : index
        %get3A_1380 = tpu.vector_load %arg14[%get3A_1377, %get3A_1378, %get3A_1379] {strides = array<i32>} : memref<3x80x64xf32, #tpu.memory_space<vmem>>, vector<16xf32>,
        %mul3A_1381 = arith.mulf %get3A_1380, %gather3A_1342 : vector<16xf32>
        %swap3A_1382 = arith.constant 26 : i32
        %swap3A_1383 = arith.index_cast %rem3A_56 : i32 to index
        %swap3A_1384 = arith.index_cast %swap3A_1382 : i32 to index
        %swap3A_1385 = arith.constant 48 : index
        %swap3A_1386 = tpu.vector_load %arg14[%swap3A_1383, %swap3A_1384, %swap3A_1385] {strides = array<i32>} : memref<3x80x64xf32, #tpu.memory_space<vmem>>, vector<16xf32>,
        tpu.vector_store %arg14[%swap3A_1383, %swap3A_1384, %swap3A_1385], %mul3A_1381 {strides = array<i32>} : memref<3x80x64xf32, #tpu.memory_space<vmem>>, vector<16xf32>,
        %broadcast_in_dim3A_1387 = arith.constant 11 : i32
        %broadcast_in_dim3A_1388 = vector.broadcast %broadcast_in_dim3A_1387 : i32 to vector<16x1xi32>
        %gather3A_1389 = vector.shape_cast %broadcast_in_dim3A_1388 : vector<16x1xi32> to vector<16xi32>
        %gather3A_1390 = tpu.dynamic_gather %get3A_858[%gather3A_1389] in [0] : vector<16xf32>, vector<16xi32> -> vector<16xf32>
        %get3A_1391 = arith.constant 27 : i32
        %get3A_1392 = arith.index_cast %rem3A_56 : i32 to index
        %get3A_1393 = arith.index_cast %get3A_1391 : i32 to index
        %get3A_1394 = arith.constant 0 : index
        %get3A_1395 = tpu.vector_load %arg14[%get3A_1392, %get3A_1393, %get3A_1394] {strides = array<i32>} : memref<3x80x64xf32, #tpu.memory_space<vmem>>, vector<16xf32>,
        %mul3A_1396 = arith.mulf %get3A_1395, %gather3A_1390 : vector<16xf32>
        %swap3A_1397 = arith.constant 27 : i32
        %swap3A_1398 = arith.index_cast %rem3A_56 : i32 to index
        %swap3A_1399 = arith.index_cast %swap3A_1397 : i32 to index
        %swap3A_1400 = arith.constant 0 : index
        %swap3A_1401 = tpu.vector_load %arg14[%swap3A_1398, %swap3A_1399, %swap3A_1400] {strides = array<i32>} : memref<3x80x64xf32, #tpu.memory_space<vmem>>, vector<16xf32>,
        tpu.vector_store %arg14[%swap3A_1398, %swap3A_1399, %swap3A_1400], %mul3A_1396 {strides = array<i32>} : memref<3x80x64xf32, #tpu.memory_space<vmem>>, vector<16xf32>,
        %get3A_1402 = arith.constant 27 : i32
        %get3A_1403 = arith.index_cast %rem3A_56 : i32 to index
        %get3A_1404 = arith.index_cast %get3A_1402 : i32 to index
        %get3A_1405 = arith.constant 16 : index
        %get3A_1406 = tpu.vector_load %arg14[%get3A_1403, %get3A_1404, %get3A_1405] {strides = array<i32>} : memref<3x80x64xf32, #tpu.memory_space<vmem>>, vector<16xf32>,
        %mul3A_1407 = arith.mulf %get3A_1406, %gather3A_1390 : vector<16xf32>
        %swap3A_1408 = arith.constant 27 : i32
        %swap3A_1409 = arith.index_cast %rem3A_56 : i32 to index
        %swap3A_1410 = arith.index_cast %swap3A_1408 : i32 to index
        %swap3A_1411 = arith.constant 16 : index
        %swap3A_1412 = tpu.vector_load %arg14[%swap3A_1409, %swap3A_1410, %swap3A_1411] {strides = array<i32>} : memref<3x80x64xf32, #tpu.memory_space<vmem>>, vector<16xf32>,
        tpu.vector_store %arg14[%swap3A_1409, %swap3A_1410, %swap3A_1411], %mul3A_1407 {strides = array<i32>} : memref<3x80x64xf32, #tpu.memory_space<vmem>>, vector<16xf32>,
        %get3A_1413 = arith.constant 27 : i32
        %get3A_1414 = arith.index_cast %rem3A_56 : i32 to index
        %get3A_1415 = arith.index_cast %get3A_1413 : i32 to index
        %get3A_1416 = arith.constant 32 : index
        %get3A_1417 = tpu.vector_load %arg14[%get3A_1414, %get3A_1415, %get3A_1416] {strides = array<i32>} : memref<3x80x64xf32, #tpu.memory_space<vmem>>, vector<16xf32>,
        %mul3A_1418 = arith.mulf %get3A_1417, %gather3A_1390 : vector<16xf32>
        %swap3A_1419 = arith.constant 27 : i32
        %swap3A_1420 = arith.index_cast %rem3A_56 : i32 to index
        %swap3A_1421 = arith.index_cast %swap3A_1419 : i32 to index
        %swap3A_1422 = arith.constant 32 : index
        %swap3A_1423 = tpu.vector_load %arg14[%swap3A_1420, %swap3A_1421, %swap3A_1422] {strides = array<i32>} : memref<3x80x64xf32, #tpu.memory_space<vmem>>, vector<16xf32>,
        tpu.vector_store %arg14[%swap3A_1420, %swap3A_1421, %swap3A_1422], %mul3A_1418 {strides = array<i32>} : memref<3x80x64xf32, #tpu.memory_space<vmem>>, vector<16xf32>,
        %get3A_1424 = arith.constant 27 : i32
        %get3A_1425 = arith.index_cast %rem3A_56 : i32 to index
        %get3A_1426 = arith.index_cast %get3A_1424 : i32 to index
        %get3A_1427 = arith.constant 48 : index
        %get3A_1428 = tpu.vector_load %arg14[%get3A_1425, %get3A_1426, %get3A_1427] {strides = array<i32>} : memref<3x80x64xf32, #tpu.memory_space<vmem>>, vector<16xf32>,
        %mul3A_1429 = arith.mulf %get3A_1428, %gather3A_1390 : vector<16xf32>
        %swap3A_1430 = arith.constant 27 : i32
        %swap3A_1431 = arith.index_cast %rem3A_56 : i32 to index
        %swap3A_1432 = arith.index_cast %swap3A_1430 : i32 to index
        %swap3A_1433 = arith.constant 48 : index
        %swap3A_1434 = tpu.vector_load %arg14[%swap3A_1431, %swap3A_1432, %swap3A_1433] {strides = array<i32>} : memref<3x80x64xf32, #tpu.memory_space<vmem>>, vector<16xf32>,
        tpu.vector_store %arg14[%swap3A_1431, %swap3A_1432, %swap3A_1433], %mul3A_1429 {strides = array<i32>} : memref<3x80x64xf32, #tpu.memory_space<vmem>>, vector<16xf32>,
        %broadcast_in_dim3A_1435 = arith.constant 12 : i32
        %broadcast_in_dim3A_1436 = vector.broadcast %broadcast_in_dim3A_1435 : i32 to vector<16x1xi32>
        %gather3A_1437 = vector.shape_cast %broadcast_in_dim3A_1436 : vector<16x1xi32> to vector<16xi32>
        %gather3A_1438 = tpu.dynamic_gather %get3A_858[%gather3A_1437] in [0] : vector<16xf32>, vector<16xi32> -> vector<16xf32>
        %get3A_1439 = arith.constant 28 : i32
        %get3A_1440 = arith.index_cast %rem3A_56 : i32 to index
        %get3A_1441 = arith.index_cast %get3A_1439 : i32 to index
        %get3A_1442 = arith.constant 0 : index
        %get3A_1443 = tpu.vector_load %arg14[%get3A_1440, %get3A_1441, %get3A_1442] {strides = array<i32>} : memref<3x80x64xf32, #tpu.memory_space<vmem>>, vector<16xf32>,
        %mul3A_1444 = arith.mulf %get3A_1443, %gather3A_1438 : vector<16xf32>
        %swap3A_1445 = arith.constant 28 : i32
        %swap3A_1446 = arith.index_cast %rem3A_56 : i32 to index
        %swap3A_1447 = arith.index_cast %swap3A_1445 : i32 to index
        %swap3A_1448 = arith.constant 0 : index
        %swap3A_1449 = tpu.vector_load %arg14[%swap3A_1446, %swap3A_1447, %swap3A_1448] {strides = array<i32>} : memref<3x80x64xf32, #tpu.memory_space<vmem>>, vector<16xf32>,
        tpu.vector_store %arg14[%swap3A_1446, %swap3A_1447, %swap3A_1448], %mul3A_1444 {strides = array<i32>} : memref<3x80x64xf32, #tpu.memory_space<vmem>>, vector<16xf32>,
        %get3A_1450 = arith.constant 28 : i32
        %get3A_1451 = arith.index_cast %rem3A_56 : i32 to index
        %get3A_1452 = arith.index_cast %get3A_1450 : i32 to index
        %get3A_1453 = arith.constant 16 : index
        %get3A_1454 = tpu.vector_load %arg14[%get3A_1451, %get3A_1452, %get3A_1453] {strides = array<i32>} : memref<3x80x64xf32, #tpu.memory_space<vmem>>, vector<16xf32>,
        %mul3A_1455 = arith.mulf %get3A_1454, %gather3A_1438 : vector<16xf32>
        %swap3A_1456 = arith.constant 28 : i32
        %swap3A_1457 = arith.index_cast %rem3A_56 : i32 to index
        %swap3A_1458 = arith.index_cast %swap3A_1456 : i32 to index
        %swap3A_1459 = arith.constant 16 : index
        %swap3A_1460 = tpu.vector_load %arg14[%swap3A_1457, %swap3A_1458, %swap3A_1459] {strides = array<i32>} : memref<3x80x64xf32, #tpu.memory_space<vmem>>, vector<16xf32>,
        tpu.vector_store %arg14[%swap3A_1457, %swap3A_1458, %swap3A_1459], %mul3A_1455 {strides = array<i32>} : memref<3x80x64xf32, #tpu.memory_space<vmem>>, vector<16xf32>,
        %get3A_1461 = arith.constant 28 : i32
        %get3A_1462 = arith.index_cast %rem3A_56 : i32 to index
        %get3A_1463 = arith.index_cast %get3A_1461 : i32 to index
        %get3A_1464 = arith.constant 32 : index
        %get3A_1465 = tpu.vector_load %arg14[%get3A_1462, %get3A_1463, %get3A_1464] {strides = array<i32>} : memref<3x80x64xf32, #tpu.memory_space<vmem>>, vector<16xf32>,
        %mul3A_1466 = arith.mulf %get3A_1465, %gather3A_1438 : vector<16xf32>
        %swap3A_1467 = arith.constant 28 : i32
        %swap3A_1468 = arith.index_cast %rem3A_56 : i32 to index
        %swap3A_1469 = arith.index_cast %swap3A_1467 : i32 to index
        %swap3A_1470 = arith.constant 32 : index
        %swap3A_1471 = tpu.vector_load %arg14[%swap3A_1468, %swap3A_1469, %swap3A_1470] {strides = array<i32>} : memref<3x80x64xf32, #tpu.memory_space<vmem>>, vector<16xf32>,
        tpu.vector_store %arg14[%swap3A_1468, %swap3A_1469, %swap3A_1470], %mul3A_1466 {strides = array<i32>} : memref<3x80x64xf32, #tpu.memory_space<vmem>>, vector<16xf32>,
        %get3A_1472 = arith.constant 28 : i32
        %get3A_1473 = arith.index_cast %rem3A_56 : i32 to index
        %get3A_1474 = arith.index_cast %get3A_1472 : i32 to index
        %get3A_1475 = arith.constant 48 : index
        %get3A_1476 = tpu.vector_load %arg14[%get3A_1473, %get3A_1474, %get3A_1475] {strides = array<i32>} : memref<3x80x64xf32, #tpu.memory_space<vmem>>, vector<16xf32>,
        %mul3A_1477 = arith.mulf %get3A_1476, %gather3A_1438 : vector<16xf32>
        %swap3A_1478 = arith.constant 28 : i32
        %swap3A_1479 = arith.index_cast %rem3A_56 : i32 to index
        %swap3A_1480 = arith.index_cast %swap3A_1478 : i32 to index
        %swap3A_1481 = arith.constant 48 : index
        %swap3A_1482 = tpu.vector_load %arg14[%swap3A_1479, %swap3A_1480, %swap3A_1481] {strides = array<i32>} : memref<3x80x64xf32, #tpu.memory_space<vmem>>, vector<16xf32>,
        tpu.vector_store %arg14[%swap3A_1479, %swap3A_1480, %swap3A_1481], %mul3A_1477 {strides = array<i32>} : memref<3x80x64xf32, #tpu.memory_space<vmem>>, vector<16xf32>,
        %broadcast_in_dim3A_1483 = arith.constant 13 : i32
        %broadcast_in_dim3A_1484 = vector.broadcast %broadcast_in_dim3A_1483 : i32 to vector<16x1xi32>
        %gather3A_1485 = vector.shape_cast %broadcast_in_dim3A_1484 : vector<16x1xi32> to vector<16xi32>
        %gather3A_1486 = tpu.dynamic_gather %get3A_858[%gather3A_1485] in [0] : vector<16xf32>, vector<16xi32> -> vector<16xf32>
        %get3A_1487 = arith.constant 29 : i32
        %get3A_1488 = arith.index_cast %rem3A_56 : i32 to index
        %get3A_1489 = arith.index_cast %get3A_1487 : i32 to index
        %get3A_1490 = arith.constant 0 : index
        %get3A_1491 = tpu.vector_load %arg14[%get3A_1488, %get3A_1489, %get3A_1490] {strides = array<i32>} : memref<3x80x64xf32, #tpu.memory_space<vmem>>, vector<16xf32>,
        %mul3A_1492 = arith.mulf %get3A_1491, %gather3A_1486 : vector<16xf32>
        %swap3A_1493 = arith.constant 29 : i32
        %swap3A_1494 = arith.index_cast %rem3A_56 : i32 to index
        %swap3A_1495 = arith.index_cast %swap3A_1493 : i32 to index
        %swap3A_1496 = arith.constant 0 : index
        %swap3A_1497 = tpu.vector_load %arg14[%swap3A_1494, %swap3A_1495, %swap3A_1496] {strides = array<i32>} : memref<3x80x64xf32, #tpu.memory_space<vmem>>, vector<16xf32>,
        tpu.vector_store %arg14[%swap3A_1494, %swap3A_1495, %swap3A_1496], %mul3A_1492 {strides = array<i32>} : memref<3x80x64xf32, #tpu.memory_space<vmem>>, vector<16xf32>,
        %get3A_1498 = arith.constant 29 : i32
        %get3A_1499 = arith.index_cast %rem3A_56 : i32 to index
        %get3A_1500 = arith.index_cast %get3A_1498 : i32 to index
        %get3A_1501 = arith.constant 16 : index
        %get3A_1502 = tpu.vector_load %arg14[%get3A_1499, %get3A_1500, %get3A_1501] {strides = array<i32>} : memref<3x80x64xf32, #tpu.memory_space<vmem>>, vector<16xf32>,
        %mul3A_1503 = arith.mulf %get3A_1502, %gather3A_1486 : vector<16xf32>
        %swap3A_1504 = arith.constant 29 : i32
        %swap3A_1505 = arith.index_cast %rem3A_56 : i32 to index
        %swap3A_1506 = arith.index_cast %swap3A_1504 : i32 to index
        %swap3A_1507 = arith.constant 16 : index
        %swap3A_1508 = tpu.vector_load %arg14[%swap3A_1505, %swap3A_1506, %swap3A_1507] {strides = array<i32>} : memref<3x80x64xf32, #tpu.memory_space<vmem>>, vector<16xf32>,
        tpu.vector_store %arg14[%swap3A_1505, %swap3A_1506, %swap3A_1507], %mul3A_1503 {strides = array<i32>} : memref<3x80x64xf32, #tpu.memory_space<vmem>>, vector<16xf32>,
        %get3A_1509 = arith.constant 29 : i32
        %get3A_1510 = arith.index_cast %rem3A_56 : i32 to index
        %get3A_1511 = arith.index_cast %get3A_1509 : i32 to index
        %get3A_1512 = arith.constant 32 : index
        %get3A_1513 = tpu.vector_load %arg14[%get3A_1510, %get3A_1511, %get3A_1512] {strides = array<i32>} : memref<3x80x64xf32, #tpu.memory_space<vmem>>, vector<16xf32>,
        %mul3A_1514 = arith.mulf %get3A_1513, %gather3A_1486 : vector<16xf32>
        %swap3A_1515 = arith.constant 29 : i32
        %swap3A_1516 = arith.index_cast %rem3A_56 : i32 to index
        %swap3A_1517 = arith.index_cast %swap3A_1515 : i32 to index
        %swap3A_1518 = arith.constant 32 : index
        %swap3A_1519 = tpu.vector_load %arg14[%swap3A_1516, %swap3A_1517, %swap3A_1518] {strides = array<i32>} : memref<3x80x64xf32, #tpu.memory_space<vmem>>, vector<16xf32>,
        tpu.vector_store %arg14[%swap3A_1516, %swap3A_1517, %swap3A_1518], %mul3A_1514 {strides = array<i32>} : memref<3x80x64xf32, #tpu.memory_space<vmem>>, vector<16xf32>,
        %get3A_1520 = arith.constant 29 : i32
        %get3A_1521 = arith.index_cast %rem3A_56 : i32 to index
        %get3A_1522 = arith.index_cast %get3A_1520 : i32 to index
        %get3A_1523 = arith.constant 48 : index
        %get3A_1524 = tpu.vector_load %arg14[%get3A_1521, %get3A_1522, %get3A_1523] {strides = array<i32>} : memref<3x80x64xf32, #tpu.memory_space<vmem>>, vector<16xf32>,
        %mul3A_1525 = arith.mulf %get3A_1524, %gather3A_1486 : vector<16xf32>
        %swap3A_1526 = arith.constant 29 : i32
        %swap3A_1527 = arith.index_cast %rem3A_56 : i32 to index
        %swap3A_1528 = arith.index_cast %swap3A_1526 : i32 to index
        %swap3A_1529 = arith.constant 48 : index
        %swap3A_1530 = tpu.vector_load %arg14[%swap3A_1527, %swap3A_1528, %swap3A_1529] {strides = array<i32>} : memref<3x80x64xf32, #tpu.memory_space<vmem>>, vector<16xf32>,
        tpu.vector_store %arg14[%swap3A_1527, %swap3A_1528, %swap3A_1529], %mul3A_1525 {strides = array<i32>} : memref<3x80x64xf32, #tpu.memory_space<vmem>>, vector<16xf32>,
        %broadcast_in_dim3A_1531 = arith.constant 14 : i32
        %broadcast_in_dim3A_1532 = vector.broadcast %broadcast_in_dim3A_1531 : i32 to vector<16x1xi32>
        %gather3A_1533 = vector.shape_cast %broadcast_in_dim3A_1532 : vector<16x1xi32> to vector<16xi32>
        %gather3A_1534 = tpu.dynamic_gather %get3A_858[%gather3A_1533] in [0] : vector<16xf32>, vector<16xi32> -> vector<16xf32>
        %get3A_1535 = arith.constant 30 : i32
        %get3A_1536 = arith.index_cast %rem3A_56 : i32 to index
        %get3A_1537 = arith.index_cast %get3A_1535 : i32 to index
        %get3A_1538 = arith.constant 0 : index
        %get3A_1539 = tpu.vector_load %arg14[%get3A_1536, %get3A_1537, %get3A_1538] {strides = array<i32>} : memref<3x80x64xf32, #tpu.memory_space<vmem>>, vector<16xf32>,
        %mul3A_1540 = arith.mulf %get3A_1539, %gather3A_1534 : vector<16xf32>
        %swap3A_1541 = arith.constant 30 : i32
        %swap3A_1542 = arith.index_cast %rem3A_56 : i32 to index
        %swap3A_1543 = arith.index_cast %swap3A_1541 : i32 to index
        %swap3A_1544 = arith.constant 0 : index
        %swap3A_1545 = tpu.vector_load %arg14[%swap3A_1542, %swap3A_1543, %swap3A_1544] {strides = array<i32>} : memref<3x80x64xf32, #tpu.memory_space<vmem>>, vector<16xf32>,
        tpu.vector_store %arg14[%swap3A_1542, %swap3A_1543, %swap3A_1544], %mul3A_1540 {strides = array<i32>} : memref<3x80x64xf32, #tpu.memory_space<vmem>>, vector<16xf32>,
        %get3A_1546 = arith.constant 30 : i32
        %get3A_1547 = arith.index_cast %rem3A_56 : i32 to index
        %get3A_1548 = arith.index_cast %get3A_1546 : i32 to index
        %get3A_1549 = arith.constant 16 : index
        %get3A_1550 = tpu.vector_load %arg14[%get3A_1547, %get3A_1548, %get3A_1549] {strides = array<i32>} : memref<3x80x64xf32, #tpu.memory_space<vmem>>, vector<16xf32>,
        %mul3A_1551 = arith.mulf %get3A_1550, %gather3A_1534 : vector<16xf32>
        %swap3A_1552 = arith.constant 30 : i32
        %swap3A_1553 = arith.index_cast %rem3A_56 : i32 to index
        %swap3A_1554 = arith.index_cast %swap3A_1552 : i32 to index
        %swap3A_1555 = arith.constant 16 : index
        %swap3A_1556 = tpu.vector_load %arg14[%swap3A_1553, %swap3A_1554, %swap3A_1555] {strides = array<i32>} : memref<3x80x64xf32, #tpu.memory_space<vmem>>, vector<16xf32>,
        tpu.vector_store %arg14[%swap3A_1553, %swap3A_1554, %swap3A_1555], %mul3A_1551 {strides = array<i32>} : memref<3x80x64xf32, #tpu.memory_space<vmem>>, vector<16xf32>,
        %get3A_1557 = arith.constant 30 : i32
        %get3A_1558 = arith.index_cast %rem3A_56 : i32 to index
        %get3A_1559 = arith.index_cast %get3A_1557 : i32 to index
        %get3A_1560 = arith.constant 32 : index
        %get3A_1561 = tpu.vector_load %arg14[%get3A_1558, %get3A_1559, %get3A_1560] {strides = array<i32>} : memref<3x80x64xf32, #tpu.memory_space<vmem>>, vector<16xf32>,
        %mul3A_1562 = arith.mulf %get3A_1561, %gather3A_1534 : vector<16xf32>
        %swap3A_1563 = arith.constant 30 : i32
        %swap3A_1564 = arith.index_cast %rem3A_56 : i32 to index
        %swap3A_1565 = arith.index_cast %swap3A_1563 : i32 to index
        %swap3A_1566 = arith.constant 32 : index
        %swap3A_1567 = tpu.vector_load %arg14[%swap3A_1564, %swap3A_1565, %swap3A_1566] {strides = array<i32>} : memref<3x80x64xf32, #tpu.memory_space<vmem>>, vector<16xf32>,
        tpu.vector_store %arg14[%swap3A_1564, %swap3A_1565, %swap3A_1566], %mul3A_1562 {strides = array<i32>} : memref<3x80x64xf32, #tpu.memory_space<vmem>>, vector<16xf32>,
        %get3A_1568 = arith.constant 30 : i32
        %get3A_1569 = arith.index_cast %rem3A_56 : i32 to index
        %get3A_1570 = arith.index_cast %get3A_1568 : i32 to index
        %get3A_1571 = arith.constant 48 : index
        %get3A_1572 = tpu.vector_load %arg14[%get3A_1569, %get3A_1570, %get3A_1571] {strides = array<i32>} : memref<3x80x64xf32, #tpu.memory_space<vmem>>, vector<16xf32>,
        %mul3A_1573 = arith.mulf %get3A_1572, %gather3A_1534 : vector<16xf32>
        %swap3A_1574 = arith.constant 30 : i32
        %swap3A_1575 = arith.index_cast %rem3A_56 : i32 to index
        %swap3A_1576 = arith.index_cast %swap3A_1574 : i32 to index
        %swap3A_1577 = arith.constant 48 : index
        %swap3A_1578 = tpu.vector_load %arg14[%swap3A_1575, %swap3A_1576, %swap3A_1577] {strides = array<i32>} : memref<3x80x64xf32, #tpu.memory_space<vmem>>, vector<16xf32>,
        tpu.vector_store %arg14[%swap3A_1575, %swap3A_1576, %swap3A_1577], %mul3A_1573 {strides = array<i32>} : memref<3x80x64xf32, #tpu.memory_space<vmem>>, vector<16xf32>,
        %broadcast_in_dim3A_1579 = arith.constant 15 : i32
        %broadcast_in_dim3A_1580 = vector.broadcast %broadcast_in_dim3A_1579 : i32 to vector<16x1xi32>
        %gather3A_1581 = vector.shape_cast %broadcast_in_dim3A_1580 : vector<16x1xi32> to vector<16xi32>
        %gather3A_1582 = tpu.dynamic_gather %get3A_858[%gather3A_1581] in [0] : vector<16xf32>, vector<16xi32> -> vector<16xf32>
        %get3A_1583 = arith.constant 31 : i32
        %get3A_1584 = arith.index_cast %rem3A_56 : i32 to index
        %get3A_1585 = arith.index_cast %get3A_1583 : i32 to index
        %get3A_1586 = arith.constant 0 : index
        %get3A_1587 = tpu.vector_load %arg14[%get3A_1584, %get3A_1585, %get3A_1586] {strides = array<i32>} : memref<3x80x64xf32, #tpu.memory_space<vmem>>, vector<16xf32>,
        %mul3A_1588 = arith.mulf %get3A_1587, %gather3A_1582 : vector<16xf32>
        %swap3A_1589 = arith.constant 31 : i32
        %swap3A_1590 = arith.index_cast %rem3A_56 : i32 to index
        %swap3A_1591 = arith.index_cast %swap3A_1589 : i32 to index
        %swap3A_1592 = arith.constant 0 : index
        %swap3A_1593 = tpu.vector_load %arg14[%swap3A_1590, %swap3A_1591, %swap3A_1592] {strides = array<i32>} : memref<3x80x64xf32, #tpu.memory_space<vmem>>, vector<16xf32>,
        tpu.vector_store %arg14[%swap3A_1590, %swap3A_1591, %swap3A_1592], %mul3A_1588 {strides = array<i32>} : memref<3x80x64xf32, #tpu.memory_space<vmem>>, vector<16xf32>,
        %get3A_1594 = arith.constant 31 : i32
        %get3A_1595 = arith.index_cast %rem3A_56 : i32 to index
        %get3A_1596 = arith.index_cast %get3A_1594 : i32 to index
        %get3A_1597 = arith.constant 16 : index
        %get3A_1598 = tpu.vector_load %arg14[%get3A_1595, %get3A_1596, %get3A_1597] {strides = array<i32>} : memref<3x80x64xf32, #tpu.memory_space<vmem>>, vector<16xf32>,
        %mul3A_1599 = arith.mulf %get3A_1598, %gather3A_1582 : vector<16xf32>
        %swap3A_1600 = arith.constant 31 : i32
        %swap3A_1601 = arith.index_cast %rem3A_56 : i32 to index
        %swap3A_1602 = arith.index_cast %swap3A_1600 : i32 to index
        %swap3A_1603 = arith.constant 16 : index
        %swap3A_1604 = tpu.vector_load %arg14[%swap3A_1601, %swap3A_1602, %swap3A_1603] {strides = array<i32>} : memref<3x80x64xf32, #tpu.memory_space<vmem>>, vector<16xf32>,
        tpu.vector_store %arg14[%swap3A_1601, %swap3A_1602, %swap3A_1603], %mul3A_1599 {strides = array<i32>} : memref<3x80x64xf32, #tpu.memory_space<vmem>>, vector<16xf32>,
        %get3A_1605 = arith.constant 31 : i32
        %get3A_1606 = arith.index_cast %rem3A_56 : i32 to index
        %get3A_1607 = arith.index_cast %get3A_1605 : i32 to index
        %get3A_1608 = arith.constant 32 : index
        %get3A_1609 = tpu.vector_load %arg14[%get3A_1606, %get3A_1607, %get3A_1608] {strides = array<i32>} : memref<3x80x64xf32, #tpu.memory_space<vmem>>, vector<16xf32>,
        %mul3A_1610 = arith.mulf %get3A_1609, %gather3A_1582 : vector<16xf32>
        %swap3A_1611 = arith.constant 31 : i32
        %swap3A_1612 = arith.index_cast %rem3A_56 : i32 to index
        %swap3A_1613 = arith.index_cast %swap3A_1611 : i32 to index
        %swap3A_1614 = arith.constant 32 : index
        %swap3A_1615 = tpu.vector_load %arg14[%swap3A_1612, %swap3A_1613, %swap3A_1614] {strides = array<i32>} : memref<3x80x64xf32, #tpu.memory_space<vmem>>, vector<16xf32>,
        tpu.vector_store %arg14[%swap3A_1612, %swap3A_1613, %swap3A_1614], %mul3A_1610 {strides = array<i32>} : memref<3x80x64xf32, #tpu.memory_space<vmem>>, vector<16xf32>,
        %get3A_1616 = arith.constant 31 : i32
        %get3A_1617 = arith.index_cast %rem3A_56 : i32 to index
        %get3A_1618 = arith.index_cast %get3A_1616 : i32 to index
        %get3A_1619 = arith.constant 48 : index
        %get3A_1620 = tpu.vector_load %arg14[%get3A_1617, %get3A_1618, %get3A_1619] {strides = array<i32>} : memref<3x80x64xf32, #tpu.memory_space<vmem>>, vector<16xf32>,
        %mul3A_1621 = arith.mulf %get3A_1620, %gather3A_1582 : vector<16xf32>
        %swap3A_1622 = arith.constant 31 : i32
        %swap3A_1623 = arith.index_cast %rem3A_56 : i32 to index
        %swap3A_1624 = arith.index_cast %swap3A_1622 : i32 to index
        %swap3A_1625 = arith.constant 48 : index
        %swap3A_1626 = tpu.vector_load %arg14[%swap3A_1623, %swap3A_1624, %swap3A_1625] {strides = array<i32>} : memref<3x80x64xf32, #tpu.memory_space<vmem>>, vector<16xf32>,
        tpu.vector_store %arg14[%swap3A_1623, %swap3A_1624, %swap3A_1625], %mul3A_1621 {strides = array<i32>} : memref<3x80x64xf32, #tpu.memory_space<vmem>>, vector<16xf32>,
        %get3A_1627 = arith.index_cast %add3A_54 : i32 to index
        %get3A_1628 = arith.constant 32 : index
        %get3A_1629 = tpu.vector_load %arg12[%get3A_1627, %get3A_1628] {strides = array<i32>} : memref<250x80xf32, #tpu.memory_space<vmem>>, vector<16xf32>,
        %broadcast_in_dim3A_1630 = arith.constant 0 : i32
        %broadcast_in_dim3A_1631 = vector.broadcast %broadcast_in_dim3A_1630 : i32 to vector<16x1xi32>
        %gather3A_1632 = vector.shape_cast %broadcast_in_dim3A_1631 : vector<16x1xi32> to vector<16xi32>
        %gather3A_1633 = tpu.dynamic_gather %get3A_1629[%gather3A_1632] in [0] : vector<16xf32>, vector<16xi32> -> vector<16xf32>
        %get3A_1634 = arith.constant 32 : i32
        %get3A_1635 = arith.index_cast %rem3A_56 : i32 to index
        %get3A_1636 = arith.index_cast %get3A_1634 : i32 to index
        %get3A_1637 = arith.constant 0 : index
        %get3A_1638 = tpu.vector_load %arg14[%get3A_1635, %get3A_1636, %get3A_1637] {strides = array<i32>} : memref<3x80x64xf32, #tpu.memory_space<vmem>>, vector<16xf32>,
        %mul3A_1639 = arith.mulf %get3A_1638, %gather3A_1633 : vector<16xf32>
        %swap3A_1640 = arith.constant 32 : i32
        %swap3A_1641 = arith.index_cast %rem3A_56 : i32 to index
        %swap3A_1642 = arith.index_cast %swap3A_1640 : i32 to index
        %swap3A_1643 = arith.constant 0 : index
        %swap3A_1644 = tpu.vector_load %arg14[%swap3A_1641, %swap3A_1642, %swap3A_1643] {strides = array<i32>} : memref<3x80x64xf32, #tpu.memory_space<vmem>>, vector<16xf32>,
        tpu.vector_store %arg14[%swap3A_1641, %swap3A_1642, %swap3A_1643], %mul3A_1639 {strides = array<i32>} : memref<3x80x64xf32, #tpu.memory_space<vmem>>, vector<16xf32>,
        %get3A_1645 = arith.constant 32 : i32
        %get3A_1646 = arith.index_cast %rem3A_56 : i32 to index
        %get3A_1647 = arith.index_cast %get3A_1645 : i32 to index
        %get3A_1648 = arith.constant 16 : index
        %get3A_1649 = tpu.vector_load %arg14[%get3A_1646, %get3A_1647, %get3A_1648] {strides = array<i32>} : memref<3x80x64xf32, #tpu.memory_space<vmem>>, vector<16xf32>,
        %mul3A_1650 = arith.mulf %get3A_1649, %gather3A_1633 : vector<16xf32>
        %swap3A_1651 = arith.constant 32 : i32
        %swap3A_1652 = arith.index_cast %rem3A_56 : i32 to index
        %swap3A_1653 = arith.index_cast %swap3A_1651 : i32 to index
        %swap3A_1654 = arith.constant 16 : index
        %swap3A_1655 = tpu.vector_load %arg14[%swap3A_1652, %swap3A_1653, %swap3A_1654] {strides = array<i32>} : memref<3x80x64xf32, #tpu.memory_space<vmem>>, vector<16xf32>,
        tpu.vector_store %arg14[%swap3A_1652, %swap3A_1653, %swap3A_1654], %mul3A_1650 {strides = array<i32>} : memref<3x80x64xf32, #tpu.memory_space<vmem>>, vector<16xf32>,
        %get3A_1656 = arith.constant 32 : i32
        %get3A_1657 = arith.index_cast %rem3A_56 : i32 to index
        %get3A_1658 = arith.index_cast %get3A_1656 : i32 to index
        %get3A_1659 = arith.constant 32 : index
        %get3A_1660 = tpu.vector_load %arg14[%get3A_1657, %get3A_1658, %get3A_1659] {strides = array<i32>} : memref<3x80x64xf32, #tpu.memory_space<vmem>>, vector<16xf32>,
        %mul3A_1661 = arith.mulf %get3A_1660, %gather3A_1633 : vector<16xf32>
        %swap3A_1662 = arith.constant 32 : i32
        %swap3A_1663 = arith.index_cast %rem3A_56 : i32 to index
        %swap3A_1664 = arith.index_cast %swap3A_1662 : i32 to index
        %swap3A_1665 = arith.constant 32 : index
        %swap3A_1666 = tpu.vector_load %arg14[%swap3A_1663, %swap3A_1664, %swap3A_1665] {strides = array<i32>} : memref<3x80x64xf32, #tpu.memory_space<vmem>>, vector<16xf32>,
        tpu.vector_store %arg14[%swap3A_1663, %swap3A_1664, %swap3A_1665], %mul3A_1661 {strides = array<i32>} : memref<3x80x64xf32, #tpu.memory_space<vmem>>, vector<16xf32>,
        %get3A_1667 = arith.constant 32 : i32
        %get3A_1668 = arith.index_cast %rem3A_56 : i32 to index
        %get3A_1669 = arith.index_cast %get3A_1667 : i32 to index
        %get3A_1670 = arith.constant 48 : index
        %get3A_1671 = tpu.vector_load %arg14[%get3A_1668, %get3A_1669, %get3A_1670] {strides = array<i32>} : memref<3x80x64xf32, #tpu.memory_space<vmem>>, vector<16xf32>,
        %mul3A_1672 = arith.mulf %get3A_1671, %gather3A_1633 : vector<16xf32>
        %swap3A_1673 = arith.constant 32 : i32
        %swap3A_1674 = arith.index_cast %rem3A_56 : i32 to index
        %swap3A_1675 = arith.index_cast %swap3A_1673 : i32 to index
        %swap3A_1676 = arith.constant 48 : index
        %swap3A_1677 = tpu.vector_load %arg14[%swap3A_1674, %swap3A_1675, %swap3A_1676] {strides = array<i32>} : memref<3x80x64xf32, #tpu.memory_space<vmem>>, vector<16xf32>,
        tpu.vector_store %arg14[%swap3A_1674, %swap3A_1675, %swap3A_1676], %mul3A_1672 {strides = array<i32>} : memref<3x80x64xf32, #tpu.memory_space<vmem>>, vector<16xf32>,
        %broadcast_in_dim3A_1678 = arith.constant 1 : i32
        %broadcast_in_dim3A_1679 = vector.broadcast %broadcast_in_dim3A_1678 : i32 to vector<16x1xi32>
        %gather3A_1680 = vector.shape_cast %broadcast_in_dim3A_1679 : vector<16x1xi32> to vector<16xi32>
        %gather3A_1681 = tpu.dynamic_gather %get3A_1629[%gather3A_1680] in [0] : vector<16xf32>, vector<16xi32> -> vector<16xf32>
        %get3A_1682 = arith.constant 33 : i32
        %get3A_1683 = arith.index_cast %rem3A_56 : i32 to index
        %get3A_1684 = arith.index_cast %get3A_1682 : i32 to index
        %get3A_1685 = arith.constant 0 : index
        %get3A_1686 = tpu.vector_load %arg14[%get3A_1683, %get3A_1684, %get3A_1685] {strides = array<i32>} : memref<3x80x64xf32, #tpu.memory_space<vmem>>, vector<16xf32>,
        %mul3A_1687 = arith.mulf %get3A_1686, %gather3A_1681 : vector<16xf32>
        %swap3A_1688 = arith.constant 33 : i32
        %swap3A_1689 = arith.index_cast %rem3A_56 : i32 to index
        %swap3A_1690 = arith.index_cast %swap3A_1688 : i32 to index
        %swap3A_1691 = arith.constant 0 : index
        %swap3A_1692 = tpu.vector_load %arg14[%swap3A_1689, %swap3A_1690, %swap3A_1691] {strides = array<i32>} : memref<3x80x64xf32, #tpu.memory_space<vmem>>, vector<16xf32>,
        tpu.vector_store %arg14[%swap3A_1689, %swap3A_1690, %swap3A_1691], %mul3A_1687 {strides = array<i32>} : memref<3x80x64xf32, #tpu.memory_space<vmem>>, vector<16xf32>,
        %get3A_1693 = arith.constant 33 : i32
        %get3A_1694 = arith.index_cast %rem3A_56 : i32 to index
        %get3A_1695 = arith.index_cast %get3A_1693 : i32 to index
        %get3A_1696 = arith.constant 16 : index
        %get3A_1697 = tpu.vector_load %arg14[%get3A_1694, %get3A_1695, %get3A_1696] {strides = array<i32>} : memref<3x80x64xf32, #tpu.memory_space<vmem>>, vector<16xf32>,
        %mul3A_1698 = arith.mulf %get3A_1697, %gather3A_1681 : vector<16xf32>
        %swap3A_1699 = arith.constant 33 : i32
        %swap3A_1700 = arith.index_cast %rem3A_56 : i32 to index
        %swap3A_1701 = arith.index_cast %swap3A_1699 : i32 to index
        %swap3A_1702 = arith.constant 16 : index
        %swap3A_1703 = tpu.vector_load %arg14[%swap3A_1700, %swap3A_1701, %swap3A_1702] {strides = array<i32>} : memref<3x80x64xf32, #tpu.memory_space<vmem>>, vector<16xf32>,
        tpu.vector_store %arg14[%swap3A_1700, %swap3A_1701, %swap3A_1702], %mul3A_1698 {strides = array<i32>} : memref<3x80x64xf32, #tpu.memory_space<vmem>>, vector<16xf32>,
        %get3A_1704 = arith.constant 33 : i32
        %get3A_1705 = arith.index_cast %rem3A_56 : i32 to index
        %get3A_1706 = arith.index_cast %get3A_1704 : i32 to index
        %get3A_1707 = arith.constant 32 : index
        %get3A_1708 = tpu.vector_load %arg14[%get3A_1705, %get3A_1706, %get3A_1707] {strides = array<i32>} : memref<3x80x64xf32, #tpu.memory_space<vmem>>, vector<16xf32>,
        %mul3A_1709 = arith.mulf %get3A_1708, %gather3A_1681 : vector<16xf32>
        %swap3A_1710 = arith.constant 33 : i32
        %swap3A_1711 = arith.index_cast %rem3A_56 : i32 to index
        %swap3A_1712 = arith.index_cast %swap3A_1710 : i32 to index
        %swap3A_1713 = arith.constant 32 : index
        %swap3A_1714 = tpu.vector_load %arg14[%swap3A_1711, %swap3A_1712, %swap3A_1713] {strides = array<i32>} : memref<3x80x64xf32, #tpu.memory_space<vmem>>, vector<16xf32>,
        tpu.vector_store %arg14[%swap3A_1711, %swap3A_1712, %swap3A_1713], %mul3A_1709 {strides = array<i32>} : memref<3x80x64xf32, #tpu.memory_space<vmem>>, vector<16xf32>,
        %get3A_1715 = arith.constant 33 : i32
        %get3A_1716 = arith.index_cast %rem3A_56 : i32 to index
        %get3A_1717 = arith.index_cast %get3A_1715 : i32 to index
        %get3A_1718 = arith.constant 48 : index
        %get3A_1719 = tpu.vector_load %arg14[%get3A_1716, %get3A_1717, %get3A_1718] {strides = array<i32>} : memref<3x80x64xf32, #tpu.memory_space<vmem>>, vector<16xf32>,
        %mul3A_1720 = arith.mulf %get3A_1719, %gather3A_1681 : vector<16xf32>
        %swap3A_1721 = arith.constant 33 : i32
        %swap3A_1722 = arith.index_cast %rem3A_56 : i32 to index
        %swap3A_1723 = arith.index_cast %swap3A_1721 : i32 to index
        %swap3A_1724 = arith.constant 48 : index
        %swap3A_1725 = tpu.vector_load %arg14[%swap3A_1722, %swap3A_1723, %swap3A_1724] {strides = array<i32>} : memref<3x80x64xf32, #tpu.memory_space<vmem>>, vector<16xf32>,
        tpu.vector_store %arg14[%swap3A_1722, %swap3A_1723, %swap3A_1724], %mul3A_1720 {strides = array<i32>} : memref<3x80x64xf32, #tpu.memory_space<vmem>>, vector<16xf32>,
        %broadcast_in_dim3A_1726 = arith.constant 2 : i32
        %broadcast_in_dim3A_1727 = vector.broadcast %broadcast_in_dim3A_1726 : i32 to vector<16x1xi32>
        %gather3A_1728 = vector.shape_cast %broadcast_in_dim3A_1727 : vector<16x1xi32> to vector<16xi32>
        %gather3A_1729 = tpu.dynamic_gather %get3A_1629[%gather3A_1728] in [0] : vector<16xf32>, vector<16xi32> -> vector<16xf32>
        %get3A_1730 = arith.constant 34 : i32
        %get3A_1731 = arith.index_cast %rem3A_56 : i32 to index
        %get3A_1732 = arith.index_cast %get3A_1730 : i32 to index
        %get3A_1733 = arith.constant 0 : index
        %get3A_1734 = tpu.vector_load %arg14[%get3A_1731, %get3A_1732, %get3A_1733] {strides = array<i32>} : memref<3x80x64xf32, #tpu.memory_space<vmem>>, vector<16xf32>,
        %mul3A_1735 = arith.mulf %get3A_1734, %gather3A_1729 : vector<16xf32>
        %swap3A_1736 = arith.constant 34 : i32
        %swap3A_1737 = arith.index_cast %rem3A_56 : i32 to index
        %swap3A_1738 = arith.index_cast %swap3A_1736 : i32 to index
        %swap3A_1739 = arith.constant 0 : index
        %swap3A_1740 = tpu.vector_load %arg14[%swap3A_1737, %swap3A_1738, %swap3A_1739] {strides = array<i32>} : memref<3x80x64xf32, #tpu.memory_space<vmem>>, vector<16xf32>,
        tpu.vector_store %arg14[%swap3A_1737, %swap3A_1738, %swap3A_1739], %mul3A_1735 {strides = array<i32>} : memref<3x80x64xf32, #tpu.memory_space<vmem>>, vector<16xf32>,
        %get3A_1741 = arith.constant 34 : i32
        %get3A_1742 = arith.index_cast %rem3A_56 : i32 to index
        %get3A_1743 = arith.index_cast %get3A_1741 : i32 to index
        %get3A_1744 = arith.constant 16 : index
        %get3A_1745 = tpu.vector_load %arg14[%get3A_1742, %get3A_1743, %get3A_1744] {strides = array<i32>} : memref<3x80x64xf32, #tpu.memory_space<vmem>>, vector<16xf32>,
        %mul3A_1746 = arith.mulf %get3A_1745, %gather3A_1729 : vector<16xf32>
        %swap3A_1747 = arith.constant 34 : i32
        %swap3A_1748 = arith.index_cast %rem3A_56 : i32 to index
        %swap3A_1749 = arith.index_cast %swap3A_1747 : i32 to index
        %swap3A_1750 = arith.constant 16 : index
        %swap3A_1751 = tpu.vector_load %arg14[%swap3A_1748, %swap3A_1749, %swap3A_1750] {strides = array<i32>} : memref<3x80x64xf32, #tpu.memory_space<vmem>>, vector<16xf32>,
        tpu.vector_store %arg14[%swap3A_1748, %swap3A_1749, %swap3A_1750], %mul3A_1746 {strides = array<i32>} : memref<3x80x64xf32, #tpu.memory_space<vmem>>, vector<16xf32>,
        %get3A_1752 = arith.constant 34 : i32
        %get3A_1753 = arith.index_cast %rem3A_56 : i32 to index
        %get3A_1754 = arith.index_cast %get3A_1752 : i32 to index
        %get3A_1755 = arith.constant 32 : index
        %get3A_1756 = tpu.vector_load %arg14[%get3A_1753, %get3A_1754, %get3A_1755] {strides = array<i32>} : memref<3x80x64xf32, #tpu.memory_space<vmem>>, vector<16xf32>,
        %mul3A_1757 = arith.mulf %get3A_1756, %gather3A_1729 : vector<16xf32>
        %swap3A_1758 = arith.constant 34 : i32
        %swap3A_1759 = arith.index_cast %rem3A_56 : i32 to index
        %swap3A_1760 = arith.index_cast %swap3A_1758 : i32 to index
        %swap3A_1761 = arith.constant 32 : index
        %swap3A_1762 = tpu.vector_load %arg14[%swap3A_1759, %swap3A_1760, %swap3A_1761] {strides = array<i32>} : memref<3x80x64xf32, #tpu.memory_space<vmem>>, vector<16xf32>,
        tpu.vector_store %arg14[%swap3A_1759, %swap3A_1760, %swap3A_1761], %mul3A_1757 {strides = array<i32>} : memref<3x80x64xf32, #tpu.memory_space<vmem>>, vector<16xf32>,
        %get3A_1763 = arith.constant 34 : i32
        %get3A_1764 = arith.index_cast %rem3A_56 : i32 to index
        %get3A_1765 = arith.index_cast %get3A_1763 : i32 to index
        %get3A_1766 = arith.constant 48 : index
        %get3A_1767 = tpu.vector_load %arg14[%get3A_1764, %get3A_1765, %get3A_1766] {strides = array<i32>} : memref<3x80x64xf32, #tpu.memory_space<vmem>>, vector<16xf32>,
        %mul3A_1768 = arith.mulf %get3A_1767, %gather3A_1729 : vector<16xf32>
        %swap3A_1769 = arith.constant 34 : i32
        %swap3A_1770 = arith.index_cast %rem3A_56 : i32 to index
        %swap3A_1771 = arith.index_cast %swap3A_1769 : i32 to index
        %swap3A_1772 = arith.constant 48 : index
        %swap3A_1773 = tpu.vector_load %arg14[%swap3A_1770, %swap3A_1771, %swap3A_1772] {strides = array<i32>} : memref<3x80x64xf32, #tpu.memory_space<vmem>>, vector<16xf32>,
        tpu.vector_store %arg14[%swap3A_1770, %swap3A_1771, %swap3A_1772], %mul3A_1768 {strides = array<i32>} : memref<3x80x64xf32, #tpu.memory_space<vmem>>, vector<16xf32>,
        %broadcast_in_dim3A_1774 = arith.constant 3 : i32
        %broadcast_in_dim3A_1775 = vector.broadcast %broadcast_in_dim3A_1774 : i32 to vector<16x1xi32>
        %gather3A_1776 = vector.shape_cast %broadcast_in_dim3A_1775 : vector<16x1xi32> to vector<16xi32>
        %gather3A_1777 = tpu.dynamic_gather %get3A_1629[%gather3A_1776] in [0] : vector<16xf32>, vector<16xi32> -> vector<16xf32>
        %get3A_1778 = arith.constant 35 : i32
        %get3A_1779 = arith.index_cast %rem3A_56 : i32 to index
        %get3A_1780 = arith.index_cast %get3A_1778 : i32 to index
        %get3A_1781 = arith.constant 0 : index
        %get3A_1782 = tpu.vector_load %arg14[%get3A_1779, %get3A_1780, %get3A_1781] {strides = array<i32>} : memref<3x80x64xf32, #tpu.memory_space<vmem>>, vector<16xf32>,
        %mul3A_1783 = arith.mulf %get3A_1782, %gather3A_1777 : vector<16xf32>
        %swap3A_1784 = arith.constant 35 : i32
        %swap3A_1785 = arith.index_cast %rem3A_56 : i32 to index
        %swap3A_1786 = arith.index_cast %swap3A_1784 : i32 to index
        %swap3A_1787 = arith.constant 0 : index
        %swap3A_1788 = tpu.vector_load %arg14[%swap3A_1785, %swap3A_1786, %swap3A_1787] {strides = array<i32>} : memref<3x80x64xf32, #tpu.memory_space<vmem>>, vector<16xf32>,
        tpu.vector_store %arg14[%swap3A_1785, %swap3A_1786, %swap3A_1787], %mul3A_1783 {strides = array<i32>} : memref<3x80x64xf32, #tpu.memory_space<vmem>>, vector<16xf32>,
        %get3A_1789 = arith.constant 35 : i32
        %get3A_1790 = arith.index_cast %rem3A_56 : i32 to index
        %get3A_1791 = arith.index_cast %get3A_1789 : i32 to index
        %get3A_1792 = arith.constant 16 : index
        %get3A_1793 = tpu.vector_load %arg14[%get3A_1790, %get3A_1791, %get3A_1792] {strides = array<i32>} : memref<3x80x64xf32, #tpu.memory_space<vmem>>, vector<16xf32>,
        %mul3A_1794 = arith.mulf %get3A_1793, %gather3A_1777 : vector<16xf32>
        %swap3A_1795 = arith.constant 35 : i32
        %swap3A_1796 = arith.index_cast %rem3A_56 : i32 to index
        %swap3A_1797 = arith.index_cast %swap3A_1795 : i32 to index
        %swap3A_1798 = arith.constant 16 : index
        %swap3A_1799 = tpu.vector_load %arg14[%swap3A_1796, %swap3A_1797, %swap3A_1798] {strides = array<i32>} : memref<3x80x64xf32, #tpu.memory_space<vmem>>, vector<16xf32>,
        tpu.vector_store %arg14[%swap3A_1796, %swap3A_1797, %swap3A_1798], %mul3A_1794 {strides = array<i32>} : memref<3x80x64xf32, #tpu.memory_space<vmem>>, vector<16xf32>,
        %get3A_1800 = arith.constant 35 : i32
        %get3A_1801 = arith.index_cast %rem3A_56 : i32 to index
        %get3A_1802 = arith.index_cast %get3A_1800 : i32 to index
        %get3A_1803 = arith.constant 32 : index
        %get3A_1804 = tpu.vector_load %arg14[%get3A_1801, %get3A_1802, %get3A_1803] {strides = array<i32>} : memref<3x80x64xf32, #tpu.memory_space<vmem>>, vector<16xf32>,
        %mul3A_1805 = arith.mulf %get3A_1804, %gather3A_1777 : vector<16xf32>
        %swap3A_1806 = arith.constant 35 : i32
        %swap3A_1807 = arith.index_cast %rem3A_56 : i32 to index
        %swap3A_1808 = arith.index_cast %swap3A_1806 : i32 to index
        %swap3A_1809 = arith.constant 32 : index
        %swap3A_1810 = tpu.vector_load %arg14[%swap3A_1807, %swap3A_1808, %swap3A_1809] {strides = array<i32>} : memref<3x80x64xf32, #tpu.memory_space<vmem>>, vector<16xf32>,
        tpu.vector_store %arg14[%swap3A_1807, %swap3A_1808, %swap3A_1809], %mul3A_1805 {strides = array<i32>} : memref<3x80x64xf32, #tpu.memory_space<vmem>>, vector<16xf32>,
        %get3A_1811 = arith.constant 35 : i32
        %get3A_1812 = arith.index_cast %rem3A_56 : i32 to index
        %get3A_1813 = arith.index_cast %get3A_1811 : i32 to index
        %get3A_1814 = arith.constant 48 : index
        %get3A_1815 = tpu.vector_load %arg14[%get3A_1812, %get3A_1813, %get3A_1814] {strides = array<i32>} : memref<3x80x64xf32, #tpu.memory_space<vmem>>, vector<16xf32>,
        %mul3A_1816 = arith.mulf %get3A_1815, %gather3A_1777 : vector<16xf32>
        %swap3A_1817 = arith.constant 35 : i32
        %swap3A_1818 = arith.index_cast %rem3A_56 : i32 to index
        %swap3A_1819 = arith.index_cast %swap3A_1817 : i32 to index
        %swap3A_1820 = arith.constant 48 : index
        %swap3A_1821 = tpu.vector_load %arg14[%swap3A_1818, %swap3A_1819, %swap3A_1820] {strides = array<i32>} : memref<3x80x64xf32, #tpu.memory_space<vmem>>, vector<16xf32>,
        tpu.vector_store %arg14[%swap3A_1818, %swap3A_1819, %swap3A_1820], %mul3A_1816 {strides = array<i32>} : memref<3x80x64xf32, #tpu.memory_space<vmem>>, vector<16xf32>,
        %broadcast_in_dim3A_1822 = arith.constant 4 : i32
        %broadcast_in_dim3A_1823 = vector.broadcast %broadcast_in_dim3A_1822 : i32 to vector<16x1xi32>
        %gather3A_1824 = vector.shape_cast %broadcast_in_dim3A_1823 : vector<16x1xi32> to vector<16xi32>
        %gather3A_1825 = tpu.dynamic_gather %get3A_1629[%gather3A_1824] in [0] : vector<16xf32>, vector<16xi32> -> vector<16xf32>
        %get3A_1826 = arith.constant 36 : i32
        %get3A_1827 = arith.index_cast %rem3A_56 : i32 to index
        %get3A_1828 = arith.index_cast %get3A_1826 : i32 to index
        %get3A_1829 = arith.constant 0 : index
        %get3A_1830 = tpu.vector_load %arg14[%get3A_1827, %get3A_1828, %get3A_1829] {strides = array<i32>} : memref<3x80x64xf32, #tpu.memory_space<vmem>>, vector<16xf32>,
        %mul3A_1831 = arith.mulf %get3A_1830, %gather3A_1825 : vector<16xf32>
        %swap3A_1832 = arith.constant 36 : i32
        %swap3A_1833 = arith.index_cast %rem3A_56 : i32 to index
        %swap3A_1834 = arith.index_cast %swap3A_1832 : i32 to index
        %swap3A_1835 = arith.constant 0 : index
        %swap3A_1836 = tpu.vector_load %arg14[%swap3A_1833, %swap3A_1834, %swap3A_1835] {strides = array<i32>} : memref<3x80x64xf32, #tpu.memory_space<vmem>>, vector<16xf32>,
        tpu.vector_store %arg14[%swap3A_1833, %swap3A_1834, %swap3A_1835], %mul3A_1831 {strides = array<i32>} : memref<3x80x64xf32, #tpu.memory_space<vmem>>, vector<16xf32>,
        %get3A_1837 = arith.constant 36 : i32
        %get3A_1838 = arith.index_cast %rem3A_56 : i32 to index
        %get3A_1839 = arith.index_cast %get3A_1837 : i32 to index
        %get3A_1840 = arith.constant 16 : index
        %get3A_1841 = tpu.vector_load %arg14[%get3A_1838, %get3A_1839, %get3A_1840] {strides = array<i32>} : memref<3x80x64xf32, #tpu.memory_space<vmem>>, vector<16xf32>,
        %mul3A_1842 = arith.mulf %get3A_1841, %gather3A_1825 : vector<16xf32>
        %swap3A_1843 = arith.constant 36 : i32
        %swap3A_1844 = arith.index_cast %rem3A_56 : i32 to index
        %swap3A_1845 = arith.index_cast %swap3A_1843 : i32 to index
        %swap3A_1846 = arith.constant 16 : index
        %swap3A_1847 = tpu.vector_load %arg14[%swap3A_1844, %swap3A_1845, %swap3A_1846] {strides = array<i32>} : memref<3x80x64xf32, #tpu.memory_space<vmem>>, vector<16xf32>,
        tpu.vector_store %arg14[%swap3A_1844, %swap3A_1845, %swap3A_1846], %mul3A_1842 {strides = array<i32>} : memref<3x80x64xf32, #tpu.memory_space<vmem>>, vector<16xf32>,
        %get3A_1848 = arith.constant 36 : i32
        %get3A_1849 = arith.index_cast %rem3A_56 : i32 to index
        %get3A_1850 = arith.index_cast %get3A_1848 : i32 to index
        %get3A_1851 = arith.constant 32 : index
        %get3A_1852 = tpu.vector_load %arg14[%get3A_1849, %get3A_1850, %get3A_1851] {strides = array<i32>} : memref<3x80x64xf32, #tpu.memory_space<vmem>>, vector<16xf32>,
        %mul3A_1853 = arith.mulf %get3A_1852, %gather3A_1825 : vector<16xf32>
        %swap3A_1854 = arith.constant 36 : i32
        %swap3A_1855 = arith.index_cast %rem3A_56 : i32 to index
        %swap3A_1856 = arith.index_cast %swap3A_1854 : i32 to index
        %swap3A_1857 = arith.constant 32 : index
        %swap3A_1858 = tpu.vector_load %arg14[%swap3A_1855, %swap3A_1856, %swap3A_1857] {strides = array<i32>} : memref<3x80x64xf32, #tpu.memory_space<vmem>>, vector<16xf32>,
        tpu.vector_store %arg14[%swap3A_1855, %swap3A_1856, %swap3A_1857], %mul3A_1853 {strides = array<i32>} : memref<3x80x64xf32, #tpu.memory_space<vmem>>, vector<16xf32>,
        %get3A_1859 = arith.constant 36 : i32
        %get3A_1860 = arith.index_cast %rem3A_56 : i32 to index
        %get3A_1861 = arith.index_cast %get3A_1859 : i32 to index
        %get3A_1862 = arith.constant 48 : index
        %get3A_1863 = tpu.vector_load %arg14[%get3A_1860, %get3A_1861, %get3A_1862] {strides = array<i32>} : memref<3x80x64xf32, #tpu.memory_space<vmem>>, vector<16xf32>,
        %mul3A_1864 = arith.mulf %get3A_1863, %gather3A_1825 : vector<16xf32>
        %swap3A_1865 = arith.constant 36 : i32
        %swap3A_1866 = arith.index_cast %rem3A_56 : i32 to index
        %swap3A_1867 = arith.index_cast %swap3A_1865 : i32 to index
        %swap3A_1868 = arith.constant 48 : index
        %swap3A_1869 = tpu.vector_load %arg14[%swap3A_1866, %swap3A_1867, %swap3A_1868] {strides = array<i32>} : memref<3x80x64xf32, #tpu.memory_space<vmem>>, vector<16xf32>,
        tpu.vector_store %arg14[%swap3A_1866, %swap3A_1867, %swap3A_1868], %mul3A_1864 {strides = array<i32>} : memref<3x80x64xf32, #tpu.memory_space<vmem>>, vector<16xf32>,
        %broadcast_in_dim3A_1870 = arith.constant 5 : i32
        %broadcast_in_dim3A_1871 = vector.broadcast %broadcast_in_dim3A_1870 : i32 to vector<16x1xi32>
        %gather3A_1872 = vector.shape_cast %broadcast_in_dim3A_1871 : vector<16x1xi32> to vector<16xi32>
        %gather3A_1873 = tpu.dynamic_gather %get3A_1629[%gather3A_1872] in [0] : vector<16xf32>, vector<16xi32> -> vector<16xf32>
        %get3A_1874 = arith.constant 37 : i32
        %get3A_1875 = arith.index_cast %rem3A_56 : i32 to index
        %get3A_1876 = arith.index_cast %get3A_1874 : i32 to index
        %get3A_1877 = arith.constant 0 : index
        %get3A_1878 = tpu.vector_load %arg14[%get3A_1875, %get3A_1876, %get3A_1877] {strides = array<i32>} : memref<3x80x64xf32, #tpu.memory_space<vmem>>, vector<16xf32>,
        %mul3A_1879 = arith.mulf %get3A_1878, %gather3A_1873 : vector<16xf32>
        %swap3A_1880 = arith.constant 37 : i32
        %swap3A_1881 = arith.index_cast %rem3A_56 : i32 to index
        %swap3A_1882 = arith.index_cast %swap3A_1880 : i32 to index
        %swap3A_1883 = arith.constant 0 : index
        %swap3A_1884 = tpu.vector_load %arg14[%swap3A_1881, %swap3A_1882, %swap3A_1883] {strides = array<i32>} : memref<3x80x64xf32, #tpu.memory_space<vmem>>, vector<16xf32>,
        tpu.vector_store %arg14[%swap3A_1881, %swap3A_1882, %swap3A_1883], %mul3A_1879 {strides = array<i32>} : memref<3x80x64xf32, #tpu.memory_space<vmem>>, vector<16xf32>,
        %get3A_1885 = arith.constant 37 : i32
        %get3A_1886 = arith.index_cast %rem3A_56 : i32 to index
        %get3A_1887 = arith.index_cast %get3A_1885 : i32 to index
        %get3A_1888 = arith.constant 16 : index
        %get3A_1889 = tpu.vector_load %arg14[%get3A_1886, %get3A_1887, %get3A_1888] {strides = array<i32>} : memref<3x80x64xf32, #tpu.memory_space<vmem>>, vector<16xf32>,
        %mul3A_1890 = arith.mulf %get3A_1889, %gather3A_1873 : vector<16xf32>
        %swap3A_1891 = arith.constant 37 : i32
        %swap3A_1892 = arith.index_cast %rem3A_56 : i32 to index
        %swap3A_1893 = arith.index_cast %swap3A_1891 : i32 to index
        %swap3A_1894 = arith.constant 16 : index
        %swap3A_1895 = tpu.vector_load %arg14[%swap3A_1892, %swap3A_1893, %swap3A_1894] {strides = array<i32>} : memref<3x80x64xf32, #tpu.memory_space<vmem>>, vector<16xf32>,
        tpu.vector_store %arg14[%swap3A_1892, %swap3A_1893, %swap3A_1894], %mul3A_1890 {strides = array<i32>} : memref<3x80x64xf32, #tpu.memory_space<vmem>>, vector<16xf32>,
        %get3A_1896 = arith.constant 37 : i32
        %get3A_1897 = arith.index_cast %rem3A_56 : i32 to index
        %get3A_1898 = arith.index_cast %get3A_1896 : i32 to index
        %get3A_1899 = arith.constant 32 : index
        %get3A_1900 = tpu.vector_load %arg14[%get3A_1897, %get3A_1898, %get3A_1899] {strides = array<i32>} : memref<3x80x64xf32, #tpu.memory_space<vmem>>, vector<16xf32>,
        %mul3A_1901 = arith.mulf %get3A_1900, %gather3A_1873 : vector<16xf32>
        %swap3A_1902 = arith.constant 37 : i32
        %swap3A_1903 = arith.index_cast %rem3A_56 : i32 to index
        %swap3A_1904 = arith.index_cast %swap3A_1902 : i32 to index
        %swap3A_1905 = arith.constant 32 : index
        %swap3A_1906 = tpu.vector_load %arg14[%swap3A_1903, %swap3A_1904, %swap3A_1905] {strides = array<i32>} : memref<3x80x64xf32, #tpu.memory_space<vmem>>, vector<16xf32>,
        tpu.vector_store %arg14[%swap3A_1903, %swap3A_1904, %swap3A_1905], %mul3A_1901 {strides = array<i32>} : memref<3x80x64xf32, #tpu.memory_space<vmem>>, vector<16xf32>,
        %get3A_1907 = arith.constant 37 : i32
        %get3A_1908 = arith.index_cast %rem3A_56 : i32 to index
        %get3A_1909 = arith.index_cast %get3A_1907 : i32 to index
        %get3A_1910 = arith.constant 48 : index
        %get3A_1911 = tpu.vector_load %arg14[%get3A_1908, %get3A_1909, %get3A_1910] {strides = array<i32>} : memref<3x80x64xf32, #tpu.memory_space<vmem>>, vector<16xf32>,
        %mul3A_1912 = arith.mulf %get3A_1911, %gather3A_1873 : vector<16xf32>
        %swap3A_1913 = arith.constant 37 : i32
        %swap3A_1914 = arith.index_cast %rem3A_56 : i32 to index
        %swap3A_1915 = arith.index_cast %swap3A_1913 : i32 to index
        %swap3A_1916 = arith.constant 48 : index
        %swap3A_1917 = tpu.vector_load %arg14[%swap3A_1914, %swap3A_1915, %swap3A_1916] {strides = array<i32>} : memref<3x80x64xf32, #tpu.memory_space<vmem>>, vector<16xf32>,
        tpu.vector_store %arg14[%swap3A_1914, %swap3A_1915, %swap3A_1916], %mul3A_1912 {strides = array<i32>} : memref<3x80x64xf32, #tpu.memory_space<vmem>>, vector<16xf32>,
        %broadcast_in_dim3A_1918 = arith.constant 6 : i32
        %broadcast_in_dim3A_1919 = vector.broadcast %broadcast_in_dim3A_1918 : i32 to vector<16x1xi32>
        %gather3A_1920 = vector.shape_cast %broadcast_in_dim3A_1919 : vector<16x1xi32> to vector<16xi32>
        %gather3A_1921 = tpu.dynamic_gather %get3A_1629[%gather3A_1920] in [0] : vector<16xf32>, vector<16xi32> -> vector<16xf32>
        %get3A_1922 = arith.constant 38 : i32
        %get3A_1923 = arith.index_cast %rem3A_56 : i32 to index
        %get3A_1924 = arith.index_cast %get3A_1922 : i32 to index
        %get3A_1925 = arith.constant 0 : index
        %get3A_1926 = tpu.vector_load %arg14[%get3A_1923, %get3A_1924, %get3A_1925] {strides = array<i32>} : memref<3x80x64xf32, #tpu.memory_space<vmem>>, vector<16xf32>,
        %mul3A_1927 = arith.mulf %get3A_1926, %gather3A_1921 : vector<16xf32>
        %swap3A_1928 = arith.constant 38 : i32
        %swap3A_1929 = arith.index_cast %rem3A_56 : i32 to index
        %swap3A_1930 = arith.index_cast %swap3A_1928 : i32 to index
        %swap3A_1931 = arith.constant 0 : index
        %swap3A_1932 = tpu.vector_load %arg14[%swap3A_1929, %swap3A_1930, %swap3A_1931] {strides = array<i32>} : memref<3x80x64xf32, #tpu.memory_space<vmem>>, vector<16xf32>,
        tpu.vector_store %arg14[%swap3A_1929, %swap3A_1930, %swap3A_1931], %mul3A_1927 {strides = array<i32>} : memref<3x80x64xf32, #tpu.memory_space<vmem>>, vector<16xf32>,
        %get3A_1933 = arith.constant 38 : i32
        %get3A_1934 = arith.index_cast %rem3A_56 : i32 to index
        %get3A_1935 = arith.index_cast %get3A_1933 : i32 to index
        %get3A_1936 = arith.constant 16 : index
        %get3A_1937 = tpu.vector_load %arg14[%get3A_1934, %get3A_1935, %get3A_1936] {strides = array<i32>} : memref<3x80x64xf32, #tpu.memory_space<vmem>>, vector<16xf32>,
        %mul3A_1938 = arith.mulf %get3A_1937, %gather3A_1921 : vector<16xf32>
        %swap3A_1939 = arith.constant 38 : i32
        %swap3A_1940 = arith.index_cast %rem3A_56 : i32 to index
        %swap3A_1941 = arith.index_cast %swap3A_1939 : i32 to index
        %swap3A_1942 = arith.constant 16 : index
        %swap3A_1943 = tpu.vector_load %arg14[%swap3A_1940, %swap3A_1941, %swap3A_1942] {strides = array<i32>} : memref<3x80x64xf32, #tpu.memory_space<vmem>>, vector<16xf32>,
        tpu.vector_store %arg14[%swap3A_1940, %swap3A_1941, %swap3A_1942], %mul3A_1938 {strides = array<i32>} : memref<3x80x64xf32, #tpu.memory_space<vmem>>, vector<16xf32>,
        %get3A_1944 = arith.constant 38 : i32
        %get3A_1945 = arith.index_cast %rem3A_56 : i32 to index
        %get3A_1946 = arith.index_cast %get3A_1944 : i32 to index
        %get3A_1947 = arith.constant 32 : index
        %get3A_1948 = tpu.vector_load %arg14[%get3A_1945, %get3A_1946, %get3A_1947] {strides = array<i32>} : memref<3x80x64xf32, #tpu.memory_space<vmem>>, vector<16xf32>,
        %mul3A_1949 = arith.mulf %get3A_1948, %gather3A_1921 : vector<16xf32>
        %swap3A_1950 = arith.constant 38 : i32
        %swap3A_1951 = arith.index_cast %rem3A_56 : i32 to index
        %swap3A_1952 = arith.index_cast %swap3A_1950 : i32 to index
        %swap3A_1953 = arith.constant 32 : index
        %swap3A_1954 = tpu.vector_load %arg14[%swap3A_1951, %swap3A_1952, %swap3A_1953] {strides = array<i32>} : memref<3x80x64xf32, #tpu.memory_space<vmem>>, vector<16xf32>,
        tpu.vector_store %arg14[%swap3A_1951, %swap3A_1952, %swap3A_1953], %mul3A_1949 {strides = array<i32>} : memref<3x80x64xf32, #tpu.memory_space<vmem>>, vector<16xf32>,
        %get3A_1955 = arith.constant 38 : i32
        %get3A_1956 = arith.index_cast %rem3A_56 : i32 to index
        %get3A_1957 = arith.index_cast %get3A_1955 : i32 to index
        %get3A_1958 = arith.constant 48 : index
        %get3A_1959 = tpu.vector_load %arg14[%get3A_1956, %get3A_1957, %get3A_1958] {strides = array<i32>} : memref<3x80x64xf32, #tpu.memory_space<vmem>>, vector<16xf32>,
        %mul3A_1960 = arith.mulf %get3A_1959, %gather3A_1921 : vector<16xf32>
        %swap3A_1961 = arith.constant 38 : i32
        %swap3A_1962 = arith.index_cast %rem3A_56 : i32 to index
        %swap3A_1963 = arith.index_cast %swap3A_1961 : i32 to index
        %swap3A_1964 = arith.constant 48 : index
        %swap3A_1965 = tpu.vector_load %arg14[%swap3A_1962, %swap3A_1963, %swap3A_1964] {strides = array<i32>} : memref<3x80x64xf32, #tpu.memory_space<vmem>>, vector<16xf32>,
        tpu.vector_store %arg14[%swap3A_1962, %swap3A_1963, %swap3A_1964], %mul3A_1960 {strides = array<i32>} : memref<3x80x64xf32, #tpu.memory_space<vmem>>, vector<16xf32>,
        %broadcast_in_dim3A_1966 = arith.constant 7 : i32
        %broadcast_in_dim3A_1967 = vector.broadcast %broadcast_in_dim3A_1966 : i32 to vector<16x1xi32>
        %gather3A_1968 = vector.shape_cast %broadcast_in_dim3A_1967 : vector<16x1xi32> to vector<16xi32>
        %gather3A_1969 = tpu.dynamic_gather %get3A_1629[%gather3A_1968] in [0] : vector<16xf32>, vector<16xi32> -> vector<16xf32>
        %get3A_1970 = arith.constant 39 : i32
        %get3A_1971 = arith.index_cast %rem3A_56 : i32 to index
        %get3A_1972 = arith.index_cast %get3A_1970 : i32 to index
        %get3A_1973 = arith.constant 0 : index
        %get3A_1974 = tpu.vector_load %arg14[%get3A_1971, %get3A_1972, %get3A_1973] {strides = array<i32>} : memref<3x80x64xf32, #tpu.memory_space<vmem>>, vector<16xf32>,
        %mul3A_1975 = arith.mulf %get3A_1974, %gather3A_1969 : vector<16xf32>
        %swap3A_1976 = arith.constant 39 : i32
        %swap3A_1977 = arith.index_cast %rem3A_56 : i32 to index
        %swap3A_1978 = arith.index_cast %swap3A_1976 : i32 to index
        %swap3A_1979 = arith.constant 0 : index
        %swap3A_1980 = tpu.vector_load %arg14[%swap3A_1977, %swap3A_1978, %swap3A_1979] {strides = array<i32>} : memref<3x80x64xf32, #tpu.memory_space<vmem>>, vector<16xf32>,
        tpu.vector_store %arg14[%swap3A_1977, %swap3A_1978, %swap3A_1979], %mul3A_1975 {strides = array<i32>} : memref<3x80x64xf32, #tpu.memory_space<vmem>>, vector<16xf32>,
        %get3A_1981 = arith.constant 39 : i32
        %get3A_1982 = arith.index_cast %rem3A_56 : i32 to index
        %get3A_1983 = arith.index_cast %get3A_1981 : i32 to index
        %get3A_1984 = arith.constant 16 : index
        %get3A_1985 = tpu.vector_load %arg14[%get3A_1982, %get3A_1983, %get3A_1984] {strides = array<i32>} : memref<3x80x64xf32, #tpu.memory_space<vmem>>, vector<16xf32>,
        %mul3A_1986 = arith.mulf %get3A_1985, %gather3A_1969 : vector<16xf32>
        %swap3A_1987 = arith.constant 39 : i32
        %swap3A_1988 = arith.index_cast %rem3A_56 : i32 to index
        %swap3A_1989 = arith.index_cast %swap3A_1987 : i32 to index
        %swap3A_1990 = arith.constant 16 : index
        %swap3A_1991 = tpu.vector_load %arg14[%swap3A_1988, %swap3A_1989, %swap3A_1990] {strides = array<i32>} : memref<3x80x64xf32, #tpu.memory_space<vmem>>, vector<16xf32>,
        tpu.vector_store %arg14[%swap3A_1988, %swap3A_1989, %swap3A_1990], %mul3A_1986 {strides = array<i32>} : memref<3x80x64xf32, #tpu.memory_space<vmem>>, vector<16xf32>,
        %get3A_1992 = arith.constant 39 : i32
        %get3A_1993 = arith.index_cast %rem3A_56 : i32 to index
        %get3A_1994 = arith.index_cast %get3A_1992 : i32 to index
        %get3A_1995 = arith.constant 32 : index
        %get3A_1996 = tpu.vector_load %arg14[%get3A_1993, %get3A_1994, %get3A_1995] {strides = array<i32>} : memref<3x80x64xf32, #tpu.memory_space<vmem>>, vector<16xf32>,
        %mul3A_1997 = arith.mulf %get3A_1996, %gather3A_1969 : vector<16xf32>
        %swap3A_1998 = arith.constant 39 : i32
        %swap3A_1999 = arith.index_cast %rem3A_56 : i32 to index
        %swap3A_2000 = arith.index_cast %swap3A_1998 : i32 to index
        %swap3A_2001 = arith.constant 32 : index
        %swap3A_2002 = tpu.vector_load %arg14[%swap3A_1999, %swap3A_2000, %swap3A_2001] {strides = array<i32>} : memref<3x80x64xf32, #tpu.memory_space<vmem>>, vector<16xf32>,
        tpu.vector_store %arg14[%swap3A_1999, %swap3A_2000, %swap3A_2001], %mul3A_1997 {strides = array<i32>} : memref<3x80x64xf32, #tpu.memory_space<vmem>>, vector<16xf32>,
        %get3A_2003 = arith.constant 39 : i32
        %get3A_2004 = arith.index_cast %rem3A_56 : i32 to index
        %get3A_2005 = arith.index_cast %get3A_2003 : i32 to index
        %get3A_2006 = arith.constant 48 : index
        %get3A_2007 = tpu.vector_load %arg14[%get3A_2004, %get3A_2005, %get3A_2006] {strides = array<i32>} : memref<3x80x64xf32, #tpu.memory_space<vmem>>, vector<16xf32>,
        %mul3A_2008 = arith.mulf %get3A_2007, %gather3A_1969 : vector<16xf32>
        %swap3A_2009 = arith.constant 39 : i32
        %swap3A_2010 = arith.index_cast %rem3A_56 : i32 to index
        %swap3A_2011 = arith.index_cast %swap3A_2009 : i32 to index
        %swap3A_2012 = arith.constant 48 : index
        %swap3A_2013 = tpu.vector_load %arg14[%swap3A_2010, %swap3A_2011, %swap3A_2012] {strides = array<i32>} : memref<3x80x64xf32, #tpu.memory_space<vmem>>, vector<16xf32>,
        tpu.vector_store %arg14[%swap3A_2010, %swap3A_2011, %swap3A_2012], %mul3A_2008 {strides = array<i32>} : memref<3x80x64xf32, #tpu.memory_space<vmem>>, vector<16xf32>,
        %broadcast_in_dim3A_2014 = arith.constant 8 : i32
        %broadcast_in_dim3A_2015 = vector.broadcast %broadcast_in_dim3A_2014 : i32 to vector<16x1xi32>
        %gather3A_2016 = vector.shape_cast %broadcast_in_dim3A_2015 : vector<16x1xi32> to vector<16xi32>
        %gather3A_2017 = tpu.dynamic_gather %get3A_1629[%gather3A_2016] in [0] : vector<16xf32>, vector<16xi32> -> vector<16xf32>
        %get3A_2018 = arith.constant 40 : i32
        %get3A_2019 = arith.index_cast %rem3A_56 : i32 to index
        %get3A_2020 = arith.index_cast %get3A_2018 : i32 to index
        %get3A_2021 = arith.constant 0 : index
        %get3A_2022 = tpu.vector_load %arg14[%get3A_2019, %get3A_2020, %get3A_2021] {strides = array<i32>} : memref<3x80x64xf32, #tpu.memory_space<vmem>>, vector<16xf32>,
        %mul3A_2023 = arith.mulf %get3A_2022, %gather3A_2017 : vector<16xf32>
        %swap3A_2024 = arith.constant 40 : i32
        %swap3A_2025 = arith.index_cast %rem3A_56 : i32 to index
        %swap3A_2026 = arith.index_cast %swap3A_2024 : i32 to index
        %swap3A_2027 = arith.constant 0 : index
        %swap3A_2028 = tpu.vector_load %arg14[%swap3A_2025, %swap3A_2026, %swap3A_2027] {strides = array<i32>} : memref<3x80x64xf32, #tpu.memory_space<vmem>>, vector<16xf32>,
        tpu.vector_store %arg14[%swap3A_2025, %swap3A_2026, %swap3A_2027], %mul3A_2023 {strides = array<i32>} : memref<3x80x64xf32, #tpu.memory_space<vmem>>, vector<16xf32>,
        %get3A_2029 = arith.constant 40 : i32
        %get3A_2030 = arith.index_cast %rem3A_56 : i32 to index
        %get3A_2031 = arith.index_cast %get3A_2029 : i32 to index
        %get3A_2032 = arith.constant 16 : index
        %get3A_2033 = tpu.vector_load %arg14[%get3A_2030, %get3A_2031, %get3A_2032] {strides = array<i32>} : memref<3x80x64xf32, #tpu.memory_space<vmem>>, vector<16xf32>,
        %mul3A_2034 = arith.mulf %get3A_2033, %gather3A_2017 : vector<16xf32>
        %swap3A_2035 = arith.constant 40 : i32
        %swap3A_2036 = arith.index_cast %rem3A_56 : i32 to index
        %swap3A_2037 = arith.index_cast %swap3A_2035 : i32 to index
        %swap3A_2038 = arith.constant 16 : index
        %swap3A_2039 = tpu.vector_load %arg14[%swap3A_2036, %swap3A_2037, %swap3A_2038] {strides = array<i32>} : memref<3x80x64xf32, #tpu.memory_space<vmem>>, vector<16xf32>,
        tpu.vector_store %arg14[%swap3A_2036, %swap3A_2037, %swap3A_2038], %mul3A_2034 {strides = array<i32>} : memref<3x80x64xf32, #tpu.memory_space<vmem>>, vector<16xf32>,
        %get3A_2040 = arith.constant 40 : i32
        %get3A_2041 = arith.index_cast %rem3A_56 : i32 to index
        %get3A_2042 = arith.index_cast %get3A_2040 : i32 to index
        %get3A_2043 = arith.constant 32 : index
        %get3A_2044 = tpu.vector_load %arg14[%get3A_2041, %get3A_2042, %get3A_2043] {strides = array<i32>} : memref<3x80x64xf32, #tpu.memory_space<vmem>>, vector<16xf32>,
        %mul3A_2045 = arith.mulf %get3A_2044, %gather3A_2017 : vector<16xf32>
        %swap3A_2046 = arith.constant 40 : i32
        %swap3A_2047 = arith.index_cast %rem3A_56 : i32 to index
        %swap3A_2048 = arith.index_cast %swap3A_2046 : i32 to index
        %swap3A_2049 = arith.constant 32 : index
        %swap3A_2050 = tpu.vector_load %arg14[%swap3A_2047, %swap3A_2048, %swap3A_2049] {strides = array<i32>} : memref<3x80x64xf32, #tpu.memory_space<vmem>>, vector<16xf32>,
        tpu.vector_store %arg14[%swap3A_2047, %swap3A_2048, %swap3A_2049], %mul3A_2045 {strides = array<i32>} : memref<3x80x64xf32, #tpu.memory_space<vmem>>, vector<16xf32>,
        %get3A_2051 = arith.constant 40 : i32
        %get3A_2052 = arith.index_cast %rem3A_56 : i32 to index
        %get3A_2053 = arith.index_cast %get3A_2051 : i32 to index
        %get3A_2054 = arith.constant 48 : index
        %get3A_2055 = tpu.vector_load %arg14[%get3A_2052, %get3A_2053, %get3A_2054] {strides = array<i32>} : memref<3x80x64xf32, #tpu.memory_space<vmem>>, vector<16xf32>,
        %mul3A_2056 = arith.mulf %get3A_2055, %gather3A_2017 : vector<16xf32>
        %swap3A_2057 = arith.constant 40 : i32
        %swap3A_2058 = arith.index_cast %rem3A_56 : i32 to index
        %swap3A_2059 = arith.index_cast %swap3A_2057 : i32 to index
        %swap3A_2060 = arith.constant 48 : index
        %swap3A_2061 = tpu.vector_load %arg14[%swap3A_2058, %swap3A_2059, %swap3A_2060] {strides = array<i32>} : memref<3x80x64xf32, #tpu.memory_space<vmem>>, vector<16xf32>,
        tpu.vector_store %arg14[%swap3A_2058, %swap3A_2059, %swap3A_2060], %mul3A_2056 {strides = array<i32>} : memref<3x80x64xf32, #tpu.memory_space<vmem>>, vector<16xf32>,
        %broadcast_in_dim3A_2062 = arith.constant 9 : i32
        %broadcast_in_dim3A_2063 = vector.broadcast %broadcast_in_dim3A_2062 : i32 to vector<16x1xi32>
        %gather3A_2064 = vector.shape_cast %broadcast_in_dim3A_2063 : vector<16x1xi32> to vector<16xi32>
        %gather3A_2065 = tpu.dynamic_gather %get3A_1629[%gather3A_2064] in [0] : vector<16xf32>, vector<16xi32> -> vector<16xf32>
        %get3A_2066 = arith.constant 41 : i32
        %get3A_2067 = arith.index_cast %rem3A_56 : i32 to index
        %get3A_2068 = arith.index_cast %get3A_2066 : i32 to index
        %get3A_2069 = arith.constant 0 : index
        %get3A_2070 = tpu.vector_load %arg14[%get3A_2067, %get3A_2068, %get3A_2069] {strides = array<i32>} : memref<3x80x64xf32, #tpu.memory_space<vmem>>, vector<16xf32>,
        %mul3A_2071 = arith.mulf %get3A_2070, %gather3A_2065 : vector<16xf32>
        %swap3A_2072 = arith.constant 41 : i32
        %swap3A_2073 = arith.index_cast %rem3A_56 : i32 to index
        %swap3A_2074 = arith.index_cast %swap3A_2072 : i32 to index
        %swap3A_2075 = arith.constant 0 : index
        %swap3A_2076 = tpu.vector_load %arg14[%swap3A_2073, %swap3A_2074, %swap3A_2075] {strides = array<i32>} : memref<3x80x64xf32, #tpu.memory_space<vmem>>, vector<16xf32>,
        tpu.vector_store %arg14[%swap3A_2073, %swap3A_2074, %swap3A_2075], %mul3A_2071 {strides = array<i32>} : memref<3x80x64xf32, #tpu.memory_space<vmem>>, vector<16xf32>,
        %get3A_2077 = arith.constant 41 : i32
        %get3A_2078 = arith.index_cast %rem3A_56 : i32 to index
        %get3A_2079 = arith.index_cast %get3A_2077 : i32 to index
        %get3A_2080 = arith.constant 16 : index
        %get3A_2081 = tpu.vector_load %arg14[%get3A_2078, %get3A_2079, %get3A_2080] {strides = array<i32>} : memref<3x80x64xf32, #tpu.memory_space<vmem>>, vector<16xf32>,
        %mul3A_2082 = arith.mulf %get3A_2081, %gather3A_2065 : vector<16xf32>
        %swap3A_2083 = arith.constant 41 : i32
        %swap3A_2084 = arith.index_cast %rem3A_56 : i32 to index
        %swap3A_2085 = arith.index_cast %swap3A_2083 : i32 to index
        %swap3A_2086 = arith.constant 16 : index
        %swap3A_2087 = tpu.vector_load %arg14[%swap3A_2084, %swap3A_2085, %swap3A_2086] {strides = array<i32>} : memref<3x80x64xf32, #tpu.memory_space<vmem>>, vector<16xf32>,
        tpu.vector_store %arg14[%swap3A_2084, %swap3A_2085, %swap3A_2086], %mul3A_2082 {strides = array<i32>} : memref<3x80x64xf32, #tpu.memory_space<vmem>>, vector<16xf32>,
        %get3A_2088 = arith.constant 41 : i32
        %get3A_2089 = arith.index_cast %rem3A_56 : i32 to index
        %get3A_2090 = arith.index_cast %get3A_2088 : i32 to index
        %get3A_2091 = arith.constant 32 : index
        %get3A_2092 = tpu.vector_load %arg14[%get3A_2089, %get3A_2090, %get3A_2091] {strides = array<i32>} : memref<3x80x64xf32, #tpu.memory_space<vmem>>, vector<16xf32>,
        %mul3A_2093 = arith.mulf %get3A_2092, %gather3A_2065 : vector<16xf32>
        %swap3A_2094 = arith.constant 41 : i32
        %swap3A_2095 = arith.index_cast %rem3A_56 : i32 to index
        %swap3A_2096 = arith.index_cast %swap3A_2094 : i32 to index
        %swap3A_2097 = arith.constant 32 : index
        %swap3A_2098 = tpu.vector_load %arg14[%swap3A_2095, %swap3A_2096, %swap3A_2097] {strides = array<i32>} : memref<3x80x64xf32, #tpu.memory_space<vmem>>, vector<16xf32>,
        tpu.vector_store %arg14[%swap3A_2095, %swap3A_2096, %swap3A_2097], %mul3A_2093 {strides = array<i32>} : memref<3x80x64xf32, #tpu.memory_space<vmem>>, vector<16xf32>,
        %get3A_2099 = arith.constant 41 : i32
        %get3A_2100 = arith.index_cast %rem3A_56 : i32 to index
        %get3A_2101 = arith.index_cast %get3A_2099 : i32 to index
        %get3A_2102 = arith.constant 48 : index
        %get3A_2103 = tpu.vector_load %arg14[%get3A_2100, %get3A_2101, %get3A_2102] {strides = array<i32>} : memref<3x80x64xf32, #tpu.memory_space<vmem>>, vector<16xf32>,
        %mul3A_2104 = arith.mulf %get3A_2103, %gather3A_2065 : vector<16xf32>
        %swap3A_2105 = arith.constant 41 : i32
        %swap3A_2106 = arith.index_cast %rem3A_56 : i32 to index
        %swap3A_2107 = arith.index_cast %swap3A_2105 : i32 to index
        %swap3A_2108 = arith.constant 48 : index
        %swap3A_2109 = tpu.vector_load %arg14[%swap3A_2106, %swap3A_2107, %swap3A_2108] {strides = array<i32>} : memref<3x80x64xf32, #tpu.memory_space<vmem>>, vector<16xf32>,
        tpu.vector_store %arg14[%swap3A_2106, %swap3A_2107, %swap3A_2108], %mul3A_2104 {strides = array<i32>} : memref<3x80x64xf32, #tpu.memory_space<vmem>>, vector<16xf32>,
        %broadcast_in_dim3A_2110 = arith.constant 10 : i32
        %broadcast_in_dim3A_2111 = vector.broadcast %broadcast_in_dim3A_2110 : i32 to vector<16x1xi32>
        %gather3A_2112 = vector.shape_cast %broadcast_in_dim3A_2111 : vector<16x1xi32> to vector<16xi32>
        %gather3A_2113 = tpu.dynamic_gather %get3A_1629[%gather3A_2112] in [0] : vector<16xf32>, vector<16xi32> -> vector<16xf32>
        %get3A_2114 = arith.constant 42 : i32
        %get3A_2115 = arith.index_cast %rem3A_56 : i32 to index
        %get3A_2116 = arith.index_cast %get3A_2114 : i32 to index
        %get3A_2117 = arith.constant 0 : index
        %get3A_2118 = tpu.vector_load %arg14[%get3A_2115, %get3A_2116, %get3A_2117] {strides = array<i32>} : memref<3x80x64xf32, #tpu.memory_space<vmem>>, vector<16xf32>,
        %mul3A_2119 = arith.mulf %get3A_2118, %gather3A_2113 : vector<16xf32>
        %swap3A_2120 = arith.constant 42 : i32
        %swap3A_2121 = arith.index_cast %rem3A_56 : i32 to index
        %swap3A_2122 = arith.index_cast %swap3A_2120 : i32 to index
        %swap3A_2123 = arith.constant 0 : index
        %swap3A_2124 = tpu.vector_load %arg14[%swap3A_2121, %swap3A_2122, %swap3A_2123] {strides = array<i32>} : memref<3x80x64xf32, #tpu.memory_space<vmem>>, vector<16xf32>,
        tpu.vector_store %arg14[%swap3A_2121, %swap3A_2122, %swap3A_2123], %mul3A_2119 {strides = array<i32>} : memref<3x80x64xf32, #tpu.memory_space<vmem>>, vector<16xf32>,
        %get3A_2125 = arith.constant 42 : i32
        %get3A_2126 = arith.index_cast %rem3A_56 : i32 to index
        %get3A_2127 = arith.index_cast %get3A_2125 : i32 to index
        %get3A_2128 = arith.constant 16 : index
        %get3A_2129 = tpu.vector_load %arg14[%get3A_2126, %get3A_2127, %get3A_2128] {strides = array<i32>} : memref<3x80x64xf32, #tpu.memory_space<vmem>>, vector<16xf32>,
        %mul3A_2130 = arith.mulf %get3A_2129, %gather3A_2113 : vector<16xf32>
        %swap3A_2131 = arith.constant 42 : i32
        %swap3A_2132 = arith.index_cast %rem3A_56 : i32 to index
        %swap3A_2133 = arith.index_cast %swap3A_2131 : i32 to index
        %swap3A_2134 = arith.constant 16 : index
        %swap3A_2135 = tpu.vector_load %arg14[%swap3A_2132, %swap3A_2133, %swap3A_2134] {strides = array<i32>} : memref<3x80x64xf32, #tpu.memory_space<vmem>>, vector<16xf32>,
        tpu.vector_store %arg14[%swap3A_2132, %swap3A_2133, %swap3A_2134], %mul3A_2130 {strides = array<i32>} : memref<3x80x64xf32, #tpu.memory_space<vmem>>, vector<16xf32>,
        %get3A_2136 = arith.constant 42 : i32
        %get3A_2137 = arith.index_cast %rem3A_56 : i32 to index
        %get3A_2138 = arith.index_cast %get3A_2136 : i32 to index
        %get3A_2139 = arith.constant 32 : index
        %get3A_2140 = tpu.vector_load %arg14[%get3A_2137, %get3A_2138, %get3A_2139] {strides = array<i32>} : memref<3x80x64xf32, #tpu.memory_space<vmem>>, vector<16xf32>,
        %mul3A_2141 = arith.mulf %get3A_2140, %gather3A_2113 : vector<16xf32>
        %swap3A_2142 = arith.constant 42 : i32
        %swap3A_2143 = arith.index_cast %rem3A_56 : i32 to index
        %swap3A_2144 = arith.index_cast %swap3A_2142 : i32 to index
        %swap3A_2145 = arith.constant 32 : index
        %swap3A_2146 = tpu.vector_load %arg14[%swap3A_2143, %swap3A_2144, %swap3A_2145] {strides = array<i32>} : memref<3x80x64xf32, #tpu.memory_space<vmem>>, vector<16xf32>,
        tpu.vector_store %arg14[%swap3A_2143, %swap3A_2144, %swap3A_2145], %mul3A_2141 {strides = array<i32>} : memref<3x80x64xf32, #tpu.memory_space<vmem>>, vector<16xf32>,
        %get3A_2147 = arith.constant 42 : i32
        %get3A_2148 = arith.index_cast %rem3A_56 : i32 to index
        %get3A_2149 = arith.index_cast %get3A_2147 : i32 to index
        %get3A_2150 = arith.constant 48 : index
        %get3A_2151 = tpu.vector_load %arg14[%get3A_2148, %get3A_2149, %get3A_2150] {strides = array<i32>} : memref<3x80x64xf32, #tpu.memory_space<vmem>>, vector<16xf32>,
        %mul3A_2152 = arith.mulf %get3A_2151, %gather3A_2113 : vector<16xf32>
        %swap3A_2153 = arith.constant 42 : i32
        %swap3A_2154 = arith.index_cast %rem3A_56 : i32 to index
        %swap3A_2155 = arith.index_cast %swap3A_2153 : i32 to index
        %swap3A_2156 = arith.constant 48 : index
        %swap3A_2157 = tpu.vector_load %arg14[%swap3A_2154, %swap3A_2155, %swap3A_2156] {strides = array<i32>} : memref<3x80x64xf32, #tpu.memory_space<vmem>>, vector<16xf32>,
        tpu.vector_store %arg14[%swap3A_2154, %swap3A_2155, %swap3A_2156], %mul3A_2152 {strides = array<i32>} : memref<3x80x64xf32, #tpu.memory_space<vmem>>, vector<16xf32>,
        %broadcast_in_dim3A_2158 = arith.constant 11 : i32
        %broadcast_in_dim3A_2159 = vector.broadcast %broadcast_in_dim3A_2158 : i32 to vector<16x1xi32>
        %gather3A_2160 = vector.shape_cast %broadcast_in_dim3A_2159 : vector<16x1xi32> to vector<16xi32>
        %gather3A_2161 = tpu.dynamic_gather %get3A_1629[%gather3A_2160] in [0] : vector<16xf32>, vector<16xi32> -> vector<16xf32>
        %get3A_2162 = arith.constant 43 : i32
        %get3A_2163 = arith.index_cast %rem3A_56 : i32 to index
        %get3A_2164 = arith.index_cast %get3A_2162 : i32 to index
        %get3A_2165 = arith.constant 0 : index
        %get3A_2166 = tpu.vector_load %arg14[%get3A_2163, %get3A_2164, %get3A_2165] {strides = array<i32>} : memref<3x80x64xf32, #tpu.memory_space<vmem>>, vector<16xf32>,
        %mul3A_2167 = arith.mulf %get3A_2166, %gather3A_2161 : vector<16xf32>
        %swap3A_2168 = arith.constant 43 : i32
        %swap3A_2169 = arith.index_cast %rem3A_56 : i32 to index
        %swap3A_2170 = arith.index_cast %swap3A_2168 : i32 to index
        %swap3A_2171 = arith.constant 0 : index
        %swap3A_2172 = tpu.vector_load %arg14[%swap3A_2169, %swap3A_2170, %swap3A_2171] {strides = array<i32>} : memref<3x80x64xf32, #tpu.memory_space<vmem>>, vector<16xf32>,
        tpu.vector_store %arg14[%swap3A_2169, %swap3A_2170, %swap3A_2171], %mul3A_2167 {strides = array<i32>} : memref<3x80x64xf32, #tpu.memory_space<vmem>>, vector<16xf32>,
        %get3A_2173 = arith.constant 43 : i32
        %get3A_2174 = arith.index_cast %rem3A_56 : i32 to index
        %get3A_2175 = arith.index_cast %get3A_2173 : i32 to index
        %get3A_2176 = arith.constant 16 : index
        %get3A_2177 = tpu.vector_load %arg14[%get3A_2174, %get3A_2175, %get3A_2176] {strides = array<i32>} : memref<3x80x64xf32, #tpu.memory_space<vmem>>, vector<16xf32>,
        %mul3A_2178 = arith.mulf %get3A_2177, %gather3A_2161 : vector<16xf32>
        %swap3A_2179 = arith.constant 43 : i32
        %swap3A_2180 = arith.index_cast %rem3A_56 : i32 to index
        %swap3A_2181 = arith.index_cast %swap3A_2179 : i32 to index
        %swap3A_2182 = arith.constant 16 : index
        %swap3A_2183 = tpu.vector_load %arg14[%swap3A_2180, %swap3A_2181, %swap3A_2182] {strides = array<i32>} : memref<3x80x64xf32, #tpu.memory_space<vmem>>, vector<16xf32>,
        tpu.vector_store %arg14[%swap3A_2180, %swap3A_2181, %swap3A_2182], %mul3A_2178 {strides = array<i32>} : memref<3x80x64xf32, #tpu.memory_space<vmem>>, vector<16xf32>,
        %get3A_2184 = arith.constant 43 : i32
        %get3A_2185 = arith.index_cast %rem3A_56 : i32 to index
        %get3A_2186 = arith.index_cast %get3A_2184 : i32 to index
        %get3A_2187 = arith.constant 32 : index
        %get3A_2188 = tpu.vector_load %arg14[%get3A_2185, %get3A_2186, %get3A_2187] {strides = array<i32>} : memref<3x80x64xf32, #tpu.memory_space<vmem>>, vector<16xf32>,
        %mul3A_2189 = arith.mulf %get3A_2188, %gather3A_2161 : vector<16xf32>
        %swap3A_2190 = arith.constant 43 : i32
        %swap3A_2191 = arith.index_cast %rem3A_56 : i32 to index
        %swap3A_2192 = arith.index_cast %swap3A_2190 : i32 to index
        %swap3A_2193 = arith.constant 32 : index
        %swap3A_2194 = tpu.vector_load %arg14[%swap3A_2191, %swap3A_2192, %swap3A_2193] {strides = array<i32>} : memref<3x80x64xf32, #tpu.memory_space<vmem>>, vector<16xf32>,
        tpu.vector_store %arg14[%swap3A_2191, %swap3A_2192, %swap3A_2193], %mul3A_2189 {strides = array<i32>} : memref<3x80x64xf32, #tpu.memory_space<vmem>>, vector<16xf32>,
        %get3A_2195 = arith.constant 43 : i32
        %get3A_2196 = arith.index_cast %rem3A_56 : i32 to index
        %get3A_2197 = arith.index_cast %get3A_2195 : i32 to index
        %get3A_2198 = arith.constant 48 : index
        %get3A_2199 = tpu.vector_load %arg14[%get3A_2196, %get3A_2197, %get3A_2198] {strides = array<i32>} : memref<3x80x64xf32, #tpu.memory_space<vmem>>, vector<16xf32>,
        %mul3A_2200 = arith.mulf %get3A_2199, %gather3A_2161 : vector<16xf32>
        %swap3A_2201 = arith.constant 43 : i32
        %swap3A_2202 = arith.index_cast %rem3A_56 : i32 to index
        %swap3A_2203 = arith.index_cast %swap3A_2201 : i32 to index
        %swap3A_2204 = arith.constant 48 : index
        %swap3A_2205 = tpu.vector_load %arg14[%swap3A_2202, %swap3A_2203, %swap3A_2204] {strides = array<i32>} : memref<3x80x64xf32, #tpu.memory_space<vmem>>, vector<16xf32>,
        tpu.vector_store %arg14[%swap3A_2202, %swap3A_2203, %swap3A_2204], %mul3A_2200 {strides = array<i32>} : memref<3x80x64xf32, #tpu.memory_space<vmem>>, vector<16xf32>,
        %broadcast_in_dim3A_2206 = arith.constant 12 : i32
        %broadcast_in_dim3A_2207 = vector.broadcast %broadcast_in_dim3A_2206 : i32 to vector<16x1xi32>
        %gather3A_2208 = vector.shape_cast %broadcast_in_dim3A_2207 : vector<16x1xi32> to vector<16xi32>
        %gather3A_2209 = tpu.dynamic_gather %get3A_1629[%gather3A_2208] in [0] : vector<16xf32>, vector<16xi32> -> vector<16xf32>
        %get3A_2210 = arith.constant 44 : i32
        %get3A_2211 = arith.index_cast %rem3A_56 : i32 to index
        %get3A_2212 = arith.index_cast %get3A_2210 : i32 to index
        %get3A_2213 = arith.constant 0 : index
        %get3A_2214 = tpu.vector_load %arg14[%get3A_2211, %get3A_2212, %get3A_2213] {strides = array<i32>} : memref<3x80x64xf32, #tpu.memory_space<vmem>>, vector<16xf32>,
        %mul3A_2215 = arith.mulf %get3A_2214, %gather3A_2209 : vector<16xf32>
        %swap3A_2216 = arith.constant 44 : i32
        %swap3A_2217 = arith.index_cast %rem3A_56 : i32 to index
        %swap3A_2218 = arith.index_cast %swap3A_2216 : i32 to index
        %swap3A_2219 = arith.constant 0 : index
        %swap3A_2220 = tpu.vector_load %arg14[%swap3A_2217, %swap3A_2218, %swap3A_2219] {strides = array<i32>} : memref<3x80x64xf32, #tpu.memory_space<vmem>>, vector<16xf32>,
        tpu.vector_store %arg14[%swap3A_2217, %swap3A_2218, %swap3A_2219], %mul3A_2215 {strides = array<i32>} : memref<3x80x64xf32, #tpu.memory_space<vmem>>, vector<16xf32>,
        %get3A_2221 = arith.constant 44 : i32
        %get3A_2222 = arith.index_cast %rem3A_56 : i32 to index
        %get3A_2223 = arith.index_cast %get3A_2221 : i32 to index
        %get3A_2224 = arith.constant 16 : index
        %get3A_2225 = tpu.vector_load %arg14[%get3A_2222, %get3A_2223, %get3A_2224] {strides = array<i32>} : memref<3x80x64xf32, #tpu.memory_space<vmem>>, vector<16xf32>,
        %mul3A_2226 = arith.mulf %get3A_2225, %gather3A_2209 : vector<16xf32>
        %swap3A_2227 = arith.constant 44 : i32
        %swap3A_2228 = arith.index_cast %rem3A_56 : i32 to index
        %swap3A_2229 = arith.index_cast %swap3A_2227 : i32 to index
        %swap3A_2230 = arith.constant 16 : index
        %swap3A_2231 = tpu.vector_load %arg14[%swap3A_2228, %swap3A_2229, %swap3A_2230] {strides = array<i32>} : memref<3x80x64xf32, #tpu.memory_space<vmem>>, vector<16xf32>,
        tpu.vector_store %arg14[%swap3A_2228, %swap3A_2229, %swap3A_2230], %mul3A_2226 {strides = array<i32>} : memref<3x80x64xf32, #tpu.memory_space<vmem>>, vector<16xf32>,
        %get3A_2232 = arith.constant 44 : i32
        %get3A_2233 = arith.index_cast %rem3A_56 : i32 to index
        %get3A_2234 = arith.index_cast %get3A_2232 : i32 to index
        %get3A_2235 = arith.constant 32 : index
        %get3A_2236 = tpu.vector_load %arg14[%get3A_2233, %get3A_2234, %get3A_2235] {strides = array<i32>} : memref<3x80x64xf32, #tpu.memory_space<vmem>>, vector<16xf32>,
        %mul3A_2237 = arith.mulf %get3A_2236, %gather3A_2209 : vector<16xf32>
        %swap3A_2238 = arith.constant 44 : i32
        %swap3A_2239 = arith.index_cast %rem3A_56 : i32 to index
        %swap3A_2240 = arith.index_cast %swap3A_2238 : i32 to index
        %swap3A_2241 = arith.constant 32 : index
        %swap3A_2242 = tpu.vector_load %arg14[%swap3A_2239, %swap3A_2240, %swap3A_2241] {strides = array<i32>} : memref<3x80x64xf32, #tpu.memory_space<vmem>>, vector<16xf32>,
        tpu.vector_store %arg14[%swap3A_2239, %swap3A_2240, %swap3A_2241], %mul3A_2237 {strides = array<i32>} : memref<3x80x64xf32, #tpu.memory_space<vmem>>, vector<16xf32>,
        %get3A_2243 = arith.constant 44 : i32
        %get3A_2244 = arith.index_cast %rem3A_56 : i32 to index
        %get3A_2245 = arith.index_cast %get3A_2243 : i32 to index
        %get3A_2246 = arith.constant 48 : index
        %get3A_2247 = tpu.vector_load %arg14[%get3A_2244, %get3A_2245, %get3A_2246] {strides = array<i32>} : memref<3x80x64xf32, #tpu.memory_space<vmem>>, vector<16xf32>,
        %mul3A_2248 = arith.mulf %get3A_2247, %gather3A_2209 : vector<16xf32>
        %swap3A_2249 = arith.constant 44 : i32
        %swap3A_2250 = arith.index_cast %rem3A_56 : i32 to index
        %swap3A_2251 = arith.index_cast %swap3A_2249 : i32 to index
        %swap3A_2252 = arith.constant 48 : index
        %swap3A_2253 = tpu.vector_load %arg14[%swap3A_2250, %swap3A_2251, %swap3A_2252] {strides = array<i32>} : memref<3x80x64xf32, #tpu.memory_space<vmem>>, vector<16xf32>,
        tpu.vector_store %arg14[%swap3A_2250, %swap3A_2251, %swap3A_2252], %mul3A_2248 {strides = array<i32>} : memref<3x80x64xf32, #tpu.memory_space<vmem>>, vector<16xf32>,
        %broadcast_in_dim3A_2254 = arith.constant 13 : i32
        %broadcast_in_dim3A_2255 = vector.broadcast %broadcast_in_dim3A_2254 : i32 to vector<16x1xi32>
        %gather3A_2256 = vector.shape_cast %broadcast_in_dim3A_2255 : vector<16x1xi32> to vector<16xi32>
        %gather3A_2257 = tpu.dynamic_gather %get3A_1629[%gather3A_2256] in [0] : vector<16xf32>, vector<16xi32> -> vector<16xf32>
        %get3A_2258 = arith.constant 45 : i32
        %get3A_2259 = arith.index_cast %rem3A_56 : i32 to index
        %get3A_2260 = arith.index_cast %get3A_2258 : i32 to index
        %get3A_2261 = arith.constant 0 : index
        %get3A_2262 = tpu.vector_load %arg14[%get3A_2259, %get3A_2260, %get3A_2261] {strides = array<i32>} : memref<3x80x64xf32, #tpu.memory_space<vmem>>, vector<16xf32>,
        %mul3A_2263 = arith.mulf %get3A_2262, %gather3A_2257 : vector<16xf32>
        %swap3A_2264 = arith.constant 45 : i32
        %swap3A_2265 = arith.index_cast %rem3A_56 : i32 to index
        %swap3A_2266 = arith.index_cast %swap3A_2264 : i32 to index
        %swap3A_2267 = arith.constant 0 : index
        %swap3A_2268 = tpu.vector_load %arg14[%swap3A_2265, %swap3A_2266, %swap3A_2267] {strides = array<i32>} : memref<3x80x64xf32, #tpu.memory_space<vmem>>, vector<16xf32>,
        tpu.vector_store %arg14[%swap3A_2265, %swap3A_2266, %swap3A_2267], %mul3A_2263 {strides = array<i32>} : memref<3x80x64xf32, #tpu.memory_space<vmem>>, vector<16xf32>,
        %get3A_2269 = arith.constant 45 : i32
        %get3A_2270 = arith.index_cast %rem3A_56 : i32 to index
        %get3A_2271 = arith.index_cast %get3A_2269 : i32 to index
        %get3A_2272 = arith.constant 16 : index
        %get3A_2273 = tpu.vector_load %arg14[%get3A_2270, %get3A_2271, %get3A_2272] {strides = array<i32>} : memref<3x80x64xf32, #tpu.memory_space<vmem>>, vector<16xf32>,
        %mul3A_2274 = arith.mulf %get3A_2273, %gather3A_2257 : vector<16xf32>
        %swap3A_2275 = arith.constant 45 : i32
        %swap3A_2276 = arith.index_cast %rem3A_56 : i32 to index
        %swap3A_2277 = arith.index_cast %swap3A_2275 : i32 to index
        %swap3A_2278 = arith.constant 16 : index
        %swap3A_2279 = tpu.vector_load %arg14[%swap3A_2276, %swap3A_2277, %swap3A_2278] {strides = array<i32>} : memref<3x80x64xf32, #tpu.memory_space<vmem>>, vector<16xf32>,
        tpu.vector_store %arg14[%swap3A_2276, %swap3A_2277, %swap3A_2278], %mul3A_2274 {strides = array<i32>} : memref<3x80x64xf32, #tpu.memory_space<vmem>>, vector<16xf32>,
        %get3A_2280 = arith.constant 45 : i32
        %get3A_2281 = arith.index_cast %rem3A_56 : i32 to index
        %get3A_2282 = arith.index_cast %get3A_2280 : i32 to index
        %get3A_2283 = arith.constant 32 : index
        %get3A_2284 = tpu.vector_load %arg14[%get3A_2281, %get3A_2282, %get3A_2283] {strides = array<i32>} : memref<3x80x64xf32, #tpu.memory_space<vmem>>, vector<16xf32>,
        %mul3A_2285 = arith.mulf %get3A_2284, %gather3A_2257 : vector<16xf32>
        %swap3A_2286 = arith.constant 45 : i32
        %swap3A_2287 = arith.index_cast %rem3A_56 : i32 to index
        %swap3A_2288 = arith.index_cast %swap3A_2286 : i32 to index
        %swap3A_2289 = arith.constant 32 : index
        %swap3A_2290 = tpu.vector_load %arg14[%swap3A_2287, %swap3A_2288, %swap3A_2289] {strides = array<i32>} : memref<3x80x64xf32, #tpu.memory_space<vmem>>, vector<16xf32>,
        tpu.vector_store %arg14[%swap3A_2287, %swap3A_2288, %swap3A_2289], %mul3A_2285 {strides = array<i32>} : memref<3x80x64xf32, #tpu.memory_space<vmem>>, vector<16xf32>,
        %get3A_2291 = arith.constant 45 : i32
        %get3A_2292 = arith.index_cast %rem3A_56 : i32 to index
        %get3A_2293 = arith.index_cast %get3A_2291 : i32 to index
        %get3A_2294 = arith.constant 48 : index
        %get3A_2295 = tpu.vector_load %arg14[%get3A_2292, %get3A_2293, %get3A_2294] {strides = array<i32>} : memref<3x80x64xf32, #tpu.memory_space<vmem>>, vector<16xf32>,
        %mul3A_2296 = arith.mulf %get3A_2295, %gather3A_2257 : vector<16xf32>
        %swap3A_2297 = arith.constant 45 : i32
        %swap3A_2298 = arith.index_cast %rem3A_56 : i32 to index
        %swap3A_2299 = arith.index_cast %swap3A_2297 : i32 to index
        %swap3A_2300 = arith.constant 48 : index
        %swap3A_2301 = tpu.vector_load %arg14[%swap3A_2298, %swap3A_2299, %swap3A_2300] {strides = array<i32>} : memref<3x80x64xf32, #tpu.memory_space<vmem>>, vector<16xf32>,
        tpu.vector_store %arg14[%swap3A_2298, %swap3A_2299, %swap3A_2300], %mul3A_2296 {strides = array<i32>} : memref<3x80x64xf32, #tpu.memory_space<vmem>>, vector<16xf32>,
        %broadcast_in_dim3A_2302 = arith.constant 14 : i32
        %broadcast_in_dim3A_2303 = vector.broadcast %broadcast_in_dim3A_2302 : i32 to vector<16x1xi32>
        %gather3A_2304 = vector.shape_cast %broadcast_in_dim3A_2303 : vector<16x1xi32> to vector<16xi32>
        %gather3A_2305 = tpu.dynamic_gather %get3A_1629[%gather3A_2304] in [0] : vector<16xf32>, vector<16xi32> -> vector<16xf32>
        %get3A_2306 = arith.constant 46 : i32
        %get3A_2307 = arith.index_cast %rem3A_56 : i32 to index
        %get3A_2308 = arith.index_cast %get3A_2306 : i32 to index
        %get3A_2309 = arith.constant 0 : index
        %get3A_2310 = tpu.vector_load %arg14[%get3A_2307, %get3A_2308, %get3A_2309] {strides = array<i32>} : memref<3x80x64xf32, #tpu.memory_space<vmem>>, vector<16xf32>,
        %mul3A_2311 = arith.mulf %get3A_2310, %gather3A_2305 : vector<16xf32>
        %swap3A_2312 = arith.constant 46 : i32
        %swap3A_2313 = arith.index_cast %rem3A_56 : i32 to index
        %swap3A_2314 = arith.index_cast %swap3A_2312 : i32 to index
        %swap3A_2315 = arith.constant 0 : index
        %swap3A_2316 = tpu.vector_load %arg14[%swap3A_2313, %swap3A_2314, %swap3A_2315] {strides = array<i32>} : memref<3x80x64xf32, #tpu.memory_space<vmem>>, vector<16xf32>,
        tpu.vector_store %arg14[%swap3A_2313, %swap3A_2314, %swap3A_2315], %mul3A_2311 {strides = array<i32>} : memref<3x80x64xf32, #tpu.memory_space<vmem>>, vector<16xf32>,
        %get3A_2317 = arith.constant 46 : i32
        %get3A_2318 = arith.index_cast %rem3A_56 : i32 to index
        %get3A_2319 = arith.index_cast %get3A_2317 : i32 to index
        %get3A_2320 = arith.constant 16 : index
        %get3A_2321 = tpu.vector_load %arg14[%get3A_2318, %get3A_2319, %get3A_2320] {strides = array<i32>} : memref<3x80x64xf32, #tpu.memory_space<vmem>>, vector<16xf32>,
        %mul3A_2322 = arith.mulf %get3A_2321, %gather3A_2305 : vector<16xf32>
        %swap3A_2323 = arith.constant 46 : i32
        %swap3A_2324 = arith.index_cast %rem3A_56 : i32 to index
        %swap3A_2325 = arith.index_cast %swap3A_2323 : i32 to index
        %swap3A_2326 = arith.constant 16 : index
        %swap3A_2327 = tpu.vector_load %arg14[%swap3A_2324, %swap3A_2325, %swap3A_2326] {strides = array<i32>} : memref<3x80x64xf32, #tpu.memory_space<vmem>>, vector<16xf32>,
        tpu.vector_store %arg14[%swap3A_2324, %swap3A_2325, %swap3A_2326], %mul3A_2322 {strides = array<i32>} : memref<3x80x64xf32, #tpu.memory_space<vmem>>, vector<16xf32>,
        %get3A_2328 = arith.constant 46 : i32
        %get3A_2329 = arith.index_cast %rem3A_56 : i32 to index
        %get3A_2330 = arith.index_cast %get3A_2328 : i32 to index
        %get3A_2331 = arith.constant 32 : index
        %get3A_2332 = tpu.vector_load %arg14[%get3A_2329, %get3A_2330, %get3A_2331] {strides = array<i32>} : memref<3x80x64xf32, #tpu.memory_space<vmem>>, vector<16xf32>,
        %mul3A_2333 = arith.mulf %get3A_2332, %gather3A_2305 : vector<16xf32>
        %swap3A_2334 = arith.constant 46 : i32
        %swap3A_2335 = arith.index_cast %rem3A_56 : i32 to index
        %swap3A_2336 = arith.index_cast %swap3A_2334 : i32 to index
        %swap3A_2337 = arith.constant 32 : index
        %swap3A_2338 = tpu.vector_load %arg14[%swap3A_2335, %swap3A_2336, %swap3A_2337] {strides = array<i32>} : memref<3x80x64xf32, #tpu.memory_space<vmem>>, vector<16xf32>,
        tpu.vector_store %arg14[%swap3A_2335, %swap3A_2336, %swap3A_2337], %mul3A_2333 {strides = array<i32>} : memref<3x80x64xf32, #tpu.memory_space<vmem>>, vector<16xf32>,
        %get3A_2339 = arith.constant 46 : i32
        %get3A_2340 = arith.index_cast %rem3A_56 : i32 to index
        %get3A_2341 = arith.index_cast %get3A_2339 : i32 to index
        %get3A_2342 = arith.constant 48 : index
        %get3A_2343 = tpu.vector_load %arg14[%get3A_2340, %get3A_2341, %get3A_2342] {strides = array<i32>} : memref<3x80x64xf32, #tpu.memory_space<vmem>>, vector<16xf32>,
        %mul3A_2344 = arith.mulf %get3A_2343, %gather3A_2305 : vector<16xf32>
        %swap3A_2345 = arith.constant 46 : i32
        %swap3A_2346 = arith.index_cast %rem3A_56 : i32 to index
        %swap3A_2347 = arith.index_cast %swap3A_2345 : i32 to index
        %swap3A_2348 = arith.constant 48 : index
        %swap3A_2349 = tpu.vector_load %arg14[%swap3A_2346, %swap3A_2347, %swap3A_2348] {strides = array<i32>} : memref<3x80x64xf32, #tpu.memory_space<vmem>>, vector<16xf32>,
        tpu.vector_store %arg14[%swap3A_2346, %swap3A_2347, %swap3A_2348], %mul3A_2344 {strides = array<i32>} : memref<3x80x64xf32, #tpu.memory_space<vmem>>, vector<16xf32>,
        %broadcast_in_dim3A_2350 = arith.constant 15 : i32
        %broadcast_in_dim3A_2351 = vector.broadcast %broadcast_in_dim3A_2350 : i32 to vector<16x1xi32>
        %gather3A_2352 = vector.shape_cast %broadcast_in_dim3A_2351 : vector<16x1xi32> to vector<16xi32>
        %gather3A_2353 = tpu.dynamic_gather %get3A_1629[%gather3A_2352] in [0] : vector<16xf32>, vector<16xi32> -> vector<16xf32>
        %get3A_2354 = arith.constant 47 : i32
        %get3A_2355 = arith.index_cast %rem3A_56 : i32 to index
        %get3A_2356 = arith.index_cast %get3A_2354 : i32 to index
        %get3A_2357 = arith.constant 0 : index
        %get3A_2358 = tpu.vector_load %arg14[%get3A_2355, %get3A_2356, %get3A_2357] {strides = array<i32>} : memref<3x80x64xf32, #tpu.memory_space<vmem>>, vector<16xf32>,
        %mul3A_2359 = arith.mulf %get3A_2358, %gather3A_2353 : vector<16xf32>
        %swap3A_2360 = arith.constant 47 : i32
        %swap3A_2361 = arith.index_cast %rem3A_56 : i32 to index
        %swap3A_2362 = arith.index_cast %swap3A_2360 : i32 to index
        %swap3A_2363 = arith.constant 0 : index
        %swap3A_2364 = tpu.vector_load %arg14[%swap3A_2361, %swap3A_2362, %swap3A_2363] {strides = array<i32>} : memref<3x80x64xf32, #tpu.memory_space<vmem>>, vector<16xf32>,
        tpu.vector_store %arg14[%swap3A_2361, %swap3A_2362, %swap3A_2363], %mul3A_2359 {strides = array<i32>} : memref<3x80x64xf32, #tpu.memory_space<vmem>>, vector<16xf32>,
        %get3A_2365 = arith.constant 47 : i32
        %get3A_2366 = arith.index_cast %rem3A_56 : i32 to index
        %get3A_2367 = arith.index_cast %get3A_2365 : i32 to index
        %get3A_2368 = arith.constant 16 : index
        %get3A_2369 = tpu.vector_load %arg14[%get3A_2366, %get3A_2367, %get3A_2368] {strides = array<i32>} : memref<3x80x64xf32, #tpu.memory_space<vmem>>, vector<16xf32>,
        %mul3A_2370 = arith.mulf %get3A_2369, %gather3A_2353 : vector<16xf32>
        %swap3A_2371 = arith.constant 47 : i32
        %swap3A_2372 = arith.index_cast %rem3A_56 : i32 to index
        %swap3A_2373 = arith.index_cast %swap3A_2371 : i32 to index
        %swap3A_2374 = arith.constant 16 : index
        %swap3A_2375 = tpu.vector_load %arg14[%swap3A_2372, %swap3A_2373, %swap3A_2374] {strides = array<i32>} : memref<3x80x64xf32, #tpu.memory_space<vmem>>, vector<16xf32>,
        tpu.vector_store %arg14[%swap3A_2372, %swap3A_2373, %swap3A_2374], %mul3A_2370 {strides = array<i32>} : memref<3x80x64xf32, #tpu.memory_space<vmem>>, vector<16xf32>,
        %get3A_2376 = arith.constant 47 : i32
        %get3A_2377 = arith.index_cast %rem3A_56 : i32 to index
        %get3A_2378 = arith.index_cast %get3A_2376 : i32 to index
        %get3A_2379 = arith.constant 32 : index
        %get3A_2380 = tpu.vector_load %arg14[%get3A_2377, %get3A_2378, %get3A_2379] {strides = array<i32>} : memref<3x80x64xf32, #tpu.memory_space<vmem>>, vector<16xf32>,
        %mul3A_2381 = arith.mulf %get3A_2380, %gather3A_2353 : vector<16xf32>
        %swap3A_2382 = arith.constant 47 : i32
        %swap3A_2383 = arith.index_cast %rem3A_56 : i32 to index
        %swap3A_2384 = arith.index_cast %swap3A_2382 : i32 to index
        %swap3A_2385 = arith.constant 32 : index
        %swap3A_2386 = tpu.vector_load %arg14[%swap3A_2383, %swap3A_2384, %swap3A_2385] {strides = array<i32>} : memref<3x80x64xf32, #tpu.memory_space<vmem>>, vector<16xf32>,
        tpu.vector_store %arg14[%swap3A_2383, %swap3A_2384, %swap3A_2385], %mul3A_2381 {strides = array<i32>} : memref<3x80x64xf32, #tpu.memory_space<vmem>>, vector<16xf32>,
        %get3A_2387 = arith.constant 47 : i32
        %get3A_2388 = arith.index_cast %rem3A_56 : i32 to index
        %get3A_2389 = arith.index_cast %get3A_2387 : i32 to index
        %get3A_2390 = arith.constant 48 : index
        %get3A_2391 = tpu.vector_load %arg14[%get3A_2388, %get3A_2389, %get3A_2390] {strides = array<i32>} : memref<3x80x64xf32, #tpu.memory_space<vmem>>, vector<16xf32>,
        %mul3A_2392 = arith.mulf %get3A_2391, %gather3A_2353 : vector<16xf32>
        %swap3A_2393 = arith.constant 47 : i32
        %swap3A_2394 = arith.index_cast %rem3A_56 : i32 to index
        %swap3A_2395 = arith.index_cast %swap3A_2393 : i32 to index
        %swap3A_2396 = arith.constant 48 : index
        %swap3A_2397 = tpu.vector_load %arg14[%swap3A_2394, %swap3A_2395, %swap3A_2396] {strides = array<i32>} : memref<3x80x64xf32, #tpu.memory_space<vmem>>, vector<16xf32>,
        tpu.vector_store %arg14[%swap3A_2394, %swap3A_2395, %swap3A_2396], %mul3A_2392 {strides = array<i32>} : memref<3x80x64xf32, #tpu.memory_space<vmem>>, vector<16xf32>,
        %get3A_2398 = arith.index_cast %add3A_54 : i32 to index
        %get3A_2399 = arith.constant 48 : index
        %get3A_2400 = tpu.vector_load %arg12[%get3A_2398, %get3A_2399] {strides = array<i32>} : memref<250x80xf32, #tpu.memory_space<vmem>>, vector<16xf32>,
        %broadcast_in_dim3A_2401 = arith.constant 0 : i32
        %broadcast_in_dim3A_2402 = vector.broadcast %broadcast_in_dim3A_2401 : i32 to vector<16x1xi32>
        %gather3A_2403 = vector.shape_cast %broadcast_in_dim3A_2402 : vector<16x1xi32> to vector<16xi32>
        %gather3A_2404 = tpu.dynamic_gather %get3A_2400[%gather3A_2403] in [0] : vector<16xf32>, vector<16xi32> -> vector<16xf32>
        %get3A_2405 = arith.constant 48 : i32
        %get3A_2406 = arith.index_cast %rem3A_56 : i32 to index
        %get3A_2407 = arith.index_cast %get3A_2405 : i32 to index
        %get3A_2408 = arith.constant 0 : index
        %get3A_2409 = tpu.vector_load %arg14[%get3A_2406, %get3A_2407, %get3A_2408] {strides = array<i32>} : memref<3x80x64xf32, #tpu.memory_space<vmem>>, vector<16xf32>,
        %mul3A_2410 = arith.mulf %get3A_2409, %gather3A_2404 : vector<16xf32>
        %swap3A_2411 = arith.constant 48 : i32
        %swap3A_2412 = arith.index_cast %rem3A_56 : i32 to index
        %swap3A_2413 = arith.index_cast %swap3A_2411 : i32 to index
        %swap3A_2414 = arith.constant 0 : index
        %swap3A_2415 = tpu.vector_load %arg14[%swap3A_2412, %swap3A_2413, %swap3A_2414] {strides = array<i32>} : memref<3x80x64xf32, #tpu.memory_space<vmem>>, vector<16xf32>,
        tpu.vector_store %arg14[%swap3A_2412, %swap3A_2413, %swap3A_2414], %mul3A_2410 {strides = array<i32>} : memref<3x80x64xf32, #tpu.memory_space<vmem>>, vector<16xf32>,
        %get3A_2416 = arith.constant 48 : i32
        %get3A_2417 = arith.index_cast %rem3A_56 : i32 to index
        %get3A_2418 = arith.index_cast %get3A_2416 : i32 to index
        %get3A_2419 = arith.constant 16 : index
        %get3A_2420 = tpu.vector_load %arg14[%get3A_2417, %get3A_2418, %get3A_2419] {strides = array<i32>} : memref<3x80x64xf32, #tpu.memory_space<vmem>>, vector<16xf32>,
        %mul3A_2421 = arith.mulf %get3A_2420, %gather3A_2404 : vector<16xf32>
        %swap3A_2422 = arith.constant 48 : i32
        %swap3A_2423 = arith.index_cast %rem3A_56 : i32 to index
        %swap3A_2424 = arith.index_cast %swap3A_2422 : i32 to index
        %swap3A_2425 = arith.constant 16 : index
        %swap3A_2426 = tpu.vector_load %arg14[%swap3A_2423, %swap3A_2424, %swap3A_2425] {strides = array<i32>} : memref<3x80x64xf32, #tpu.memory_space<vmem>>, vector<16xf32>,
        tpu.vector_store %arg14[%swap3A_2423, %swap3A_2424, %swap3A_2425], %mul3A_2421 {strides = array<i32>} : memref<3x80x64xf32, #tpu.memory_space<vmem>>, vector<16xf32>,
        %get3A_2427 = arith.constant 48 : i32
        %get3A_2428 = arith.index_cast %rem3A_56 : i32 to index
        %get3A_2429 = arith.index_cast %get3A_2427 : i32 to index
        %get3A_2430 = arith.constant 32 : index
        %get3A_2431 = tpu.vector_load %arg14[%get3A_2428, %get3A_2429, %get3A_2430] {strides = array<i32>} : memref<3x80x64xf32, #tpu.memory_space<vmem>>, vector<16xf32>,
        %mul3A_2432 = arith.mulf %get3A_2431, %gather3A_2404 : vector<16xf32>
        %swap3A_2433 = arith.constant 48 : i32
        %swap3A_2434 = arith.index_cast %rem3A_56 : i32 to index
        %swap3A_2435 = arith.index_cast %swap3A_2433 : i32 to index
        %swap3A_2436 = arith.constant 32 : index
        %swap3A_2437 = tpu.vector_load %arg14[%swap3A_2434, %swap3A_2435, %swap3A_2436] {strides = array<i32>} : memref<3x80x64xf32, #tpu.memory_space<vmem>>, vector<16xf32>,
        tpu.vector_store %arg14[%swap3A_2434, %swap3A_2435, %swap3A_2436], %mul3A_2432 {strides = array<i32>} : memref<3x80x64xf32, #tpu.memory_space<vmem>>, vector<16xf32>,
        %get3A_2438 = arith.constant 48 : i32
        %get3A_2439 = arith.index_cast %rem3A_56 : i32 to index
        %get3A_2440 = arith.index_cast %get3A_2438 : i32 to index
        %get3A_2441 = arith.constant 48 : index
        %get3A_2442 = tpu.vector_load %arg14[%get3A_2439, %get3A_2440, %get3A_2441] {strides = array<i32>} : memref<3x80x64xf32, #tpu.memory_space<vmem>>, vector<16xf32>,
        %mul3A_2443 = arith.mulf %get3A_2442, %gather3A_2404 : vector<16xf32>
        %swap3A_2444 = arith.constant 48 : i32
        %swap3A_2445 = arith.index_cast %rem3A_56 : i32 to index
        %swap3A_2446 = arith.index_cast %swap3A_2444 : i32 to index
        %swap3A_2447 = arith.constant 48 : index
        %swap3A_2448 = tpu.vector_load %arg14[%swap3A_2445, %swap3A_2446, %swap3A_2447] {strides = array<i32>} : memref<3x80x64xf32, #tpu.memory_space<vmem>>, vector<16xf32>,
        tpu.vector_store %arg14[%swap3A_2445, %swap3A_2446, %swap3A_2447], %mul3A_2443 {strides = array<i32>} : memref<3x80x64xf32, #tpu.memory_space<vmem>>, vector<16xf32>,
        %broadcast_in_dim3A_2449 = arith.constant 1 : i32
        %broadcast_in_dim3A_2450 = vector.broadcast %broadcast_in_dim3A_2449 : i32 to vector<16x1xi32>
        %gather3A_2451 = vector.shape_cast %broadcast_in_dim3A_2450 : vector<16x1xi32> to vector<16xi32>
        %gather3A_2452 = tpu.dynamic_gather %get3A_2400[%gather3A_2451] in [0] : vector<16xf32>, vector<16xi32> -> vector<16xf32>
        %get3A_2453 = arith.constant 49 : i32
        %get3A_2454 = arith.index_cast %rem3A_56 : i32 to index
        %get3A_2455 = arith.index_cast %get3A_2453 : i32 to index
        %get3A_2456 = arith.constant 0 : index
        %get3A_2457 = tpu.vector_load %arg14[%get3A_2454, %get3A_2455, %get3A_2456] {strides = array<i32>} : memref<3x80x64xf32, #tpu.memory_space<vmem>>, vector<16xf32>,
        %mul3A_2458 = arith.mulf %get3A_2457, %gather3A_2452 : vector<16xf32>
        %swap3A_2459 = arith.constant 49 : i32
        %swap3A_2460 = arith.index_cast %rem3A_56 : i32 to index
        %swap3A_2461 = arith.index_cast %swap3A_2459 : i32 to index
        %swap3A_2462 = arith.constant 0 : index
        %swap3A_2463 = tpu.vector_load %arg14[%swap3A_2460, %swap3A_2461, %swap3A_2462] {strides = array<i32>} : memref<3x80x64xf32, #tpu.memory_space<vmem>>, vector<16xf32>,
        tpu.vector_store %arg14[%swap3A_2460, %swap3A_2461, %swap3A_2462], %mul3A_2458 {strides = array<i32>} : memref<3x80x64xf32, #tpu.memory_space<vmem>>, vector<16xf32>,
        %get3A_2464 = arith.constant 49 : i32
        %get3A_2465 = arith.index_cast %rem3A_56 : i32 to index
        %get3A_2466 = arith.index_cast %get3A_2464 : i32 to index
        %get3A_2467 = arith.constant 16 : index
        %get3A_2468 = tpu.vector_load %arg14[%get3A_2465, %get3A_2466, %get3A_2467] {strides = array<i32>} : memref<3x80x64xf32, #tpu.memory_space<vmem>>, vector<16xf32>,
        %mul3A_2469 = arith.mulf %get3A_2468, %gather3A_2452 : vector<16xf32>
        %swap3A_2470 = arith.constant 49 : i32
        %swap3A_2471 = arith.index_cast %rem3A_56 : i32 to index
        %swap3A_2472 = arith.index_cast %swap3A_2470 : i32 to index
        %swap3A_2473 = arith.constant 16 : index
        %swap3A_2474 = tpu.vector_load %arg14[%swap3A_2471, %swap3A_2472, %swap3A_2473] {strides = array<i32>} : memref<3x80x64xf32, #tpu.memory_space<vmem>>, vector<16xf32>,
        tpu.vector_store %arg14[%swap3A_2471, %swap3A_2472, %swap3A_2473], %mul3A_2469 {strides = array<i32>} : memref<3x80x64xf32, #tpu.memory_space<vmem>>, vector<16xf32>,
        %get3A_2475 = arith.constant 49 : i32
        %get3A_2476 = arith.index_cast %rem3A_56 : i32 to index
        %get3A_2477 = arith.index_cast %get3A_2475 : i32 to index
        %get3A_2478 = arith.constant 32 : index
        %get3A_2479 = tpu.vector_load %arg14[%get3A_2476, %get3A_2477, %get3A_2478] {strides = array<i32>} : memref<3x80x64xf32, #tpu.memory_space<vmem>>, vector<16xf32>,
        %mul3A_2480 = arith.mulf %get3A_2479, %gather3A_2452 : vector<16xf32>
        %swap3A_2481 = arith.constant 49 : i32
        %swap3A_2482 = arith.index_cast %rem3A_56 : i32 to index
        %swap3A_2483 = arith.index_cast %swap3A_2481 : i32 to index
        %swap3A_2484 = arith.constant 32 : index
        %swap3A_2485 = tpu.vector_load %arg14[%swap3A_2482, %swap3A_2483, %swap3A_2484] {strides = array<i32>} : memref<3x80x64xf32, #tpu.memory_space<vmem>>, vector<16xf32>,
        tpu.vector_store %arg14[%swap3A_2482, %swap3A_2483, %swap3A_2484], %mul3A_2480 {strides = array<i32>} : memref<3x80x64xf32, #tpu.memory_space<vmem>>, vector<16xf32>,
        %get3A_2486 = arith.constant 49 : i32
        %get3A_2487 = arith.index_cast %rem3A_56 : i32 to index
        %get3A_2488 = arith.index_cast %get3A_2486 : i32 to index
        %get3A_2489 = arith.constant 48 : index
        %get3A_2490 = tpu.vector_load %arg14[%get3A_2487, %get3A_2488, %get3A_2489] {strides = array<i32>} : memref<3x80x64xf32, #tpu.memory_space<vmem>>, vector<16xf32>,
        %mul3A_2491 = arith.mulf %get3A_2490, %gather3A_2452 : vector<16xf32>
        %swap3A_2492 = arith.constant 49 : i32
        %swap3A_2493 = arith.index_cast %rem3A_56 : i32 to index
        %swap3A_2494 = arith.index_cast %swap3A_2492 : i32 to index
        %swap3A_2495 = arith.constant 48 : index
        %swap3A_2496 = tpu.vector_load %arg14[%swap3A_2493, %swap3A_2494, %swap3A_2495] {strides = array<i32>} : memref<3x80x64xf32, #tpu.memory_space<vmem>>, vector<16xf32>,
        tpu.vector_store %arg14[%swap3A_2493, %swap3A_2494, %swap3A_2495], %mul3A_2491 {strides = array<i32>} : memref<3x80x64xf32, #tpu.memory_space<vmem>>, vector<16xf32>,
        %broadcast_in_dim3A_2497 = arith.constant 2 : i32
        %broadcast_in_dim3A_2498 = vector.broadcast %broadcast_in_dim3A_2497 : i32 to vector<16x1xi32>
        %gather3A_2499 = vector.shape_cast %broadcast_in_dim3A_2498 : vector<16x1xi32> to vector<16xi32>
        %gather3A_2500 = tpu.dynamic_gather %get3A_2400[%gather3A_2499] in [0] : vector<16xf32>, vector<16xi32> -> vector<16xf32>
        %get3A_2501 = arith.constant 50 : i32
        %get3A_2502 = arith.index_cast %rem3A_56 : i32 to index
        %get3A_2503 = arith.index_cast %get3A_2501 : i32 to index
        %get3A_2504 = arith.constant 0 : index
        %get3A_2505 = tpu.vector_load %arg14[%get3A_2502, %get3A_2503, %get3A_2504] {strides = array<i32>} : memref<3x80x64xf32, #tpu.memory_space<vmem>>, vector<16xf32>,
        %mul3A_2506 = arith.mulf %get3A_2505, %gather3A_2500 : vector<16xf32>
        %swap3A_2507 = arith.constant 50 : i32
        %swap3A_2508 = arith.index_cast %rem3A_56 : i32 to index
        %swap3A_2509 = arith.index_cast %swap3A_2507 : i32 to index
        %swap3A_2510 = arith.constant 0 : index
        %swap3A_2511 = tpu.vector_load %arg14[%swap3A_2508, %swap3A_2509, %swap3A_2510] {strides = array<i32>} : memref<3x80x64xf32, #tpu.memory_space<vmem>>, vector<16xf32>,
        tpu.vector_store %arg14[%swap3A_2508, %swap3A_2509, %swap3A_2510], %mul3A_2506 {strides = array<i32>} : memref<3x80x64xf32, #tpu.memory_space<vmem>>, vector<16xf32>,
        %get3A_2512 = arith.constant 50 : i32
        %get3A_2513 = arith.index_cast %rem3A_56 : i32 to index
        %get3A_2514 = arith.index_cast %get3A_2512 : i32 to index
        %get3A_2515 = arith.constant 16 : index
        %get3A_2516 = tpu.vector_load %arg14[%get3A_2513, %get3A_2514, %get3A_2515] {strides = array<i32>} : memref<3x80x64xf32, #tpu.memory_space<vmem>>, vector<16xf32>,
        %mul3A_2517 = arith.mulf %get3A_2516, %gather3A_2500 : vector<16xf32>
        %swap3A_2518 = arith.constant 50 : i32
        %swap3A_2519 = arith.index_cast %rem3A_56 : i32 to index
        %swap3A_2520 = arith.index_cast %swap3A_2518 : i32 to index
        %swap3A_2521 = arith.constant 16 : index
        %swap3A_2522 = tpu.vector_load %arg14[%swap3A_2519, %swap3A_2520, %swap3A_2521] {strides = array<i32>} : memref<3x80x64xf32, #tpu.memory_space<vmem>>, vector<16xf32>,
        tpu.vector_store %arg14[%swap3A_2519, %swap3A_2520, %swap3A_2521], %mul3A_2517 {strides = array<i32>} : memref<3x80x64xf32, #tpu.memory_space<vmem>>, vector<16xf32>,
        %get3A_2523 = arith.constant 50 : i32
        %get3A_2524 = arith.index_cast %rem3A_56 : i32 to index
        %get3A_2525 = arith.index_cast %get3A_2523 : i32 to index
        %get3A_2526 = arith.constant 32 : index
        %get3A_2527 = tpu.vector_load %arg14[%get3A_2524, %get3A_2525, %get3A_2526] {strides = array<i32>} : memref<3x80x64xf32, #tpu.memory_space<vmem>>, vector<16xf32>,
        %mul3A_2528 = arith.mulf %get3A_2527, %gather3A_2500 : vector<16xf32>
        %swap3A_2529 = arith.constant 50 : i32
        %swap3A_2530 = arith.index_cast %rem3A_56 : i32 to index
        %swap3A_2531 = arith.index_cast %swap3A_2529 : i32 to index
        %swap3A_2532 = arith.constant 32 : index
        %swap3A_2533 = tpu.vector_load %arg14[%swap3A_2530, %swap3A_2531, %swap3A_2532] {strides = array<i32>} : memref<3x80x64xf32, #tpu.memory_space<vmem>>, vector<16xf32>,
        tpu.vector_store %arg14[%swap3A_2530, %swap3A_2531, %swap3A_2532], %mul3A_2528 {strides = array<i32>} : memref<3x80x64xf32, #tpu.memory_space<vmem>>, vector<16xf32>,
        %get3A_2534 = arith.constant 50 : i32
        %get3A_2535 = arith.index_cast %rem3A_56 : i32 to index
        %get3A_2536 = arith.index_cast %get3A_2534 : i32 to index
        %get3A_2537 = arith.constant 48 : index
        %get3A_2538 = tpu.vector_load %arg14[%get3A_2535, %get3A_2536, %get3A_2537] {strides = array<i32>} : memref<3x80x64xf32, #tpu.memory_space<vmem>>, vector<16xf32>,
        %mul3A_2539 = arith.mulf %get3A_2538, %gather3A_2500 : vector<16xf32>
        %swap3A_2540 = arith.constant 50 : i32
        %swap3A_2541 = arith.index_cast %rem3A_56 : i32 to index
        %swap3A_2542 = arith.index_cast %swap3A_2540 : i32 to index
        %swap3A_2543 = arith.constant 48 : index
        %swap3A_2544 = tpu.vector_load %arg14[%swap3A_2541, %swap3A_2542, %swap3A_2543] {strides = array<i32>} : memref<3x80x64xf32, #tpu.memory_space<vmem>>, vector<16xf32>,
        tpu.vector_store %arg14[%swap3A_2541, %swap3A_2542, %swap3A_2543], %mul3A_2539 {strides = array<i32>} : memref<3x80x64xf32, #tpu.memory_space<vmem>>, vector<16xf32>,
        %broadcast_in_dim3A_2545 = arith.constant 3 : i32
        %broadcast_in_dim3A_2546 = vector.broadcast %broadcast_in_dim3A_2545 : i32 to vector<16x1xi32>
        %gather3A_2547 = vector.shape_cast %broadcast_in_dim3A_2546 : vector<16x1xi32> to vector<16xi32>
        %gather3A_2548 = tpu.dynamic_gather %get3A_2400[%gather3A_2547] in [0] : vector<16xf32>, vector<16xi32> -> vector<16xf32>
        %get3A_2549 = arith.constant 51 : i32
        %get3A_2550 = arith.index_cast %rem3A_56 : i32 to index
        %get3A_2551 = arith.index_cast %get3A_2549 : i32 to index
        %get3A_2552 = arith.constant 0 : index
        %get3A_2553 = tpu.vector_load %arg14[%get3A_2550, %get3A_2551, %get3A_2552] {strides = array<i32>} : memref<3x80x64xf32, #tpu.memory_space<vmem>>, vector<16xf32>,
        %mul3A_2554 = arith.mulf %get3A_2553, %gather3A_2548 : vector<16xf32>
        %swap3A_2555 = arith.constant 51 : i32
        %swap3A_2556 = arith.index_cast %rem3A_56 : i32 to index
        %swap3A_2557 = arith.index_cast %swap3A_2555 : i32 to index
        %swap3A_2558 = arith.constant 0 : index
        %swap3A_2559 = tpu.vector_load %arg14[%swap3A_2556, %swap3A_2557, %swap3A_2558] {strides = array<i32>} : memref<3x80x64xf32, #tpu.memory_space<vmem>>, vector<16xf32>,
        tpu.vector_store %arg14[%swap3A_2556, %swap3A_2557, %swap3A_2558], %mul3A_2554 {strides = array<i32>} : memref<3x80x64xf32, #tpu.memory_space<vmem>>, vector<16xf32>,
        %get3A_2560 = arith.constant 51 : i32
        %get3A_2561 = arith.index_cast %rem3A_56 : i32 to index
        %get3A_2562 = arith.index_cast %get3A_2560 : i32 to index
        %get3A_2563 = arith.constant 16 : index
        %get3A_2564 = tpu.vector_load %arg14[%get3A_2561, %get3A_2562, %get3A_2563] {strides = array<i32>} : memref<3x80x64xf32, #tpu.memory_space<vmem>>, vector<16xf32>,
        %mul3A_2565 = arith.mulf %get3A_2564, %gather3A_2548 : vector<16xf32>
        %swap3A_2566 = arith.constant 51 : i32
        %swap3A_2567 = arith.index_cast %rem3A_56 : i32 to index
        %swap3A_2568 = arith.index_cast %swap3A_2566 : i32 to index
        %swap3A_2569 = arith.constant 16 : index
        %swap3A_2570 = tpu.vector_load %arg14[%swap3A_2567, %swap3A_2568, %swap3A_2569] {strides = array<i32>} : memref<3x80x64xf32, #tpu.memory_space<vmem>>, vector<16xf32>,
        tpu.vector_store %arg14[%swap3A_2567, %swap3A_2568, %swap3A_2569], %mul3A_2565 {strides = array<i32>} : memref<3x80x64xf32, #tpu.memory_space<vmem>>, vector<16xf32>,
        %get3A_2571 = arith.constant 51 : i32
        %get3A_2572 = arith.index_cast %rem3A_56 : i32 to index
        %get3A_2573 = arith.index_cast %get3A_2571 : i32 to index
        %get3A_2574 = arith.constant 32 : index
        %get3A_2575 = tpu.vector_load %arg14[%get3A_2572, %get3A_2573, %get3A_2574] {strides = array<i32>} : memref<3x80x64xf32, #tpu.memory_space<vmem>>, vector<16xf32>,
        %mul3A_2576 = arith.mulf %get3A_2575, %gather3A_2548 : vector<16xf32>
        %swap3A_2577 = arith.constant 51 : i32
        %swap3A_2578 = arith.index_cast %rem3A_56 : i32 to index
        %swap3A_2579 = arith.index_cast %swap3A_2577 : i32 to index
        %swap3A_2580 = arith.constant 32 : index
        %swap3A_2581 = tpu.vector_load %arg14[%swap3A_2578, %swap3A_2579, %swap3A_2580] {strides = array<i32>} : memref<3x80x64xf32, #tpu.memory_space<vmem>>, vector<16xf32>,
        tpu.vector_store %arg14[%swap3A_2578, %swap3A_2579, %swap3A_2580], %mul3A_2576 {strides = array<i32>} : memref<3x80x64xf32, #tpu.memory_space<vmem>>, vector<16xf32>,
        %get3A_2582 = arith.constant 51 : i32
        %get3A_2583 = arith.index_cast %rem3A_56 : i32 to index
        %get3A_2584 = arith.index_cast %get3A_2582 : i32 to index
        %get3A_2585 = arith.constant 48 : index
        %get3A_2586 = tpu.vector_load %arg14[%get3A_2583, %get3A_2584, %get3A_2585] {strides = array<i32>} : memref<3x80x64xf32, #tpu.memory_space<vmem>>, vector<16xf32>,
        %mul3A_2587 = arith.mulf %get3A_2586, %gather3A_2548 : vector<16xf32>
        %swap3A_2588 = arith.constant 51 : i32
        %swap3A_2589 = arith.index_cast %rem3A_56 : i32 to index
        %swap3A_2590 = arith.index_cast %swap3A_2588 : i32 to index
        %swap3A_2591 = arith.constant 48 : index
        %swap3A_2592 = tpu.vector_load %arg14[%swap3A_2589, %swap3A_2590, %swap3A_2591] {strides = array<i32>} : memref<3x80x64xf32, #tpu.memory_space<vmem>>, vector<16xf32>,
        tpu.vector_store %arg14[%swap3A_2589, %swap3A_2590, %swap3A_2591], %mul3A_2587 {strides = array<i32>} : memref<3x80x64xf32, #tpu.memory_space<vmem>>, vector<16xf32>,
        %broadcast_in_dim3A_2593 = arith.constant 4 : i32
        %broadcast_in_dim3A_2594 = vector.broadcast %broadcast_in_dim3A_2593 : i32 to vector<16x1xi32>
        %gather3A_2595 = vector.shape_cast %broadcast_in_dim3A_2594 : vector<16x1xi32> to vector<16xi32>
        %gather3A_2596 = tpu.dynamic_gather %get3A_2400[%gather3A_2595] in [0] : vector<16xf32>, vector<16xi32> -> vector<16xf32>
        %get3A_2597 = arith.constant 52 : i32
        %get3A_2598 = arith.index_cast %rem3A_56 : i32 to index
        %get3A_2599 = arith.index_cast %get3A_2597 : i32 to index
        %get3A_2600 = arith.constant 0 : index
        %get3A_2601 = tpu.vector_load %arg14[%get3A_2598, %get3A_2599, %get3A_2600] {strides = array<i32>} : memref<3x80x64xf32, #tpu.memory_space<vmem>>, vector<16xf32>,
        %mul3A_2602 = arith.mulf %get3A_2601, %gather3A_2596 : vector<16xf32>
        %swap3A_2603 = arith.constant 52 : i32
        %swap3A_2604 = arith.index_cast %rem3A_56 : i32 to index
        %swap3A_2605 = arith.index_cast %swap3A_2603 : i32 to index
        %swap3A_2606 = arith.constant 0 : index
        %swap3A_2607 = tpu.vector_load %arg14[%swap3A_2604, %swap3A_2605, %swap3A_2606] {strides = array<i32>} : memref<3x80x64xf32, #tpu.memory_space<vmem>>, vector<16xf32>,
        tpu.vector_store %arg14[%swap3A_2604, %swap3A_2605, %swap3A_2606], %mul3A_2602 {strides = array<i32>} : memref<3x80x64xf32, #tpu.memory_space<vmem>>, vector<16xf32>,
        %get3A_2608 = arith.constant 52 : i32
        %get3A_2609 = arith.index_cast %rem3A_56 : i32 to index
        %get3A_2610 = arith.index_cast %get3A_2608 : i32 to index
        %get3A_2611 = arith.constant 16 : index
        %get3A_2612 = tpu.vector_load %arg14[%get3A_2609, %get3A_2610, %get3A_2611] {strides = array<i32>} : memref<3x80x64xf32, #tpu.memory_space<vmem>>, vector<16xf32>,
        %mul3A_2613 = arith.mulf %get3A_2612, %gather3A_2596 : vector<16xf32>
        %swap3A_2614 = arith.constant 52 : i32
        %swap3A_2615 = arith.index_cast %rem3A_56 : i32 to index
        %swap3A_2616 = arith.index_cast %swap3A_2614 : i32 to index
        %swap3A_2617 = arith.constant 16 : index
        %swap3A_2618 = tpu.vector_load %arg14[%swap3A_2615, %swap3A_2616, %swap3A_2617] {strides = array<i32>} : memref<3x80x64xf32, #tpu.memory_space<vmem>>, vector<16xf32>,
        tpu.vector_store %arg14[%swap3A_2615, %swap3A_2616, %swap3A_2617], %mul3A_2613 {strides = array<i32>} : memref<3x80x64xf32, #tpu.memory_space<vmem>>, vector<16xf32>,
        %get3A_2619 = arith.constant 52 : i32
        %get3A_2620 = arith.index_cast %rem3A_56 : i32 to index
        %get3A_2621 = arith.index_cast %get3A_2619 : i32 to index
        %get3A_2622 = arith.constant 32 : index
        %get3A_2623 = tpu.vector_load %arg14[%get3A_2620, %get3A_2621, %get3A_2622] {strides = array<i32>} : memref<3x80x64xf32, #tpu.memory_space<vmem>>, vector<16xf32>,
        %mul3A_2624 = arith.mulf %get3A_2623, %gather3A_2596 : vector<16xf32>
        %swap3A_2625 = arith.constant 52 : i32
        %swap3A_2626 = arith.index_cast %rem3A_56 : i32 to index
        %swap3A_2627 = arith.index_cast %swap3A_2625 : i32 to index
        %swap3A_2628 = arith.constant 32 : index
        %swap3A_2629 = tpu.vector_load %arg14[%swap3A_2626, %swap3A_2627, %swap3A_2628] {strides = array<i32>} : memref<3x80x64xf32, #tpu.memory_space<vmem>>, vector<16xf32>,
        tpu.vector_store %arg14[%swap3A_2626, %swap3A_2627, %swap3A_2628], %mul3A_2624 {strides = array<i32>} : memref<3x80x64xf32, #tpu.memory_space<vmem>>, vector<16xf32>,
        %get3A_2630 = arith.constant 52 : i32
        %get3A_2631 = arith.index_cast %rem3A_56 : i32 to index
        %get3A_2632 = arith.index_cast %get3A_2630 : i32 to index
        %get3A_2633 = arith.constant 48 : index
        %get3A_2634 = tpu.vector_load %arg14[%get3A_2631, %get3A_2632, %get3A_2633] {strides = array<i32>} : memref<3x80x64xf32, #tpu.memory_space<vmem>>, vector<16xf32>,
        %mul3A_2635 = arith.mulf %get3A_2634, %gather3A_2596 : vector<16xf32>
        %swap3A_2636 = arith.constant 52 : i32
        %swap3A_2637 = arith.index_cast %rem3A_56 : i32 to index
        %swap3A_2638 = arith.index_cast %swap3A_2636 : i32 to index
        %swap3A_2639 = arith.constant 48 : index
        %swap3A_2640 = tpu.vector_load %arg14[%swap3A_2637, %swap3A_2638, %swap3A_2639] {strides = array<i32>} : memref<3x80x64xf32, #tpu.memory_space<vmem>>, vector<16xf32>,
        tpu.vector_store %arg14[%swap3A_2637, %swap3A_2638, %swap3A_2639], %mul3A_2635 {strides = array<i32>} : memref<3x80x64xf32, #tpu.memory_space<vmem>>, vector<16xf32>,
        %broadcast_in_dim3A_2641 = arith.constant 5 : i32
        %broadcast_in_dim3A_2642 = vector.broadcast %broadcast_in_dim3A_2641 : i32 to vector<16x1xi32>
        %gather3A_2643 = vector.shape_cast %broadcast_in_dim3A_2642 : vector<16x1xi32> to vector<16xi32>
        %gather3A_2644 = tpu.dynamic_gather %get3A_2400[%gather3A_2643] in [0] : vector<16xf32>, vector<16xi32> -> vector<16xf32>
        %get3A_2645 = arith.constant 53 : i32
        %get3A_2646 = arith.index_cast %rem3A_56 : i32 to index
        %get3A_2647 = arith.index_cast %get3A_2645 : i32 to index
        %get3A_2648 = arith.constant 0 : index
        %get3A_2649 = tpu.vector_load %arg14[%get3A_2646, %get3A_2647, %get3A_2648] {strides = array<i32>} : memref<3x80x64xf32, #tpu.memory_space<vmem>>, vector<16xf32>,
        %mul3A_2650 = arith.mulf %get3A_2649, %gather3A_2644 : vector<16xf32>
        %swap3A_2651 = arith.constant 53 : i32
        %swap3A_2652 = arith.index_cast %rem3A_56 : i32 to index
        %swap3A_2653 = arith.index_cast %swap3A_2651 : i32 to index
        %swap3A_2654 = arith.constant 0 : index
        %swap3A_2655 = tpu.vector_load %arg14[%swap3A_2652, %swap3A_2653, %swap3A_2654] {strides = array<i32>} : memref<3x80x64xf32, #tpu.memory_space<vmem>>, vector<16xf32>,
        tpu.vector_store %arg14[%swap3A_2652, %swap3A_2653, %swap3A_2654], %mul3A_2650 {strides = array<i32>} : memref<3x80x64xf32, #tpu.memory_space<vmem>>, vector<16xf32>,
        %get3A_2656 = arith.constant 53 : i32
        %get3A_2657 = arith.index_cast %rem3A_56 : i32 to index
        %get3A_2658 = arith.index_cast %get3A_2656 : i32 to index
        %get3A_2659 = arith.constant 16 : index
        %get3A_2660 = tpu.vector_load %arg14[%get3A_2657, %get3A_2658, %get3A_2659] {strides = array<i32>} : memref<3x80x64xf32, #tpu.memory_space<vmem>>, vector<16xf32>,
        %mul3A_2661 = arith.mulf %get3A_2660, %gather3A_2644 : vector<16xf32>
        %swap3A_2662 = arith.constant 53 : i32
        %swap3A_2663 = arith.index_cast %rem3A_56 : i32 to index
        %swap3A_2664 = arith.index_cast %swap3A_2662 : i32 to index
        %swap3A_2665 = arith.constant 16 : index
        %swap3A_2666 = tpu.vector_load %arg14[%swap3A_2663, %swap3A_2664, %swap3A_2665] {strides = array<i32>} : memref<3x80x64xf32, #tpu.memory_space<vmem>>, vector<16xf32>,
        tpu.vector_store %arg14[%swap3A_2663, %swap3A_2664, %swap3A_2665], %mul3A_2661 {strides = array<i32>} : memref<3x80x64xf32, #tpu.memory_space<vmem>>, vector<16xf32>,
        %get3A_2667 = arith.constant 53 : i32
        %get3A_2668 = arith.index_cast %rem3A_56 : i32 to index
        %get3A_2669 = arith.index_cast %get3A_2667 : i32 to index
        %get3A_2670 = arith.constant 32 : index
        %get3A_2671 = tpu.vector_load %arg14[%get3A_2668, %get3A_2669, %get3A_2670] {strides = array<i32>} : memref<3x80x64xf32, #tpu.memory_space<vmem>>, vector<16xf32>,
        %mul3A_2672 = arith.mulf %get3A_2671, %gather3A_2644 : vector<16xf32>
        %swap3A_2673 = arith.constant 53 : i32
        %swap3A_2674 = arith.index_cast %rem3A_56 : i32 to index
        %swap3A_2675 = arith.index_cast %swap3A_2673 : i32 to index
        %swap3A_2676 = arith.constant 32 : index
        %swap3A_2677 = tpu.vector_load %arg14[%swap3A_2674, %swap3A_2675, %swap3A_2676] {strides = array<i32>} : memref<3x80x64xf32, #tpu.memory_space<vmem>>, vector<16xf32>,
        tpu.vector_store %arg14[%swap3A_2674, %swap3A_2675, %swap3A_2676], %mul3A_2672 {strides = array<i32>} : memref<3x80x64xf32, #tpu.memory_space<vmem>>, vector<16xf32>,
        %get3A_2678 = arith.constant 53 : i32
        %get3A_2679 = arith.index_cast %rem3A_56 : i32 to index
        %get3A_2680 = arith.index_cast %get3A_2678 : i32 to index
        %get3A_2681 = arith.constant 48 : index
        %get3A_2682 = tpu.vector_load %arg14[%get3A_2679, %get3A_2680, %get3A_2681] {strides = array<i32>} : memref<3x80x64xf32, #tpu.memory_space<vmem>>, vector<16xf32>,
        %mul3A_2683 = arith.mulf %get3A_2682, %gather3A_2644 : vector<16xf32>
        %swap3A_2684 = arith.constant 53 : i32
        %swap3A_2685 = arith.index_cast %rem3A_56 : i32 to index
        %swap3A_2686 = arith.index_cast %swap3A_2684 : i32 to index
        %swap3A_2687 = arith.constant 48 : index
        %swap3A_2688 = tpu.vector_load %arg14[%swap3A_2685, %swap3A_2686, %swap3A_2687] {strides = array<i32>} : memref<3x80x64xf32, #tpu.memory_space<vmem>>, vector<16xf32>,
        tpu.vector_store %arg14[%swap3A_2685, %swap3A_2686, %swap3A_2687], %mul3A_2683 {strides = array<i32>} : memref<3x80x64xf32, #tpu.memory_space<vmem>>, vector<16xf32>,
        %broadcast_in_dim3A_2689 = arith.constant 6 : i32
        %broadcast_in_dim3A_2690 = vector.broadcast %broadcast_in_dim3A_2689 : i32 to vector<16x1xi32>
        %gather3A_2691 = vector.shape_cast %broadcast_in_dim3A_2690 : vector<16x1xi32> to vector<16xi32>
        %gather3A_2692 = tpu.dynamic_gather %get3A_2400[%gather3A_2691] in [0] : vector<16xf32>, vector<16xi32> -> vector<16xf32>
        %get3A_2693 = arith.constant 54 : i32
        %get3A_2694 = arith.index_cast %rem3A_56 : i32 to index
        %get3A_2695 = arith.index_cast %get3A_2693 : i32 to index
        %get3A_2696 = arith.constant 0 : index
        %get3A_2697 = tpu.vector_load %arg14[%get3A_2694, %get3A_2695, %get3A_2696] {strides = array<i32>} : memref<3x80x64xf32, #tpu.memory_space<vmem>>, vector<16xf32>,
        %mul3A_2698 = arith.mulf %get3A_2697, %gather3A_2692 : vector<16xf32>
        %swap3A_2699 = arith.constant 54 : i32
        %swap3A_2700 = arith.index_cast %rem3A_56 : i32 to index
        %swap3A_2701 = arith.index_cast %swap3A_2699 : i32 to index
        %swap3A_2702 = arith.constant 0 : index
        %swap3A_2703 = tpu.vector_load %arg14[%swap3A_2700, %swap3A_2701, %swap3A_2702] {strides = array<i32>} : memref<3x80x64xf32, #tpu.memory_space<vmem>>, vector<16xf32>,
        tpu.vector_store %arg14[%swap3A_2700, %swap3A_2701, %swap3A_2702], %mul3A_2698 {strides = array<i32>} : memref<3x80x64xf32, #tpu.memory_space<vmem>>, vector<16xf32>,
        %get3A_2704 = arith.constant 54 : i32
        %get3A_2705 = arith.index_cast %rem3A_56 : i32 to index
        %get3A_2706 = arith.index_cast %get3A_2704 : i32 to index
        %get3A_2707 = arith.constant 16 : index
        %get3A_2708 = tpu.vector_load %arg14[%get3A_2705, %get3A_2706, %get3A_2707] {strides = array<i32>} : memref<3x80x64xf32, #tpu.memory_space<vmem>>, vector<16xf32>,
        %mul3A_2709 = arith.mulf %get3A_2708, %gather3A_2692 : vector<16xf32>
        %swap3A_2710 = arith.constant 54 : i32
        %swap3A_2711 = arith.index_cast %rem3A_56 : i32 to index
        %swap3A_2712 = arith.index_cast %swap3A_2710 : i32 to index
        %swap3A_2713 = arith.constant 16 : index
        %swap3A_2714 = tpu.vector_load %arg14[%swap3A_2711, %swap3A_2712, %swap3A_2713] {strides = array<i32>} : memref<3x80x64xf32, #tpu.memory_space<vmem>>, vector<16xf32>,
        tpu.vector_store %arg14[%swap3A_2711, %swap3A_2712, %swap3A_2713], %mul3A_2709 {strides = array<i32>} : memref<3x80x64xf32, #tpu.memory_space<vmem>>, vector<16xf32>,
        %get3A_2715 = arith.constant 54 : i32
        %get3A_2716 = arith.index_cast %rem3A_56 : i32 to index
        %get3A_2717 = arith.index_cast %get3A_2715 : i32 to index
        %get3A_2718 = arith.constant 32 : index
        %get3A_2719 = tpu.vector_load %arg14[%get3A_2716, %get3A_2717, %get3A_2718] {strides = array<i32>} : memref<3x80x64xf32, #tpu.memory_space<vmem>>, vector<16xf32>,
        %mul3A_2720 = arith.mulf %get3A_2719, %gather3A_2692 : vector<16xf32>
        %swap3A_2721 = arith.constant 54 : i32
        %swap3A_2722 = arith.index_cast %rem3A_56 : i32 to index
        %swap3A_2723 = arith.index_cast %swap3A_2721 : i32 to index
        %swap3A_2724 = arith.constant 32 : index
        %swap3A_2725 = tpu.vector_load %arg14[%swap3A_2722, %swap3A_2723, %swap3A_2724] {strides = array<i32>} : memref<3x80x64xf32, #tpu.memory_space<vmem>>, vector<16xf32>,
        tpu.vector_store %arg14[%swap3A_2722, %swap3A_2723, %swap3A_2724], %mul3A_2720 {strides = array<i32>} : memref<3x80x64xf32, #tpu.memory_space<vmem>>, vector<16xf32>,
        %get3A_2726 = arith.constant 54 : i32
        %get3A_2727 = arith.index_cast %rem3A_56 : i32 to index
        %get3A_2728 = arith.index_cast %get3A_2726 : i32 to index
        %get3A_2729 = arith.constant 48 : index
        %get3A_2730 = tpu.vector_load %arg14[%get3A_2727, %get3A_2728, %get3A_2729] {strides = array<i32>} : memref<3x80x64xf32, #tpu.memory_space<vmem>>, vector<16xf32>,
        %mul3A_2731 = arith.mulf %get3A_2730, %gather3A_2692 : vector<16xf32>
        %swap3A_2732 = arith.constant 54 : i32
        %swap3A_2733 = arith.index_cast %rem3A_56 : i32 to index
        %swap3A_2734 = arith.index_cast %swap3A_2732 : i32 to index
        %swap3A_2735 = arith.constant 48 : index
        %swap3A_2736 = tpu.vector_load %arg14[%swap3A_2733, %swap3A_2734, %swap3A_2735] {strides = array<i32>} : memref<3x80x64xf32, #tpu.memory_space<vmem>>, vector<16xf32>,
        tpu.vector_store %arg14[%swap3A_2733, %swap3A_2734, %swap3A_2735], %mul3A_2731 {strides = array<i32>} : memref<3x80x64xf32, #tpu.memory_space<vmem>>, vector<16xf32>,
        %broadcast_in_dim3A_2737 = arith.constant 7 : i32
        %broadcast_in_dim3A_2738 = vector.broadcast %broadcast_in_dim3A_2737 : i32 to vector<16x1xi32>
        %gather3A_2739 = vector.shape_cast %broadcast_in_dim3A_2738 : vector<16x1xi32> to vector<16xi32>
        %gather3A_2740 = tpu.dynamic_gather %get3A_2400[%gather3A_2739] in [0] : vector<16xf32>, vector<16xi32> -> vector<16xf32>
        %get3A_2741 = arith.constant 55 : i32
        %get3A_2742 = arith.index_cast %rem3A_56 : i32 to index
        %get3A_2743 = arith.index_cast %get3A_2741 : i32 to index
        %get3A_2744 = arith.constant 0 : index
        %get3A_2745 = tpu.vector_load %arg14[%get3A_2742, %get3A_2743, %get3A_2744] {strides = array<i32>} : memref<3x80x64xf32, #tpu.memory_space<vmem>>, vector<16xf32>,
        %mul3A_2746 = arith.mulf %get3A_2745, %gather3A_2740 : vector<16xf32>
        %swap3A_2747 = arith.constant 55 : i32
        %swap3A_2748 = arith.index_cast %rem3A_56 : i32 to index
        %swap3A_2749 = arith.index_cast %swap3A_2747 : i32 to index
        %swap3A_2750 = arith.constant 0 : index
        %swap3A_2751 = tpu.vector_load %arg14[%swap3A_2748, %swap3A_2749, %swap3A_2750] {strides = array<i32>} : memref<3x80x64xf32, #tpu.memory_space<vmem>>, vector<16xf32>,
        tpu.vector_store %arg14[%swap3A_2748, %swap3A_2749, %swap3A_2750], %mul3A_2746 {strides = array<i32>} : memref<3x80x64xf32, #tpu.memory_space<vmem>>, vector<16xf32>,
        %get3A_2752 = arith.constant 55 : i32
        %get3A_2753 = arith.index_cast %rem3A_56 : i32 to index
        %get3A_2754 = arith.index_cast %get3A_2752 : i32 to index
        %get3A_2755 = arith.constant 16 : index
        %get3A_2756 = tpu.vector_load %arg14[%get3A_2753, %get3A_2754, %get3A_2755] {strides = array<i32>} : memref<3x80x64xf32, #tpu.memory_space<vmem>>, vector<16xf32>,
        %mul3A_2757 = arith.mulf %get3A_2756, %gather3A_2740 : vector<16xf32>
        %swap3A_2758 = arith.constant 55 : i32
        %swap3A_2759 = arith.index_cast %rem3A_56 : i32 to index
        %swap3A_2760 = arith.index_cast %swap3A_2758 : i32 to index
        %swap3A_2761 = arith.constant 16 : index
        %swap3A_2762 = tpu.vector_load %arg14[%swap3A_2759, %swap3A_2760, %swap3A_2761] {strides = array<i32>} : memref<3x80x64xf32, #tpu.memory_space<vmem>>, vector<16xf32>,
        tpu.vector_store %arg14[%swap3A_2759, %swap3A_2760, %swap3A_2761], %mul3A_2757 {strides = array<i32>} : memref<3x80x64xf32, #tpu.memory_space<vmem>>, vector<16xf32>,
        %get3A_2763 = arith.constant 55 : i32
        %get3A_2764 = arith.index_cast %rem3A_56 : i32 to index
        %get3A_2765 = arith.index_cast %get3A_2763 : i32 to index
        %get3A_2766 = arith.constant 32 : index
        %get3A_2767 = tpu.vector_load %arg14[%get3A_2764, %get3A_2765, %get3A_2766] {strides = array<i32>} : memref<3x80x64xf32, #tpu.memory_space<vmem>>, vector<16xf32>,
        %mul3A_2768 = arith.mulf %get3A_2767, %gather3A_2740 : vector<16xf32>
        %swap3A_2769 = arith.constant 55 : i32
        %swap3A_2770 = arith.index_cast %rem3A_56 : i32 to index
        %swap3A_2771 = arith.index_cast %swap3A_2769 : i32 to index
        %swap3A_2772 = arith.constant 32 : index
        %swap3A_2773 = tpu.vector_load %arg14[%swap3A_2770, %swap3A_2771, %swap3A_2772] {strides = array<i32>} : memref<3x80x64xf32, #tpu.memory_space<vmem>>, vector<16xf32>,
        tpu.vector_store %arg14[%swap3A_2770, %swap3A_2771, %swap3A_2772], %mul3A_2768 {strides = array<i32>} : memref<3x80x64xf32, #tpu.memory_space<vmem>>, vector<16xf32>,
        %get3A_2774 = arith.constant 55 : i32
        %get3A_2775 = arith.index_cast %rem3A_56 : i32 to index
        %get3A_2776 = arith.index_cast %get3A_2774 : i32 to index
        %get3A_2777 = arith.constant 48 : index
        %get3A_2778 = tpu.vector_load %arg14[%get3A_2775, %get3A_2776, %get3A_2777] {strides = array<i32>} : memref<3x80x64xf32, #tpu.memory_space<vmem>>, vector<16xf32>,
        %mul3A_2779 = arith.mulf %get3A_2778, %gather3A_2740 : vector<16xf32>
        %swap3A_2780 = arith.constant 55 : i32
        %swap3A_2781 = arith.index_cast %rem3A_56 : i32 to index
        %swap3A_2782 = arith.index_cast %swap3A_2780 : i32 to index
        %swap3A_2783 = arith.constant 48 : index
        %swap3A_2784 = tpu.vector_load %arg14[%swap3A_2781, %swap3A_2782, %swap3A_2783] {strides = array<i32>} : memref<3x80x64xf32, #tpu.memory_space<vmem>>, vector<16xf32>,
        tpu.vector_store %arg14[%swap3A_2781, %swap3A_2782, %swap3A_2783], %mul3A_2779 {strides = array<i32>} : memref<3x80x64xf32, #tpu.memory_space<vmem>>, vector<16xf32>,
        %broadcast_in_dim3A_2785 = arith.constant 8 : i32
        %broadcast_in_dim3A_2786 = vector.broadcast %broadcast_in_dim3A_2785 : i32 to vector<16x1xi32>
        %gather3A_2787 = vector.shape_cast %broadcast_in_dim3A_2786 : vector<16x1xi32> to vector<16xi32>
        %gather3A_2788 = tpu.dynamic_gather %get3A_2400[%gather3A_2787] in [0] : vector<16xf32>, vector<16xi32> -> vector<16xf32>
        %get3A_2789 = arith.constant 56 : i32
        %get3A_2790 = arith.index_cast %rem3A_56 : i32 to index
        %get3A_2791 = arith.index_cast %get3A_2789 : i32 to index
        %get3A_2792 = arith.constant 0 : index
        %get3A_2793 = tpu.vector_load %arg14[%get3A_2790, %get3A_2791, %get3A_2792] {strides = array<i32>} : memref<3x80x64xf32, #tpu.memory_space<vmem>>, vector<16xf32>,
        %mul3A_2794 = arith.mulf %get3A_2793, %gather3A_2788 : vector<16xf32>
        %swap3A_2795 = arith.constant 56 : i32
        %swap3A_2796 = arith.index_cast %rem3A_56 : i32 to index
        %swap3A_2797 = arith.index_cast %swap3A_2795 : i32 to index
        %swap3A_2798 = arith.constant 0 : index
        %swap3A_2799 = tpu.vector_load %arg14[%swap3A_2796, %swap3A_2797, %swap3A_2798] {strides = array<i32>} : memref<3x80x64xf32, #tpu.memory_space<vmem>>, vector<16xf32>,
        tpu.vector_store %arg14[%swap3A_2796, %swap3A_2797, %swap3A_2798], %mul3A_2794 {strides = array<i32>} : memref<3x80x64xf32, #tpu.memory_space<vmem>>, vector<16xf32>,
        %get3A_2800 = arith.constant 56 : i32
        %get3A_2801 = arith.index_cast %rem3A_56 : i32 to index
        %get3A_2802 = arith.index_cast %get3A_2800 : i32 to index
        %get3A_2803 = arith.constant 16 : index
        %get3A_2804 = tpu.vector_load %arg14[%get3A_2801, %get3A_2802, %get3A_2803] {strides = array<i32>} : memref<3x80x64xf32, #tpu.memory_space<vmem>>, vector<16xf32>,
        %mul3A_2805 = arith.mulf %get3A_2804, %gather3A_2788 : vector<16xf32>
        %swap3A_2806 = arith.constant 56 : i32
        %swap3A_2807 = arith.index_cast %rem3A_56 : i32 to index
        %swap3A_2808 = arith.index_cast %swap3A_2806 : i32 to index
        %swap3A_2809 = arith.constant 16 : index
        %swap3A_2810 = tpu.vector_load %arg14[%swap3A_2807, %swap3A_2808, %swap3A_2809] {strides = array<i32>} : memref<3x80x64xf32, #tpu.memory_space<vmem>>, vector<16xf32>,
        tpu.vector_store %arg14[%swap3A_2807, %swap3A_2808, %swap3A_2809], %mul3A_2805 {strides = array<i32>} : memref<3x80x64xf32, #tpu.memory_space<vmem>>, vector<16xf32>,
        %get3A_2811 = arith.constant 56 : i32
        %get3A_2812 = arith.index_cast %rem3A_56 : i32 to index
        %get3A_2813 = arith.index_cast %get3A_2811 : i32 to index
        %get3A_2814 = arith.constant 32 : index
        %get3A_2815 = tpu.vector_load %arg14[%get3A_2812, %get3A_2813, %get3A_2814] {strides = array<i32>} : memref<3x80x64xf32, #tpu.memory_space<vmem>>, vector<16xf32>,
        %mul3A_2816 = arith.mulf %get3A_2815, %gather3A_2788 : vector<16xf32>
        %swap3A_2817 = arith.constant 56 : i32
        %swap3A_2818 = arith.index_cast %rem3A_56 : i32 to index
        %swap3A_2819 = arith.index_cast %swap3A_2817 : i32 to index
        %swap3A_2820 = arith.constant 32 : index
        %swap3A_2821 = tpu.vector_load %arg14[%swap3A_2818, %swap3A_2819, %swap3A_2820] {strides = array<i32>} : memref<3x80x64xf32, #tpu.memory_space<vmem>>, vector<16xf32>,
        tpu.vector_store %arg14[%swap3A_2818, %swap3A_2819, %swap3A_2820], %mul3A_2816 {strides = array<i32>} : memref<3x80x64xf32, #tpu.memory_space<vmem>>, vector<16xf32>,
        %get3A_2822 = arith.constant 56 : i32
        %get3A_2823 = arith.index_cast %rem3A_56 : i32 to index
        %get3A_2824 = arith.index_cast %get3A_2822 : i32 to index
        %get3A_2825 = arith.constant 48 : index
        %get3A_2826 = tpu.vector_load %arg14[%get3A_2823, %get3A_2824, %get3A_2825] {strides = array<i32>} : memref<3x80x64xf32, #tpu.memory_space<vmem>>, vector<16xf32>,
        %mul3A_2827 = arith.mulf %get3A_2826, %gather3A_2788 : vector<16xf32>
        %swap3A_2828 = arith.constant 56 : i32
        %swap3A_2829 = arith.index_cast %rem3A_56 : i32 to index
        %swap3A_2830 = arith.index_cast %swap3A_2828 : i32 to index
        %swap3A_2831 = arith.constant 48 : index
        %swap3A_2832 = tpu.vector_load %arg14[%swap3A_2829, %swap3A_2830, %swap3A_2831] {strides = array<i32>} : memref<3x80x64xf32, #tpu.memory_space<vmem>>, vector<16xf32>,
        tpu.vector_store %arg14[%swap3A_2829, %swap3A_2830, %swap3A_2831], %mul3A_2827 {strides = array<i32>} : memref<3x80x64xf32, #tpu.memory_space<vmem>>, vector<16xf32>,
        %broadcast_in_dim3A_2833 = arith.constant 9 : i32
        %broadcast_in_dim3A_2834 = vector.broadcast %broadcast_in_dim3A_2833 : i32 to vector<16x1xi32>
        %gather3A_2835 = vector.shape_cast %broadcast_in_dim3A_2834 : vector<16x1xi32> to vector<16xi32>
        %gather3A_2836 = tpu.dynamic_gather %get3A_2400[%gather3A_2835] in [0] : vector<16xf32>, vector<16xi32> -> vector<16xf32>
        %get3A_2837 = arith.constant 57 : i32
        %get3A_2838 = arith.index_cast %rem3A_56 : i32 to index
        %get3A_2839 = arith.index_cast %get3A_2837 : i32 to index
        %get3A_2840 = arith.constant 0 : index
        %get3A_2841 = tpu.vector_load %arg14[%get3A_2838, %get3A_2839, %get3A_2840] {strides = array<i32>} : memref<3x80x64xf32, #tpu.memory_space<vmem>>, vector<16xf32>,
        %mul3A_2842 = arith.mulf %get3A_2841, %gather3A_2836 : vector<16xf32>
        %swap3A_2843 = arith.constant 57 : i32
        %swap3A_2844 = arith.index_cast %rem3A_56 : i32 to index
        %swap3A_2845 = arith.index_cast %swap3A_2843 : i32 to index
        %swap3A_2846 = arith.constant 0 : index
        %swap3A_2847 = tpu.vector_load %arg14[%swap3A_2844, %swap3A_2845, %swap3A_2846] {strides = array<i32>} : memref<3x80x64xf32, #tpu.memory_space<vmem>>, vector<16xf32>,
        tpu.vector_store %arg14[%swap3A_2844, %swap3A_2845, %swap3A_2846], %mul3A_2842 {strides = array<i32>} : memref<3x80x64xf32, #tpu.memory_space<vmem>>, vector<16xf32>,
        %get3A_2848 = arith.constant 57 : i32
        %get3A_2849 = arith.index_cast %rem3A_56 : i32 to index
        %get3A_2850 = arith.index_cast %get3A_2848 : i32 to index
        %get3A_2851 = arith.constant 16 : index
        %get3A_2852 = tpu.vector_load %arg14[%get3A_2849, %get3A_2850, %get3A_2851] {strides = array<i32>} : memref<3x80x64xf32, #tpu.memory_space<vmem>>, vector<16xf32>,
        %mul3A_2853 = arith.mulf %get3A_2852, %gather3A_2836 : vector<16xf32>
        %swap3A_2854 = arith.constant 57 : i32
        %swap3A_2855 = arith.index_cast %rem3A_56 : i32 to index
        %swap3A_2856 = arith.index_cast %swap3A_2854 : i32 to index
        %swap3A_2857 = arith.constant 16 : index
        %swap3A_2858 = tpu.vector_load %arg14[%swap3A_2855, %swap3A_2856, %swap3A_2857] {strides = array<i32>} : memref<3x80x64xf32, #tpu.memory_space<vmem>>, vector<16xf32>,
        tpu.vector_store %arg14[%swap3A_2855, %swap3A_2856, %swap3A_2857], %mul3A_2853 {strides = array<i32>} : memref<3x80x64xf32, #tpu.memory_space<vmem>>, vector<16xf32>,
        %get3A_2859 = arith.constant 57 : i32
        %get3A_2860 = arith.index_cast %rem3A_56 : i32 to index
        %get3A_2861 = arith.index_cast %get3A_2859 : i32 to index
        %get3A_2862 = arith.constant 32 : index
        %get3A_2863 = tpu.vector_load %arg14[%get3A_2860, %get3A_2861, %get3A_2862] {strides = array<i32>} : memref<3x80x64xf32, #tpu.memory_space<vmem>>, vector<16xf32>,
        %mul3A_2864 = arith.mulf %get3A_2863, %gather3A_2836 : vector<16xf32>
        %swap3A_2865 = arith.constant 57 : i32
        %swap3A_2866 = arith.index_cast %rem3A_56 : i32 to index
        %swap3A_2867 = arith.index_cast %swap3A_2865 : i32 to index
        %swap3A_2868 = arith.constant 32 : index
        %swap3A_2869 = tpu.vector_load %arg14[%swap3A_2866, %swap3A_2867, %swap3A_2868] {strides = array<i32>} : memref<3x80x64xf32, #tpu.memory_space<vmem>>, vector<16xf32>,
        tpu.vector_store %arg14[%swap3A_2866, %swap3A_2867, %swap3A_2868], %mul3A_2864 {strides = array<i32>} : memref<3x80x64xf32, #tpu.memory_space<vmem>>, vector<16xf32>,
        %get3A_2870 = arith.constant 57 : i32
        %get3A_2871 = arith.index_cast %rem3A_56 : i32 to index
        %get3A_2872 = arith.index_cast %get3A_2870 : i32 to index
        %get3A_2873 = arith.constant 48 : index
        %get3A_2874 = tpu.vector_load %arg14[%get3A_2871, %get3A_2872, %get3A_2873] {strides = array<i32>} : memref<3x80x64xf32, #tpu.memory_space<vmem>>, vector<16xf32>,
        %mul3A_2875 = arith.mulf %get3A_2874, %gather3A_2836 : vector<16xf32>
        %swap3A_2876 = arith.constant 57 : i32
        %swap3A_2877 = arith.index_cast %rem3A_56 : i32 to index
        %swap3A_2878 = arith.index_cast %swap3A_2876 : i32 to index
        %swap3A_2879 = arith.constant 48 : index
        %swap3A_2880 = tpu.vector_load %arg14[%swap3A_2877, %swap3A_2878, %swap3A_2879] {strides = array<i32>} : memref<3x80x64xf32, #tpu.memory_space<vmem>>, vector<16xf32>,
        tpu.vector_store %arg14[%swap3A_2877, %swap3A_2878, %swap3A_2879], %mul3A_2875 {strides = array<i32>} : memref<3x80x64xf32, #tpu.memory_space<vmem>>, vector<16xf32>,
        %broadcast_in_dim3A_2881 = arith.constant 10 : i32
        %broadcast_in_dim3A_2882 = vector.broadcast %broadcast_in_dim3A_2881 : i32 to vector<16x1xi32>
        %gather3A_2883 = vector.shape_cast %broadcast_in_dim3A_2882 : vector<16x1xi32> to vector<16xi32>
        %gather3A_2884 = tpu.dynamic_gather %get3A_2400[%gather3A_2883] in [0] : vector<16xf32>, vector<16xi32> -> vector<16xf32>
        %get3A_2885 = arith.constant 58 : i32
        %get3A_2886 = arith.index_cast %rem3A_56 : i32 to index
        %get3A_2887 = arith.index_cast %get3A_2885 : i32 to index
        %get3A_2888 = arith.constant 0 : index
        %get3A_2889 = tpu.vector_load %arg14[%get3A_2886, %get3A_2887, %get3A_2888] {strides = array<i32>} : memref<3x80x64xf32, #tpu.memory_space<vmem>>, vector<16xf32>,
        %mul3A_2890 = arith.mulf %get3A_2889, %gather3A_2884 : vector<16xf32>
        %swap3A_2891 = arith.constant 58 : i32
        %swap3A_2892 = arith.index_cast %rem3A_56 : i32 to index
        %swap3A_2893 = arith.index_cast %swap3A_2891 : i32 to index
        %swap3A_2894 = arith.constant 0 : index
        %swap3A_2895 = tpu.vector_load %arg14[%swap3A_2892, %swap3A_2893, %swap3A_2894] {strides = array<i32>} : memref<3x80x64xf32, #tpu.memory_space<vmem>>, vector<16xf32>,
        tpu.vector_store %arg14[%swap3A_2892, %swap3A_2893, %swap3A_2894], %mul3A_2890 {strides = array<i32>} : memref<3x80x64xf32, #tpu.memory_space<vmem>>, vector<16xf32>,
        %get3A_2896 = arith.constant 58 : i32
        %get3A_2897 = arith.index_cast %rem3A_56 : i32 to index
        %get3A_2898 = arith.index_cast %get3A_2896 : i32 to index
        %get3A_2899 = arith.constant 16 : index
        %get3A_2900 = tpu.vector_load %arg14[%get3A_2897, %get3A_2898, %get3A_2899] {strides = array<i32>} : memref<3x80x64xf32, #tpu.memory_space<vmem>>, vector<16xf32>,
        %mul3A_2901 = arith.mulf %get3A_2900, %gather3A_2884 : vector<16xf32>
        %swap3A_2902 = arith.constant 58 : i32
        %swap3A_2903 = arith.index_cast %rem3A_56 : i32 to index
        %swap3A_2904 = arith.index_cast %swap3A_2902 : i32 to index
        %swap3A_2905 = arith.constant 16 : index
        %swap3A_2906 = tpu.vector_load %arg14[%swap3A_2903, %swap3A_2904, %swap3A_2905] {strides = array<i32>} : memref<3x80x64xf32, #tpu.memory_space<vmem>>, vector<16xf32>,
        tpu.vector_store %arg14[%swap3A_2903, %swap3A_2904, %swap3A_2905], %mul3A_2901 {strides = array<i32>} : memref<3x80x64xf32, #tpu.memory_space<vmem>>, vector<16xf32>,
        %get3A_2907 = arith.constant 58 : i32
        %get3A_2908 = arith.index_cast %rem3A_56 : i32 to index
        %get3A_2909 = arith.index_cast %get3A_2907 : i32 to index
        %get3A_2910 = arith.constant 32 : index
        %get3A_2911 = tpu.vector_load %arg14[%get3A_2908, %get3A_2909, %get3A_2910] {strides = array<i32>} : memref<3x80x64xf32, #tpu.memory_space<vmem>>, vector<16xf32>,
        %mul3A_2912 = arith.mulf %get3A_2911, %gather3A_2884 : vector<16xf32>
        %swap3A_2913 = arith.constant 58 : i32
        %swap3A_2914 = arith.index_cast %rem3A_56 : i32 to index
        %swap3A_2915 = arith.index_cast %swap3A_2913 : i32 to index
        %swap3A_2916 = arith.constant 32 : index
        %swap3A_2917 = tpu.vector_load %arg14[%swap3A_2914, %swap3A_2915, %swap3A_2916] {strides = array<i32>} : memref<3x80x64xf32, #tpu.memory_space<vmem>>, vector<16xf32>,
        tpu.vector_store %arg14[%swap3A_2914, %swap3A_2915, %swap3A_2916], %mul3A_2912 {strides = array<i32>} : memref<3x80x64xf32, #tpu.memory_space<vmem>>, vector<16xf32>,
        %get3A_2918 = arith.constant 58 : i32
        %get3A_2919 = arith.index_cast %rem3A_56 : i32 to index
        %get3A_2920 = arith.index_cast %get3A_2918 : i32 to index
        %get3A_2921 = arith.constant 48 : index
        %get3A_2922 = tpu.vector_load %arg14[%get3A_2919, %get3A_2920, %get3A_2921] {strides = array<i32>} : memref<3x80x64xf32, #tpu.memory_space<vmem>>, vector<16xf32>,
        %mul3A_2923 = arith.mulf %get3A_2922, %gather3A_2884 : vector<16xf32>
        %swap3A_2924 = arith.constant 58 : i32
        %swap3A_2925 = arith.index_cast %rem3A_56 : i32 to index
        %swap3A_2926 = arith.index_cast %swap3A_2924 : i32 to index
        %swap3A_2927 = arith.constant 48 : index
        %swap3A_2928 = tpu.vector_load %arg14[%swap3A_2925, %swap3A_2926, %swap3A_2927] {strides = array<i32>} : memref<3x80x64xf32, #tpu.memory_space<vmem>>, vector<16xf32>,
        tpu.vector_store %arg14[%swap3A_2925, %swap3A_2926, %swap3A_2927], %mul3A_2923 {strides = array<i32>} : memref<3x80x64xf32, #tpu.memory_space<vmem>>, vector<16xf32>,
        %broadcast_in_dim3A_2929 = arith.constant 11 : i32
        %broadcast_in_dim3A_2930 = vector.broadcast %broadcast_in_dim3A_2929 : i32 to vector<16x1xi32>
        %gather3A_2931 = vector.shape_cast %broadcast_in_dim3A_2930 : vector<16x1xi32> to vector<16xi32>
        %gather3A_2932 = tpu.dynamic_gather %get3A_2400[%gather3A_2931] in [0] : vector<16xf32>, vector<16xi32> -> vector<16xf32>
        %get3A_2933 = arith.constant 59 : i32
        %get3A_2934 = arith.index_cast %rem3A_56 : i32 to index
        %get3A_2935 = arith.index_cast %get3A_2933 : i32 to index
        %get3A_2936 = arith.constant 0 : index
        %get3A_2937 = tpu.vector_load %arg14[%get3A_2934, %get3A_2935, %get3A_2936] {strides = array<i32>} : memref<3x80x64xf32, #tpu.memory_space<vmem>>, vector<16xf32>,
        %mul3A_2938 = arith.mulf %get3A_2937, %gather3A_2932 : vector<16xf32>
        %swap3A_2939 = arith.constant 59 : i32
        %swap3A_2940 = arith.index_cast %rem3A_56 : i32 to index
        %swap3A_2941 = arith.index_cast %swap3A_2939 : i32 to index
        %swap3A_2942 = arith.constant 0 : index
        %swap3A_2943 = tpu.vector_load %arg14[%swap3A_2940, %swap3A_2941, %swap3A_2942] {strides = array<i32>} : memref<3x80x64xf32, #tpu.memory_space<vmem>>, vector<16xf32>,
        tpu.vector_store %arg14[%swap3A_2940, %swap3A_2941, %swap3A_2942], %mul3A_2938 {strides = array<i32>} : memref<3x80x64xf32, #tpu.memory_space<vmem>>, vector<16xf32>,
        %get3A_2944 = arith.constant 59 : i32
        %get3A_2945 = arith.index_cast %rem3A_56 : i32 to index
        %get3A_2946 = arith.index_cast %get3A_2944 : i32 to index
        %get3A_2947 = arith.constant 16 : index
        %get3A_2948 = tpu.vector_load %arg14[%get3A_2945, %get3A_2946, %get3A_2947] {strides = array<i32>} : memref<3x80x64xf32, #tpu.memory_space<vmem>>, vector<16xf32>,
        %mul3A_2949 = arith.mulf %get3A_2948, %gather3A_2932 : vector<16xf32>
        %swap3A_2950 = arith.constant 59 : i32
        %swap3A_2951 = arith.index_cast %rem3A_56 : i32 to index
        %swap3A_2952 = arith.index_cast %swap3A_2950 : i32 to index
        %swap3A_2953 = arith.constant 16 : index
        %swap3A_2954 = tpu.vector_load %arg14[%swap3A_2951, %swap3A_2952, %swap3A_2953] {strides = array<i32>} : memref<3x80x64xf32, #tpu.memory_space<vmem>>, vector<16xf32>,
        tpu.vector_store %arg14[%swap3A_2951, %swap3A_2952, %swap3A_2953], %mul3A_2949 {strides = array<i32>} : memref<3x80x64xf32, #tpu.memory_space<vmem>>, vector<16xf32>,
        %get3A_2955 = arith.constant 59 : i32
        %get3A_2956 = arith.index_cast %rem3A_56 : i32 to index
        %get3A_2957 = arith.index_cast %get3A_2955 : i32 to index
        %get3A_2958 = arith.constant 32 : index
        %get3A_2959 = tpu.vector_load %arg14[%get3A_2956, %get3A_2957, %get3A_2958] {strides = array<i32>} : memref<3x80x64xf32, #tpu.memory_space<vmem>>, vector<16xf32>,
        %mul3A_2960 = arith.mulf %get3A_2959, %gather3A_2932 : vector<16xf32>
        %swap3A_2961 = arith.constant 59 : i32
        %swap3A_2962 = arith.index_cast %rem3A_56 : i32 to index
        %swap3A_2963 = arith.index_cast %swap3A_2961 : i32 to index
        %swap3A_2964 = arith.constant 32 : index
        %swap3A_2965 = tpu.vector_load %arg14[%swap3A_2962, %swap3A_2963, %swap3A_2964] {strides = array<i32>} : memref<3x80x64xf32, #tpu.memory_space<vmem>>, vector<16xf32>,
        tpu.vector_store %arg14[%swap3A_2962, %swap3A_2963, %swap3A_2964], %mul3A_2960 {strides = array<i32>} : memref<3x80x64xf32, #tpu.memory_space<vmem>>, vector<16xf32>,
        %get3A_2966 = arith.constant 59 : i32
        %get3A_2967 = arith.index_cast %rem3A_56 : i32 to index
        %get3A_2968 = arith.index_cast %get3A_2966 : i32 to index
        %get3A_2969 = arith.constant 48 : index
        %get3A_2970 = tpu.vector_load %arg14[%get3A_2967, %get3A_2968, %get3A_2969] {strides = array<i32>} : memref<3x80x64xf32, #tpu.memory_space<vmem>>, vector<16xf32>,
        %mul3A_2971 = arith.mulf %get3A_2970, %gather3A_2932 : vector<16xf32>
        %swap3A_2972 = arith.constant 59 : i32
        %swap3A_2973 = arith.index_cast %rem3A_56 : i32 to index
        %swap3A_2974 = arith.index_cast %swap3A_2972 : i32 to index
        %swap3A_2975 = arith.constant 48 : index
        %swap3A_2976 = tpu.vector_load %arg14[%swap3A_2973, %swap3A_2974, %swap3A_2975] {strides = array<i32>} : memref<3x80x64xf32, #tpu.memory_space<vmem>>, vector<16xf32>,
        tpu.vector_store %arg14[%swap3A_2973, %swap3A_2974, %swap3A_2975], %mul3A_2971 {strides = array<i32>} : memref<3x80x64xf32, #tpu.memory_space<vmem>>, vector<16xf32>,
        %broadcast_in_dim3A_2977 = arith.constant 12 : i32
        %broadcast_in_dim3A_2978 = vector.broadcast %broadcast_in_dim3A_2977 : i32 to vector<16x1xi32>
        %gather3A_2979 = vector.shape_cast %broadcast_in_dim3A_2978 : vector<16x1xi32> to vector<16xi32>
        %gather3A_2980 = tpu.dynamic_gather %get3A_2400[%gather3A_2979] in [0] : vector<16xf32>, vector<16xi32> -> vector<16xf32>
        %get3A_2981 = arith.constant 60 : i32
        %get3A_2982 = arith.index_cast %rem3A_56 : i32 to index
        %get3A_2983 = arith.index_cast %get3A_2981 : i32 to index
        %get3A_2984 = arith.constant 0 : index
        %get3A_2985 = tpu.vector_load %arg14[%get3A_2982, %get3A_2983, %get3A_2984] {strides = array<i32>} : memref<3x80x64xf32, #tpu.memory_space<vmem>>, vector<16xf32>,
        %mul3A_2986 = arith.mulf %get3A_2985, %gather3A_2980 : vector<16xf32>
        %swap3A_2987 = arith.constant 60 : i32
        %swap3A_2988 = arith.index_cast %rem3A_56 : i32 to index
        %swap3A_2989 = arith.index_cast %swap3A_2987 : i32 to index
        %swap3A_2990 = arith.constant 0 : index
        %swap3A_2991 = tpu.vector_load %arg14[%swap3A_2988, %swap3A_2989, %swap3A_2990] {strides = array<i32>} : memref<3x80x64xf32, #tpu.memory_space<vmem>>, vector<16xf32>,
        tpu.vector_store %arg14[%swap3A_2988, %swap3A_2989, %swap3A_2990], %mul3A_2986 {strides = array<i32>} : memref<3x80x64xf32, #tpu.memory_space<vmem>>, vector<16xf32>,
        %get3A_2992 = arith.constant 60 : i32
        %get3A_2993 = arith.index_cast %rem3A_56 : i32 to index
        %get3A_2994 = arith.index_cast %get3A_2992 : i32 to index
        %get3A_2995 = arith.constant 16 : index
        %get3A_2996 = tpu.vector_load %arg14[%get3A_2993, %get3A_2994, %get3A_2995] {strides = array<i32>} : memref<3x80x64xf32, #tpu.memory_space<vmem>>, vector<16xf32>,
        %mul3A_2997 = arith.mulf %get3A_2996, %gather3A_2980 : vector<16xf32>
        %swap3A_2998 = arith.constant 60 : i32
        %swap3A_2999 = arith.index_cast %rem3A_56 : i32 to index
        %swap3A_3000 = arith.index_cast %swap3A_2998 : i32 to index
        %swap3A_3001 = arith.constant 16 : index
        %swap3A_3002 = tpu.vector_load %arg14[%swap3A_2999, %swap3A_3000, %swap3A_3001] {strides = array<i32>} : memref<3x80x64xf32, #tpu.memory_space<vmem>>, vector<16xf32>,
        tpu.vector_store %arg14[%swap3A_2999, %swap3A_3000, %swap3A_3001], %mul3A_2997 {strides = array<i32>} : memref<3x80x64xf32, #tpu.memory_space<vmem>>, vector<16xf32>,
        %get3A_3003 = arith.constant 60 : i32
        %get3A_3004 = arith.index_cast %rem3A_56 : i32 to index
        %get3A_3005 = arith.index_cast %get3A_3003 : i32 to index
        %get3A_3006 = arith.constant 32 : index
        %get3A_3007 = tpu.vector_load %arg14[%get3A_3004, %get3A_3005, %get3A_3006] {strides = array<i32>} : memref<3x80x64xf32, #tpu.memory_space<vmem>>, vector<16xf32>,
        %mul3A_3008 = arith.mulf %get3A_3007, %gather3A_2980 : vector<16xf32>
        %swap3A_3009 = arith.constant 60 : i32
        %swap3A_3010 = arith.index_cast %rem3A_56 : i32 to index
        %swap3A_3011 = arith.index_cast %swap3A_3009 : i32 to index
        %swap3A_3012 = arith.constant 32 : index
        %swap3A_3013 = tpu.vector_load %arg14[%swap3A_3010, %swap3A_3011, %swap3A_3012] {strides = array<i32>} : memref<3x80x64xf32, #tpu.memory_space<vmem>>, vector<16xf32>,
        tpu.vector_store %arg14[%swap3A_3010, %swap3A_3011, %swap3A_3012], %mul3A_3008 {strides = array<i32>} : memref<3x80x64xf32, #tpu.memory_space<vmem>>, vector<16xf32>,
        %get3A_3014 = arith.constant 60 : i32
        %get3A_3015 = arith.index_cast %rem3A_56 : i32 to index
        %get3A_3016 = arith.index_cast %get3A_3014 : i32 to index
        %get3A_3017 = arith.constant 48 : index
        %get3A_3018 = tpu.vector_load %arg14[%get3A_3015, %get3A_3016, %get3A_3017] {strides = array<i32>} : memref<3x80x64xf32, #tpu.memory_space<vmem>>, vector<16xf32>,
        %mul3A_3019 = arith.mulf %get3A_3018, %gather3A_2980 : vector<16xf32>
        %swap3A_3020 = arith.constant 60 : i32
        %swap3A_3021 = arith.index_cast %rem3A_56 : i32 to index
        %swap3A_3022 = arith.index_cast %swap3A_3020 : i32 to index
        %swap3A_3023 = arith.constant 48 : index
        %swap3A_3024 = tpu.vector_load %arg14[%swap3A_3021, %swap3A_3022, %swap3A_3023] {strides = array<i32>} : memref<3x80x64xf32, #tpu.memory_space<vmem>>, vector<16xf32>,
        tpu.vector_store %arg14[%swap3A_3021, %swap3A_3022, %swap3A_3023], %mul3A_3019 {strides = array<i32>} : memref<3x80x64xf32, #tpu.memory_space<vmem>>, vector<16xf32>,
        %broadcast_in_dim3A_3025 = arith.constant 13 : i32
        %broadcast_in_dim3A_3026 = vector.broadcast %broadcast_in_dim3A_3025 : i32 to vector<16x1xi32>
        %gather3A_3027 = vector.shape_cast %broadcast_in_dim3A_3026 : vector<16x1xi32> to vector<16xi32>
        %gather3A_3028 = tpu.dynamic_gather %get3A_2400[%gather3A_3027] in [0] : vector<16xf32>, vector<16xi32> -> vector<16xf32>
        %get3A_3029 = arith.constant 61 : i32
        %get3A_3030 = arith.index_cast %rem3A_56 : i32 to index
        %get3A_3031 = arith.index_cast %get3A_3029 : i32 to index
        %get3A_3032 = arith.constant 0 : index
        %get3A_3033 = tpu.vector_load %arg14[%get3A_3030, %get3A_3031, %get3A_3032] {strides = array<i32>} : memref<3x80x64xf32, #tpu.memory_space<vmem>>, vector<16xf32>,
        %mul3A_3034 = arith.mulf %get3A_3033, %gather3A_3028 : vector<16xf32>
        %swap3A_3035 = arith.constant 61 : i32
        %swap3A_3036 = arith.index_cast %rem3A_56 : i32 to index
        %swap3A_3037 = arith.index_cast %swap3A_3035 : i32 to index
        %swap3A_3038 = arith.constant 0 : index
        %swap3A_3039 = tpu.vector_load %arg14[%swap3A_3036, %swap3A_3037, %swap3A_3038] {strides = array<i32>} : memref<3x80x64xf32, #tpu.memory_space<vmem>>, vector<16xf32>,
        tpu.vector_store %arg14[%swap3A_3036, %swap3A_3037, %swap3A_3038], %mul3A_3034 {strides = array<i32>} : memref<3x80x64xf32, #tpu.memory_space<vmem>>, vector<16xf32>,
        %get3A_3040 = arith.constant 61 : i32
        %get3A_3041 = arith.index_cast %rem3A_56 : i32 to index
        %get3A_3042 = arith.index_cast %get3A_3040 : i32 to index
        %get3A_3043 = arith.constant 16 : index
        %get3A_3044 = tpu.vector_load %arg14[%get3A_3041, %get3A_3042, %get3A_3043] {strides = array<i32>} : memref<3x80x64xf32, #tpu.memory_space<vmem>>, vector<16xf32>,
        %mul3A_3045 = arith.mulf %get3A_3044, %gather3A_3028 : vector<16xf32>
        %swap3A_3046 = arith.constant 61 : i32
        %swap3A_3047 = arith.index_cast %rem3A_56 : i32 to index
        %swap3A_3048 = arith.index_cast %swap3A_3046 : i32 to index
        %swap3A_3049 = arith.constant 16 : index
        %swap3A_3050 = tpu.vector_load %arg14[%swap3A_3047, %swap3A_3048, %swap3A_3049] {strides = array<i32>} : memref<3x80x64xf32, #tpu.memory_space<vmem>>, vector<16xf32>,
        tpu.vector_store %arg14[%swap3A_3047, %swap3A_3048, %swap3A_3049], %mul3A_3045 {strides = array<i32>} : memref<3x80x64xf32, #tpu.memory_space<vmem>>, vector<16xf32>,
        %get3A_3051 = arith.constant 61 : i32
        %get3A_3052 = arith.index_cast %rem3A_56 : i32 to index
        %get3A_3053 = arith.index_cast %get3A_3051 : i32 to index
        %get3A_3054 = arith.constant 32 : index
        %get3A_3055 = tpu.vector_load %arg14[%get3A_3052, %get3A_3053, %get3A_3054] {strides = array<i32>} : memref<3x80x64xf32, #tpu.memory_space<vmem>>, vector<16xf32>,
        %mul3A_3056 = arith.mulf %get3A_3055, %gather3A_3028 : vector<16xf32>
        %swap3A_3057 = arith.constant 61 : i32
        %swap3A_3058 = arith.index_cast %rem3A_56 : i32 to index
        %swap3A_3059 = arith.index_cast %swap3A_3057 : i32 to index
        %swap3A_3060 = arith.constant 32 : index
        %swap3A_3061 = tpu.vector_load %arg14[%swap3A_3058, %swap3A_3059, %swap3A_3060] {strides = array<i32>} : memref<3x80x64xf32, #tpu.memory_space<vmem>>, vector<16xf32>,
        tpu.vector_store %arg14[%swap3A_3058, %swap3A_3059, %swap3A_3060], %mul3A_3056 {strides = array<i32>} : memref<3x80x64xf32, #tpu.memory_space<vmem>>, vector<16xf32>,
        %get3A_3062 = arith.constant 61 : i32
        %get3A_3063 = arith.index_cast %rem3A_56 : i32 to index
        %get3A_3064 = arith.index_cast %get3A_3062 : i32 to index
        %get3A_3065 = arith.constant 48 : index
        %get3A_3066 = tpu.vector_load %arg14[%get3A_3063, %get3A_3064, %get3A_3065] {strides = array<i32>} : memref<3x80x64xf32, #tpu.memory_space<vmem>>, vector<16xf32>,
        %mul3A_3067 = arith.mulf %get3A_3066, %gather3A_3028 : vector<16xf32>
        %swap3A_3068 = arith.constant 61 : i32
        %swap3A_3069 = arith.index_cast %rem3A_56 : i32 to index
        %swap3A_3070 = arith.index_cast %swap3A_3068 : i32 to index
        %swap3A_3071 = arith.constant 48 : index
        %swap3A_3072 = tpu.vector_load %arg14[%swap3A_3069, %swap3A_3070, %swap3A_3071] {strides = array<i32>} : memref<3x80x64xf32, #tpu.memory_space<vmem>>, vector<16xf32>,
        tpu.vector_store %arg14[%swap3A_3069, %swap3A_3070, %swap3A_3071], %mul3A_3067 {strides = array<i32>} : memref<3x80x64xf32, #tpu.memory_space<vmem>>, vector<16xf32>,
        %broadcast_in_dim3A_3073 = arith.constant 14 : i32
        %broadcast_in_dim3A_3074 = vector.broadcast %broadcast_in_dim3A_3073 : i32 to vector<16x1xi32>
        %gather3A_3075 = vector.shape_cast %broadcast_in_dim3A_3074 : vector<16x1xi32> to vector<16xi32>
        %gather3A_3076 = tpu.dynamic_gather %get3A_2400[%gather3A_3075] in [0] : vector<16xf32>, vector<16xi32> -> vector<16xf32>
        %get3A_3077 = arith.constant 62 : i32
        %get3A_3078 = arith.index_cast %rem3A_56 : i32 to index
        %get3A_3079 = arith.index_cast %get3A_3077 : i32 to index
        %get3A_3080 = arith.constant 0 : index
        %get3A_3081 = tpu.vector_load %arg14[%get3A_3078, %get3A_3079, %get3A_3080] {strides = array<i32>} : memref<3x80x64xf32, #tpu.memory_space<vmem>>, vector<16xf32>,
        %mul3A_3082 = arith.mulf %get3A_3081, %gather3A_3076 : vector<16xf32>
        %swap3A_3083 = arith.constant 62 : i32
        %swap3A_3084 = arith.index_cast %rem3A_56 : i32 to index
        %swap3A_3085 = arith.index_cast %swap3A_3083 : i32 to index
        %swap3A_3086 = arith.constant 0 : index
        %swap3A_3087 = tpu.vector_load %arg14[%swap3A_3084, %swap3A_3085, %swap3A_3086] {strides = array<i32>} : memref<3x80x64xf32, #tpu.memory_space<vmem>>, vector<16xf32>,
        tpu.vector_store %arg14[%swap3A_3084, %swap3A_3085, %swap3A_3086], %mul3A_3082 {strides = array<i32>} : memref<3x80x64xf32, #tpu.memory_space<vmem>>, vector<16xf32>,
        %get3A_3088 = arith.constant 62 : i32
        %get3A_3089 = arith.index_cast %rem3A_56 : i32 to index
        %get3A_3090 = arith.index_cast %get3A_3088 : i32 to index
        %get3A_3091 = arith.constant 16 : index
        %get3A_3092 = tpu.vector_load %arg14[%get3A_3089, %get3A_3090, %get3A_3091] {strides = array<i32>} : memref<3x80x64xf32, #tpu.memory_space<vmem>>, vector<16xf32>,
        %mul3A_3093 = arith.mulf %get3A_3092, %gather3A_3076 : vector<16xf32>
        %swap3A_3094 = arith.constant 62 : i32
        %swap3A_3095 = arith.index_cast %rem3A_56 : i32 to index
        %swap3A_3096 = arith.index_cast %swap3A_3094 : i32 to index
        %swap3A_3097 = arith.constant 16 : index
        %swap3A_3098 = tpu.vector_load %arg14[%swap3A_3095, %swap3A_3096, %swap3A_3097] {strides = array<i32>} : memref<3x80x64xf32, #tpu.memory_space<vmem>>, vector<16xf32>,
        tpu.vector_store %arg14[%swap3A_3095, %swap3A_3096, %swap3A_3097], %mul3A_3093 {strides = array<i32>} : memref<3x80x64xf32, #tpu.memory_space<vmem>>, vector<16xf32>,
        %get3A_3099 = arith.constant 62 : i32
        %get3A_3100 = arith.index_cast %rem3A_56 : i32 to index
        %get3A_3101 = arith.index_cast %get3A_3099 : i32 to index
        %get3A_3102 = arith.constant 32 : index
        %get3A_3103 = tpu.vector_load %arg14[%get3A_3100, %get3A_3101, %get3A_3102] {strides = array<i32>} : memref<3x80x64xf32, #tpu.memory_space<vmem>>, vector<16xf32>,
        %mul3A_3104 = arith.mulf %get3A_3103, %gather3A_3076 : vector<16xf32>
        %swap3A_3105 = arith.constant 62 : i32
        %swap3A_3106 = arith.index_cast %rem3A_56 : i32 to index
        %swap3A_3107 = arith.index_cast %swap3A_3105 : i32 to index
        %swap3A_3108 = arith.constant 32 : index
        %swap3A_3109 = tpu.vector_load %arg14[%swap3A_3106, %swap3A_3107, %swap3A_3108] {strides = array<i32>} : memref<3x80x64xf32, #tpu.memory_space<vmem>>, vector<16xf32>,
        tpu.vector_store %arg14[%swap3A_3106, %swap3A_3107, %swap3A_3108], %mul3A_3104 {strides = array<i32>} : memref<3x80x64xf32, #tpu.memory_space<vmem>>, vector<16xf32>,
        %get3A_3110 = arith.constant 62 : i32
        %get3A_3111 = arith.index_cast %rem3A_56 : i32 to index
        %get3A_3112 = arith.index_cast %get3A_3110 : i32 to index
        %get3A_3113 = arith.constant 48 : index
        %get3A_3114 = tpu.vector_load %arg14[%get3A_3111, %get3A_3112, %get3A_3113] {strides = array<i32>} : memref<3x80x64xf32, #tpu.memory_space<vmem>>, vector<16xf32>,
        %mul3A_3115 = arith.mulf %get3A_3114, %gather3A_3076 : vector<16xf32>
        %swap3A_3116 = arith.constant 62 : i32
        %swap3A_3117 = arith.index_cast %rem3A_56 : i32 to index
        %swap3A_3118 = arith.index_cast %swap3A_3116 : i32 to index
        %swap3A_3119 = arith.constant 48 : index
        %swap3A_3120 = tpu.vector_load %arg14[%swap3A_3117, %swap3A_3118, %swap3A_3119] {strides = array<i32>} : memref<3x80x64xf32, #tpu.memory_space<vmem>>, vector<16xf32>,
        tpu.vector_store %arg14[%swap3A_3117, %swap3A_3118, %swap3A_3119], %mul3A_3115 {strides = array<i32>} : memref<3x80x64xf32, #tpu.memory_space<vmem>>, vector<16xf32>,
        %broadcast_in_dim3A_3121 = arith.constant 15 : i32
        %broadcast_in_dim3A_3122 = vector.broadcast %broadcast_in_dim3A_3121 : i32 to vector<16x1xi32>
        %gather3A_3123 = vector.shape_cast %broadcast_in_dim3A_3122 : vector<16x1xi32> to vector<16xi32>
        %gather3A_3124 = tpu.dynamic_gather %get3A_2400[%gather3A_3123] in [0] : vector<16xf32>, vector<16xi32> -> vector<16xf32>
        %get3A_3125 = arith.constant 63 : i32
        %get3A_3126 = arith.index_cast %rem3A_56 : i32 to index
        %get3A_3127 = arith.index_cast %get3A_3125 : i32 to index
        %get3A_3128 = arith.constant 0 : index
        %get3A_3129 = tpu.vector_load %arg14[%get3A_3126, %get3A_3127, %get3A_3128] {strides = array<i32>} : memref<3x80x64xf32, #tpu.memory_space<vmem>>, vector<16xf32>,
        %mul3A_3130 = arith.mulf %get3A_3129, %gather3A_3124 : vector<16xf32>
        %swap3A_3131 = arith.constant 63 : i32
        %swap3A_3132 = arith.index_cast %rem3A_56 : i32 to index
        %swap3A_3133 = arith.index_cast %swap3A_3131 : i32 to index
        %swap3A_3134 = arith.constant 0 : index
        %swap3A_3135 = tpu.vector_load %arg14[%swap3A_3132, %swap3A_3133, %swap3A_3134] {strides = array<i32>} : memref<3x80x64xf32, #tpu.memory_space<vmem>>, vector<16xf32>,
        tpu.vector_store %arg14[%swap3A_3132, %swap3A_3133, %swap3A_3134], %mul3A_3130 {strides = array<i32>} : memref<3x80x64xf32, #tpu.memory_space<vmem>>, vector<16xf32>,
        %get3A_3136 = arith.constant 63 : i32
        %get3A_3137 = arith.index_cast %rem3A_56 : i32 to index
        %get3A_3138 = arith.index_cast %get3A_3136 : i32 to index
        %get3A_3139 = arith.constant 16 : index
        %get3A_3140 = tpu.vector_load %arg14[%get3A_3137, %get3A_3138, %get3A_3139] {strides = array<i32>} : memref<3x80x64xf32, #tpu.memory_space<vmem>>, vector<16xf32>,
        %mul3A_3141 = arith.mulf %get3A_3140, %gather3A_3124 : vector<16xf32>
        %swap3A_3142 = arith.constant 63 : i32
        %swap3A_3143 = arith.index_cast %rem3A_56 : i32 to index
        %swap3A_3144 = arith.index_cast %swap3A_3142 : i32 to index
        %swap3A_3145 = arith.constant 16 : index
        %swap3A_3146 = tpu.vector_load %arg14[%swap3A_3143, %swap3A_3144, %swap3A_3145] {strides = array<i32>} : memref<3x80x64xf32, #tpu.memory_space<vmem>>, vector<16xf32>,
        tpu.vector_store %arg14[%swap3A_3143, %swap3A_3144, %swap3A_3145], %mul3A_3141 {strides = array<i32>} : memref<3x80x64xf32, #tpu.memory_space<vmem>>, vector<16xf32>,
        %get3A_3147 = arith.constant 63 : i32
        %get3A_3148 = arith.index_cast %rem3A_56 : i32 to index
        %get3A_3149 = arith.index_cast %get3A_3147 : i32 to index
        %get3A_3150 = arith.constant 32 : index
        %get3A_3151 = tpu.vector_load %arg14[%get3A_3148, %get3A_3149, %get3A_3150] {strides = array<i32>} : memref<3x80x64xf32, #tpu.memory_space<vmem>>, vector<16xf32>,
        %mul3A_3152 = arith.mulf %get3A_3151, %gather3A_3124 : vector<16xf32>
        %swap3A_3153 = arith.constant 63 : i32
        %swap3A_3154 = arith.index_cast %rem3A_56 : i32 to index
        %swap3A_3155 = arith.index_cast %swap3A_3153 : i32 to index
        %swap3A_3156 = arith.constant 32 : index
        %swap3A_3157 = tpu.vector_load %arg14[%swap3A_3154, %swap3A_3155, %swap3A_3156] {strides = array<i32>} : memref<3x80x64xf32, #tpu.memory_space<vmem>>, vector<16xf32>,
        tpu.vector_store %arg14[%swap3A_3154, %swap3A_3155, %swap3A_3156], %mul3A_3152 {strides = array<i32>} : memref<3x80x64xf32, #tpu.memory_space<vmem>>, vector<16xf32>,
        %get3A_3158 = arith.constant 63 : i32
        %get3A_3159 = arith.index_cast %rem3A_56 : i32 to index
        %get3A_3160 = arith.index_cast %get3A_3158 : i32 to index
        %get3A_3161 = arith.constant 48 : index
        %get3A_3162 = tpu.vector_load %arg14[%get3A_3159, %get3A_3160, %get3A_3161] {strides = array<i32>} : memref<3x80x64xf32, #tpu.memory_space<vmem>>, vector<16xf32>,
        %mul3A_3163 = arith.mulf %get3A_3162, %gather3A_3124 : vector<16xf32>
        %swap3A_3164 = arith.constant 63 : i32
        %swap3A_3165 = arith.index_cast %rem3A_56 : i32 to index
        %swap3A_3166 = arith.index_cast %swap3A_3164 : i32 to index
        %swap3A_3167 = arith.constant 48 : index
        %swap3A_3168 = tpu.vector_load %arg14[%swap3A_3165, %swap3A_3166, %swap3A_3167] {strides = array<i32>} : memref<3x80x64xf32, #tpu.memory_space<vmem>>, vector<16xf32>,
        tpu.vector_store %arg14[%swap3A_3165, %swap3A_3166, %swap3A_3167], %mul3A_3163 {strides = array<i32>} : memref<3x80x64xf32, #tpu.memory_space<vmem>>, vector<16xf32>,
        %get3A_3169 = arith.index_cast %add3A_54 : i32 to index
        %get3A_3170 = arith.constant 64 : index
        %get3A_3171 = tpu.vector_load %arg12[%get3A_3169, %get3A_3170] {strides = array<i32>} : memref<250x80xf32, #tpu.memory_space<vmem>>, vector<16xf32>,
        %broadcast_in_dim3A_3172 = arith.constant 0 : i32
        %broadcast_in_dim3A_3173 = vector.broadcast %broadcast_in_dim3A_3172 : i32 to vector<16x1xi32>
        %gather3A_3174 = vector.shape_cast %broadcast_in_dim3A_3173 : vector<16x1xi32> to vector<16xi32>
        %gather3A_3175 = tpu.dynamic_gather %get3A_3171[%gather3A_3174] in [0] : vector<16xf32>, vector<16xi32> -> vector<16xf32>
        %get3A_3176 = arith.constant 64 : i32
        %get3A_3177 = arith.index_cast %rem3A_56 : i32 to index
        %get3A_3178 = arith.index_cast %get3A_3176 : i32 to index
        %get3A_3179 = arith.constant 0 : index
        %get3A_3180 = tpu.vector_load %arg14[%get3A_3177, %get3A_3178, %get3A_3179] {strides = array<i32>} : memref<3x80x64xf32, #tpu.memory_space<vmem>>, vector<16xf32>,
        %mul3A_3181 = arith.mulf %get3A_3180, %gather3A_3175 : vector<16xf32>
        %swap3A_3182 = arith.constant 64 : i32
        %swap3A_3183 = arith.index_cast %rem3A_56 : i32 to index
        %swap3A_3184 = arith.index_cast %swap3A_3182 : i32 to index
        %swap3A_3185 = arith.constant 0 : index
        %swap3A_3186 = tpu.vector_load %arg14[%swap3A_3183, %swap3A_3184, %swap3A_3185] {strides = array<i32>} : memref<3x80x64xf32, #tpu.memory_space<vmem>>, vector<16xf32>,
        tpu.vector_store %arg14[%swap3A_3183, %swap3A_3184, %swap3A_3185], %mul3A_3181 {strides = array<i32>} : memref<3x80x64xf32, #tpu.memory_space<vmem>>, vector<16xf32>,
        %get3A_3187 = arith.constant 64 : i32
        %get3A_3188 = arith.index_cast %rem3A_56 : i32 to index
        %get3A_3189 = arith.index_cast %get3A_3187 : i32 to index
        %get3A_3190 = arith.constant 16 : index
        %get3A_3191 = tpu.vector_load %arg14[%get3A_3188, %get3A_3189, %get3A_3190] {strides = array<i32>} : memref<3x80x64xf32, #tpu.memory_space<vmem>>, vector<16xf32>,
        %mul3A_3192 = arith.mulf %get3A_3191, %gather3A_3175 : vector<16xf32>
        %swap3A_3193 = arith.constant 64 : i32
        %swap3A_3194 = arith.index_cast %rem3A_56 : i32 to index
        %swap3A_3195 = arith.index_cast %swap3A_3193 : i32 to index
        %swap3A_3196 = arith.constant 16 : index
        %swap3A_3197 = tpu.vector_load %arg14[%swap3A_3194, %swap3A_3195, %swap3A_3196] {strides = array<i32>} : memref<3x80x64xf32, #tpu.memory_space<vmem>>, vector<16xf32>,
        tpu.vector_store %arg14[%swap3A_3194, %swap3A_3195, %swap3A_3196], %mul3A_3192 {strides = array<i32>} : memref<3x80x64xf32, #tpu.memory_space<vmem>>, vector<16xf32>,
        %get3A_3198 = arith.constant 64 : i32
        %get3A_3199 = arith.index_cast %rem3A_56 : i32 to index
        %get3A_3200 = arith.index_cast %get3A_3198 : i32 to index
        %get3A_3201 = arith.constant 32 : index
        %get3A_3202 = tpu.vector_load %arg14[%get3A_3199, %get3A_3200, %get3A_3201] {strides = array<i32>} : memref<3x80x64xf32, #tpu.memory_space<vmem>>, vector<16xf32>,
        %mul3A_3203 = arith.mulf %get3A_3202, %gather3A_3175 : vector<16xf32>
        %swap3A_3204 = arith.constant 64 : i32
        %swap3A_3205 = arith.index_cast %rem3A_56 : i32 to index
        %swap3A_3206 = arith.index_cast %swap3A_3204 : i32 to index
        %swap3A_3207 = arith.constant 32 : index
        %swap3A_3208 = tpu.vector_load %arg14[%swap3A_3205, %swap3A_3206, %swap3A_3207] {strides = array<i32>} : memref<3x80x64xf32, #tpu.memory_space<vmem>>, vector<16xf32>,
        tpu.vector_store %arg14[%swap3A_3205, %swap3A_3206, %swap3A_3207], %mul3A_3203 {strides = array<i32>} : memref<3x80x64xf32, #tpu.memory_space<vmem>>, vector<16xf32>,
        %get3A_3209 = arith.constant 64 : i32
        %get3A_3210 = arith.index_cast %rem3A_56 : i32 to index
        %get3A_3211 = arith.index_cast %get3A_3209 : i32 to index
        %get3A_3212 = arith.constant 48 : index
        %get3A_3213 = tpu.vector_load %arg14[%get3A_3210, %get3A_3211, %get3A_3212] {strides = array<i32>} : memref<3x80x64xf32, #tpu.memory_space<vmem>>, vector<16xf32>,
        %mul3A_3214 = arith.mulf %get3A_3213, %gather3A_3175 : vector<16xf32>
        %swap3A_3215 = arith.constant 64 : i32
        %swap3A_3216 = arith.index_cast %rem3A_56 : i32 to index
        %swap3A_3217 = arith.index_cast %swap3A_3215 : i32 to index
        %swap3A_3218 = arith.constant 48 : index
        %swap3A_3219 = tpu.vector_load %arg14[%swap3A_3216, %swap3A_3217, %swap3A_3218] {strides = array<i32>} : memref<3x80x64xf32, #tpu.memory_space<vmem>>, vector<16xf32>,
        tpu.vector_store %arg14[%swap3A_3216, %swap3A_3217, %swap3A_3218], %mul3A_3214 {strides = array<i32>} : memref<3x80x64xf32, #tpu.memory_space<vmem>>, vector<16xf32>,
        %broadcast_in_dim3A_3220 = arith.constant 1 : i32
        %broadcast_in_dim3A_3221 = vector.broadcast %broadcast_in_dim3A_3220 : i32 to vector<16x1xi32>
        %gather3A_3222 = vector.shape_cast %broadcast_in_dim3A_3221 : vector<16x1xi32> to vector<16xi32>
        %gather3A_3223 = tpu.dynamic_gather %get3A_3171[%gather3A_3222] in [0] : vector<16xf32>, vector<16xi32> -> vector<16xf32>
        %get3A_3224 = arith.constant 65 : i32
        %get3A_3225 = arith.index_cast %rem3A_56 : i32 to index
        %get3A_3226 = arith.index_cast %get3A_3224 : i32 to index
        %get3A_3227 = arith.constant 0 : index
        %get3A_3228 = tpu.vector_load %arg14[%get3A_3225, %get3A_3226, %get3A_3227] {strides = array<i32>} : memref<3x80x64xf32, #tpu.memory_space<vmem>>, vector<16xf32>,
        %mul3A_3229 = arith.mulf %get3A_3228, %gather3A_3223 : vector<16xf32>
        %swap3A_3230 = arith.constant 65 : i32
        %swap3A_3231 = arith.index_cast %rem3A_56 : i32 to index
        %swap3A_3232 = arith.index_cast %swap3A_3230 : i32 to index
        %swap3A_3233 = arith.constant 0 : index
        %swap3A_3234 = tpu.vector_load %arg14[%swap3A_3231, %swap3A_3232, %swap3A_3233] {strides = array<i32>} : memref<3x80x64xf32, #tpu.memory_space<vmem>>, vector<16xf32>,
        tpu.vector_store %arg14[%swap3A_3231, %swap3A_3232, %swap3A_3233], %mul3A_3229 {strides = array<i32>} : memref<3x80x64xf32, #tpu.memory_space<vmem>>, vector<16xf32>,
        %get3A_3235 = arith.constant 65 : i32
        %get3A_3236 = arith.index_cast %rem3A_56 : i32 to index
        %get3A_3237 = arith.index_cast %get3A_3235 : i32 to index
        %get3A_3238 = arith.constant 16 : index
        %get3A_3239 = tpu.vector_load %arg14[%get3A_3236, %get3A_3237, %get3A_3238] {strides = array<i32>} : memref<3x80x64xf32, #tpu.memory_space<vmem>>, vector<16xf32>,
        %mul3A_3240 = arith.mulf %get3A_3239, %gather3A_3223 : vector<16xf32>
        %swap3A_3241 = arith.constant 65 : i32
        %swap3A_3242 = arith.index_cast %rem3A_56 : i32 to index
        %swap3A_3243 = arith.index_cast %swap3A_3241 : i32 to index
        %swap3A_3244 = arith.constant 16 : index
        %swap3A_3245 = tpu.vector_load %arg14[%swap3A_3242, %swap3A_3243, %swap3A_3244] {strides = array<i32>} : memref<3x80x64xf32, #tpu.memory_space<vmem>>, vector<16xf32>,
        tpu.vector_store %arg14[%swap3A_3242, %swap3A_3243, %swap3A_3244], %mul3A_3240 {strides = array<i32>} : memref<3x80x64xf32, #tpu.memory_space<vmem>>, vector<16xf32>,
        %get3A_3246 = arith.constant 65 : i32
        %get3A_3247 = arith.index_cast %rem3A_56 : i32 to index
        %get3A_3248 = arith.index_cast %get3A_3246 : i32 to index
        %get3A_3249 = arith.constant 32 : index
        %get3A_3250 = tpu.vector_load %arg14[%get3A_3247, %get3A_3248, %get3A_3249] {strides = array<i32>} : memref<3x80x64xf32, #tpu.memory_space<vmem>>, vector<16xf32>,
        %mul3A_3251 = arith.mulf %get3A_3250, %gather3A_3223 : vector<16xf32>
        %swap3A_3252 = arith.constant 65 : i32
        %swap3A_3253 = arith.index_cast %rem3A_56 : i32 to index
        %swap3A_3254 = arith.index_cast %swap3A_3252 : i32 to index
        %swap3A_3255 = arith.constant 32 : index
        %swap3A_3256 = tpu.vector_load %arg14[%swap3A_3253, %swap3A_3254, %swap3A_3255] {strides = array<i32>} : memref<3x80x64xf32, #tpu.memory_space<vmem>>, vector<16xf32>,
        tpu.vector_store %arg14[%swap3A_3253, %swap3A_3254, %swap3A_3255], %mul3A_3251 {strides = array<i32>} : memref<3x80x64xf32, #tpu.memory_space<vmem>>, vector<16xf32>,
        %get3A_3257 = arith.constant 65 : i32
        %get3A_3258 = arith.index_cast %rem3A_56 : i32 to index
        %get3A_3259 = arith.index_cast %get3A_3257 : i32 to index
        %get3A_3260 = arith.constant 48 : index
        %get3A_3261 = tpu.vector_load %arg14[%get3A_3258, %get3A_3259, %get3A_3260] {strides = array<i32>} : memref<3x80x64xf32, #tpu.memory_space<vmem>>, vector<16xf32>,
        %mul3A_3262 = arith.mulf %get3A_3261, %gather3A_3223 : vector<16xf32>
        %swap3A_3263 = arith.constant 65 : i32
        %swap3A_3264 = arith.index_cast %rem3A_56 : i32 to index
        %swap3A_3265 = arith.index_cast %swap3A_3263 : i32 to index
        %swap3A_3266 = arith.constant 48 : index
        %swap3A_3267 = tpu.vector_load %arg14[%swap3A_3264, %swap3A_3265, %swap3A_3266] {strides = array<i32>} : memref<3x80x64xf32, #tpu.memory_space<vmem>>, vector<16xf32>,
        tpu.vector_store %arg14[%swap3A_3264, %swap3A_3265, %swap3A_3266], %mul3A_3262 {strides = array<i32>} : memref<3x80x64xf32, #tpu.memory_space<vmem>>, vector<16xf32>,
        %broadcast_in_dim3A_3268 = arith.constant 2 : i32
        %broadcast_in_dim3A_3269 = vector.broadcast %broadcast_in_dim3A_3268 : i32 to vector<16x1xi32>
        %gather3A_3270 = vector.shape_cast %broadcast_in_dim3A_3269 : vector<16x1xi32> to vector<16xi32>
        %gather3A_3271 = tpu.dynamic_gather %get3A_3171[%gather3A_3270] in [0] : vector<16xf32>, vector<16xi32> -> vector<16xf32>
        %get3A_3272 = arith.constant 66 : i32
        %get3A_3273 = arith.index_cast %rem3A_56 : i32 to index
        %get3A_3274 = arith.index_cast %get3A_3272 : i32 to index
        %get3A_3275 = arith.constant 0 : index
        %get3A_3276 = tpu.vector_load %arg14[%get3A_3273, %get3A_3274, %get3A_3275] {strides = array<i32>} : memref<3x80x64xf32, #tpu.memory_space<vmem>>, vector<16xf32>,
        %mul3A_3277 = arith.mulf %get3A_3276, %gather3A_3271 : vector<16xf32>
        %swap3A_3278 = arith.constant 66 : i32
        %swap3A_3279 = arith.index_cast %rem3A_56 : i32 to index
        %swap3A_3280 = arith.index_cast %swap3A_3278 : i32 to index
        %swap3A_3281 = arith.constant 0 : index
        %swap3A_3282 = tpu.vector_load %arg14[%swap3A_3279, %swap3A_3280, %swap3A_3281] {strides = array<i32>} : memref<3x80x64xf32, #tpu.memory_space<vmem>>, vector<16xf32>,
        tpu.vector_store %arg14[%swap3A_3279, %swap3A_3280, %swap3A_3281], %mul3A_3277 {strides = array<i32>} : memref<3x80x64xf32, #tpu.memory_space<vmem>>, vector<16xf32>,
        %get3A_3283 = arith.constant 66 : i32
        %get3A_3284 = arith.index_cast %rem3A_56 : i32 to index
        %get3A_3285 = arith.index_cast %get3A_3283 : i32 to index
        %get3A_3286 = arith.constant 16 : index
        %get3A_3287 = tpu.vector_load %arg14[%get3A_3284, %get3A_3285, %get3A_3286] {strides = array<i32>} : memref<3x80x64xf32, #tpu.memory_space<vmem>>, vector<16xf32>,
        %mul3A_3288 = arith.mulf %get3A_3287, %gather3A_3271 : vector<16xf32>
        %swap3A_3289 = arith.constant 66 : i32
        %swap3A_3290 = arith.index_cast %rem3A_56 : i32 to index
        %swap3A_3291 = arith.index_cast %swap3A_3289 : i32 to index
        %swap3A_3292 = arith.constant 16 : index
        %swap3A_3293 = tpu.vector_load %arg14[%swap3A_3290, %swap3A_3291, %swap3A_3292] {strides = array<i32>} : memref<3x80x64xf32, #tpu.memory_space<vmem>>, vector<16xf32>,
        tpu.vector_store %arg14[%swap3A_3290, %swap3A_3291, %swap3A_3292], %mul3A_3288 {strides = array<i32>} : memref<3x80x64xf32, #tpu.memory_space<vmem>>, vector<16xf32>,
        %get3A_3294 = arith.constant 66 : i32
        %get3A_3295 = arith.index_cast %rem3A_56 : i32 to index
        %get3A_3296 = arith.index_cast %get3A_3294 : i32 to index
        %get3A_3297 = arith.constant 32 : index
        %get3A_3298 = tpu.vector_load %arg14[%get3A_3295, %get3A_3296, %get3A_3297] {strides = array<i32>} : memref<3x80x64xf32, #tpu.memory_space<vmem>>, vector<16xf32>,
        %mul3A_3299 = arith.mulf %get3A_3298, %gather3A_3271 : vector<16xf32>
        %swap3A_3300 = arith.constant 66 : i32
        %swap3A_3301 = arith.index_cast %rem3A_56 : i32 to index
        %swap3A_3302 = arith.index_cast %swap3A_3300 : i32 to index
        %swap3A_3303 = arith.constant 32 : index
        %swap3A_3304 = tpu.vector_load %arg14[%swap3A_3301, %swap3A_3302, %swap3A_3303] {strides = array<i32>} : memref<3x80x64xf32, #tpu.memory_space<vmem>>, vector<16xf32>,
        tpu.vector_store %arg14[%swap3A_3301, %swap3A_3302, %swap3A_3303], %mul3A_3299 {strides = array<i32>} : memref<3x80x64xf32, #tpu.memory_space<vmem>>, vector<16xf32>,
        %get3A_3305 = arith.constant 66 : i32
        %get3A_3306 = arith.index_cast %rem3A_56 : i32 to index
        %get3A_3307 = arith.index_cast %get3A_3305 : i32 to index
        %get3A_3308 = arith.constant 48 : index
        %get3A_3309 = tpu.vector_load %arg14[%get3A_3306, %get3A_3307, %get3A_3308] {strides = array<i32>} : memref<3x80x64xf32, #tpu.memory_space<vmem>>, vector<16xf32>,
        %mul3A_3310 = arith.mulf %get3A_3309, %gather3A_3271 : vector<16xf32>
        %swap3A_3311 = arith.constant 66 : i32
        %swap3A_3312 = arith.index_cast %rem3A_56 : i32 to index
        %swap3A_3313 = arith.index_cast %swap3A_3311 : i32 to index
        %swap3A_3314 = arith.constant 48 : index
        %swap3A_3315 = tpu.vector_load %arg14[%swap3A_3312, %swap3A_3313, %swap3A_3314] {strides = array<i32>} : memref<3x80x64xf32, #tpu.memory_space<vmem>>, vector<16xf32>,
        tpu.vector_store %arg14[%swap3A_3312, %swap3A_3313, %swap3A_3314], %mul3A_3310 {strides = array<i32>} : memref<3x80x64xf32, #tpu.memory_space<vmem>>, vector<16xf32>,
        %broadcast_in_dim3A_3316 = arith.constant 3 : i32
        %broadcast_in_dim3A_3317 = vector.broadcast %broadcast_in_dim3A_3316 : i32 to vector<16x1xi32>
        %gather3A_3318 = vector.shape_cast %broadcast_in_dim3A_3317 : vector<16x1xi32> to vector<16xi32>
        %gather3A_3319 = tpu.dynamic_gather %get3A_3171[%gather3A_3318] in [0] : vector<16xf32>, vector<16xi32> -> vector<16xf32>
        %get3A_3320 = arith.constant 67 : i32
        %get3A_3321 = arith.index_cast %rem3A_56 : i32 to index
        %get3A_3322 = arith.index_cast %get3A_3320 : i32 to index
        %get3A_3323 = arith.constant 0 : index
        %get3A_3324 = tpu.vector_load %arg14[%get3A_3321, %get3A_3322, %get3A_3323] {strides = array<i32>} : memref<3x80x64xf32, #tpu.memory_space<vmem>>, vector<16xf32>,
        %mul3A_3325 = arith.mulf %get3A_3324, %gather3A_3319 : vector<16xf32>
        %swap3A_3326 = arith.constant 67 : i32
        %swap3A_3327 = arith.index_cast %rem3A_56 : i32 to index
        %swap3A_3328 = arith.index_cast %swap3A_3326 : i32 to index
        %swap3A_3329 = arith.constant 0 : index
        %swap3A_3330 = tpu.vector_load %arg14[%swap3A_3327, %swap3A_3328, %swap3A_3329] {strides = array<i32>} : memref<3x80x64xf32, #tpu.memory_space<vmem>>, vector<16xf32>,
        tpu.vector_store %arg14[%swap3A_3327, %swap3A_3328, %swap3A_3329], %mul3A_3325 {strides = array<i32>} : memref<3x80x64xf32, #tpu.memory_space<vmem>>, vector<16xf32>,
        %get3A_3331 = arith.constant 67 : i32
        %get3A_3332 = arith.index_cast %rem3A_56 : i32 to index
        %get3A_3333 = arith.index_cast %get3A_3331 : i32 to index
        %get3A_3334 = arith.constant 16 : index
        %get3A_3335 = tpu.vector_load %arg14[%get3A_3332, %get3A_3333, %get3A_3334] {strides = array<i32>} : memref<3x80x64xf32, #tpu.memory_space<vmem>>, vector<16xf32>,
        %mul3A_3336 = arith.mulf %get3A_3335, %gather3A_3319 : vector<16xf32>
        %swap3A_3337 = arith.constant 67 : i32
        %swap3A_3338 = arith.index_cast %rem3A_56 : i32 to index
        %swap3A_3339 = arith.index_cast %swap3A_3337 : i32 to index
        %swap3A_3340 = arith.constant 16 : index
        %swap3A_3341 = tpu.vector_load %arg14[%swap3A_3338, %swap3A_3339, %swap3A_3340] {strides = array<i32>} : memref<3x80x64xf32, #tpu.memory_space<vmem>>, vector<16xf32>,
        tpu.vector_store %arg14[%swap3A_3338, %swap3A_3339, %swap3A_3340], %mul3A_3336 {strides = array<i32>} : memref<3x80x64xf32, #tpu.memory_space<vmem>>, vector<16xf32>,
        %get3A_3342 = arith.constant 67 : i32
        %get3A_3343 = arith.index_cast %rem3A_56 : i32 to index
        %get3A_3344 = arith.index_cast %get3A_3342 : i32 to index
        %get3A_3345 = arith.constant 32 : index
        %get3A_3346 = tpu.vector_load %arg14[%get3A_3343, %get3A_3344, %get3A_3345] {strides = array<i32>} : memref<3x80x64xf32, #tpu.memory_space<vmem>>, vector<16xf32>,
        %mul3A_3347 = arith.mulf %get3A_3346, %gather3A_3319 : vector<16xf32>
        %swap3A_3348 = arith.constant 67 : i32
        %swap3A_3349 = arith.index_cast %rem3A_56 : i32 to index
        %swap3A_3350 = arith.index_cast %swap3A_3348 : i32 to index
        %swap3A_3351 = arith.constant 32 : index
        %swap3A_3352 = tpu.vector_load %arg14[%swap3A_3349, %swap3A_3350, %swap3A_3351] {strides = array<i32>} : memref<3x80x64xf32, #tpu.memory_space<vmem>>, vector<16xf32>,
        tpu.vector_store %arg14[%swap3A_3349, %swap3A_3350, %swap3A_3351], %mul3A_3347 {strides = array<i32>} : memref<3x80x64xf32, #tpu.memory_space<vmem>>, vector<16xf32>,
        %get3A_3353 = arith.constant 67 : i32
        %get3A_3354 = arith.index_cast %rem3A_56 : i32 to index
        %get3A_3355 = arith.index_cast %get3A_3353 : i32 to index
        %get3A_3356 = arith.constant 48 : index
        %get3A_3357 = tpu.vector_load %arg14[%get3A_3354, %get3A_3355, %get3A_3356] {strides = array<i32>} : memref<3x80x64xf32, #tpu.memory_space<vmem>>, vector<16xf32>,
        %mul3A_3358 = arith.mulf %get3A_3357, %gather3A_3319 : vector<16xf32>
        %swap3A_3359 = arith.constant 67 : i32
        %swap3A_3360 = arith.index_cast %rem3A_56 : i32 to index
        %swap3A_3361 = arith.index_cast %swap3A_3359 : i32 to index
        %swap3A_3362 = arith.constant 48 : index
        %swap3A_3363 = tpu.vector_load %arg14[%swap3A_3360, %swap3A_3361, %swap3A_3362] {strides = array<i32>} : memref<3x80x64xf32, #tpu.memory_space<vmem>>, vector<16xf32>,
        tpu.vector_store %arg14[%swap3A_3360, %swap3A_3361, %swap3A_3362], %mul3A_3358 {strides = array<i32>} : memref<3x80x64xf32, #tpu.memory_space<vmem>>, vector<16xf32>,
        %broadcast_in_dim3A_3364 = arith.constant 4 : i32
        %broadcast_in_dim3A_3365 = vector.broadcast %broadcast_in_dim3A_3364 : i32 to vector<16x1xi32>
        %gather3A_3366 = vector.shape_cast %broadcast_in_dim3A_3365 : vector<16x1xi32> to vector<16xi32>
        %gather3A_3367 = tpu.dynamic_gather %get3A_3171[%gather3A_3366] in [0] : vector<16xf32>, vector<16xi32> -> vector<16xf32>
        %get3A_3368 = arith.constant 68 : i32
        %get3A_3369 = arith.index_cast %rem3A_56 : i32 to index
        %get3A_3370 = arith.index_cast %get3A_3368 : i32 to index
        %get3A_3371 = arith.constant 0 : index
        %get3A_3372 = tpu.vector_load %arg14[%get3A_3369, %get3A_3370, %get3A_3371] {strides = array<i32>} : memref<3x80x64xf32, #tpu.memory_space<vmem>>, vector<16xf32>,
        %mul3A_3373 = arith.mulf %get3A_3372, %gather3A_3367 : vector<16xf32>
        %swap3A_3374 = arith.constant 68 : i32
        %swap3A_3375 = arith.index_cast %rem3A_56 : i32 to index
        %swap3A_3376 = arith.index_cast %swap3A_3374 : i32 to index
        %swap3A_3377 = arith.constant 0 : index
        %swap3A_3378 = tpu.vector_load %arg14[%swap3A_3375, %swap3A_3376, %swap3A_3377] {strides = array<i32>} : memref<3x80x64xf32, #tpu.memory_space<vmem>>, vector<16xf32>,
        tpu.vector_store %arg14[%swap3A_3375, %swap3A_3376, %swap3A_3377], %mul3A_3373 {strides = array<i32>} : memref<3x80x64xf32, #tpu.memory_space<vmem>>, vector<16xf32>,
        %get3A_3379 = arith.constant 68 : i32
        %get3A_3380 = arith.index_cast %rem3A_56 : i32 to index
        %get3A_3381 = arith.index_cast %get3A_3379 : i32 to index
        %get3A_3382 = arith.constant 16 : index
        %get3A_3383 = tpu.vector_load %arg14[%get3A_3380, %get3A_3381, %get3A_3382] {strides = array<i32>} : memref<3x80x64xf32, #tpu.memory_space<vmem>>, vector<16xf32>,
        %mul3A_3384 = arith.mulf %get3A_3383, %gather3A_3367 : vector<16xf32>
        %swap3A_3385 = arith.constant 68 : i32
        %swap3A_3386 = arith.index_cast %rem3A_56 : i32 to index
        %swap3A_3387 = arith.index_cast %swap3A_3385 : i32 to index
        %swap3A_3388 = arith.constant 16 : index
        %swap3A_3389 = tpu.vector_load %arg14[%swap3A_3386, %swap3A_3387, %swap3A_3388] {strides = array<i32>} : memref<3x80x64xf32, #tpu.memory_space<vmem>>, vector<16xf32>,
        tpu.vector_store %arg14[%swap3A_3386, %swap3A_3387, %swap3A_3388], %mul3A_3384 {strides = array<i32>} : memref<3x80x64xf32, #tpu.memory_space<vmem>>, vector<16xf32>,
        %get3A_3390 = arith.constant 68 : i32
        %get3A_3391 = arith.index_cast %rem3A_56 : i32 to index
        %get3A_3392 = arith.index_cast %get3A_3390 : i32 to index
        %get3A_3393 = arith.constant 32 : index
        %get3A_3394 = tpu.vector_load %arg14[%get3A_3391, %get3A_3392, %get3A_3393] {strides = array<i32>} : memref<3x80x64xf32, #tpu.memory_space<vmem>>, vector<16xf32>,
        %mul3A_3395 = arith.mulf %get3A_3394, %gather3A_3367 : vector<16xf32>
        %swap3A_3396 = arith.constant 68 : i32
        %swap3A_3397 = arith.index_cast %rem3A_56 : i32 to index
        %swap3A_3398 = arith.index_cast %swap3A_3396 : i32 to index
        %swap3A_3399 = arith.constant 32 : index
        %swap3A_3400 = tpu.vector_load %arg14[%swap3A_3397, %swap3A_3398, %swap3A_3399] {strides = array<i32>} : memref<3x80x64xf32, #tpu.memory_space<vmem>>, vector<16xf32>,
        tpu.vector_store %arg14[%swap3A_3397, %swap3A_3398, %swap3A_3399], %mul3A_3395 {strides = array<i32>} : memref<3x80x64xf32, #tpu.memory_space<vmem>>, vector<16xf32>,
        %get3A_3401 = arith.constant 68 : i32
        %get3A_3402 = arith.index_cast %rem3A_56 : i32 to index
        %get3A_3403 = arith.index_cast %get3A_3401 : i32 to index
        %get3A_3404 = arith.constant 48 : index
        %get3A_3405 = tpu.vector_load %arg14[%get3A_3402, %get3A_3403, %get3A_3404] {strides = array<i32>} : memref<3x80x64xf32, #tpu.memory_space<vmem>>, vector<16xf32>,
        %mul3A_3406 = arith.mulf %get3A_3405, %gather3A_3367 : vector<16xf32>
        %swap3A_3407 = arith.constant 68 : i32
        %swap3A_3408 = arith.index_cast %rem3A_56 : i32 to index
        %swap3A_3409 = arith.index_cast %swap3A_3407 : i32 to index
        %swap3A_3410 = arith.constant 48 : index
        %swap3A_3411 = tpu.vector_load %arg14[%swap3A_3408, %swap3A_3409, %swap3A_3410] {strides = array<i32>} : memref<3x80x64xf32, #tpu.memory_space<vmem>>, vector<16xf32>,
        tpu.vector_store %arg14[%swap3A_3408, %swap3A_3409, %swap3A_3410], %mul3A_3406 {strides = array<i32>} : memref<3x80x64xf32, #tpu.memory_space<vmem>>, vector<16xf32>,
        %broadcast_in_dim3A_3412 = arith.constant 5 : i32
        %broadcast_in_dim3A_3413 = vector.broadcast %broadcast_in_dim3A_3412 : i32 to vector<16x1xi32>
        %gather3A_3414 = vector.shape_cast %broadcast_in_dim3A_3413 : vector<16x1xi32> to vector<16xi32>
        %gather3A_3415 = tpu.dynamic_gather %get3A_3171[%gather3A_3414] in [0] : vector<16xf32>, vector<16xi32> -> vector<16xf32>
        %get3A_3416 = arith.constant 69 : i32
        %get3A_3417 = arith.index_cast %rem3A_56 : i32 to index
        %get3A_3418 = arith.index_cast %get3A_3416 : i32 to index
        %get3A_3419 = arith.constant 0 : index
        %get3A_3420 = tpu.vector_load %arg14[%get3A_3417, %get3A_3418, %get3A_3419] {strides = array<i32>} : memref<3x80x64xf32, #tpu.memory_space<vmem>>, vector<16xf32>,
        %mul3A_3421 = arith.mulf %get3A_3420, %gather3A_3415 : vector<16xf32>
        %swap3A_3422 = arith.constant 69 : i32
        %swap3A_3423 = arith.index_cast %rem3A_56 : i32 to index
        %swap3A_3424 = arith.index_cast %swap3A_3422 : i32 to index
        %swap3A_3425 = arith.constant 0 : index
        %swap3A_3426 = tpu.vector_load %arg14[%swap3A_3423, %swap3A_3424, %swap3A_3425] {strides = array<i32>} : memref<3x80x64xf32, #tpu.memory_space<vmem>>, vector<16xf32>,
        tpu.vector_store %arg14[%swap3A_3423, %swap3A_3424, %swap3A_3425], %mul3A_3421 {strides = array<i32>} : memref<3x80x64xf32, #tpu.memory_space<vmem>>, vector<16xf32>,
        %get3A_3427 = arith.constant 69 : i32
        %get3A_3428 = arith.index_cast %rem3A_56 : i32 to index
        %get3A_3429 = arith.index_cast %get3A_3427 : i32 to index
        %get3A_3430 = arith.constant 16 : index
        %get3A_3431 = tpu.vector_load %arg14[%get3A_3428, %get3A_3429, %get3A_3430] {strides = array<i32>} : memref<3x80x64xf32, #tpu.memory_space<vmem>>, vector<16xf32>,
        %mul3A_3432 = arith.mulf %get3A_3431, %gather3A_3415 : vector<16xf32>
        %swap3A_3433 = arith.constant 69 : i32
        %swap3A_3434 = arith.index_cast %rem3A_56 : i32 to index
        %swap3A_3435 = arith.index_cast %swap3A_3433 : i32 to index
        %swap3A_3436 = arith.constant 16 : index
        %swap3A_3437 = tpu.vector_load %arg14[%swap3A_3434, %swap3A_3435, %swap3A_3436] {strides = array<i32>} : memref<3x80x64xf32, #tpu.memory_space<vmem>>, vector<16xf32>,
        tpu.vector_store %arg14[%swap3A_3434, %swap3A_3435, %swap3A_3436], %mul3A_3432 {strides = array<i32>} : memref<3x80x64xf32, #tpu.memory_space<vmem>>, vector<16xf32>,
        %get3A_3438 = arith.constant 69 : i32
        %get3A_3439 = arith.index_cast %rem3A_56 : i32 to index
        %get3A_3440 = arith.index_cast %get3A_3438 : i32 to index
        %get3A_3441 = arith.constant 32 : index
        %get3A_3442 = tpu.vector_load %arg14[%get3A_3439, %get3A_3440, %get3A_3441] {strides = array<i32>} : memref<3x80x64xf32, #tpu.memory_space<vmem>>, vector<16xf32>,
        %mul3A_3443 = arith.mulf %get3A_3442, %gather3A_3415 : vector<16xf32>
        %swap3A_3444 = arith.constant 69 : i32
        %swap3A_3445 = arith.index_cast %rem3A_56 : i32 to index
        %swap3A_3446 = arith.index_cast %swap3A_3444 : i32 to index
        %swap3A_3447 = arith.constant 32 : index
        %swap3A_3448 = tpu.vector_load %arg14[%swap3A_3445, %swap3A_3446, %swap3A_3447] {strides = array<i32>} : memref<3x80x64xf32, #tpu.memory_space<vmem>>, vector<16xf32>,
        tpu.vector_store %arg14[%swap3A_3445, %swap3A_3446, %swap3A_3447], %mul3A_3443 {strides = array<i32>} : memref<3x80x64xf32, #tpu.memory_space<vmem>>, vector<16xf32>,
        %get3A_3449 = arith.constant 69 : i32
        %get3A_3450 = arith.index_cast %rem3A_56 : i32 to index
        %get3A_3451 = arith.index_cast %get3A_3449 : i32 to index
        %get3A_3452 = arith.constant 48 : index
        %get3A_3453 = tpu.vector_load %arg14[%get3A_3450, %get3A_3451, %get3A_3452] {strides = array<i32>} : memref<3x80x64xf32, #tpu.memory_space<vmem>>, vector<16xf32>,
        %mul3A_3454 = arith.mulf %get3A_3453, %gather3A_3415 : vector<16xf32>
        %swap3A_3455 = arith.constant 69 : i32
        %swap3A_3456 = arith.index_cast %rem3A_56 : i32 to index
        %swap3A_3457 = arith.index_cast %swap3A_3455 : i32 to index
        %swap3A_3458 = arith.constant 48 : index
        %swap3A_3459 = tpu.vector_load %arg14[%swap3A_3456, %swap3A_3457, %swap3A_3458] {strides = array<i32>} : memref<3x80x64xf32, #tpu.memory_space<vmem>>, vector<16xf32>,
        tpu.vector_store %arg14[%swap3A_3456, %swap3A_3457, %swap3A_3458], %mul3A_3454 {strides = array<i32>} : memref<3x80x64xf32, #tpu.memory_space<vmem>>, vector<16xf32>,
        %broadcast_in_dim3A_3460 = arith.constant 6 : i32
        %broadcast_in_dim3A_3461 = vector.broadcast %broadcast_in_dim3A_3460 : i32 to vector<16x1xi32>
        %gather3A_3462 = vector.shape_cast %broadcast_in_dim3A_3461 : vector<16x1xi32> to vector<16xi32>
        %gather3A_3463 = tpu.dynamic_gather %get3A_3171[%gather3A_3462] in [0] : vector<16xf32>, vector<16xi32> -> vector<16xf32>
        %get3A_3464 = arith.constant 70 : i32
        %get3A_3465 = arith.index_cast %rem3A_56 : i32 to index
        %get3A_3466 = arith.index_cast %get3A_3464 : i32 to index
        %get3A_3467 = arith.constant 0 : index
        %get3A_3468 = tpu.vector_load %arg14[%get3A_3465, %get3A_3466, %get3A_3467] {strides = array<i32>} : memref<3x80x64xf32, #tpu.memory_space<vmem>>, vector<16xf32>,
        %mul3A_3469 = arith.mulf %get3A_3468, %gather3A_3463 : vector<16xf32>
        %swap3A_3470 = arith.constant 70 : i32
        %swap3A_3471 = arith.index_cast %rem3A_56 : i32 to index
        %swap3A_3472 = arith.index_cast %swap3A_3470 : i32 to index
        %swap3A_3473 = arith.constant 0 : index
        %swap3A_3474 = tpu.vector_load %arg14[%swap3A_3471, %swap3A_3472, %swap3A_3473] {strides = array<i32>} : memref<3x80x64xf32, #tpu.memory_space<vmem>>, vector<16xf32>,
        tpu.vector_store %arg14[%swap3A_3471, %swap3A_3472, %swap3A_3473], %mul3A_3469 {strides = array<i32>} : memref<3x80x64xf32, #tpu.memory_space<vmem>>, vector<16xf32>,
        %get3A_3475 = arith.constant 70 : i32
        %get3A_3476 = arith.index_cast %rem3A_56 : i32 to index
        %get3A_3477 = arith.index_cast %get3A_3475 : i32 to index
        %get3A_3478 = arith.constant 16 : index
        %get3A_3479 = tpu.vector_load %arg14[%get3A_3476, %get3A_3477, %get3A_3478] {strides = array<i32>} : memref<3x80x64xf32, #tpu.memory_space<vmem>>, vector<16xf32>,
        %mul3A_3480 = arith.mulf %get3A_3479, %gather3A_3463 : vector<16xf32>
        %swap3A_3481 = arith.constant 70 : i32
        %swap3A_3482 = arith.index_cast %rem3A_56 : i32 to index
        %swap3A_3483 = arith.index_cast %swap3A_3481 : i32 to index
        %swap3A_3484 = arith.constant 16 : index
        %swap3A_3485 = tpu.vector_load %arg14[%swap3A_3482, %swap3A_3483, %swap3A_3484] {strides = array<i32>} : memref<3x80x64xf32, #tpu.memory_space<vmem>>, vector<16xf32>,
        tpu.vector_store %arg14[%swap3A_3482, %swap3A_3483, %swap3A_3484], %mul3A_3480 {strides = array<i32>} : memref<3x80x64xf32, #tpu.memory_space<vmem>>, vector<16xf32>,
        %get3A_3486 = arith.constant 70 : i32
        %get3A_3487 = arith.index_cast %rem3A_56 : i32 to index
        %get3A_3488 = arith.index_cast %get3A_3486 : i32 to index
        %get3A_3489 = arith.constant 32 : index
        %get3A_3490 = tpu.vector_load %arg14[%get3A_3487, %get3A_3488, %get3A_3489] {strides = array<i32>} : memref<3x80x64xf32, #tpu.memory_space<vmem>>, vector<16xf32>,
        %mul3A_3491 = arith.mulf %get3A_3490, %gather3A_3463 : vector<16xf32>
        %swap3A_3492 = arith.constant 70 : i32
        %swap3A_3493 = arith.index_cast %rem3A_56 : i32 to index
        %swap3A_3494 = arith.index_cast %swap3A_3492 : i32 to index
        %swap3A_3495 = arith.constant 32 : index
        %swap3A_3496 = tpu.vector_load %arg14[%swap3A_3493, %swap3A_3494, %swap3A_3495] {strides = array<i32>} : memref<3x80x64xf32, #tpu.memory_space<vmem>>, vector<16xf32>,
        tpu.vector_store %arg14[%swap3A_3493, %swap3A_3494, %swap3A_3495], %mul3A_3491 {strides = array<i32>} : memref<3x80x64xf32, #tpu.memory_space<vmem>>, vector<16xf32>,
        %get3A_3497 = arith.constant 70 : i32
        %get3A_3498 = arith.index_cast %rem3A_56 : i32 to index
        %get3A_3499 = arith.index_cast %get3A_3497 : i32 to index
        %get3A_3500 = arith.constant 48 : index
        %get3A_3501 = tpu.vector_load %arg14[%get3A_3498, %get3A_3499, %get3A_3500] {strides = array<i32>} : memref<3x80x64xf32, #tpu.memory_space<vmem>>, vector<16xf32>,
        %mul3A_3502 = arith.mulf %get3A_3501, %gather3A_3463 : vector<16xf32>
        %swap3A_3503 = arith.constant 70 : i32
        %swap3A_3504 = arith.index_cast %rem3A_56 : i32 to index
        %swap3A_3505 = arith.index_cast %swap3A_3503 : i32 to index
        %swap3A_3506 = arith.constant 48 : index
        %swap3A_3507 = tpu.vector_load %arg14[%swap3A_3504, %swap3A_3505, %swap3A_3506] {strides = array<i32>} : memref<3x80x64xf32, #tpu.memory_space<vmem>>, vector<16xf32>,
        tpu.vector_store %arg14[%swap3A_3504, %swap3A_3505, %swap3A_3506], %mul3A_3502 {strides = array<i32>} : memref<3x80x64xf32, #tpu.memory_space<vmem>>, vector<16xf32>,
        %broadcast_in_dim3A_3508 = arith.constant 7 : i32
        %broadcast_in_dim3A_3509 = vector.broadcast %broadcast_in_dim3A_3508 : i32 to vector<16x1xi32>
        %gather3A_3510 = vector.shape_cast %broadcast_in_dim3A_3509 : vector<16x1xi32> to vector<16xi32>
        %gather3A_3511 = tpu.dynamic_gather %get3A_3171[%gather3A_3510] in [0] : vector<16xf32>, vector<16xi32> -> vector<16xf32>
        %get3A_3512 = arith.constant 71 : i32
        %get3A_3513 = arith.index_cast %rem3A_56 : i32 to index
        %get3A_3514 = arith.index_cast %get3A_3512 : i32 to index
        %get3A_3515 = arith.constant 0 : index
        %get3A_3516 = tpu.vector_load %arg14[%get3A_3513, %get3A_3514, %get3A_3515] {strides = array<i32>} : memref<3x80x64xf32, #tpu.memory_space<vmem>>, vector<16xf32>,
        %mul3A_3517 = arith.mulf %get3A_3516, %gather3A_3511 : vector<16xf32>
        %swap3A_3518 = arith.constant 71 : i32
        %swap3A_3519 = arith.index_cast %rem3A_56 : i32 to index
        %swap3A_3520 = arith.index_cast %swap3A_3518 : i32 to index
        %swap3A_3521 = arith.constant 0 : index
        %swap3A_3522 = tpu.vector_load %arg14[%swap3A_3519, %swap3A_3520, %swap3A_3521] {strides = array<i32>} : memref<3x80x64xf32, #tpu.memory_space<vmem>>, vector<16xf32>,
        tpu.vector_store %arg14[%swap3A_3519, %swap3A_3520, %swap3A_3521], %mul3A_3517 {strides = array<i32>} : memref<3x80x64xf32, #tpu.memory_space<vmem>>, vector<16xf32>,
        %get3A_3523 = arith.constant 71 : i32
        %get3A_3524 = arith.index_cast %rem3A_56 : i32 to index
        %get3A_3525 = arith.index_cast %get3A_3523 : i32 to index
        %get3A_3526 = arith.constant 16 : index
        %get3A_3527 = tpu.vector_load %arg14[%get3A_3524, %get3A_3525, %get3A_3526] {strides = array<i32>} : memref<3x80x64xf32, #tpu.memory_space<vmem>>, vector<16xf32>,
        %mul3A_3528 = arith.mulf %get3A_3527, %gather3A_3511 : vector<16xf32>
        %swap3A_3529 = arith.constant 71 : i32
        %swap3A_3530 = arith.index_cast %rem3A_56 : i32 to index
        %swap3A_3531 = arith.index_cast %swap3A_3529 : i32 to index
        %swap3A_3532 = arith.constant 16 : index
        %swap3A_3533 = tpu.vector_load %arg14[%swap3A_3530, %swap3A_3531, %swap3A_3532] {strides = array<i32>} : memref<3x80x64xf32, #tpu.memory_space<vmem>>, vector<16xf32>,
        tpu.vector_store %arg14[%swap3A_3530, %swap3A_3531, %swap3A_3532], %mul3A_3528 {strides = array<i32>} : memref<3x80x64xf32, #tpu.memory_space<vmem>>, vector<16xf32>,
        %get3A_3534 = arith.constant 71 : i32
        %get3A_3535 = arith.index_cast %rem3A_56 : i32 to index
        %get3A_3536 = arith.index_cast %get3A_3534 : i32 to index
        %get3A_3537 = arith.constant 32 : index
        %get3A_3538 = tpu.vector_load %arg14[%get3A_3535, %get3A_3536, %get3A_3537] {strides = array<i32>} : memref<3x80x64xf32, #tpu.memory_space<vmem>>, vector<16xf32>,
        %mul3A_3539 = arith.mulf %get3A_3538, %gather3A_3511 : vector<16xf32>
        %swap3A_3540 = arith.constant 71 : i32
        %swap3A_3541 = arith.index_cast %rem3A_56 : i32 to index
        %swap3A_3542 = arith.index_cast %swap3A_3540 : i32 to index
        %swap3A_3543 = arith.constant 32 : index
        %swap3A_3544 = tpu.vector_load %arg14[%swap3A_3541, %swap3A_3542, %swap3A_3543] {strides = array<i32>} : memref<3x80x64xf32, #tpu.memory_space<vmem>>, vector<16xf32>,
        tpu.vector_store %arg14[%swap3A_3541, %swap3A_3542, %swap3A_3543], %mul3A_3539 {strides = array<i32>} : memref<3x80x64xf32, #tpu.memory_space<vmem>>, vector<16xf32>,
        %get3A_3545 = arith.constant 71 : i32
        %get3A_3546 = arith.index_cast %rem3A_56 : i32 to index
        %get3A_3547 = arith.index_cast %get3A_3545 : i32 to index
        %get3A_3548 = arith.constant 48 : index
        %get3A_3549 = tpu.vector_load %arg14[%get3A_3546, %get3A_3547, %get3A_3548] {strides = array<i32>} : memref<3x80x64xf32, #tpu.memory_space<vmem>>, vector<16xf32>,
        %mul3A_3550 = arith.mulf %get3A_3549, %gather3A_3511 : vector<16xf32>
        %swap3A_3551 = arith.constant 71 : i32
        %swap3A_3552 = arith.index_cast %rem3A_56 : i32 to index
        %swap3A_3553 = arith.index_cast %swap3A_3551 : i32 to index
        %swap3A_3554 = arith.constant 48 : index
        %swap3A_3555 = tpu.vector_load %arg14[%swap3A_3552, %swap3A_3553, %swap3A_3554] {strides = array<i32>} : memref<3x80x64xf32, #tpu.memory_space<vmem>>, vector<16xf32>,
        tpu.vector_store %arg14[%swap3A_3552, %swap3A_3553, %swap3A_3554], %mul3A_3550 {strides = array<i32>} : memref<3x80x64xf32, #tpu.memory_space<vmem>>, vector<16xf32>,
        %broadcast_in_dim3A_3556 = arith.constant 8 : i32
        %broadcast_in_dim3A_3557 = vector.broadcast %broadcast_in_dim3A_3556 : i32 to vector<16x1xi32>
        %gather3A_3558 = vector.shape_cast %broadcast_in_dim3A_3557 : vector<16x1xi32> to vector<16xi32>
        %gather3A_3559 = tpu.dynamic_gather %get3A_3171[%gather3A_3558] in [0] : vector<16xf32>, vector<16xi32> -> vector<16xf32>
        %get3A_3560 = arith.constant 72 : i32
        %get3A_3561 = arith.index_cast %rem3A_56 : i32 to index
        %get3A_3562 = arith.index_cast %get3A_3560 : i32 to index
        %get3A_3563 = arith.constant 0 : index
        %get3A_3564 = tpu.vector_load %arg14[%get3A_3561, %get3A_3562, %get3A_3563] {strides = array<i32>} : memref<3x80x64xf32, #tpu.memory_space<vmem>>, vector<16xf32>,
        %mul3A_3565 = arith.mulf %get3A_3564, %gather3A_3559 : vector<16xf32>
        %swap3A_3566 = arith.constant 72 : i32
        %swap3A_3567 = arith.index_cast %rem3A_56 : i32 to index
        %swap3A_3568 = arith.index_cast %swap3A_3566 : i32 to index
        %swap3A_3569 = arith.constant 0 : index
        %swap3A_3570 = tpu.vector_load %arg14[%swap3A_3567, %swap3A_3568, %swap3A_3569] {strides = array<i32>} : memref<3x80x64xf32, #tpu.memory_space<vmem>>, vector<16xf32>,
        tpu.vector_store %arg14[%swap3A_3567, %swap3A_3568, %swap3A_3569], %mul3A_3565 {strides = array<i32>} : memref<3x80x64xf32, #tpu.memory_space<vmem>>, vector<16xf32>,
        %get3A_3571 = arith.constant 72 : i32
        %get3A_3572 = arith.index_cast %rem3A_56 : i32 to index
        %get3A_3573 = arith.index_cast %get3A_3571 : i32 to index
        %get3A_3574 = arith.constant 16 : index
        %get3A_3575 = tpu.vector_load %arg14[%get3A_3572, %get3A_3573, %get3A_3574] {strides = array<i32>} : memref<3x80x64xf32, #tpu.memory_space<vmem>>, vector<16xf32>,
        %mul3A_3576 = arith.mulf %get3A_3575, %gather3A_3559 : vector<16xf32>
        %swap3A_3577 = arith.constant 72 : i32
        %swap3A_3578 = arith.index_cast %rem3A_56 : i32 to index
        %swap3A_3579 = arith.index_cast %swap3A_3577 : i32 to index
        %swap3A_3580 = arith.constant 16 : index
        %swap3A_3581 = tpu.vector_load %arg14[%swap3A_3578, %swap3A_3579, %swap3A_3580] {strides = array<i32>} : memref<3x80x64xf32, #tpu.memory_space<vmem>>, vector<16xf32>,
        tpu.vector_store %arg14[%swap3A_3578, %swap3A_3579, %swap3A_3580], %mul3A_3576 {strides = array<i32>} : memref<3x80x64xf32, #tpu.memory_space<vmem>>, vector<16xf32>,
        %get3A_3582 = arith.constant 72 : i32
        %get3A_3583 = arith.index_cast %rem3A_56 : i32 to index
        %get3A_3584 = arith.index_cast %get3A_3582 : i32 to index
        %get3A_3585 = arith.constant 32 : index
        %get3A_3586 = tpu.vector_load %arg14[%get3A_3583, %get3A_3584, %get3A_3585] {strides = array<i32>} : memref<3x80x64xf32, #tpu.memory_space<vmem>>, vector<16xf32>,
        %mul3A_3587 = arith.mulf %get3A_3586, %gather3A_3559 : vector<16xf32>
        %swap3A_3588 = arith.constant 72 : i32
        %swap3A_3589 = arith.index_cast %rem3A_56 : i32 to index
        %swap3A_3590 = arith.index_cast %swap3A_3588 : i32 to index
        %swap3A_3591 = arith.constant 32 : index
        %swap3A_3592 = tpu.vector_load %arg14[%swap3A_3589, %swap3A_3590, %swap3A_3591] {strides = array<i32>} : memref<3x80x64xf32, #tpu.memory_space<vmem>>, vector<16xf32>,
        tpu.vector_store %arg14[%swap3A_3589, %swap3A_3590, %swap3A_3591], %mul3A_3587 {strides = array<i32>} : memref<3x80x64xf32, #tpu.memory_space<vmem>>, vector<16xf32>,
        %get3A_3593 = arith.constant 72 : i32
        %get3A_3594 = arith.index_cast %rem3A_56 : i32 to index
        %get3A_3595 = arith.index_cast %get3A_3593 : i32 to index
        %get3A_3596 = arith.constant 48 : index
        %get3A_3597 = tpu.vector_load %arg14[%get3A_3594, %get3A_3595, %get3A_3596] {strides = array<i32>} : memref<3x80x64xf32, #tpu.memory_space<vmem>>, vector<16xf32>,
        %mul3A_3598 = arith.mulf %get3A_3597, %gather3A_3559 : vector<16xf32>
        %swap3A_3599 = arith.constant 72 : i32
        %swap3A_3600 = arith.index_cast %rem3A_56 : i32 to index
        %swap3A_3601 = arith.index_cast %swap3A_3599 : i32 to index
        %swap3A_3602 = arith.constant 48 : index
        %swap3A_3603 = tpu.vector_load %arg14[%swap3A_3600, %swap3A_3601, %swap3A_3602] {strides = array<i32>} : memref<3x80x64xf32, #tpu.memory_space<vmem>>, vector<16xf32>,
        tpu.vector_store %arg14[%swap3A_3600, %swap3A_3601, %swap3A_3602], %mul3A_3598 {strides = array<i32>} : memref<3x80x64xf32, #tpu.memory_space<vmem>>, vector<16xf32>,
        %broadcast_in_dim3A_3604 = arith.constant 9 : i32
        %broadcast_in_dim3A_3605 = vector.broadcast %broadcast_in_dim3A_3604 : i32 to vector<16x1xi32>
        %gather3A_3606 = vector.shape_cast %broadcast_in_dim3A_3605 : vector<16x1xi32> to vector<16xi32>
        %gather3A_3607 = tpu.dynamic_gather %get3A_3171[%gather3A_3606] in [0] : vector<16xf32>, vector<16xi32> -> vector<16xf32>
        %get3A_3608 = arith.constant 73 : i32
        %get3A_3609 = arith.index_cast %rem3A_56 : i32 to index
        %get3A_3610 = arith.index_cast %get3A_3608 : i32 to index
        %get3A_3611 = arith.constant 0 : index
        %get3A_3612 = tpu.vector_load %arg14[%get3A_3609, %get3A_3610, %get3A_3611] {strides = array<i32>} : memref<3x80x64xf32, #tpu.memory_space<vmem>>, vector<16xf32>,
        %mul3A_3613 = arith.mulf %get3A_3612, %gather3A_3607 : vector<16xf32>
        %swap3A_3614 = arith.constant 73 : i32
        %swap3A_3615 = arith.index_cast %rem3A_56 : i32 to index
        %swap3A_3616 = arith.index_cast %swap3A_3614 : i32 to index
        %swap3A_3617 = arith.constant 0 : index
        %swap3A_3618 = tpu.vector_load %arg14[%swap3A_3615, %swap3A_3616, %swap3A_3617] {strides = array<i32>} : memref<3x80x64xf32, #tpu.memory_space<vmem>>, vector<16xf32>,
        tpu.vector_store %arg14[%swap3A_3615, %swap3A_3616, %swap3A_3617], %mul3A_3613 {strides = array<i32>} : memref<3x80x64xf32, #tpu.memory_space<vmem>>, vector<16xf32>,
        %get3A_3619 = arith.constant 73 : i32
        %get3A_3620 = arith.index_cast %rem3A_56 : i32 to index
        %get3A_3621 = arith.index_cast %get3A_3619 : i32 to index
        %get3A_3622 = arith.constant 16 : index
        %get3A_3623 = tpu.vector_load %arg14[%get3A_3620, %get3A_3621, %get3A_3622] {strides = array<i32>} : memref<3x80x64xf32, #tpu.memory_space<vmem>>, vector<16xf32>,
        %mul3A_3624 = arith.mulf %get3A_3623, %gather3A_3607 : vector<16xf32>
        %swap3A_3625 = arith.constant 73 : i32
        %swap3A_3626 = arith.index_cast %rem3A_56 : i32 to index
        %swap3A_3627 = arith.index_cast %swap3A_3625 : i32 to index
        %swap3A_3628 = arith.constant 16 : index
        %swap3A_3629 = tpu.vector_load %arg14[%swap3A_3626, %swap3A_3627, %swap3A_3628] {strides = array<i32>} : memref<3x80x64xf32, #tpu.memory_space<vmem>>, vector<16xf32>,
        tpu.vector_store %arg14[%swap3A_3626, %swap3A_3627, %swap3A_3628], %mul3A_3624 {strides = array<i32>} : memref<3x80x64xf32, #tpu.memory_space<vmem>>, vector<16xf32>,
        %get3A_3630 = arith.constant 73 : i32
        %get3A_3631 = arith.index_cast %rem3A_56 : i32 to index
        %get3A_3632 = arith.index_cast %get3A_3630 : i32 to index
        %get3A_3633 = arith.constant 32 : index
        %get3A_3634 = tpu.vector_load %arg14[%get3A_3631, %get3A_3632, %get3A_3633] {strides = array<i32>} : memref<3x80x64xf32, #tpu.memory_space<vmem>>, vector<16xf32>,
        %mul3A_3635 = arith.mulf %get3A_3634, %gather3A_3607 : vector<16xf32>
        %swap3A_3636 = arith.constant 73 : i32
        %swap3A_3637 = arith.index_cast %rem3A_56 : i32 to index
        %swap3A_3638 = arith.index_cast %swap3A_3636 : i32 to index
        %swap3A_3639 = arith.constant 32 : index
        %swap3A_3640 = tpu.vector_load %arg14[%swap3A_3637, %swap3A_3638, %swap3A_3639] {strides = array<i32>} : memref<3x80x64xf32, #tpu.memory_space<vmem>>, vector<16xf32>,
        tpu.vector_store %arg14[%swap3A_3637, %swap3A_3638, %swap3A_3639], %mul3A_3635 {strides = array<i32>} : memref<3x80x64xf32, #tpu.memory_space<vmem>>, vector<16xf32>,
        %get3A_3641 = arith.constant 73 : i32
        %get3A_3642 = arith.index_cast %rem3A_56 : i32 to index
        %get3A_3643 = arith.index_cast %get3A_3641 : i32 to index
        %get3A_3644 = arith.constant 48 : index
        %get3A_3645 = tpu.vector_load %arg14[%get3A_3642, %get3A_3643, %get3A_3644] {strides = array<i32>} : memref<3x80x64xf32, #tpu.memory_space<vmem>>, vector<16xf32>,
        %mul3A_3646 = arith.mulf %get3A_3645, %gather3A_3607 : vector<16xf32>
        %swap3A_3647 = arith.constant 73 : i32
        %swap3A_3648 = arith.index_cast %rem3A_56 : i32 to index
        %swap3A_3649 = arith.index_cast %swap3A_3647 : i32 to index
        %swap3A_3650 = arith.constant 48 : index
        %swap3A_3651 = tpu.vector_load %arg14[%swap3A_3648, %swap3A_3649, %swap3A_3650] {strides = array<i32>} : memref<3x80x64xf32, #tpu.memory_space<vmem>>, vector<16xf32>,
        tpu.vector_store %arg14[%swap3A_3648, %swap3A_3649, %swap3A_3650], %mul3A_3646 {strides = array<i32>} : memref<3x80x64xf32, #tpu.memory_space<vmem>>, vector<16xf32>,
        %broadcast_in_dim3A_3652 = arith.constant 10 : i32
        %broadcast_in_dim3A_3653 = vector.broadcast %broadcast_in_dim3A_3652 : i32 to vector<16x1xi32>
        %gather3A_3654 = vector.shape_cast %broadcast_in_dim3A_3653 : vector<16x1xi32> to vector<16xi32>
        %gather3A_3655 = tpu.dynamic_gather %get3A_3171[%gather3A_3654] in [0] : vector<16xf32>, vector<16xi32> -> vector<16xf32>
        %get3A_3656 = arith.constant 74 : i32
        %get3A_3657 = arith.index_cast %rem3A_56 : i32 to index
        %get3A_3658 = arith.index_cast %get3A_3656 : i32 to index
        %get3A_3659 = arith.constant 0 : index
        %get3A_3660 = tpu.vector_load %arg14[%get3A_3657, %get3A_3658, %get3A_3659] {strides = array<i32>} : memref<3x80x64xf32, #tpu.memory_space<vmem>>, vector<16xf32>,
        %mul3A_3661 = arith.mulf %get3A_3660, %gather3A_3655 : vector<16xf32>
        %swap3A_3662 = arith.constant 74 : i32
        %swap3A_3663 = arith.index_cast %rem3A_56 : i32 to index
        %swap3A_3664 = arith.index_cast %swap3A_3662 : i32 to index
        %swap3A_3665 = arith.constant 0 : index
        %swap3A_3666 = tpu.vector_load %arg14[%swap3A_3663, %swap3A_3664, %swap3A_3665] {strides = array<i32>} : memref<3x80x64xf32, #tpu.memory_space<vmem>>, vector<16xf32>,
        tpu.vector_store %arg14[%swap3A_3663, %swap3A_3664, %swap3A_3665], %mul3A_3661 {strides = array<i32>} : memref<3x80x64xf32, #tpu.memory_space<vmem>>, vector<16xf32>,
        %get3A_3667 = arith.constant 74 : i32
        %get3A_3668 = arith.index_cast %rem3A_56 : i32 to index
        %get3A_3669 = arith.index_cast %get3A_3667 : i32 to index
        %get3A_3670 = arith.constant 16 : index
        %get3A_3671 = tpu.vector_load %arg14[%get3A_3668, %get3A_3669, %get3A_3670] {strides = array<i32>} : memref<3x80x64xf32, #tpu.memory_space<vmem>>, vector<16xf32>,
        %mul3A_3672 = arith.mulf %get3A_3671, %gather3A_3655 : vector<16xf32>
        %swap3A_3673 = arith.constant 74 : i32
        %swap3A_3674 = arith.index_cast %rem3A_56 : i32 to index
        %swap3A_3675 = arith.index_cast %swap3A_3673 : i32 to index
        %swap3A_3676 = arith.constant 16 : index
        %swap3A_3677 = tpu.vector_load %arg14[%swap3A_3674, %swap3A_3675, %swap3A_3676] {strides = array<i32>} : memref<3x80x64xf32, #tpu.memory_space<vmem>>, vector<16xf32>,
        tpu.vector_store %arg14[%swap3A_3674, %swap3A_3675, %swap3A_3676], %mul3A_3672 {strides = array<i32>} : memref<3x80x64xf32, #tpu.memory_space<vmem>>, vector<16xf32>,
        %get3A_3678 = arith.constant 74 : i32
        %get3A_3679 = arith.index_cast %rem3A_56 : i32 to index
        %get3A_3680 = arith.index_cast %get3A_3678 : i32 to index
        %get3A_3681 = arith.constant 32 : index
        %get3A_3682 = tpu.vector_load %arg14[%get3A_3679, %get3A_3680, %get3A_3681] {strides = array<i32>} : memref<3x80x64xf32, #tpu.memory_space<vmem>>, vector<16xf32>,
        %mul3A_3683 = arith.mulf %get3A_3682, %gather3A_3655 : vector<16xf32>
        %swap3A_3684 = arith.constant 74 : i32
        %swap3A_3685 = arith.index_cast %rem3A_56 : i32 to index
        %swap3A_3686 = arith.index_cast %swap3A_3684 : i32 to index
        %swap3A_3687 = arith.constant 32 : index
        %swap3A_3688 = tpu.vector_load %arg14[%swap3A_3685, %swap3A_3686, %swap3A_3687] {strides = array<i32>} : memref<3x80x64xf32, #tpu.memory_space<vmem>>, vector<16xf32>,
        tpu.vector_store %arg14[%swap3A_3685, %swap3A_3686, %swap3A_3687], %mul3A_3683 {strides = array<i32>} : memref<3x80x64xf32, #tpu.memory_space<vmem>>, vector<16xf32>,
        %get3A_3689 = arith.constant 74 : i32
        %get3A_3690 = arith.index_cast %rem3A_56 : i32 to index
        %get3A_3691 = arith.index_cast %get3A_3689 : i32 to index
        %get3A_3692 = arith.constant 48 : index
        %get3A_3693 = tpu.vector_load %arg14[%get3A_3690, %get3A_3691, %get3A_3692] {strides = array<i32>} : memref<3x80x64xf32, #tpu.memory_space<vmem>>, vector<16xf32>,
        %mul3A_3694 = arith.mulf %get3A_3693, %gather3A_3655 : vector<16xf32>
        %swap3A_3695 = arith.constant 74 : i32
        %swap3A_3696 = arith.index_cast %rem3A_56 : i32 to index
        %swap3A_3697 = arith.index_cast %swap3A_3695 : i32 to index
        %swap3A_3698 = arith.constant 48 : index
        %swap3A_3699 = tpu.vector_load %arg14[%swap3A_3696, %swap3A_3697, %swap3A_3698] {strides = array<i32>} : memref<3x80x64xf32, #tpu.memory_space<vmem>>, vector<16xf32>,
        tpu.vector_store %arg14[%swap3A_3696, %swap3A_3697, %swap3A_3698], %mul3A_3694 {strides = array<i32>} : memref<3x80x64xf32, #tpu.memory_space<vmem>>, vector<16xf32>,
        %broadcast_in_dim3A_3700 = arith.constant 11 : i32
        %broadcast_in_dim3A_3701 = vector.broadcast %broadcast_in_dim3A_3700 : i32 to vector<16x1xi32>
        %gather3A_3702 = vector.shape_cast %broadcast_in_dim3A_3701 : vector<16x1xi32> to vector<16xi32>
        %gather3A_3703 = tpu.dynamic_gather %get3A_3171[%gather3A_3702] in [0] : vector<16xf32>, vector<16xi32> -> vector<16xf32>
        %get3A_3704 = arith.constant 75 : i32
        %get3A_3705 = arith.index_cast %rem3A_56 : i32 to index
        %get3A_3706 = arith.index_cast %get3A_3704 : i32 to index
        %get3A_3707 = arith.constant 0 : index
        %get3A_3708 = tpu.vector_load %arg14[%get3A_3705, %get3A_3706, %get3A_3707] {strides = array<i32>} : memref<3x80x64xf32, #tpu.memory_space<vmem>>, vector<16xf32>,
        %mul3A_3709 = arith.mulf %get3A_3708, %gather3A_3703 : vector<16xf32>
        %swap3A_3710 = arith.constant 75 : i32
        %swap3A_3711 = arith.index_cast %rem3A_56 : i32 to index
        %swap3A_3712 = arith.index_cast %swap3A_3710 : i32 to index
        %swap3A_3713 = arith.constant 0 : index
        %swap3A_3714 = tpu.vector_load %arg14[%swap3A_3711, %swap3A_3712, %swap3A_3713] {strides = array<i32>} : memref<3x80x64xf32, #tpu.memory_space<vmem>>, vector<16xf32>,
        tpu.vector_store %arg14[%swap3A_3711, %swap3A_3712, %swap3A_3713], %mul3A_3709 {strides = array<i32>} : memref<3x80x64xf32, #tpu.memory_space<vmem>>, vector<16xf32>,
        %get3A_3715 = arith.constant 75 : i32
        %get3A_3716 = arith.index_cast %rem3A_56 : i32 to index
        %get3A_3717 = arith.index_cast %get3A_3715 : i32 to index
        %get3A_3718 = arith.constant 16 : index
        %get3A_3719 = tpu.vector_load %arg14[%get3A_3716, %get3A_3717, %get3A_3718] {strides = array<i32>} : memref<3x80x64xf32, #tpu.memory_space<vmem>>, vector<16xf32>,
        %mul3A_3720 = arith.mulf %get3A_3719, %gather3A_3703 : vector<16xf32>
        %swap3A_3721 = arith.constant 75 : i32
        %swap3A_3722 = arith.index_cast %rem3A_56 : i32 to index
        %swap3A_3723 = arith.index_cast %swap3A_3721 : i32 to index
        %swap3A_3724 = arith.constant 16 : index
        %swap3A_3725 = tpu.vector_load %arg14[%swap3A_3722, %swap3A_3723, %swap3A_3724] {strides = array<i32>} : memref<3x80x64xf32, #tpu.memory_space<vmem>>, vector<16xf32>,
        tpu.vector_store %arg14[%swap3A_3722, %swap3A_3723, %swap3A_3724], %mul3A_3720 {strides = array<i32>} : memref<3x80x64xf32, #tpu.memory_space<vmem>>, vector<16xf32>,
        %get3A_3726 = arith.constant 75 : i32
        %get3A_3727 = arith.index_cast %rem3A_56 : i32 to index
        %get3A_3728 = arith.index_cast %get3A_3726 : i32 to index
        %get3A_3729 = arith.constant 32 : index
        %get3A_3730 = tpu.vector_load %arg14[%get3A_3727, %get3A_3728, %get3A_3729] {strides = array<i32>} : memref<3x80x64xf32, #tpu.memory_space<vmem>>, vector<16xf32>,
        %mul3A_3731 = arith.mulf %get3A_3730, %gather3A_3703 : vector<16xf32>
        %swap3A_3732 = arith.constant 75 : i32
        %swap3A_3733 = arith.index_cast %rem3A_56 : i32 to index
        %swap3A_3734 = arith.index_cast %swap3A_3732 : i32 to index
        %swap3A_3735 = arith.constant 32 : index
        %swap3A_3736 = tpu.vector_load %arg14[%swap3A_3733, %swap3A_3734, %swap3A_3735] {strides = array<i32>} : memref<3x80x64xf32, #tpu.memory_space<vmem>>, vector<16xf32>,
        tpu.vector_store %arg14[%swap3A_3733, %swap3A_3734, %swap3A_3735], %mul3A_3731 {strides = array<i32>} : memref<3x80x64xf32, #tpu.memory_space<vmem>>, vector<16xf32>,
        %get3A_3737 = arith.constant 75 : i32
        %get3A_3738 = arith.index_cast %rem3A_56 : i32 to index
        %get3A_3739 = arith.index_cast %get3A_3737 : i32 to index
        %get3A_3740 = arith.constant 48 : index
        %get3A_3741 = tpu.vector_load %arg14[%get3A_3738, %get3A_3739, %get3A_3740] {strides = array<i32>} : memref<3x80x64xf32, #tpu.memory_space<vmem>>, vector<16xf32>,
        %mul3A_3742 = arith.mulf %get3A_3741, %gather3A_3703 : vector<16xf32>
        %swap3A_3743 = arith.constant 75 : i32
        %swap3A_3744 = arith.index_cast %rem3A_56 : i32 to index
        %swap3A_3745 = arith.index_cast %swap3A_3743 : i32 to index
        %swap3A_3746 = arith.constant 48 : index
        %swap3A_3747 = tpu.vector_load %arg14[%swap3A_3744, %swap3A_3745, %swap3A_3746] {strides = array<i32>} : memref<3x80x64xf32, #tpu.memory_space<vmem>>, vector<16xf32>,
        tpu.vector_store %arg14[%swap3A_3744, %swap3A_3745, %swap3A_3746], %mul3A_3742 {strides = array<i32>} : memref<3x80x64xf32, #tpu.memory_space<vmem>>, vector<16xf32>,
        %broadcast_in_dim3A_3748 = arith.constant 12 : i32
        %broadcast_in_dim3A_3749 = vector.broadcast %broadcast_in_dim3A_3748 : i32 to vector<16x1xi32>
        %gather3A_3750 = vector.shape_cast %broadcast_in_dim3A_3749 : vector<16x1xi32> to vector<16xi32>
        %gather3A_3751 = tpu.dynamic_gather %get3A_3171[%gather3A_3750] in [0] : vector<16xf32>, vector<16xi32> -> vector<16xf32>
        %get3A_3752 = arith.constant 76 : i32
        %get3A_3753 = arith.index_cast %rem3A_56 : i32 to index
        %get3A_3754 = arith.index_cast %get3A_3752 : i32 to index
        %get3A_3755 = arith.constant 0 : index
        %get3A_3756 = tpu.vector_load %arg14[%get3A_3753, %get3A_3754, %get3A_3755] {strides = array<i32>} : memref<3x80x64xf32, #tpu.memory_space<vmem>>, vector<16xf32>,
        %mul3A_3757 = arith.mulf %get3A_3756, %gather3A_3751 : vector<16xf32>
        %swap3A_3758 = arith.constant 76 : i32
        %swap3A_3759 = arith.index_cast %rem3A_56 : i32 to index
        %swap3A_3760 = arith.index_cast %swap3A_3758 : i32 to index
        %swap3A_3761 = arith.constant 0 : index
        %swap3A_3762 = tpu.vector_load %arg14[%swap3A_3759, %swap3A_3760, %swap3A_3761] {strides = array<i32>} : memref<3x80x64xf32, #tpu.memory_space<vmem>>, vector<16xf32>,
        tpu.vector_store %arg14[%swap3A_3759, %swap3A_3760, %swap3A_3761], %mul3A_3757 {strides = array<i32>} : memref<3x80x64xf32, #tpu.memory_space<vmem>>, vector<16xf32>,
        %get3A_3763 = arith.constant 76 : i32
        %get3A_3764 = arith.index_cast %rem3A_56 : i32 to index
        %get3A_3765 = arith.index_cast %get3A_3763 : i32 to index
        %get3A_3766 = arith.constant 16 : index
        %get3A_3767 = tpu.vector_load %arg14[%get3A_3764, %get3A_3765, %get3A_3766] {strides = array<i32>} : memref<3x80x64xf32, #tpu.memory_space<vmem>>, vector<16xf32>,
        %mul3A_3768 = arith.mulf %get3A_3767, %gather3A_3751 : vector<16xf32>
        %swap3A_3769 = arith.constant 76 : i32
        %swap3A_3770 = arith.index_cast %rem3A_56 : i32 to index
        %swap3A_3771 = arith.index_cast %swap3A_3769 : i32 to index
        %swap3A_3772 = arith.constant 16 : index
        %swap3A_3773 = tpu.vector_load %arg14[%swap3A_3770, %swap3A_3771, %swap3A_3772] {strides = array<i32>} : memref<3x80x64xf32, #tpu.memory_space<vmem>>, vector<16xf32>,
        tpu.vector_store %arg14[%swap3A_3770, %swap3A_3771, %swap3A_3772], %mul3A_3768 {strides = array<i32>} : memref<3x80x64xf32, #tpu.memory_space<vmem>>, vector<16xf32>,
        %get3A_3774 = arith.constant 76 : i32
        %get3A_3775 = arith.index_cast %rem3A_56 : i32 to index
        %get3A_3776 = arith.index_cast %get3A_3774 : i32 to index
        %get3A_3777 = arith.constant 32 : index
        %get3A_3778 = tpu.vector_load %arg14[%get3A_3775, %get3A_3776, %get3A_3777] {strides = array<i32>} : memref<3x80x64xf32, #tpu.memory_space<vmem>>, vector<16xf32>,
        %mul3A_3779 = arith.mulf %get3A_3778, %gather3A_3751 : vector<16xf32>
        %swap3A_3780 = arith.constant 76 : i32
        %swap3A_3781 = arith.index_cast %rem3A_56 : i32 to index
        %swap3A_3782 = arith.index_cast %swap3A_3780 : i32 to index
        %swap3A_3783 = arith.constant 32 : index
        %swap3A_3784 = tpu.vector_load %arg14[%swap3A_3781, %swap3A_3782, %swap3A_3783] {strides = array<i32>} : memref<3x80x64xf32, #tpu.memory_space<vmem>>, vector<16xf32>,
        tpu.vector_store %arg14[%swap3A_3781, %swap3A_3782, %swap3A_3783], %mul3A_3779 {strides = array<i32>} : memref<3x80x64xf32, #tpu.memory_space<vmem>>, vector<16xf32>,
        %get3A_3785 = arith.constant 76 : i32
        %get3A_3786 = arith.index_cast %rem3A_56 : i32 to index
        %get3A_3787 = arith.index_cast %get3A_3785 : i32 to index
        %get3A_3788 = arith.constant 48 : index
        %get3A_3789 = tpu.vector_load %arg14[%get3A_3786, %get3A_3787, %get3A_3788] {strides = array<i32>} : memref<3x80x64xf32, #tpu.memory_space<vmem>>, vector<16xf32>,
        %mul3A_3790 = arith.mulf %get3A_3789, %gather3A_3751 : vector<16xf32>
        %swap3A_3791 = arith.constant 76 : i32
        %swap3A_3792 = arith.index_cast %rem3A_56 : i32 to index
        %swap3A_3793 = arith.index_cast %swap3A_3791 : i32 to index
        %swap3A_3794 = arith.constant 48 : index
        %swap3A_3795 = tpu.vector_load %arg14[%swap3A_3792, %swap3A_3793, %swap3A_3794] {strides = array<i32>} : memref<3x80x64xf32, #tpu.memory_space<vmem>>, vector<16xf32>,
        tpu.vector_store %arg14[%swap3A_3792, %swap3A_3793, %swap3A_3794], %mul3A_3790 {strides = array<i32>} : memref<3x80x64xf32, #tpu.memory_space<vmem>>, vector<16xf32>,
        %broadcast_in_dim3A_3796 = arith.constant 13 : i32
        %broadcast_in_dim3A_3797 = vector.broadcast %broadcast_in_dim3A_3796 : i32 to vector<16x1xi32>
        %gather3A_3798 = vector.shape_cast %broadcast_in_dim3A_3797 : vector<16x1xi32> to vector<16xi32>
        %gather3A_3799 = tpu.dynamic_gather %get3A_3171[%gather3A_3798] in [0] : vector<16xf32>, vector<16xi32> -> vector<16xf32>
        %get3A_3800 = arith.constant 77 : i32
        %get3A_3801 = arith.index_cast %rem3A_56 : i32 to index
        %get3A_3802 = arith.index_cast %get3A_3800 : i32 to index
        %get3A_3803 = arith.constant 0 : index
        %get3A_3804 = tpu.vector_load %arg14[%get3A_3801, %get3A_3802, %get3A_3803] {strides = array<i32>} : memref<3x80x64xf32, #tpu.memory_space<vmem>>, vector<16xf32>,
        %mul3A_3805 = arith.mulf %get3A_3804, %gather3A_3799 : vector<16xf32>
        %swap3A_3806 = arith.constant 77 : i32
        %swap3A_3807 = arith.index_cast %rem3A_56 : i32 to index
        %swap3A_3808 = arith.index_cast %swap3A_3806 : i32 to index
        %swap3A_3809 = arith.constant 0 : index
        %swap3A_3810 = tpu.vector_load %arg14[%swap3A_3807, %swap3A_3808, %swap3A_3809] {strides = array<i32>} : memref<3x80x64xf32, #tpu.memory_space<vmem>>, vector<16xf32>,
        tpu.vector_store %arg14[%swap3A_3807, %swap3A_3808, %swap3A_3809], %mul3A_3805 {strides = array<i32>} : memref<3x80x64xf32, #tpu.memory_space<vmem>>, vector<16xf32>,
        %get3A_3811 = arith.constant 77 : i32
        %get3A_3812 = arith.index_cast %rem3A_56 : i32 to index
        %get3A_3813 = arith.index_cast %get3A_3811 : i32 to index
        %get3A_3814 = arith.constant 16 : index
        %get3A_3815 = tpu.vector_load %arg14[%get3A_3812, %get3A_3813, %get3A_3814] {strides = array<i32>} : memref<3x80x64xf32, #tpu.memory_space<vmem>>, vector<16xf32>,
        %mul3A_3816 = arith.mulf %get3A_3815, %gather3A_3799 : vector<16xf32>
        %swap3A_3817 = arith.constant 77 : i32
        %swap3A_3818 = arith.index_cast %rem3A_56 : i32 to index
        %swap3A_3819 = arith.index_cast %swap3A_3817 : i32 to index
        %swap3A_3820 = arith.constant 16 : index
        %swap3A_3821 = tpu.vector_load %arg14[%swap3A_3818, %swap3A_3819, %swap3A_3820] {strides = array<i32>} : memref<3x80x64xf32, #tpu.memory_space<vmem>>, vector<16xf32>,
        tpu.vector_store %arg14[%swap3A_3818, %swap3A_3819, %swap3A_3820], %mul3A_3816 {strides = array<i32>} : memref<3x80x64xf32, #tpu.memory_space<vmem>>, vector<16xf32>,
        %get3A_3822 = arith.constant 77 : i32
        %get3A_3823 = arith.index_cast %rem3A_56 : i32 to index
        %get3A_3824 = arith.index_cast %get3A_3822 : i32 to index
        %get3A_3825 = arith.constant 32 : index
        %get3A_3826 = tpu.vector_load %arg14[%get3A_3823, %get3A_3824, %get3A_3825] {strides = array<i32>} : memref<3x80x64xf32, #tpu.memory_space<vmem>>, vector<16xf32>,
        %mul3A_3827 = arith.mulf %get3A_3826, %gather3A_3799 : vector<16xf32>
        %swap3A_3828 = arith.constant 77 : i32
        %swap3A_3829 = arith.index_cast %rem3A_56 : i32 to index
        %swap3A_3830 = arith.index_cast %swap3A_3828 : i32 to index
        %swap3A_3831 = arith.constant 32 : index
        %swap3A_3832 = tpu.vector_load %arg14[%swap3A_3829, %swap3A_3830, %swap3A_3831] {strides = array<i32>} : memref<3x80x64xf32, #tpu.memory_space<vmem>>, vector<16xf32>,
        tpu.vector_store %arg14[%swap3A_3829, %swap3A_3830, %swap3A_3831], %mul3A_3827 {strides = array<i32>} : memref<3x80x64xf32, #tpu.memory_space<vmem>>, vector<16xf32>,
        %get3A_3833 = arith.constant 77 : i32
        %get3A_3834 = arith.index_cast %rem3A_56 : i32 to index
        %get3A_3835 = arith.index_cast %get3A_3833 : i32 to index
        %get3A_3836 = arith.constant 48 : index
        %get3A_3837 = tpu.vector_load %arg14[%get3A_3834, %get3A_3835, %get3A_3836] {strides = array<i32>} : memref<3x80x64xf32, #tpu.memory_space<vmem>>, vector<16xf32>,
        %mul3A_3838 = arith.mulf %get3A_3837, %gather3A_3799 : vector<16xf32>
        %swap3A_3839 = arith.constant 77 : i32
        %swap3A_3840 = arith.index_cast %rem3A_56 : i32 to index
        %swap3A_3841 = arith.index_cast %swap3A_3839 : i32 to index
        %swap3A_3842 = arith.constant 48 : index
        %swap3A_3843 = tpu.vector_load %arg14[%swap3A_3840, %swap3A_3841, %swap3A_3842] {strides = array<i32>} : memref<3x80x64xf32, #tpu.memory_space<vmem>>, vector<16xf32>,
        tpu.vector_store %arg14[%swap3A_3840, %swap3A_3841, %swap3A_3842], %mul3A_3838 {strides = array<i32>} : memref<3x80x64xf32, #tpu.memory_space<vmem>>, vector<16xf32>,
        %broadcast_in_dim3A_3844 = arith.constant 14 : i32
        %broadcast_in_dim3A_3845 = vector.broadcast %broadcast_in_dim3A_3844 : i32 to vector<16x1xi32>
        %gather3A_3846 = vector.shape_cast %broadcast_in_dim3A_3845 : vector<16x1xi32> to vector<16xi32>
        %gather3A_3847 = tpu.dynamic_gather %get3A_3171[%gather3A_3846] in [0] : vector<16xf32>, vector<16xi32> -> vector<16xf32>
        %get3A_3848 = arith.constant 78 : i32
        %get3A_3849 = arith.index_cast %rem3A_56 : i32 to index
        %get3A_3850 = arith.index_cast %get3A_3848 : i32 to index
        %get3A_3851 = arith.constant 0 : index
        %get3A_3852 = tpu.vector_load %arg14[%get3A_3849, %get3A_3850, %get3A_3851] {strides = array<i32>} : memref<3x80x64xf32, #tpu.memory_space<vmem>>, vector<16xf32>,
        %mul3A_3853 = arith.mulf %get3A_3852, %gather3A_3847 : vector<16xf32>
        %swap3A_3854 = arith.constant 78 : i32
        %swap3A_3855 = arith.index_cast %rem3A_56 : i32 to index
        %swap3A_3856 = arith.index_cast %swap3A_3854 : i32 to index
        %swap3A_3857 = arith.constant 0 : index
        %swap3A_3858 = tpu.vector_load %arg14[%swap3A_3855, %swap3A_3856, %swap3A_3857] {strides = array<i32>} : memref<3x80x64xf32, #tpu.memory_space<vmem>>, vector<16xf32>,
        tpu.vector_store %arg14[%swap3A_3855, %swap3A_3856, %swap3A_3857], %mul3A_3853 {strides = array<i32>} : memref<3x80x64xf32, #tpu.memory_space<vmem>>, vector<16xf32>,
        %get3A_3859 = arith.constant 78 : i32
        %get3A_3860 = arith.index_cast %rem3A_56 : i32 to index
        %get3A_3861 = arith.index_cast %get3A_3859 : i32 to index
        %get3A_3862 = arith.constant 16 : index
        %get3A_3863 = tpu.vector_load %arg14[%get3A_3860, %get3A_3861, %get3A_3862] {strides = array<i32>} : memref<3x80x64xf32, #tpu.memory_space<vmem>>, vector<16xf32>,
        %mul3A_3864 = arith.mulf %get3A_3863, %gather3A_3847 : vector<16xf32>
        %swap3A_3865 = arith.constant 78 : i32
        %swap3A_3866 = arith.index_cast %rem3A_56 : i32 to index
        %swap3A_3867 = arith.index_cast %swap3A_3865 : i32 to index
        %swap3A_3868 = arith.constant 16 : index
        %swap3A_3869 = tpu.vector_load %arg14[%swap3A_3866, %swap3A_3867, %swap3A_3868] {strides = array<i32>} : memref<3x80x64xf32, #tpu.memory_space<vmem>>, vector<16xf32>,
        tpu.vector_store %arg14[%swap3A_3866, %swap3A_3867, %swap3A_3868], %mul3A_3864 {strides = array<i32>} : memref<3x80x64xf32, #tpu.memory_space<vmem>>, vector<16xf32>,
        %get3A_3870 = arith.constant 78 : i32
        %get3A_3871 = arith.index_cast %rem3A_56 : i32 to index
        %get3A_3872 = arith.index_cast %get3A_3870 : i32 to index
        %get3A_3873 = arith.constant 32 : index
        %get3A_3874 = tpu.vector_load %arg14[%get3A_3871, %get3A_3872, %get3A_3873] {strides = array<i32>} : memref<3x80x64xf32, #tpu.memory_space<vmem>>, vector<16xf32>,
        %mul3A_3875 = arith.mulf %get3A_3874, %gather3A_3847 : vector<16xf32>
        %swap3A_3876 = arith.constant 78 : i32
        %swap3A_3877 = arith.index_cast %rem3A_56 : i32 to index
        %swap3A_3878 = arith.index_cast %swap3A_3876 : i32 to index
        %swap3A_3879 = arith.constant 32 : index
        %swap3A_3880 = tpu.vector_load %arg14[%swap3A_3877, %swap3A_3878, %swap3A_3879] {strides = array<i32>} : memref<3x80x64xf32, #tpu.memory_space<vmem>>, vector<16xf32>,
        tpu.vector_store %arg14[%swap3A_3877, %swap3A_3878, %swap3A_3879], %mul3A_3875 {strides = array<i32>} : memref<3x80x64xf32, #tpu.memory_space<vmem>>, vector<16xf32>,
        %get3A_3881 = arith.constant 78 : i32
        %get3A_3882 = arith.index_cast %rem3A_56 : i32 to index
        %get3A_3883 = arith.index_cast %get3A_3881 : i32 to index
        %get3A_3884 = arith.constant 48 : index
        %get3A_3885 = tpu.vector_load %arg14[%get3A_3882, %get3A_3883, %get3A_3884] {strides = array<i32>} : memref<3x80x64xf32, #tpu.memory_space<vmem>>, vector<16xf32>,
        %mul3A_3886 = arith.mulf %get3A_3885, %gather3A_3847 : vector<16xf32>
        %swap3A_3887 = arith.constant 78 : i32
        %swap3A_3888 = arith.index_cast %rem3A_56 : i32 to index
        %swap3A_3889 = arith.index_cast %swap3A_3887 : i32 to index
        %swap3A_3890 = arith.constant 48 : index
        %swap3A_3891 = tpu.vector_load %arg14[%swap3A_3888, %swap3A_3889, %swap3A_3890] {strides = array<i32>} : memref<3x80x64xf32, #tpu.memory_space<vmem>>, vector<16xf32>,
        tpu.vector_store %arg14[%swap3A_3888, %swap3A_3889, %swap3A_3890], %mul3A_3886 {strides = array<i32>} : memref<3x80x64xf32, #tpu.memory_space<vmem>>, vector<16xf32>,
        %broadcast_in_dim3A_3892 = arith.constant 15 : i32
        %broadcast_in_dim3A_3893 = vector.broadcast %broadcast_in_dim3A_3892 : i32 to vector<16x1xi32>
        %gather3A_3894 = vector.shape_cast %broadcast_in_dim3A_3893 : vector<16x1xi32> to vector<16xi32>
        %gather3A_3895 = tpu.dynamic_gather %get3A_3171[%gather3A_3894] in [0] : vector<16xf32>, vector<16xi32> -> vector<16xf32>
        %get3A_3896 = arith.constant 79 : i32
        %get3A_3897 = arith.index_cast %rem3A_56 : i32 to index
        %get3A_3898 = arith.index_cast %get3A_3896 : i32 to index
        %get3A_3899 = arith.constant 0 : index
        %get3A_3900 = tpu.vector_load %arg14[%get3A_3897, %get3A_3898, %get3A_3899] {strides = array<i32>} : memref<3x80x64xf32, #tpu.memory_space<vmem>>, vector<16xf32>,
        %mul3A_3901 = arith.mulf %get3A_3900, %gather3A_3895 : vector<16xf32>
        %swap3A_3902 = arith.constant 79 : i32
        %swap3A_3903 = arith.index_cast %rem3A_56 : i32 to index
        %swap3A_3904 = arith.index_cast %swap3A_3902 : i32 to index
        %swap3A_3905 = arith.constant 0 : index
        %swap3A_3906 = tpu.vector_load %arg14[%swap3A_3903, %swap3A_3904, %swap3A_3905] {strides = array<i32>} : memref<3x80x64xf32, #tpu.memory_space<vmem>>, vector<16xf32>,
        tpu.vector_store %arg14[%swap3A_3903, %swap3A_3904, %swap3A_3905], %mul3A_3901 {strides = array<i32>} : memref<3x80x64xf32, #tpu.memory_space<vmem>>, vector<16xf32>,
        %get3A_3907 = arith.constant 79 : i32
        %get3A_3908 = arith.index_cast %rem3A_56 : i32 to index
        %get3A_3909 = arith.index_cast %get3A_3907 : i32 to index
        %get3A_3910 = arith.constant 16 : index
        %get3A_3911 = tpu.vector_load %arg14[%get3A_3908, %get3A_3909, %get3A_3910] {strides = array<i32>} : memref<3x80x64xf32, #tpu.memory_space<vmem>>, vector<16xf32>,
        %mul3A_3912 = arith.mulf %get3A_3911, %gather3A_3895 : vector<16xf32>
        %swap3A_3913 = arith.constant 79 : i32
        %swap3A_3914 = arith.index_cast %rem3A_56 : i32 to index
        %swap3A_3915 = arith.index_cast %swap3A_3913 : i32 to index
        %swap3A_3916 = arith.constant 16 : index
        %swap3A_3917 = tpu.vector_load %arg14[%swap3A_3914, %swap3A_3915, %swap3A_3916] {strides = array<i32>} : memref<3x80x64xf32, #tpu.memory_space<vmem>>, vector<16xf32>,
        tpu.vector_store %arg14[%swap3A_3914, %swap3A_3915, %swap3A_3916], %mul3A_3912 {strides = array<i32>} : memref<3x80x64xf32, #tpu.memory_space<vmem>>, vector<16xf32>,
        %get3A_3918 = arith.constant 79 : i32
        %get3A_3919 = arith.index_cast %rem3A_56 : i32 to index
        %get3A_3920 = arith.index_cast %get3A_3918 : i32 to index
        %get3A_3921 = arith.constant 32 : index
        %get3A_3922 = tpu.vector_load %arg14[%get3A_3919, %get3A_3920, %get3A_3921] {strides = array<i32>} : memref<3x80x64xf32, #tpu.memory_space<vmem>>, vector<16xf32>,
        %mul3A_3923 = arith.mulf %get3A_3922, %gather3A_3895 : vector<16xf32>
        %swap3A_3924 = arith.constant 79 : i32
        %swap3A_3925 = arith.index_cast %rem3A_56 : i32 to index
        %swap3A_3926 = arith.index_cast %swap3A_3924 : i32 to index
        %swap3A_3927 = arith.constant 32 : index
        %swap3A_3928 = tpu.vector_load %arg14[%swap3A_3925, %swap3A_3926, %swap3A_3927] {strides = array<i32>} : memref<3x80x64xf32, #tpu.memory_space<vmem>>, vector<16xf32>,
        tpu.vector_store %arg14[%swap3A_3925, %swap3A_3926, %swap3A_3927], %mul3A_3923 {strides = array<i32>} : memref<3x80x64xf32, #tpu.memory_space<vmem>>, vector<16xf32>,
        %get3A_3929 = arith.constant 79 : i32
        %get3A_3930 = arith.index_cast %rem3A_56 : i32 to index
        %get3A_3931 = arith.index_cast %get3A_3929 : i32 to index
        %get3A_3932 = arith.constant 48 : index
        %get3A_3933 = tpu.vector_load %arg14[%get3A_3930, %get3A_3931, %get3A_3932] {strides = array<i32>} : memref<3x80x64xf32, #tpu.memory_space<vmem>>, vector<16xf32>,
        %mul3A_3934 = arith.mulf %get3A_3933, %gather3A_3895 : vector<16xf32>
        %swap3A_3935 = arith.constant 79 : i32
        %swap3A_3936 = arith.index_cast %rem3A_56 : i32 to index
        %swap3A_3937 = arith.index_cast %swap3A_3935 : i32 to index
        %swap3A_3938 = arith.constant 48 : index
        %swap3A_3939 = tpu.vector_load %arg14[%swap3A_3936, %swap3A_3937, %swap3A_3938] {strides = array<i32>} : memref<3x80x64xf32, #tpu.memory_space<vmem>>, vector<16xf32>,
        tpu.vector_store %arg14[%swap3A_3936, %swap3A_3937, %swap3A_3938], %mul3A_3934 {strides = array<i32>} : memref<3x80x64xf32, #tpu.memory_space<vmem>>, vector<16xf32>,
        %dma_start3A = arith.constant 0 : i32
        %dma_start3A_3940 = arith.constant 0 : i32
        %dma_start3A_3941 = tpu.memref_slice %arg14[%rem3A_56, %dma_start3A, %dma_start3A_3940] : memref<3x80x64xf32, #tpu.memory_space<vmem>> -> memref<1x80x64xf32, #tpu.memory_space<vmem>>
        %dma_start3A_3942 = tpu.memref_squeeze %dma_start3A_3941 : memref<1x80x64xf32, #tpu.memory_space<vmem>> -> memref<80x64xf32, #tpu.memory_space<vmem>>
        %dma_start3A_3943 = arith.constant 0 : i32
        %dma_start3A_3944 = tpu.memref_slice %arg10[%scan3A_53, %dma_start3A_3943] : memref<50x80xi32, #tpu.memory_space<vmem>> -> memref<1x80xi32, #tpu.memory_space<vmem>>
        %dma_start3A_3945 = tpu.memref_squeeze %dma_start3A_3944 : memref<1x80xi32, #tpu.memory_space<vmem>> -> memref<80xi32, #tpu.memory_space<vmem>>
        %dma_start3A_3946 = arith.constant 0 : i32
        %dma_start3A_3947 = arith.constant 0 : i32
        %dma_start3A_3948 = tpu.memref_slice %arg16[%dma_start3A_3946, %dma_start3A_3947] : memref<10000x64xf32, #tpu.memory_space<vmem_shared>> -> memref<10000x64xf32, #tpu.memory_space<vmem_shared>>
        %dma_start3A_3949 = tpu.memref_slice %arg18[%rem3A_56] : memref<3x!tpu.dma_semaphore, #tpu.memory_space<semaphore_mem>> -> memref<1x!tpu.dma_semaphore, #tpu.memory_space<semaphore_mem>>
        %dma_start3A_3950 = tpu.memref_squeeze %dma_start3A_3949 : memref<1x!tpu.dma_semaphore, #tpu.memory_space<semaphore_mem>> -> memref<!tpu.dma_semaphore, #tpu.memory_space<semaphore_mem>>
        tpu.enqueue_indirect_dma source(%dma_start3A_3942 : memref<80x64xf32, #tpu.memory_space<vmem>>) target(%dma_start3A_3948 : memref<10000x64xf32, #tpu.memory_space<vmem_shared>>) offsets(%dma_start3A_3945 : memref<80xi32, #tpu.memory_space<vmem>>) semaphore(%dma_start3A_3950 : memref<!tpu.dma_semaphore, #tpu.memory_space<semaphore_mem>>) {add = true}
      }
      %scan3A_52 = arith.constant 50 : i32
    }
    %scan3A_7 = arith.constant 5 : i32
    %rem3A = arith.constant 249 : i32
    %rem3A_8 = arith.constant 3 : i32
    %rem3A_9 = arith.remsi %rem3A, %rem3A_8 : i32
    %dma_wait3A = arith.constant 49 : i32
    %dma_wait3A_10 = arith.constant 0 : i32
    %dma_wait3A_11 = arith.constant 0 : i32
    %dma_wait3A_12 = tpu.memref_slice %arg14[%rem3A_9, %dma_wait3A_10, %dma_wait3A_11] : memref<3x80x64xf32, #tpu.memory_space<vmem>> -> memref<1x80x64xf32, #tpu.memory_space<vmem>>
    %dma_wait3A_13 = tpu.memref_squeeze %dma_wait3A_12 : memref<1x80x64xf32, #tpu.memory_space<vmem>> -> memref<80x64xf32, #tpu.memory_space<vmem>>
    %dma_wait3A_14 = arith.constant 0 : i32
    %dma_wait3A_15 = tpu.memref_slice %arg10[%dma_wait3A, %dma_wait3A_14] : memref<50x80xi32, #tpu.memory_space<vmem>> -> memref<1x80xi32, #tpu.memory_space<vmem>>
    %dma_wait3A_16 = tpu.memref_squeeze %dma_wait3A_15 : memref<1x80xi32, #tpu.memory_space<vmem>> -> memref<80xi32, #tpu.memory_space<vmem>>
    %dma_wait3A_17 = arith.constant 0 : i32
    %dma_wait3A_18 = arith.constant 0 : i32
    %dma_wait3A_19 = tpu.memref_slice %arg16[%dma_wait3A_17, %dma_wait3A_18] : memref<10000x64xf32, #tpu.memory_space<vmem_shared>> -> memref<10000x64xf32, #tpu.memory_space<vmem_shared>>
    %dma_wait3A_20 = tpu.memref_slice %arg18[%rem3A_9] : memref<3x!tpu.dma_semaphore, #tpu.memory_space<semaphore_mem>> -> memref<1x!tpu.dma_semaphore, #tpu.memory_space<semaphore_mem>>
    %dma_wait3A_21 = tpu.memref_squeeze %dma_wait3A_20 : memref<1x!tpu.dma_semaphore, #tpu.memory_space<semaphore_mem>> -> memref<!tpu.dma_semaphore, #tpu.memory_space<semaphore_mem>>
    tpu.wait_indirect_dma semaphore(%dma_wait3A_21 : memref<!tpu.dma_semaphore, #tpu.memory_space<semaphore_mem>>) src(%dma_wait3A_13 : memref<80x64xf32, #tpu.memory_space<vmem>>) dst(%dma_wait3A_19 : memref<10000x64xf32, #tpu.memory_space<vmem_shared>>)
    %barrier3A_22 = arith.constant 0 : index
    tpu.barrier barrier_id(%barrier3A_22)
    %lt3A_23 = arith.constant 10 : i32
    %lt3A_24 = arith.cmpi slt, %arg1, %lt3A_23 : i32
    %convert_element_type3A_25 = arith.extui %lt3A_24 : i1 to i32
    %cond3A_26 = arith.constant 0 : i32
    %cond3A_27 = arith.cmpi ne, %convert_element_type3A_25, %cond3A_26 : i32
    scf.if %cond3A_27 {
      %scan3A_28 = arith.constant 0 : i32
      %scan3A_29 = arith.constant 0 : i32
      %scan3A_30 = arith.constant 5 : i32
      %scan3A_31 = arith.addi %scan3A_29, %scan3A_30 : i32
      %scan3A_32 = arith.constant 1 : i32
      scf.for %scan3A_34 = %scan3A_29 to %scan3A_31 step %scan3A_32  : i32 {
        %mul3A_35 = arith.constant 1000 : i32
        %mul3A_36 = arith.muli %arg1, %mul3A_35 : i32
        %mul3A_37 = arith.constant 200 : i32
        %mul3A_38 = arith.muli %scan3A_34, %mul3A_37 : i32
        %add3A = arith.addi %mul3A_36, %mul3A_38 : i32
        "tpu.region"() ({
          %run_scoped3A = tpu.sem_alloc : memref<!tpu.dma_semaphore, #tpu.memory_space<semaphore_mem>>
          %dma_start3A = arith.constant 0 : i32
          %dma_start3A_41 = tpu.memref_slice %arg16[%add3A, %dma_start3A] : memref<10000x64xf32, #tpu.memory_space<vmem_shared>> -> memref<200x64xf32, #tpu.memory_space<vmem_shared>>
          %dma_start3A_42 = arith.constant 0 : i32
          %dma_start3A_43 = tpu.memref_slice %arg16[%add3A, %dma_start3A_42] : memref<10000x64xf32, #tpu.memory_space<vmem_shared>> -> memref<200x64xf32, #tpu.memory_space<vmem_shared>>
          tpu.enqueue_dma source(%dma_start3A_43 : memref<200x64xf32, #tpu.memory_space<vmem_shared>>) target(%arg15 : memref<200x64xf32, #tpu.memory_space<vmem>>) target_semaphore(%run_scoped3A : memref<!tpu.dma_semaphore, #tpu.memory_space<semaphore_mem>>)
          %dma_wait3A_44 = arith.constant 0 : i32
          %dma_wait3A_45 = tpu.memref_slice %arg16[%add3A, %dma_wait3A_44] : memref<10000x64xf32, #tpu.memory_space<vmem_shared>> -> memref<200x64xf32, #tpu.memory_space<vmem_shared>>
          %dma_wait3A_46 = arith.constant 0 : i32
          %dma_wait3A_47 = tpu.memref_slice %arg16[%add3A, %dma_wait3A_46] : memref<10000x64xf32, #tpu.memory_space<vmem_shared>> -> memref<200x64xf32, #tpu.memory_space<vmem_shared>>
          tpu.wait_dma2 semaphore(%run_scoped3A : memref<!tpu.dma_semaphore, #tpu.memory_space<semaphore_mem>>) src(%dma_wait3A_47 : memref<200x64xf32, #tpu.memory_space<vmem_shared>>) dst(%arg15 : memref<200x64xf32, #tpu.memory_space<vmem>>)
          tpu.yield
        }) : () -> ()
        %mul3A_39 = arith.constant 64 : i32
        %mul3A_40 = arith.muli %arg0, %mul3A_39 : i32
        "tpu.region"() ({
          %run_scoped3A = tpu.sem_alloc : memref<!tpu.dma_semaphore, #tpu.memory_space<semaphore_mem>>
          %dma_start3A = tpu.memref_slice %arg8[%add3A, %mul3A_40] : memref<10000x128xf32, #tpu.memory_space<hbm>> -> memref<200x64xf32, #tpu.memory_space<hbm>>
          %dma_start3A_41 = tpu.memref_slice %arg8[%add3A, %mul3A_40] : memref<10000x128xf32, #tpu.memory_space<hbm>> -> memref<200x64xf32, #tpu.memory_space<hbm>>
          tpu.enqueue_dma source(%arg15 : memref<200x64xf32, #tpu.memory_space<vmem>>) target(%dma_start3A_41 : memref<200x64xf32, #tpu.memory_space<hbm>>) target_semaphore(%run_scoped3A : memref<!tpu.dma_semaphore, #tpu.memory_space<semaphore_mem>>)
          %dma_wait3A_42 = tpu.memref_slice %arg8[%add3A, %mul3A_40] : memref<10000x128xf32, #tpu.memory_space<hbm>> -> memref<200x64xf32, #tpu.memory_space<hbm>>
          %dma_wait3A_43 = tpu.memref_slice %arg8[%add3A, %mul3A_40] : memref<10000x128xf32, #tpu.memory_space<hbm>> -> memref<200x64xf32, #tpu.memory_space<hbm>>
          tpu.wait_dma2 semaphore(%run_scoped3A : memref<!tpu.dma_semaphore, #tpu.memory_space<semaphore_mem>>) src(%arg15 : memref<200x64xf32, #tpu.memory_space<vmem>>) dst(%dma_wait3A_43 : memref<200x64xf32, #tpu.memory_space<hbm>>)
          tpu.yield
        }) : () -> ()
      }
      %scan3A_33 = arith.constant 5 : i32
    } else {
    }
    return
  }
}

module attributes {stable_mosaic.version = 14 : i64} {
  func.func @_dense_body(%arg0: memref<10000x128xf32, #tpu.memory_space<vmem>>, %arg1: memref<2x10000xf32, #tpu.memory_space<vmem>>, %arg2: memref<2x10000xf32, #tpu.memory_space<vmem>>, %arg3: memref<128x128xf32, #tpu.memory_space<vmem>>, %arg4: memref<128x128xf32, #tpu.memory_space<vmem>>, %arg5: memref<128xf32, #tpu.memory_space<vmem>>, %arg6: memref<2x10000x64xf32, #tpu.memory_space<vmem>>, %arg7: memref<10000x128xf32, #tpu.memory_space<vmem>>, %arg8: memref<10000xf32, #tpu.memory_space<vmem>>) attributes {dimension_semantics = [], scalar_prefetch = 0 : i64, scratch_operands = 0 : i64, tpu.core_type = #tpu.core_type<tc>} {
    %get3A = arith.constant 0 : index
    %get3A_0 = arith.constant 0 : index
    %get3A_1 = vector.load %arg0[%get3A, %get3A_0] : memref<10000x128xf32, #tpu.memory_space<vmem>>, vector<10000x128xf32>
    %get3A_2 = arith.constant 0 : index
    %get3A_3 = arith.constant 0 : index
    %get3A_4 = vector.load %arg1[%get3A_2, %get3A_3] : memref<2x10000xf32, #tpu.memory_space<vmem>>, vector<1x10000xf32>
    %get3A_5 = vector.shape_cast %get3A_4 : vector<1x10000xf32> to vector<10000xf32>
    %get3A_6 = arith.constant 1 : index
    %get3A_7 = arith.constant 0 : index
    %get3A_8 = vector.load %arg1[%get3A_6, %get3A_7] : memref<2x10000xf32, #tpu.memory_space<vmem>>, vector<1x10000xf32>
    %get3A_9 = vector.shape_cast %get3A_8 : vector<1x10000xf32> to vector<10000xf32>
    %add3A = arith.addf %get3A_5, %get3A_9 : vector<10000xf32>
    %get3A_10 = arith.constant 0 : index
    %get3A_11 = arith.constant 0 : index
    %get3A_12 = vector.load %arg2[%get3A_10, %get3A_11] : memref<2x10000xf32, #tpu.memory_space<vmem>>, vector<1x10000xf32>
    %get3A_13 = vector.shape_cast %get3A_12 : vector<1x10000xf32> to vector<10000xf32>
    %get3A_14 = arith.constant 1 : index
    %get3A_15 = arith.constant 0 : index
    %get3A_16 = vector.load %arg2[%get3A_14, %get3A_15] : memref<2x10000xf32, #tpu.memory_space<vmem>>, vector<1x10000xf32>
    %get3A_17 = vector.shape_cast %get3A_16 : vector<1x10000xf32> to vector<10000xf32>
    %add3A_18 = arith.addf %get3A_13, %get3A_17 : vector<10000xf32>
    %max3A = arith.constant 1.000000e+00 : f32
    %max3A_19 = vector.broadcast %max3A : f32 to vector<10000xf32>
    %max3A_20 = arith.maximumf %add3A, %max3A_19 : vector<10000xf32>
    %rsqrt3A = math.rsqrt %max3A_20 : vector<10000xf32>
    %max3A_21 = arith.constant 1.000000e+00 : f32
    %max3A_22 = vector.broadcast %max3A_21 : f32 to vector<10000xf32>
    %max3A_23 = arith.maximumf %add3A_18, %max3A_22 : vector<10000xf32>
    %rsqrt3A_24 = math.rsqrt %max3A_23 : vector<10000xf32>
    %broadcast_in_dim3A = vector.shape_cast %rsqrt3A : vector<10000xf32> to vector<10000x1xf32>
    %mul3A = vector.broadcast %broadcast_in_dim3A : vector<10000x1xf32> to vector<10000x128xf32>
    %mul3A_25 = arith.mulf %get3A_1, %mul3A : vector<10000x128xf32>
    %get3A_26 = arith.constant 0 : index
    %get3A_27 = arith.constant 0 : index
    %get3A_28 = vector.load %arg4[%get3A_26, %get3A_27] : memref<128x128xf32, #tpu.memory_space<vmem>>, vector<128x128xf32>
    %dot_general3A = arith.constant dense<0.000000e+00> : vector<10000x128xf32>
    %dot_general3A_29 = tpu.matmul %mul3A_25, %get3A_28, %dot_general3A {dimension_numbers = #tpu.dot_dimension_numbers<[1], [1], [0], [0], [0, 0, 1, 0], [], []>, transpose_lhs_hint = false} : vector<10000x128xf32>, vector<128x128xf32>, vector<10000x128xf32> -> vector<10000x128xf32>
    %slice3A = vector.extract_strided_slice %dot_general3A_29 {offsets = [0, 0], sizes = [10000, 64], strides = [1, 1]} : vector<10000x128xf32> to vector<10000x64xf32>
    %swap3A = arith.constant 0 : index
    %swap3A_30 = arith.constant 0 : index
    %swap3A_31 = arith.constant 0 : index
    %swap3A_32 = vector.load %arg6[%swap3A, %swap3A_30, %swap3A_31] : memref<2x10000x64xf32, #tpu.memory_space<vmem>>, vector<1x10000x64xf32>
    %swap3A_33 = vector.shape_cast %swap3A_32 : vector<1x10000x64xf32> to vector<10000x64xf32>
    %swap3A_34 = vector.shape_cast %slice3A : vector<10000x64xf32> to vector<1x10000x64xf32>
    tpu.vector_store %arg6[%swap3A, %swap3A_30, %swap3A_31], %swap3A_34 {strides = array<i32>} : memref<2x10000x64xf32, #tpu.memory_space<vmem>>, vector<1x10000x64xf32>,
    %slice3A_35 = vector.extract_strided_slice %dot_general3A_29 {offsets = [0, 64], sizes = [10000, 64], strides = [1, 1]} : vector<10000x128xf32> to vector<10000x64xf32>
    %swap3A_36 = arith.constant 1 : index
    %swap3A_37 = arith.constant 0 : index
    %swap3A_38 = arith.constant 0 : index
    %swap3A_39 = vector.load %arg6[%swap3A_36, %swap3A_37, %swap3A_38] : memref<2x10000x64xf32, #tpu.memory_space<vmem>>, vector<1x10000x64xf32>
    %swap3A_40 = vector.shape_cast %swap3A_39 : vector<1x10000x64xf32> to vector<10000x64xf32>
    %swap3A_41 = vector.shape_cast %slice3A_35 : vector<10000x64xf32> to vector<1x10000x64xf32>
    tpu.vector_store %arg6[%swap3A_36, %swap3A_37, %swap3A_38], %swap3A_41 {strides = array<i32>} : memref<2x10000x64xf32, #tpu.memory_space<vmem>>, vector<1x10000x64xf32>,
    %get3A_42 = arith.constant 0 : index
    %get3A_43 = arith.constant 0 : index
    %get3A_44 = vector.load %arg3[%get3A_42, %get3A_43] : memref<128x128xf32, #tpu.memory_space<vmem>>, vector<128x128xf32>
    %dot_general3A_45 = arith.constant dense<0.000000e+00> : vector<10000x128xf32>
    %dot_general3A_46 = tpu.matmul %get3A_1, %get3A_44, %dot_general3A_45 {dimension_numbers = #tpu.dot_dimension_numbers<[1], [1], [0], [0], [0, 0, 1, 0], [], []>, transpose_lhs_hint = false} : vector<10000x128xf32>, vector<128x128xf32>, vector<10000x128xf32> -> vector<10000x128xf32>
    %get3A_47 = arith.constant 0 : index
    %get3A_48 = vector.load %arg5[%get3A_47] : memref<128xf32, #tpu.memory_space<vmem>>, vector<128xf32>
    %broadcast_in_dim3A_49 = vector.shape_cast %get3A_48 : vector<128xf32> to vector<1x128xf32>
    %broadcast_in_dim3A_50 = vector.shape_cast %rsqrt3A_24 : vector<10000xf32> to vector<10000x1xf32>
    %mul3A_51 = vector.broadcast %broadcast_in_dim3A_49 : vector<1x128xf32> to vector<10000x128xf32>
    %mul3A_52 = vector.broadcast %broadcast_in_dim3A_50 : vector<10000x1xf32> to vector<10000x128xf32>
    %mul3A_53 = arith.mulf %mul3A_51, %mul3A_52 : vector<10000x128xf32>
    %add3A_54 = arith.addf %dot_general3A_46, %mul3A_53 : vector<10000x128xf32>
    %swap3A_55 = arith.constant 0 : index
    %swap3A_56 = arith.constant 0 : index
    %swap3A_57 = vector.load %arg7[%swap3A_55, %swap3A_56] : memref<10000x128xf32, #tpu.memory_space<vmem>>, vector<10000x128xf32>
    tpu.vector_store %arg7[%swap3A_55, %swap3A_56], %add3A_54 {strides = array<i32>} : memref<10000x128xf32, #tpu.memory_space<vmem>>, vector<10000x128xf32>,
    %swap3A_58 = arith.constant 0 : index
    %swap3A_59 = vector.load %arg8[%swap3A_58] : memref<10000xf32, #tpu.memory_space<vmem>>, vector<10000xf32>
    tpu.vector_store %arg8[%swap3A_58], %rsqrt3A_24 {strides = array<i32>} : memref<10000xf32, #tpu.memory_space<vmem>>, vector<10000xf32>,
    return
  }
}

</mosaic_0001>

<sc_bundles>
// kernel: kernel.5.cloned.1.call-start
scs
__scs_entry_jumppad:
0x0: {  	(pc) =	sbr.rel $0x88, $3  }
0x1: {  	(tag) =	ssettag $0x0;
	lr =	simm.s32 $0x1  }
0x2: {  	[smem:$0x3F9B] =	sst lr;
	_ =	strace $0xD0000000  }
0x3: {  	_ = 	snop  }
0x4: {  	_ = 	snop  }
0x5: {  	_ = 	snop  }
0x6: {  	_ = 	snop  }
0x7: {  	_ = 	snop  }
__scs_overlays_trampoline_lowered:
0x8: {  	[smem:$0x3FAA] =	sst s0  }
0x9: {  	[smem:$0x3FAB] =	sst s1  }
0xa: {  	[smem:$0x3FAC] =	sst s2  }
0xb: {  	[smem:$0x3FAD] =	sst s3  }
0xc: {  	[smem:$0x3FAE] =	sst s4  }
0xd: {  	[smem:$0x3FAF] =	sst s5  }
0xe: {  	[smem:$0x3FB0] =	sst s6  }
0xf: {  	[smem:$0x3FB1] =	sst s7  }
0x10: {  	[smem:$0x3FB2] =	sst s8  }
0x11: {  	[smem:$0x3FB3] =	sst s9;
	s0 =	simm.s32 @!p0 $0x0  }
0x12: {  	s1 =	sld [smem:$0x3F99];
	s0 =	simm.s32 @p0 $0x1  }
0x13: {  	[smem:$0x3FB4] =	sst s0;
	s0 =	simm.s32 @!p1 $0x0  }
0x14: {  	s2 =	sld [smem:$0x3F98];
	s0 =	simm.s32 @p1 $0x1  }
0x15: {  	[smem:$0x3FB5] =	sst s0;
	s0 =	simm.s32 @!p2 $0x0  }
0x16: {  	s3 =	sld [smem:$0x3FDB];
	s0 =	simm.s32 @p2 $0x1  }
0x17: {  	s4 =	simm.s32 $0x1BF5;
	[smem:$0x3FB7] =	sst s0  }
0x18: {  	s0 =	sld [smem:$0x3F9A];
	_ =	swait.ge [sflag:s4], $0x0  }
0x19: {  	s7 =	sld [smem:$0x3F9B]  }
0x1a: {  	s8 =	sadd.s32 $0xFFFFE003, lr  }
0x1b: {  	s9 =	sadd.s32 $0xFFFFFEF7, lr;
	s5 =	simm.s32 $0xFFFFFFFF;
	p2 =	slt.u32 s8, $0xFFFFF086  }
0x1c: {  	p1 =	slt.u32 s9, $0xF7A;
	s5 =	simm.s32 @!p2 $0x0  }
0x1d: {  	s5 =	simm.s32 @p1 $0x1;
	p0 =	seq.s32 s7, s2  }
0x1e: {  	s7 =	smul.u32 @!p0 $0xF7A, s2;
	p2 =	seq.s32 @!p0 s5, $0x0  }
0x1f: {  	s9 =	smul.u32 $0xF7A, s1;
	s8 =	simm.s32 @!p0 $0x1BF5;
	p2 =	por !p2, p0  }
0x20: {  	[sflag:s8] =	ssyncset.s32 @!p0 $0xFFFFF086;
	s6 =	sadd.s32 @!p0 s3, s7;
	s7 =	simm.s32 @!p0 $0x108  }
0x21: {  	s3 =	sadd.s32 s3, s9;
	s6 =	sadd.s32 @!p0 $0x88, s6;
	s7 =	simm.s32 @p2 $0x1082  }
0x22: {  	[simem:s7], [sflag:s8] =	dma.local @!p0 [hbm:s6], $0xF7A  }
0x23: {  	s9 =	sor.u32 $0xD0000000, s2;
	s6 =	simm.s32 $0x108;
	_ =	swait.ge @!p0 [sflag:s8], $0x0  }
0x24: {  	s3 =	sadd.s32 $0x88, s3;
	s6 =	simm.s32 @!p1 $0x1082;
	[sflag:s4] =	ssyncset.s32 $0xFFFFF086  }
0x25: {  	[simem:s6], [sflag:s4] =	dma.local [hbm:s3], $0xF7A  }
0x26: {  	[smem:$0x3F9B] =	sst s1;
	(tag) =	ssettag s2;
	_ =	strace s9  }
0x27: {  	s1 =	sld [smem:$0x3FAB]  }
0x28: {  	s2 =	sld [smem:$0x3FAC]  }
0x29: {  	s4 =	sld [smem:$0x3FAE]  }
0x2a: {  	p0 =	seq.s32 s5, $0x0;
	s5 =	sld [smem:$0x3FAF]  }
0x2b: {  	s6 =	sld [smem:$0x3FB0]  }
0x2c: {  	s7 =	sld [smem:$0x3FB1]  }
0x2d: {  	s3 =	simm.s32 $0x108;
	s8 =	sld [smem:$0x3FB2]  }
0x2e: {  	s3 =	simm.s32 @!p0 $0x1082;
	s9 =	sld [smem:$0x3FB3]  }
0x2f: {  	lr =	sadd.s32 s0, s3;
	s0 =	sld [smem:$0x3FAA]  }
0x30: {  	s3 =	sld [smem:$0x3FAD]  }
0x31: {  	[smem:$0x3FB6] =	sst s10  }
0x32: {  	s10 =	sld [smem:$0x3FB4];
	_ =	sdelay $0x3  }
0x33: {  	p0 =	seq.s32 s10, $0x1;
	s10 =	sld [smem:$0x3FB6];
	_ =	sdelay $0x3  }
0x34: {  	[smem:$0x3FB6] =	sst s10  }
0x35: {  	s10 =	sld [smem:$0x3FB5];
	_ =	sdelay $0x3  }
0x36: {  	p1 =	seq.s32 s10, $0x1;
	s10 =	sld [smem:$0x3FB6];
	_ =	sdelay $0x3  }
0x37: {  	[smem:$0x3FB6] =	sst s10  }
0x38: {  	s10 =	sld [smem:$0x3FB7]  }
0x39: {  	_ = 	snop;
	(pc) =	sbr.ind lr, $3  }
0x3a: {  	_ = 	snop  }
0x3b: {  	_ = 	snop  }
0x3c: {  	p2 =	seq.s32 s10, $0x1;
	s10 =	sld [smem:$0x3FB6]  }
0x3d: {  	_ =	shalt  }
0x3e: {  	_ =	shalt  }
0x3f: {  	_ =	shalt  }
0x40: {  	_ =	shalt  }
0x41: {  	_ =	shalt  }
0x42: {  	_ =	shalt  }
0x43: {  	_ =	shalt  }
0x44: {  	_ =	shalt  }
0x45: {  	_ =	shalt  }
0x46: {  	_ =	shalt  }
0x47: {  	_ =	shalt  }
0x48: {  	_ =	shalt  }
0x49: {  	_ =	shalt  }
0x4a: {  	_ =	shalt  }
0x4b: {  	_ =	shalt  }
0x4c: {  	_ =	shalt  }
0x4d: {  	_ =	shalt  }
0x4e: {  	_ =	shalt  }
0x4f: {  	_ =	shalt  }
0x50: {  	_ =	shalt  }
0x51: {  	_ =	shalt  }
0x52: {  	_ =	shalt  }
0x53: {  	_ =	shalt  }
0x54: {  	_ =	shalt  }
0x55: {  	_ =	shalt  }
0x56: {  	_ =	shalt  }
0x57: {  	_ =	shalt  }
0x58: {  	_ =	shalt  }
0x59: {  	_ =	shalt  }
0x5a: {  	_ =	shalt  }
0x5b: {  	_ =	shalt  }
0x5c: {  	_ =	shalt  }
0x5d: {  	_ =	shalt  }
0x5e: {  	_ =	shalt  }
0x5f: {  	_ =	shalt  }
0x60: {  	_ =	shalt  }
0x61: {  	_ =	shalt  }
0x62: {  	_ =	shalt  }
0x63: {  	_ =	shalt  }
0x64: {  	_ =	shalt  }
0x65: {  	_ =	shalt  }
0x66: {  	_ =	shalt  }
0x67: {  	_ =	shalt  }
0x68: {  	_ =	shalt  }
0x69: {  	_ =	shalt  }
0x6a: {  	_ =	shalt  }
0x6b: {  	_ =	shalt  }
0x6c: {  	_ =	shalt  }
0x6d: {  	_ =	shalt  }
0x6e: {  	_ =	shalt  }
0x6f: {  	_ =	shalt  }
0x70: {  	_ =	shalt  }
0x71: {  	_ =	shalt  }
0x72: {  	_ =	shalt  }
0x73: {  	_ =	shalt  }
0x74: {  	_ =	shalt  }
0x75: {  	_ =	shalt  }
0x76: {  	_ =	shalt  }
0x77: {  	_ =	shalt  }
0x78: {  	_ =	shalt  }
0x79: {  	_ =	shalt  }
0x7a: {  	_ =	shalt  }
0x7b: {  	_ =	shalt  }
0x7c: {  	_ =	shalt  }
0x7d: {  	_ =	shalt  }
0x7e: {  	_ =	shalt  }
0x7f: {  	_ =	shalt  }
0x80: {  	_ =	shalt  }
0x81: {  	_ =	shalt  }
0x82: {  	_ =	shalt  }
0x83: {  	_ =	shalt  }
0x84: {  	_ =	shalt  }
0x85: {  	_ =	shalt  }
0x86: {  	_ =	shalt  }
0x87: {  	_ =	shalt  }
.Lfunc_end0:
.L_simem_size_0:
called_computation_lowered:
.L_overlay_start_0:
0x88: {  	s2 =	sld [smem:$0x3FD9]  }
0x89: {  	s3 =	sld [smem:$0x3FFE];
	_ =	sdelay $0x1  }
0x8a: {  	s1 =	srdreg.scid  }
0x8b: {  	s0 =	sand.u32 $0x1, s1  }
0x8c: {  	s14 =	sshll.u32 s0, $0xA;
	s2 =	sadd.s32 s3, s2  }
0x8d: {  	s2 =	sadd.s32 s2, s14  }
0x8e: {  	[smem:$0x3FC2] =	sst s2  }
0x8f: {  	_ = 	snop  }
0x90: {  	s2 =	sld [smem:$0x3FD0];
	_ =	sdelay $0x2  }
0x91: {  	s15 =	simm.s32 $0xA;
	s4 =	simm.s32 $0x10  }
0x92: {  	[smem:s4], [sflag:s15] =	dma.local [hbm:s2], $0x1  }
0x93: {  	_ =	swait.eq [sflag:s15], $0x1  }
0x94: {  	[sflag:s15] =	ssyncset.done $0x0  }
0x95: {  	s16 =	sld [smem:$0x10];
	[sflag:s15] =	ssyncadd.s32 $0xFFFFFFFF  }
0x96: {  	s17 =	sld [smem:$0x11];
	(tm) =	ssettm $0x1  }
0x97: {  	s18 =	sld [smem:$0x3FFB];
	_ =	sdelay $0x3  }
0x98: {  	_ =	strace s18  }
0x99: {  	s4 =	sld [smem:$0x3FFC];
	_ =	sdelay $0x3  }
0x9a: {  	_ =	strace s4  }
0x9b: {  	s4 =	sld [smem:$0x3FFD];
	_ =	sdelay $0x3  }
0x9c: {  	_ =	strace s4  }
0x9d: {  	_ =	strace $0x8FFFFFFF  }
0x9e: {  	s19 =	sld [smem:$0x3FDB];
	_ =	sdelay $0x1  }
0x9f: {  	s5 =	simm.s32 $_scs_section_size  }
0xa0: {  	s6 =	simm.s32 $_size__tile_overlayer_lowered;
	s7 =	simm.s32 $_tile_overlayer_lowered  }
0xa1: {  	s22 =	simm.s32 $0x1BFF;
	s21 =	sshll.u32 s7, $0x1;
	s4 =	sadd.s32 s5, s19  }
0xa2: {  	s8 =	simm.s32 $0x0;
	s20 =	sshll.u32 s6, $0x1;
	s6 =	sadd.s32 s21, s4  }
0xa3: {  	[timem:s8], [sflag:s22] =	dma.local [hbm:s6], s20  }
0xa4: {  	_ =	swait.ge [sflag:s22], s20  }
0xa5: {  	s5 =	ssub.s32 $0x0, s20;
	[sflag:s22] =	ssyncset.done $0x0  }
0xa6: {  	[sflag:s22] =	ssyncadd.s32 s5;
	_ =	sdelay $0x1  }
0xa7: {  	s23 =	simm.s32 $0x1B8B  }
0xa8: {  	_ =	swait.ge [sflag:s23], $0x1  }
0xa9: {  	[sflag:s23] =	ssyncset.done $0x0  }
0xaa: {  	s25 =	simm.s32 $0x1B8E;
	s24 =	sld [smem:$0x3FFE];
	[sflag:s23] =	ssyncadd.s32 $0xFFFFFFFF  }
0xab: {  	s26 =	simm.s32 $execute0_lowered;
	[smem:$0x3FD2] =	sst s25  }
0xac: {  	s6 =	sshll.u32 s26, $0x1;
	_ =	strace $0x80000046;
	[dreg:$0x1] =	wrdreg $0xFFFFFFFF  }
0xad: {  	s28 =	simm.s32 $_size_execute0_lowered;
	s4 =	sadd.s32 s4, s6;
	[dreg:$0x0] =	wrdreg $0x0  }
0xae: {  	s6 =	sshll.u32 s28, $0x1;
	[dreg:$0x2] =	wrdreg s4  }
0xaf: {  	[dreg:$0x3] =	wrdreg s6  }
0xb0: {  	[dreg:$0x4] =	wrdreg $0xC0  }
0xb1: {  	_ =	task [dreg:s8], $0x5FFFF  }
0xb2: {  	[dreg:$0x1] =	wrdreg $0xFFFFFFFF  }
0xb3: {  	[dreg:$0x0] =	wrdreg $0x60  }
0xb4: {  	[dreg:$0x2] =	wrdreg s24  }
0xb5: {  	[dreg:$0x3] =	wrdreg s17  }
0xb6: {  	[dreg:$0x4] =	wrdreg s16  }
0xb7: {  	[dreg:$0x5] =	wrdreg $0x58200  }
0xb8: {  	[dreg:$0x6] =	wrdreg $0x5A980  }
0xb9: {  	[dreg:$0x7] =	wrdreg $0x9  }
0xba: {  	_ =	task.clear_ibuf [dreg:s8], $0x8FFFF;
	_ =	strace $0x90000046  }
0xbb: {  	s29 =	simm.s32 $0x9;
	_ =	strace $0x80000048  }
0xbc: {  	_ =	swait.ge [sflag:s29], $0x1  }
0xbd: {  	[sflag:s29] =	ssyncadd.s32 $0xFFFFFFFF  }
0xbe: {  	_ =	strace $0x90000048  }
0xbf: {  	_ =	sfence  }
0xc0: {  	s30 =	sld [smem:$0x0];
	_ =	sdelay $0x2  }
0xc1: {  	s31 =	sshll.u32 s1, $0xD;
	s1 =	sshrl.u32 s1, $0x2  }
0xc2: {  	s3 =	sand.u32 $0x4000, s31;
	s1 =	sadd.s32 s1, s30  }
0xc3: {  	s0 =	sor.u32 s3, s0;
	s1 =	sshll.u32 s1, $0x11  }
0xc4: {  	s0 =	sor.u32 s1, s0  }
0xc5: {  	s0 =	sadd.s32 $0x8F2B, s0  }
0xc6: {  	[sflag:s0] =	ssyncadd.remote.s32 $0x1  }
0xc7: {  	_ =	sfence.sel $0xFFFF  }
0xc8: {  	[dreg:$0x0] =	wrdreg $0xFFFFFFFF;
	(pc) =	sbr.abs _section_cstart, $3  }
0xc9: {  	[dreg:$0x1] =	wrdreg $0xFFFFFFFF  }
0xca: {  	_ =	task.clear_ibuf [dreg:s8], $0x2FFFF;
	_ =	strace $0x9FFFFFFF  }
0xcb: {  	(tm) =	ssettm $0x7FFFFFFF  }
tec
execute0_lowered:
.L_overlay_start_1:
0x0: {  	(tag) =	ssettag $0x1  }
0x1: {  	s5 =	rddreg [dreg:$0x0]  }
0x2: {  	s11 =	rddreg [dreg:$0x1]  }
0x3: {  	s13 =	rddreg [dreg:$0x2]  }
0x4: {  	s0 =	srdreg.scid;
	s2 =	rddreg [dreg:$0x3]  }
0x5: {  	s3 =	rddreg [dreg:$0x4];
	s7 =	sand.u32 $0x1, s0  }
0x6: {  	s0 =	stileid.u32;
	s1 =	smul.u32 $0x7D0, s7  }
0x7: {  	s19 =	simm.s32 $0x0;
	s4 =	sshll.u32 s0, $0x7;
	s8 =	smul.u32 $0x1F40, s0  }
0x8: {  	s9 =	ssub.s32 $0x2, s7;
	p0 =	sgt.u32 s0, $0x4;
	s12 =	smul.u32 $0x7D0, s0  }
0x9: {  	p1 =	seq.s32 s0, $0xF;
	s16 =	smul.u32 $0x2710, s7;
	s7 =	simm.s32 $0x50  }
0xa: {  	p2 =	sgt.u32 s0, $0x9;
	s28 =	sshrl.u32 s9, $0x1;
	s6 =	sadd.s32 s4, s1  }
0xb: {  	s1 =	rddreg [dreg:$0x5];
	s4 =	simm.s32 $0x0;
	s29 =	sshrl.u32 s8, $0x2  }
0xc: {  	s14 =	ssub.s32 s9, s28;
	s17 =	sadd.s32 s12, s16;
	s18 =	sadd.s32 $0xFFFFD8F0, s12  }
0xd: {  	s6 =	smul.u32 $0xA, s6;
	[smem:$0x7FF] =	sst s4;
	s30 =	sadd.s32 s29, s3  }
0xe: {  	s31 =	sshrl.u32 s17, $0x3;
	s16 =	sadd.s32 s16, s18;
	s14 =	smax.u32 s14, $0x1  }
0xf: {  	s17 =	simm.s32 $0x2800;
	_ =	strace $0x80000047;
	s15 =	sadd.s32 $0xFFFFD8F0, s30  }
0x10: {  	s11 =	sadd.s32 s11, s31;
	s16 =	sshrl.u32 s16, $0x3;
	s10 =	sadd.s32 s6, s5  }
0x11: {  	s5 =	sadd.s32 s29, s2;
	s6 =	simm.s32 $0x50;
	s13 =	sadd.s32 s13, s16  }
0x12: {  	s16 =	simm.s32 $0x1;
	s6 =	simm.s32 @!p1 $0x80;
	s8 =	sadd.s32 $0xB200, s10  }
0x13: {  	s9 =	sadd.s32 $0x1400, s10;
	s10 =	sadd.s32 s12, s2;
	s12 =	sadd.s32 s18, s3  }
0x14: {  	v0 =	vimm.f32 $0.0e+00;
	v1 =	vimm.f32 $1.000000000e+00;
	s5 =	smov.u32 @p0 s15;
	s15 =	simm.s32 $0x5050;
	s18 =	simm.s32 $0x5000  }
.LBB2_1:
0x15: {  	s20 =	simm.s32 $0x40;
	s21 =	simm.s32 $0x0  }
.LBB2_2:
0x16: {  	p3 =	sne.s32 s20, $0x1F00;
	[tilespmem:s21+$0x5050] =	vst v0;
	s21 =	smov.u32 s20;
	s20 =	sadd.s32 $0x40, s20  }
.Ltmp0:
0x17: {  	(pc) =	sbr.rel @p3 .LBB2_2-.Ltmp0, $2  }
0x18: {  	_ =	sdelay $0x2  }
0x19: {  	s21 =	sshra.s32 s21, $0x2  }
0x1a: {  	[tilespmem:s21+$0x5050] =	vst v0  }
.Ltmp1:
0x1b: {  	[tilespmem:$0x5000] =	vst v1;
	(pc) =	sbr.rel @p2 .LBB2_5-.Ltmp1, $4  }
0x1c: {  	[tilespmem:$0x5010] =	vst v1  }
0x1d: {  	[tilespmem:$0x5020] =	vst v1  }
0x1e: {  	[tilespmem:$0x5030] =	vst v1  }
0x1f: {  	[tilespmem:$0x5040] =	vst v1  }
0x20: {  	[spmem:s5] =	stream.linear.scatter [tilespmem:s15], [sflag:$0x1], $0x7D0, $0x38;
	[tilespmem:$0x5D10] =	vst v63  }
.Ltmp2:
0x21: {  	_ =	swait.ge [sflag:s16], $0x7D0;
	(pc) =	sbr.rel .LBB2_6-.Ltmp2, $4  }
0x22: {  	[sflag:s16] =	ssyncset.done $0x0  }
0x23: {  	[sflag:s16] =	ssyncadd.s32 $0xFFFFF830  }
0x24: {  	[bflag:$0x0] =	sbarrier.arrive $0xFFFF  }
0x25: {  	p3 =	por p0, p0  }
.LBB2_5:
.Ltmp3:
0x26: {  	(pc) =	sbr.rel @!p1 .LBB2_6-.Ltmp3, $3  }
0x27: {  	_ =	sdelay $0x1  }
0x28: {  	[bflag:$0x0] =	sbarrier.arrive $0xFFFF  }
0x29: {  	p3 =	por $0x0, $0x0  }
0x2a: {  	[tilespmem:s4], [sflag:$0x1] =	stream.linear.gather [hbm4b:s8+s4], $0x1900, $0x38;
	[tilespmem:$0x5D10] =	vst v63  }
0x2b: {  	_ =	swait.ge [sflag:s16], $0x1900  }
0x2c: {  	[sflag:s16] =	ssyncset.done $0x0  }
.Ltmp4:
0x2d: {  	[sflag:s16] =	ssyncadd.s32 $0xFFFFE700;
	(pc) =	sbr.rel .LBB2_8-.Ltmp4, $4  }
0x2e: {  	[tilespmem:s17], [sflag:$0x1] =	stream.linear.gather [hbm4b:s9+s4], $0x1900, $0x38;
	[tilespmem:$0x5D10] =	vst v63  }
0x2f: {  	_ =	swait.ge [sflag:s16], $0x1900  }
0x30: {  	[sflag:s16] =	ssyncset.done $0x0  }
0x31: {  	p3 =	por $0x0, $0x0;
	[sflag:s16] =	ssyncadd.s32 $0xFFFFE700  }
.LBB2_6:
0x32: {  	[tilespmem:s4], [sflag:$0x1] =	stream.linear.gather [hbm4b:s8+s4], $0x2800, $0x38;
	[tilespmem:$0x5D10] =	vst v63  }
0x33: {  	_ =	swait.ge [sflag:s16], $0x2800  }
0x34: {  	[sflag:s16] =	ssyncset.done $0x0  }
0x35: {  	[sflag:s16] =	ssyncadd.s32 $0xFFFFD800  }
0x36: {  	[tilespmem:s17], [sflag:$0x1] =	stream.linear.gather [hbm4b:s9+s4], $0x2800, $0x38;
	[tilespmem:$0x5D10] =	vst v63  }
0x37: {  	_ =	swait.ge [sflag:s16], $0x2800  }
0x38: {  	[sflag:s16] =	ssyncset.done $0x0  }
0x39: {  	[sflag:s16] =	ssyncadd.s32 $0xFFFFD800  }
.LBB2_8:
0x3a: {  	s20 =	simm.s32 $0x0  }
0x3b: {  	[spmem:s2] =	stream.indirect.scatter.add.f32 [tilespmem:s18], [sflag:$0x1], $0x1, s20, s7, $0xb8;
	[tilespmem:$0x5D10] =	vst v63  }
0x3c: {  	p4 =	sne.s32 s6, $0x1;
	_ =	swait.ge [sflag:s16], $0x50  }
.Ltmp5:
0x3d: {  	[sflag:s16] =	ssyncset.done $0x0;
	(pc) =	sbr.rel @!p4 .LBB2_10-.Ltmp5, $4  }
0x3e: {  	s21 =	simm.s32 $0x2800;
	[sflag:s16] =	ssyncadd.s32 $0xFFFFFFB0  }
0x3f: {  	[spmem:s3] =	stream.indirect.scatter.add.f32 [tilespmem:s18], [sflag:$0x1], $0x1, s21, s7, $0xb8;
	[tilespmem:$0x5D10] =	vst v63  }
0x40: {  	_ =	swait.ge [sflag:s16], $0x50  }
0x41: {  	s22 =	sadd.s32 $0xFFFFFFFF, s6;
	[sflag:s16] =	ssyncset.done $0x0  }
.LBB2_9:
0x42: {  	[sflag:s16] =	ssyncadd.s32 $0xFFFFFFB0;
	s21 =	sadd.s32 $0x50, s21;
	s20 =	sadd.s32 $0x50, s20  }
0x43: {  	[spmem:s2] =	stream.indirect.scatter.add.f32 [tilespmem:s18], [sflag:$0x1], $0x1, s20, s7, $0xb8;
	[tilespmem:$0x5D10] =	vst v63  }
0x44: {  	p4 =	sne.s32 s22, $0x1;
	s22 =	sadd.s32 $0xFFFFFFFF, s22;
	_ =	swait.ge [sflag:s16], $0x50  }
.Ltmp6:
0x45: {  	[sflag:s16] =	ssyncset.done $0x0;
	(pc) =	sbr.rel @p4 .LBB2_9-.Ltmp6, $4  }
0x46: {  	[sflag:s16] =	ssyncadd.s32 $0xFFFFFFB0  }
0x47: {  	[spmem:s3] =	stream.indirect.scatter.add.f32 [tilespmem:s18], [sflag:$0x1], $0x1, s21, s7, $0xb8;
	[tilespmem:$0x5D10] =	vst v63  }
0x48: {  	_ =	swait.ge [sflag:s16], $0x50  }
0x49: {  	[sflag:s16] =	ssyncset.done $0x0  }
.LBB2_10:
0x4a: {  	[sflag:s16] =	ssyncadd.s32 $0xFFFFFFB0  }
0x4b: {  	s20 =	simm.s32 @!p0 $0x5050;
	s21 =	simm.s32 @!p0 $0x1;
	[bflag:$0x0] =	sbarrier.arrive $0xFFFF  }
0x4c: {  	[tilespmem:s20], [sflag:$0x1] =	stream.linear.gather @!p0 [spmem:s10], $0x7D0, $0x38;
	[tilespmem:$0x5D10] =	vst v63  }
0x4d: {  	_ =	swait.ge @!p0 [sflag:s21], $0x7D0  }
0x4e: {  	[sflag:s21] =	ssyncset.done @!p0 $0x0  }
0x4f: {  	s22 =	simm.s32 @!p0 $0x0;
	[sflag:s21] =	ssyncadd.s32 @!p0 $0xFFFFF830  }
0x50: {  	[hbm4b:s11+s22] =	stream.linear.scatter @!p0 [tilespmem:s20], [sflag:$0x1], $0x7D0, $0x38;
	[tilespmem:$0x5D10] =	vst v63  }
0x51: {  	_ =	swait.ge @!p0 [sflag:s21], $0x7D0  }
0x52: {  	[sflag:s21] =	ssyncset.done @!p0 $0x0  }
0x53: {  	s20 =	simm.s32 @p3 $0x5050;
	[sflag:s21] =	ssyncadd.s32 @!p0 $0xFFFFF830;
	s21 =	simm.s32 @p3 $0x1  }
0x54: {  	[tilespmem:s20], [sflag:$0x1] =	stream.linear.gather @p3 [spmem:s12], $0x7D0, $0x38;
	[tilespmem:$0x5D10] =	vst v63  }
0x55: {  	s19 =	sadd.s32 $0x1, s19;
	_ =	swait.ge @p3 [sflag:s21], $0x7D0  }
0x56: {  	p4 =	sne.s32 s19, s14;
	[sflag:s21] =	ssyncset.done @p3 $0x0  }
.Ltmp7:
0x57: {  	s22 =	simm.s32 @p3 $0x0;
	[sflag:s21] =	ssyncadd.s32 @p3 $0xFFFFF830;
	(pc) =	sbr.rel @p4 .LBB2_1-.Ltmp7, $4  }
0x58: {  	[hbm4b:s13+s22] =	stream.linear.scatter @p3 [tilespmem:s20], [sflag:$0x1], $0x7D0, $0x38;
	[tilespmem:$0x5D10] =	vst v63  }
0x59: {  	_ =	swait.ge @p3 [sflag:s21], $0x7D0  }
0x5a: {  	[sflag:s21] =	ssyncset.done @p3 $0x0  }
0x5b: {  	[sflag:s21] =	ssyncadd.s32 @p3 $0xFFFFF830  }
0x5c: {  	_ =	sfence.sel $0x180000  }
0x5d: {  	[bflag:$0x0] =	sbarrier.arrive $0xFFFF  }
0x5e: {  	p0 =	sne.s32 s0, $0x0;
	_ =	strace $0x90000047  }
0x5f: {  	s0 =	sadd.s32 @!p0 $0x100000, s1;
	[bflag:$0x2] =	sbarrier.arrive $0xFFFF  }
0x60: {  	[sflag:s0] =	ssyncadd.tile.s32 @!p0 $0x1;
	_ =	shalt  }
.Lfunc_end2:
_tile_overlayer_lowered:
.L_overlay_start_2:
0x61: {  	(tag) =	ssettag $0x2  }
0x62: {  	s0 =	rddreg [dreg:$0x0];
	s2 =	stileid.u32  }
0x63: {  	s1 =	rddreg [dreg:$0x1];
	p0 =	sne.s32 s2, $0x0  }
0x64: {  	s3 =	rddreg [dreg:$0x2];
	[bflag:$0x3] =	sbarrier.arrive $0xFFFF;
	s2 =	simm.s32 @!p0 $0x1C01  }
0x65: {  	[timem:s3], [sflag:s2] =	dma.local @!p0 [hbm:s0], s1  }
0x66: {  	s0 =	simm.s32 @!p0 $0x1  }
0x67: {  	_ =	swait.ge @!p0 [sflag:s0], s1  }
0x68: {  	s1 =	ssub.s32 @!p0 $0x0, s1;
	[sflag:s0] =	ssyncset.done @!p0 $0x0  }
0x69: {  	[sflag:s0] =	ssyncadd.s32 @!p0 s1  }
0x6a: {  	[bflag:$0x3] =	sbarrier.arrive $0xFFFF  }
0x6b: {  	_ =	shalt  }

// kernel: kernel.8.cloned.1.call-start
scs
__scs_entry_jumppad:
0x0: {  	(pc) =	sbr.rel $0x88, $3  }
0x1: {  	(tag) =	ssettag $0x0;
	lr =	simm.s32 $0x1  }
0x2: {  	[smem:$0x3F9B] =	sst lr;
	_ =	strace $0xD0000000  }
0x3: {  	_ = 	snop  }
0x4: {  	_ = 	snop  }
0x5: {  	_ = 	snop  }
0x6: {  	_ = 	snop  }
0x7: {  	_ = 	snop  }
__scs_overlays_trampoline_lowered:
0x8: {  	[smem:$0x3FAA] =	sst s0  }
0x9: {  	[smem:$0x3FAB] =	sst s1  }
0xa: {  	[smem:$0x3FAC] =	sst s2  }
0xb: {  	[smem:$0x3FAD] =	sst s3  }
0xc: {  	[smem:$0x3FAE] =	sst s4  }
0xd: {  	[smem:$0x3FAF] =	sst s5  }
0xe: {  	[smem:$0x3FB0] =	sst s6  }
0xf: {  	[smem:$0x3FB1] =	sst s7  }
0x10: {  	[smem:$0x3FB2] =	sst s8  }
0x11: {  	[smem:$0x3FB3] =	sst s9;
	s0 =	simm.s32 @!p0 $0x0  }
0x12: {  	s1 =	sld [smem:$0x3F99];
	s0 =	simm.s32 @p0 $0x1  }
0x13: {  	[smem:$0x3FB4] =	sst s0;
	s0 =	simm.s32 @!p1 $0x0  }
0x14: {  	s2 =	sld [smem:$0x3F98];
	s0 =	simm.s32 @p1 $0x1  }
0x15: {  	[smem:$0x3FB5] =	sst s0;
	s0 =	simm.s32 @!p2 $0x0  }
0x16: {  	s3 =	sld [smem:$0x3FDB];
	s0 =	simm.s32 @p2 $0x1  }
0x17: {  	s4 =	simm.s32 $0x1BF5;
	[smem:$0x3FB7] =	sst s0  }
0x18: {  	s0 =	sld [smem:$0x3F9A];
	_ =	swait.ge [sflag:s4], $0x0  }
0x19: {  	s7 =	sld [smem:$0x3F9B]  }
0x1a: {  	s8 =	sadd.s32 $0xFFFFE003, lr  }
0x1b: {  	s9 =	sadd.s32 $0xFFFFFEF7, lr;
	s5 =	simm.s32 $0xFFFFFFFF;
	p2 =	slt.u32 s8, $0xFFFFF086  }
0x1c: {  	p1 =	slt.u32 s9, $0xF7A;
	s5 =	simm.s32 @!p2 $0x0  }
0x1d: {  	s5 =	simm.s32 @p1 $0x1;
	p0 =	seq.s32 s7, s2  }
0x1e: {  	s7 =	smul.u32 @!p0 $0xF7A, s2;
	p2 =	seq.s32 @!p0 s5, $0x0  }
0x1f: {  	s9 =	smul.u32 $0xF7A, s1;
	s8 =	simm.s32 @!p0 $0x1BF5;
	p2 =	por !p2, p0  }
0x20: {  	[sflag:s8] =	ssyncset.s32 @!p0 $0xFFFFF086;
	s6 =	sadd.s32 @!p0 s3, s7;
	s7 =	simm.s32 @!p0 $0x108  }
0x21: {  	s3 =	sadd.s32 s3, s9;
	s6 =	sadd.s32 @!p0 $0x88, s6;
	s7 =	simm.s32 @p2 $0x1082  }
0x22: {  	[simem:s7], [sflag:s8] =	dma.local @!p0 [hbm:s6], $0xF7A  }
0x23: {  	s9 =	sor.u32 $0xD0000000, s2;
	s6 =	simm.s32 $0x108;
	_ =	swait.ge @!p0 [sflag:s8], $0x0  }
0x24: {  	s3 =	sadd.s32 $0x88, s3;
	s6 =	simm.s32 @!p1 $0x1082;
	[sflag:s4] =	ssyncset.s32 $0xFFFFF086  }
0x25: {  	[simem:s6], [sflag:s4] =	dma.local [hbm:s3], $0xF7A  }
0x26: {  	[smem:$0x3F9B] =	sst s1;
	(tag) =	ssettag s2;
	_ =	strace s9  }
0x27: {  	s1 =	sld [smem:$0x3FAB]  }
0x28: {  	s2 =	sld [smem:$0x3FAC]  }
0x29: {  	s4 =	sld [smem:$0x3FAE]  }
0x2a: {  	p0 =	seq.s32 s5, $0x0;
	s5 =	sld [smem:$0x3FAF]  }
0x2b: {  	s6 =	sld [smem:$0x3FB0]  }
0x2c: {  	s7 =	sld [smem:$0x3FB1]  }
0x2d: {  	s3 =	simm.s32 $0x108;
	s8 =	sld [smem:$0x3FB2]  }
0x2e: {  	s3 =	simm.s32 @!p0 $0x1082;
	s9 =	sld [smem:$0x3FB3]  }
0x2f: {  	lr =	sadd.s32 s0, s3;
	s0 =	sld [smem:$0x3FAA]  }
0x30: {  	s3 =	sld [smem:$0x3FAD]  }
0x31: {  	[smem:$0x3FB6] =	sst s10  }
0x32: {  	s10 =	sld [smem:$0x3FB4];
	_ =	sdelay $0x3  }
0x33: {  	p0 =	seq.s32 s10, $0x1;
	s10 =	sld [smem:$0x3FB6];
	_ =	sdelay $0x3  }
0x34: {  	[smem:$0x3FB6] =	sst s10  }
0x35: {  	s10 =	sld [smem:$0x3FB5];
	_ =	sdelay $0x3  }
0x36: {  	p1 =	seq.s32 s10, $0x1;
	s10 =	sld [smem:$0x3FB6];
	_ =	sdelay $0x3  }
0x37: {  	[smem:$0x3FB6] =	sst s10  }
0x38: {  	s10 =	sld [smem:$0x3FB7]  }
0x39: {  	_ = 	snop;
	(pc) =	sbr.ind lr, $3  }
0x3a: {  	_ = 	snop  }
0x3b: {  	_ = 	snop  }
0x3c: {  	p2 =	seq.s32 s10, $0x1;
	s10 =	sld [smem:$0x3FB6]  }
0x3d: {  	_ =	shalt  }
0x3e: {  	_ =	shalt  }
0x3f: {  	_ =	shalt  }
0x40: {  	_ =	shalt  }
0x41: {  	_ =	shalt  }
0x42: {  	_ =	shalt  }
0x43: {  	_ =	shalt  }
0x44: {  	_ =	shalt  }
0x45: {  	_ =	shalt  }
0x46: {  	_ =	shalt  }
0x47: {  	_ =	shalt  }
0x48: {  	_ =	shalt  }
0x49: {  	_ =	shalt  }
0x4a: {  	_ =	shalt  }
0x4b: {  	_ =	shalt  }
0x4c: {  	_ =	shalt  }
0x4d: {  	_ =	shalt  }
0x4e: {  	_ =	shalt  }
0x4f: {  	_ =	shalt  }
0x50: {  	_ =	shalt  }
0x51: {  	_ =	shalt  }
0x52: {  	_ =	shalt  }
0x53: {  	_ =	shalt  }
0x54: {  	_ =	shalt  }
0x55: {  	_ =	shalt  }
0x56: {  	_ =	shalt  }
0x57: {  	_ =	shalt  }
0x58: {  	_ =	shalt  }
0x59: {  	_ =	shalt  }
0x5a: {  	_ =	shalt  }
0x5b: {  	_ =	shalt  }
0x5c: {  	_ =	shalt  }
0x5d: {  	_ =	shalt  }
0x5e: {  	_ =	shalt  }
0x5f: {  	_ =	shalt  }
0x60: {  	_ =	shalt  }
0x61: {  	_ =	shalt  }
0x62: {  	_ =	shalt  }
0x63: {  	_ =	shalt  }
0x64: {  	_ =	shalt  }
0x65: {  	_ =	shalt  }
0x66: {  	_ =	shalt  }
0x67: {  	_ =	shalt  }
0x68: {  	_ =	shalt  }
0x69: {  	_ =	shalt  }
0x6a: {  	_ =	shalt  }
0x6b: {  	_ =	shalt  }
0x6c: {  	_ =	shalt  }
0x6d: {  	_ =	shalt  }
0x6e: {  	_ =	shalt  }
0x6f: {  	_ =	shalt  }
0x70: {  	_ =	shalt  }
0x71: {  	_ =	shalt  }
0x72: {  	_ =	shalt  }
0x73: {  	_ =	shalt  }
0x74: {  	_ =	shalt  }
0x75: {  	_ =	shalt  }
0x76: {  	_ =	shalt  }
0x77: {  	_ =	shalt  }
0x78: {  	_ =	shalt  }
0x79: {  	_ =	shalt  }
0x7a: {  	_ =	shalt  }
0x7b: {  	_ =	shalt  }
0x7c: {  	_ =	shalt  }
0x7d: {  	_ =	shalt  }
0x7e: {  	_ =	shalt  }
0x7f: {  	_ =	shalt  }
0x80: {  	_ =	shalt  }
0x81: {  	_ =	shalt  }
0x82: {  	_ =	shalt  }
0x83: {  	_ =	shalt  }
0x84: {  	_ =	shalt  }
0x85: {  	_ =	shalt  }
0x86: {  	_ =	shalt  }
0x87: {  	_ =	shalt  }
.Lfunc_end0:
.L_simem_size_0:
called_computation.1_lowered:
.L_overlay_start_0:
0x88: {  	s2 =	sld [smem:$0x3FD9]  }
0x89: {  	s3 =	sld [smem:$0x3FFE];
	_ =	sdelay $0x1  }
0x8a: {  	s1 =	srdreg.scid  }
0x8b: {  	s0 =	sand.u32 $0x1, s1  }
0x8c: {  	s14 =	sshll.u32 s0, $0xA;
	s2 =	sadd.s32 s3, s2  }
0x8d: {  	s2 =	sadd.s32 s2, s14  }
0x8e: {  	[smem:$0x3FC2] =	sst s2  }
0x8f: {  	_ = 	snop  }
0x90: {  	s2 =	sld [smem:$0x3FD0];
	_ =	sdelay $0x2  }
0x91: {  	s15 =	simm.s32 $0xA;
	s4 =	simm.s32 $0x10  }
0x92: {  	[smem:s4], [sflag:s15] =	dma.local [hbm:s2], $0x1  }
0x93: {  	_ =	swait.eq [sflag:s15], $0x1  }
0x94: {  	[sflag:s15] =	ssyncset.done $0x0  }
0x95: {  	s16 =	sld [smem:$0x10];
	[sflag:s15] =	ssyncadd.s32 $0xFFFFFFFF  }
0x96: {  	s17 =	sld [smem:$0x11];
	(tm) =	ssettm $0x1  }
0x97: {  	s18 =	sld [smem:$0x3FFB];
	_ =	sdelay $0x3  }
0x98: {  	_ =	strace s18  }
0x99: {  	s4 =	sld [smem:$0x3FFC];
	_ =	sdelay $0x3  }
0x9a: {  	_ =	strace s4  }
0x9b: {  	s4 =	sld [smem:$0x3FFD];
	_ =	sdelay $0x3  }
0x9c: {  	_ =	strace s4  }
0x9d: {  	_ =	strace $0x8FFFFFFF  }
0x9e: {  	s19 =	sld [smem:$0x3FDB];
	_ =	sdelay $0x1  }
0x9f: {  	s5 =	simm.s32 $_scs_section_size  }
0xa0: {  	s6 =	simm.s32 $_size__tile_overlayer_lowered;
	s7 =	simm.s32 $_tile_overlayer_lowered  }
0xa1: {  	s22 =	simm.s32 $0x1BFF;
	s21 =	sshll.u32 s7, $0x1;
	s4 =	sadd.s32 s5, s19  }
0xa2: {  	s8 =	simm.s32 $0x0;
	s20 =	sshll.u32 s6, $0x1;
	s6 =	sadd.s32 s21, s4  }
0xa3: {  	[timem:s8], [sflag:s22] =	dma.local [hbm:s6], s20  }
0xa4: {  	_ =	swait.ge [sflag:s22], s20  }
0xa5: {  	s5 =	ssub.s32 $0x0, s20;
	[sflag:s22] =	ssyncset.done $0x0  }
0xa6: {  	[sflag:s22] =	ssyncadd.s32 s5;
	_ =	sdelay $0x1  }
0xa7: {  	s23 =	simm.s32 $0x1B8B  }
0xa8: {  	_ =	swait.ge [sflag:s23], $0x1  }
0xa9: {  	[sflag:s23] =	ssyncset.done $0x0  }
0xaa: {  	s25 =	simm.s32 $0x1B8E;
	s24 =	sld [smem:$0x3FFE];
	[sflag:s23] =	ssyncadd.s32 $0xFFFFFFFF  }
0xab: {  	s26 =	simm.s32 $execute0_lowered;
	[smem:$0x3FD2] =	sst s25  }
0xac: {  	s6 =	sshll.u32 s26, $0x1;
	_ =	strace $0x80000049;
	[dreg:$0x1] =	wrdreg $0xFFFFFFFF  }
0xad: {  	s28 =	simm.s32 $_size_execute0_lowered;
	s4 =	sadd.s32 s4, s6;
	[dreg:$0x0] =	wrdreg $0x0  }
0xae: {  	s6 =	sshll.u32 s28, $0x1;
	[dreg:$0x2] =	wrdreg s4  }
0xaf: {  	[dreg:$0x3] =	wrdreg s6  }
0xb0: {  	[dreg:$0x4] =	wrdreg $0xC0  }
0xb1: {  	_ =	task [dreg:s8], $0x5FFFF  }
0xb2: {  	[dreg:$0x1] =	wrdreg $0xFFFFFFFF  }
0xb3: {  	[dreg:$0x0] =	wrdreg $0x60  }
0xb4: {  	[dreg:$0x2] =	wrdreg s24  }
0xb5: {  	[dreg:$0x3] =	wrdreg s17  }
0xb6: {  	[dreg:$0x4] =	wrdreg s16  }
0xb7: {  	[dreg:$0x5] =	wrdreg $0x112100  }
0xb8: {  	[dreg:$0x6] =	wrdreg $0x9  }
0xb9: {  	_ =	task.clear_ibuf [dreg:s8], $0x7FFFF;
	_ =	strace $0x90000049  }
0xba: {  	s29 =	simm.s32 $0x9;
	_ =	strace $0x8000004B  }
0xbb: {  	_ =	swait.ge [sflag:s29], $0x1  }
0xbc: {  	[sflag:s29] =	ssyncadd.s32 $0xFFFFFFFF  }
0xbd: {  	_ =	strace $0x9000004B  }
0xbe: {  	_ =	sfence  }
0xbf: {  	s30 =	sld [smem:$0x0];
	_ =	sdelay $0x2  }
0xc0: {  	s31 =	sshll.u32 s1, $0xD;
	s1 =	sshrl.u32 s1, $0x2  }
0xc1: {  	s3 =	sand.u32 $0x4000, s31;
	s1 =	sadd.s32 s1, s30  }
0xc2: {  	s0 =	sor.u32 s3, s0;
	s1 =	sshll.u32 s1, $0x11  }
0xc3: {  	s0 =	sor.u32 s1, s0  }
0xc4: {  	s0 =	sadd.s32 $0x8F2B, s0  }
0xc5: {  	[sflag:s0] =	ssyncadd.remote.s32 $0x1  }
0xc6: {  	_ =	sfence.sel $0xFFFF  }
0xc7: {  	[dreg:$0x0] =	wrdreg $0xFFFFFFFF;
	(pc) =	sbr.abs _section_cstart, $3  }
0xc8: {  	[dreg:$0x1] =	wrdreg $0xFFFFFFFF  }
0xc9: {  	_ =	task.clear_ibuf [dreg:s8], $0x2FFFF;
	_ =	strace $0x9FFFFFFF  }
0xca: {  	(tm) =	ssettm $0x7FFFFFFF  }
0xcb: {  	_ =	shalt  }
tec
execute0_lowered:
.L_overlay_start_1:
0x0: {  	(tag) =	ssettag $0x1  }
0x1: {  	s0 =	rddreg [dreg:$0x0]  }
0x2: {  	s1 =	rddreg [dreg:$0x2]  }
0x3: {  	s2 =	rddreg [dreg:$0x3];
	s4 =	srdreg.scid;
	s3 =	simm.s32 $0x0  }
0x4: {  	s26 =	stileid.u32;
	s28 =	simm.s32 $0x7;
	s29 =	simm.s32 $0xFA0  }
0x5: {  	s30 =	simm.s32 $0x1F40;
	s31 =	simm.s32 $0x50;
	s11 =	smul.u32 $0x3E8, s26  }
0x6: {  	s4 =	sand.u32 $0x1, s4;
	[smem:$0x7FF] =	sst s3;
	s19 =	smul.u32 $0x3E80, s26  }
0x7: {  	s6 =	sadd.s32 $0x1400, s0;
	s7 =	sadd.s32 $0x15000, s0;
	s20 =	smul.u32 $0x3E800, s26  }
0x8: {  	s18 =	smul.u32 $0xFA, s26;
	p0 =	sgt.u32 s26, $0x9;
	s26 =	simm.s32 $0x7D00  }
0x9: {  	s5 =	smul.u32 $0x13880, s4;
	s9 =	ssub.s32 $0x2, s4;
	s4 =	sshll.u32 s4, $0x3  }
0xa: {  	_ =	strace $0x8000004A;
	s10 =	sshrl.u32 s9, $0x1;
	s1 =	sadd.s32 s1, s4  }
0xb: {  	s23 =	sadd.s32 $0x258, s11;
	s8 =	sadd.s32 s5, s0;
	s5 =	sadd.s32 $0xB200, s0  }
0xc: {  	s0 =	sadd.s32 s4, s0;
	s9 =	ssub.s32 s9, s10;
	s4 =	sadd.s32 $0xC8, s11  }
0xd: {  	s16 =	sshll.u32 s23, $0x4;
	s24 =	sadd.s32 s19, s1;
	s0 =	sadd.s32 $0x1EE00, s0  }
0xe: {  	s13 =	sshll.u32 s4, $0x4;
	[dreg:$0xa] =	wrdreg s24;
	s24 =	sshll.u32 s23, $0x6  }
0xf: {  	s12 =	sadd.s32 s19, s0;
	s14 =	sadd.s32 s13, s0;
	s21 =	sadd.s32 s16, s0  }
0x10: {  	s25 =	sadd.s32 s13, s1;
	s16 =	sadd.s32 s16, s1;
	[dreg:$0x5] =	wrdreg s12  }
0x11: {  	s19 =	sadd.s32 $0x46000, s8;
	s13 =	sshll.u32 s4, $0x6;
	[dreg:$0x6] =	wrdreg s14  }
0x12: {  	s24 =	sadd.s32 s24, s2;
	s4 =	simm.s32 $0x0;
	[dreg:$0x8] =	wrdreg s21  }
0x13: {  	s14 =	sadd.s32 $0x190, s11;
	s11 =	sadd.s32 $0x320, s11;
	[dreg:$0xb] =	wrdreg s25  }
0x14: {  	v0 =	vimm.s32 $0x0;
	s12 =	sshrl.u32 s20, $0x2;
	s20 =	smax.u32 s9, $0x1;
	s15 =	sshll.u32 s14, $0x4  }
0x15: {  	v1 =	vimm.s32 $0x1;
	v2 =	vimm.s32 $0x2;
	v3 =	vimm.s32 $0x3;
	s22 =	sshll.u32 s11, $0x4;
	s21 =	sadd.s32 s12, s2;
	s17 =	sadd.s32 s15, s0  }
0x16: {  	v4 =	vimm.s32 $0x4;
	v5 =	vimm.s32 $0x5;
	v6 =	vimm.s32 $0x6;
	s25 =	sshll.u32 s11, $0x6;
	s0 =	sadd.s32 s22, s0;
	[dreg:$0x7] =	wrdreg s17  }
0x17: {  	v7 =	vimm.s32 $0x7;
	v8 =	vimm.s32 $0x8;
	v9 =	vimm.s32 $0x9;
	s10 =	sadd.s32 s15, s1;
	s15 =	sshll.u32 s14, $0x6;
	[dreg:$0x9] =	wrdreg s0  }
0x18: {  	v10 =	vimm.s32 $0xA;
	v11 =	vimm.s32 $0xB;
	v12 =	vimm.s32 $0xC;
	s25 =	sadd.s32 s25, s2;
	[dreg:$0xc] =	wrdreg s10;
	s17 =	sadd.s32 s22, s1  }
0x19: {  	v13 =	vimm.s32 $0xD;
	v14 =	vimm.s32 $0xE;
	v15 =	vimm.s32 $0xF;
	s22 =	sadd.s32 s13, s2;
	s23 =	sadd.s32 s15, s2;
	s0 =	simm.s32 $0x4  }
.LBB2_1:
0x1a: {  	s1 =	simm.s32 @!p0 $0x40  }
0x1b: {  	s8 =	simm.s32 @!p0 $0x80;
	s9 =	simm.s32 @!p0 $0xE010;
	s10 =	rddreg [dreg:$0x5]  }
0x1c: {  	[tilespmem:s9], [sflag:$0x7] =	stream.strided.gather @!p0 [hbm4b:s10+s1], $0x3200, s8, s1, $0x38;
	[tilespmem:$0x1AE50] =	vst v63  }
0x1d: {  	s10 =	simm.s32 @!p0 $0x7  }
0x1e: {  	_ =	swait.ge @!p0 [sflag:s10], $0x3200  }
0x1f: {  	[sflag:s10] =	ssyncset.done @!p0 $0x0  }
0x20: {  	[sflag:s10] =	ssyncadd.s32 @!p0 $0xFFFFCE00  }
0x21: {  	[spmem:s21] =	stream.linear.scatter @!p0 [tilespmem:s9], [sflag:$0x7], $0x3200, $0x38;
	[tilespmem:$0x1AE50] =	vst v63  }
0x22: {  	_ =	swait.ge @!p0 [sflag:s10], $0x3200  }
0x23: {  	[sflag:s10] =	ssyncset.done @!p0 $0x0  }
0x24: {  	s11 =	rddreg [dreg:$0x6];
	[sflag:s10] =	ssyncadd.s32 @!p0 $0xFFFFCE00  }
0x25: {  	[tilespmem:s9], [sflag:$0x7] =	stream.strided.gather @!p0 [hbm4b:s11+s1], $0x3200, s8, s1, $0x38;
	[tilespmem:$0x1AE50] =	vst v63  }
0x26: {  	_ =	swait.ge @!p0 [sflag:s10], $0x3200  }
0x27: {  	[sflag:s10] =	ssyncset.done @!p0 $0x0  }
0x28: {  	[sflag:s10] =	ssyncadd.s32 @!p0 $0xFFFFCE00  }
0x29: {  	[spmem:s22] =	stream.linear.scatter @!p0 [tilespmem:s9], [sflag:$0x7], $0x3200, $0x38;
	[tilespmem:$0x1AE50] =	vst v63  }
0x2a: {  	_ =	swait.ge @!p0 [sflag:s10], $0x3200  }
0x2b: {  	[sflag:s10] =	ssyncset.done @!p0 $0x0  }
0x2c: {  	s11 =	rddreg [dreg:$0x7];
	[sflag:s10] =	ssyncadd.s32 @!p0 $0xFFFFCE00  }
0x2d: {  	[tilespmem:s9], [sflag:$0x7] =	stream.strided.gather @!p0 [hbm4b:s11+s1], $0x3200, s8, s1, $0x38;
	[tilespmem:$0x1AE50] =	vst v63  }
0x2e: {  	_ =	swait.ge @!p0 [sflag:s10], $0x3200  }
0x2f: {  	[sflag:s10] =	ssyncset.done @!p0 $0x0  }
0x30: {  	[sflag:s10] =	ssyncadd.s32 @!p0 $0xFFFFCE00  }
0x31: {  	[spmem:s23] =	stream.linear.scatter @!p0 [tilespmem:s9], [sflag:$0x7], $0x3200, $0x38;
	[tilespmem:$0x1AE50] =	vst v63  }
0x32: {  	_ =	swait.ge @!p0 [sflag:s10], $0x3200  }
0x33: {  	[sflag:s10] =	ssyncset.done @!p0 $0x0  }
0x34: {  	s11 =	rddreg [dreg:$0x8];
	[sflag:s10] =	ssyncadd.s32 @!p0 $0xFFFFCE00  }
0x35: {  	[tilespmem:s9], [sflag:$0x7] =	stream.strided.gather @!p0 [hbm4b:s11+s1], $0x3200, s8, s1, $0x38;
	[tilespmem:$0x1AE50] =	vst v63  }
0x36: {  	_ =	swait.ge @!p0 [sflag:s10], $0x3200  }
0x37: {  	[sflag:s10] =	ssyncset.done @!p0 $0x0  }
0x38: {  	[sflag:s10] =	ssyncadd.s32 @!p0 $0xFFFFCE00  }
0x39: {  	[spmem:s24] =	stream.linear.scatter @!p0 [tilespmem:s9], [sflag:$0x7], $0x3200, $0x38;
	[tilespmem:$0x1AE50] =	vst v63  }
0x3a: {  	_ =	swait.ge @!p0 [sflag:s10], $0x3200  }
0x3b: {  	[sflag:s10] =	ssyncset.done @!p0 $0x0  }
0x3c: {  	s11 =	rddreg [dreg:$0x9];
	[sflag:s10] =	ssyncadd.s32 @!p0 $0xFFFFCE00  }
0x3d: {  	[tilespmem:s9], [sflag:$0x7] =	stream.strided.gather @!p0 [hbm4b:s11+s1], $0x3200, s8, s1, $0x38;
	[tilespmem:$0x1AE50] =	vst v63  }
0x3e: {  	_ =	swait.ge @!p0 [sflag:s10], $0x3200  }
0x3f: {  	[sflag:s10] =	ssyncset.done @!p0 $0x0  }
0x40: {  	[sflag:s10] =	ssyncadd.s32 @!p0 $0xFFFFCE00  }
0x41: {  	[spmem:s25] =	stream.linear.scatter @!p0 [tilespmem:s9], [sflag:$0x7], $0x3200, $0x38;
	[tilespmem:$0x1AE50] =	vst v63  }
0x42: {  	_ =	swait.ge @!p0 [sflag:s10], $0x3200  }
0x43: {  	[sflag:s10] =	ssyncset.done @!p0 $0x0  }
0x44: {  	[sflag:s10] =	ssyncadd.s32 @!p0 $0xFFFFCE00  }
0x45: {  	s15 =	rddreg [dreg:$0x1]  }
0x46: {  	[tilespmem:s26], [sflag:$0x7] =	stream.linear.gather [hbm4b:s15+s3], $0x2710, $0x38;
	[tilespmem:$0x1AE50] =	vst v63  }
0x47: {  	_ =	swait.ge [sflag:s28], $0x2710  }
0x48: {  	[sflag:s28] =	ssyncset.done $0x0  }
0x49: {  	[sflag:s28] =	ssyncadd.s32 $0xFFFFD8F0  }
0x4a: {  	s1 =	simm.s32 $0x2EE0;
	s8 =	simm.s32 $0x0;
	[bflag:$0x0] =	sbarrier.arrive $0xFFFF  }
.LBB2_2:
0x4b: {  	s9 =	smul.u32 $0x32, s8  }
0x4c: {  	p1 =	seq.s32 s8, $0x0  }
0x4d: {  	s10 =	sadd.s32 @!p1 $0x2, s9  }
0x4e: {  	s11 =	sand.u32 @!p1 $0xFF, s10  }
0x4f: {  	s11 =	smul.u32 @!p1 $0xAB, s11;
	_ =	sdelay $0x1  }
0x50: {  	s11 =	sshrl.u32 @!p1 s11, $0x9  }
0x51: {  	s11 =	smul.u32 @!p1 $0x3, s11;
	_ =	sdelay $0x1  }
0x52: {  	s10 =	ssub.s32 @!p1 s10, s11  }
0x53: {  	s10 =	sor.u32 @!p1 $0x4, s10  }
0x54: {  	s12 =	sadd.s32 s18, s9;
	s10 =	sand.u32 @!p1 $0xFF, s10  }
0x55: {  	s11 =	smul.u32 $0xA, s12;
	_ =	swait.ge @!p1 [sflag:s10], $0x1400  }
0x56: {  	[sflag:s10] =	ssyncset.done @!p1 $0x0  }
0x57: {  	s13 =	sadd.s32 s5, s11;
	[sflag:s10] =	ssyncadd.s32 @!p1 $0xFFFFEC00  }
0x58: {  	[tilespmem:s3], [sflag:$0x7] =	stream.linear.gather [hbm4b:s13+s3], $0xFA0, $0x38;
	[tilespmem:$0x1AE50] =	vst v63  }
0x59: {  	_ =	swait.ge [sflag:s28], $0xFA0  }
0x5a: {  	[sflag:s28] =	ssyncset.done $0x0  }
0x5b: {  	s14 =	sadd.s32 s6, s11;
	[sflag:s28] =	ssyncadd.s32 $0xFFFFF060  }
0x5c: {  	[tilespmem:s29], [sflag:$0x7] =	stream.linear.gather [hbm4b:s14+s3], $0xFA0, $0x38;
	[tilespmem:$0x1AE50] =	vst v63  }
0x5d: {  	_ =	swait.ge [sflag:s28], $0xFA0  }
0x5e: {  	[sflag:s28] =	ssyncset.done $0x0  }
0x5f: {  	s15 =	sadd.s32 s7, s11;
	[sflag:s28] =	ssyncadd.s32 $0xFFFFF060  }
0x60: {  	[tilespmem:s30], [sflag:$0x7] =	stream.linear.gather [hbm4b:s15+s3], $0xFA0, $0x38;
	[tilespmem:$0x1AE50] =	vst v63  }
0x61: {  	_ =	swait.ge [sflag:s28], $0xFA0  }
0x62: {  	[sflag:s28] =	ssyncset.done $0x0  }
0x63: {  	v16 =	vmov s1;
	s10 =	simm.s32 $0x100;
	[sflag:s28] =	ssyncadd.s32 $0xFFFFF060  }
.LBB2_3:
0x64: {  	s11 =	sshra.s32 s10, $0x2  }
0x65: {  	v17 =	vld [tilespmem:s11+$0xF60];
	_ =	sdelay $0x6  }
0x66: {  	v18 =	vld [tilespmem:s11+$0x1F00]  }
0x67: {  	v17 =	vld.idx.msk [tilespmem:v17+s26+$0x0], $0xffff;
	_ =	sdelay $0x4  }
0x68: {  	v17 =	vmul.f32 v18, v17;
	_ =	sdelay $0x1  }
0x69: {  	[tilespmem:v16+s11+$0xFFFFFFC0 ss:$0x1] =	vst.idx.msk $0xffff, v17  }
0x6a: {  	v17 =	vld [tilespmem:s11+$0xF70];
	_ =	sdelay $0x6  }
0x6b: {  	v18 =	vld [tilespmem:s11+$0x1F10]  }
0x6c: {  	v17 =	vld.idx.msk [tilespmem:v17+s26+$0x0], $0xffff;
	_ =	sdelay $0x4  }
0x6d: {  	v17 =	vmul.f32 v18, v17;
	_ =	sdelay $0x1  }
0x6e: {  	[tilespmem:v16+s11+$0xFFFFFFD0 ss:$0x1] =	vst.idx.msk $0xffff, v17  }
0x6f: {  	v17 =	vld [tilespmem:s11+$0xF80];
	_ =	sdelay $0x6  }
0x70: {  	v18 =	vld [tilespmem:s11+$0x1F20]  }
0x71: {  	v17 =	vld.idx.msk [tilespmem:v17+s26+$0x0], $0xffff;
	_ =	sdelay $0x4  }
0x72: {  	v17 =	vmul.f32 v18, v17;
	_ =	sdelay $0x1  }
0x73: {  	[tilespmem:v16+s11+$0xFFFFFFE0 ss:$0x1] =	vst.idx.msk $0xffff, v17  }
0x74: {  	v17 =	vld [tilespmem:s11+$0xF90];
	_ =	sdelay $0x6  }
0x75: {  	v18 =	vld [tilespmem:s11+$0x1F30]  }
0x76: {  	v17 =	vld.idx.msk [tilespmem:v17+s26+$0x0], $0xffff;
	_ =	sdelay $0x4  }
0x77: {  	v17 =	vmul.f32 v18, v17;
	_ =	sdelay $0x1  }
0x78: {  	[tilespmem:v16+s11+$0xFFFFFFF0 ss:$0x1] =	vst.idx.msk $0xffff, v17  }
0x79: {  	v17 =	vld [tilespmem:s11+$0xFA0];
	_ =	sdelay $0x6  }
0x7a: {  	v18 =	vld [tilespmem:s11+$0x1F40]  }
0x7b: {  	v17 =	vld.idx.msk [tilespmem:v17+s26+$0x0], $0xffff;
	_ =	sdelay $0x1  }
0x7c: {  	p1 =	seq.s32 s10, $0x3E40  }
.Ltmp0:
0x7d: {  	_ = 	snop;
	(pc) =	sbr.rel @!p1 .LBB2_3-.Ltmp0, $3  }
0x7e: {  	_ = 	snop  }
0x7f: {  	v17 =	vmul.f32 v18, v17;
	_ =	sdelay $0x1  }
0x80: {  	s10 =	sadd.s32 $0x140, s10;
	[tilespmem:v16+s11+$0x0 ss:$0x1] =	vst.idx.msk $0xffff, v17  }
0x81: {  	s10 =	smulhi.u32 $0xAAAAAAAB, s9  }
0x82: {  	s11 =	sor.u32 $0x1, s9  }
0x83: {  	s12 =	smulhi.u32 $0xAAAAAAAB, s11;
	s10 =	sshrl.u32 s10, $0x1  }
0x84: {  	s10 =	smul.u32 $0x3, s10  }
0x85: {  	s12 =	sshrl.u32 s12, $0x1  }
0x86: {  	s12 =	smul.u32 $0x3, s12;
	s10 =	ssub.s32 s9, s10  }
0x87: {  	s13 =	smul.u32 $0x5000, s10;
	_ =	sdelay $0x1  }
0x88: {  	s11 =	ssub.s32 s11, s12;
	s15 =	sadd.s32 $0x1, s10;
	s13 =	sshrl.u32 s13, $0x2  }
0x89: {  	s10 =	simm.s32 $0x0;
	s14 =	smul.u32 $0x5000, s11;
	s13 =	sadd.s32 $0xA410, s13  }
0x8a: {  	[tilespmem:s13], [sflag:s15] =	stream.indirect.gather [hbm4b:s19+s31], $0x40, s10, s31, $0xb8;
	[tilespmem:$0x1AE50] =	vst v63  }
0x8b: {  	s15 =	sshrl.u32 s14, $0x2  }
0x8c: {  	s11 =	sadd.s32 $0x1, s11;
	s12 =	sadd.s32 $0xA410, s15  }
0x8d: {  	[tilespmem:s12], [sflag:s11] =	stream.indirect.gather [hbm4b:s19+s31], $0x40, s31, s31, $0xb8;
	[tilespmem:$0x1AE50] =	vst v63  }
.LBB2_5:
0x8e: {  	s13 =	sadd.s32 s9, s10  }
0x8f: {  	s11 =	sadd.s32 $0x2, s13  }
0x90: {  	s12 =	smulhi.u32 $0xAAAAAAAB, s11;
	_ =	sdelay $0x1  }
0x91: {  	s12 =	sshrl.u32 s12, $0x1  }
0x92: {  	s12 =	smul.u32 $0x3, s12;
	_ =	sdelay $0x1  }
0x93: {  	p1 =	seq.s32 s10, $0x0;
	s12 =	ssub.s32 s11, s12  }
0x94: {  	s11 =	sadd.s32 @!p1 $0x4, s12  }
0x95: {  	_ =	swait.ge @!p1 [sflag:s11], $0x1400  }
0x96: {  	p2 =	slt.u32 @!p1 s10, $0x30;
	[sflag:s11] =	ssyncset.done @!p1 $0x0  }
0x97: {  	p2 =	por p1, p2;
	[sflag:s11] =	ssyncadd.s32 @!p1 $0xFFFFEC00;
	s11 =	smul.u32 $0x140, s10  }
0x98: {  	s14 =	smul.u32 @p2 $0x5000, s12  }
0x99: {  	s11 =	smul.u32 @p2 $0x140, s10;
	_ =	sdelay $0x1  }
0x9a: {  	s14 =	sshra.s32 @p2 s14, $0x2;
	s15 =	sshra.s32 @p2 s11, $0x2  }
0x9b: {  	s12 =	sadd.s32 @p2 $0x1, s12;
	s14 =	sadd.s32 @p2 $0xA410, s14;
	s15 =	sadd.s32 @p2 $0xA0, s15  }
0x9c: {  	[tilespmem:s14], [sflag:s12] =	stream.indirect.gather @p2 [hbm4b:s19+s31], $0x40, s15, s31, $0xb8;
	[tilespmem:$0x1AE50] =	vst v63  }
0x9d: {  	s14 =	smulhi.u32 $0xAAAAAAAB, s13;
	_ =	sdelay $0x1  }
0x9e: {  	s12 =	sshrl.u32 s14, $0x1  }
0x9f: {  	s12 =	smul.u32 $0x3, s12;
	_ =	sdelay $0x1  }
0xa0: {  	s12 =	ssub.s32 s13, s12  }
0xa1: {  	s15 =	sadd.s32 $0x1, s12  }
0xa2: {  	s13 =	smul.u32 $0x140, s13;
	_ =	swait.ge [sflag:s15], $0x1400  }
0xa3: {  	[sflag:s15] =	ssyncset.done $0x0  }
0xa4: {  	s14 =	sshra.s32 s13, $0x2;
	[sflag:s15] =	ssyncadd.s32 $0xFFFFEC00;
	s15 =	smul.u32 $0x5000, s12  }
0xa5: {  	v16 =	vld [tilespmem:s14+$0x2EE0]  }
0xa6: {  	s13 =	sshra.s32 s15, $0x2  }
0xa7: {  	v17 =	vld [tilespmem:s13+$0xA410]  }
0xa8: {  	v18 =	vld [tilespmem:s13+$0xA420]  }
0xa9: {  	v19 =	vld [tilespmem:s13+$0xA430]  }
0xaa: {  	v21 =	vld [tilespmem:s13+$0xA440];
	v20 =	vperm.xlane v16, v0  }
0xab: {  	v22 =	vld [tilespmem:s13+$0xA450]  }
0xac: {  	v23 =	vld [tilespmem:s13+$0xA460];
	v17 =	vmul.f32 v17, v20  }
0xad: {  	v24 =	vld [tilespmem:s13+$0xA470];
	v18 =	vmul.f32 v18, v20  }
0xae: {  	v25 =	vld [tilespmem:s13+$0xA480];
	v46 =	vperm.xlane v16, v1;
	[tilespmem:s13+$0xA410] =	vst v17;
	v17 =	vmul.f32 v19, v20  }
0xaf: {  	v48 =	vld [tilespmem:s13+$0xA490];
	v47 =	vmul.f32 v21, v20;
	[tilespmem:s13+$0xA420] =	vst v18  }
0xb0: {  	v49 =	vld [tilespmem:s13+$0xA4A0];
	[tilespmem:s13+$0xA430] =	vst v17;
	v17 =	vmul.f32 v22, v46  }
0xb1: {  	v51 =	vld [tilespmem:s13+$0xA4B0];
	v50 =	vmul.f32 v23, v46;
	[tilespmem:s13+$0xA440] =	vst v47  }
0xb2: {  	v53 =	vld [tilespmem:s13+$0xA4C0];
	v52 =	vperm.xlane v16, v2;
	[tilespmem:s13+$0xA450] =	vst v17;
	v17 =	vmul.f32 v24, v46  }
0xb3: {  	v55 =	vld [tilespmem:s13+$0xA4D0];
	v54 =	vmul.f32 v25, v46;
	[tilespmem:s13+$0xA460] =	vst v50  }
0xb4: {  	v56 =	vld [tilespmem:s13+$0xA4E0];
	[tilespmem:s13+$0xA470] =	vst v17;
	v17 =	vmul.f32 v48, v52  }
0xb5: {  	v58 =	vld [tilespmem:s13+$0xA4F0];
	v57 =	vmul.f32 v49, v52;
	[tilespmem:s13+$0xA480] =	vst v54  }
0xb6: {  	v60 =	vld [tilespmem:s13+$0xA500];
	v59 =	vperm.xlane v16, v3;
	[tilespmem:s13+$0xA490] =	vst v17;
	v17 =	vmul.f32 v51, v52  }
0xb7: {  	v62 =	vld [tilespmem:s13+$0xA510];
	v61 =	vmul.f32 v53, v52;
	[tilespmem:s13+$0xA4A0] =	vst v57  }
0xb8: {  	v63 =	vld [tilespmem:s13+$0xA520];
	[tilespmem:s13+$0xA4B0] =	vst v17;
	v17 =	vmul.f32 v55, v59  }
0xb9: {  	v29 =	vld [tilespmem:s13+$0xA530];
	v28 =	vmul.f32 v56, v59;
	[tilespmem:s13+$0xA4C0] =	vst v61  }
0xba: {  	v31 =	vld [tilespmem:s13+$0xA540];
	v30 =	vperm.xlane v16, v4;
	[tilespmem:s13+$0xA4D0] =	vst v17;
	v17 =	vmul.f32 v58, v59  }
0xbb: {  	v33 =	vld [tilespmem:s13+$0xA550];
	v32 =	vmul.f32 v60, v59;
	[tilespmem:s13+$0xA4E0] =	vst v28  }
0xbc: {  	v34 =	vld [tilespmem:s13+$0xA560];
	[tilespmem:s13+$0xA4F0] =	vst v17;
	v17 =	vmul.f32 v62, v30  }
0xbd: {  	v36 =	vld [tilespmem:s13+$0xA570];
	v35 =	vmul.f32 v63, v30;
	[tilespmem:s13+$0xA500] =	vst v32  }
0xbe: {  	v41 =	vld [tilespmem:s13+$0xA5A0];
	v37 =	vperm.xlane v16, v5;
	[tilespmem:s13+$0xA510] =	vst v17;
	v17 =	vmul.f32 v29, v30  }
0xbf: {  	v40 =	vld [tilespmem:s13+$0xA590];
	v39 =	vmul.f32 v31, v30;
	[tilespmem:s13+$0xA520] =	vst v35  }
0xc0: {  	v45 =	vld [tilespmem:s13+$0xA5C0];
	[tilespmem:s13+$0xA530] =	vst v17;
	v17 =	vmul.f32 v33, v37  }
0xc1: {  	v43 =	vld [tilespmem:s13+$0xA5B0];
	v44 =	vperm.xlane v16, v6;
	v42 =	vmul.f32 v34, v37;
	[tilespmem:s13+$0xA540] =	vst v39  }
0xc2: {  	v38 =	vld [tilespmem:s13+$0xA580];
	[tilespmem:s13+$0xA550] =	vst v17;
	v17 =	vmul.f32 v36, v37  }
0xc3: {  	v49 =	vmul.f32 v41, v44;
	[tilespmem:s13+$0xA560] =	vst v42;
	v47 =	vld [tilespmem:s13+$0xA5D0]  }
0xc4: {  	v48 =	vld [tilespmem:s13+$0xA5E0];
	[tilespmem:s13+$0xA570] =	vst v17;
	v17 =	vmul.f32 v40, v44  }
0xc5: {  	v53 =	vmul.f32 v45, v44;
	v50 =	vld [tilespmem:s13+$0xA5F0];
	[tilespmem:s13+$0xA5A0] =	vst v49  }
0xc6: {  	v51 =	vperm.xlane v16, v7;
	v52 =	vld [tilespmem:s13+$0xA600];
	[tilespmem:s13+$0xA590] =	vst v17;
	v17 =	vmul.f32 v43, v44  }
0xc7: {  	v54 =	vld [tilespmem:s13+$0xA610];
	[tilespmem:s13+$0xA5C0] =	vst v53;
	v46 =	vmul.f32 v38, v37  }
0xc8: {  	v55 =	vld [tilespmem:s13+$0xA620];
	[tilespmem:s13+$0xA5B0] =	vst v17;
	v17 =	vmul.f32 v47, v51  }
0xc9: {  	v57 =	vld [tilespmem:s13+$0xA630];
	[tilespmem:s13+$0xA580] =	vst v46;
	v56 =	vmul.f32 v48, v51  }
0xca: {  	v58 =	vperm.xlane v16, v8;
	v59 =	vld [tilespmem:s13+$0xA640];
	[tilespmem:s13+$0xA5D0] =	vst v17;
	v17 =	vmul.f32 v50, v51  }
0xcb: {  	v61 =	vld [tilespmem:s13+$0xA650];
	[tilespmem:s13+$0xA5E0] =	vst v56;
	v60 =	vmul.f32 v52, v51  }
0xcc: {  	v62 =	vld [tilespmem:s13+$0xA660];
	[tilespmem:s13+$0xA5F0] =	vst v17;
	v17 =	vmul.f32 v54, v58  }
0xcd: {  	v28 =	vld [tilespmem:s13+$0xA670];
	[tilespmem:s13+$0xA600] =	vst v60;
	v63 =	vmul.f32 v55, v58  }
0xce: {  	v29 =	vperm.xlane v16, v9;
	v30 =	vld [tilespmem:s13+$0xA680];
	[tilespmem:s13+$0xA610] =	vst v17;
	v17 =	vmul.f32 v57, v58  }
0xcf: {  	v32 =	vld [tilespmem:s13+$0xA690];
	[tilespmem:s13+$0xA620] =	vst v63;
	v31 =	vmul.f32 v59, v58  }
0xd0: {  	v33 =	vld [tilespmem:s13+$0xA6A0];
	[tilespmem:s13+$0xA630] =	vst v17;
	v17 =	vmul.f32 v61, v29  }
0xd1: {  	v35 =	vld [tilespmem:s13+$0xA6B0];
	[tilespmem:s13+$0xA640] =	vst v31;
	v34 =	vmul.f32 v62, v29  }
0xd2: {  	v36 =	vperm.xlane v16, v10;
	v37 =	vld [tilespmem:s13+$0xA6C0];
	[tilespmem:s13+$0xA650] =	vst v17;
	v17 =	vmul.f32 v28, v29  }
0xd3: {  	v39 =	vld [tilespmem:s13+$0xA6D0];
	[tilespmem:s13+$0xA660] =	vst v34;
	v38 =	vmul.f32 v30, v29  }
0xd4: {  	v40 =	vld [tilespmem:s13+$0xA6E0];
	[tilespmem:s13+$0xA670] =	vst v17;
	v17 =	vmul.f32 v32, v36  }
0xd5: {  	v42 =	vld [tilespmem:s13+$0xA6F0];
	[tilespmem:s13+$0xA680] =	vst v38;
	v41 =	vmul.f32 v33, v36  }
0xd6: {  	v43 =	vperm.xlane v16, v11;
	v44 =	vld [tilespmem:s13+$0xA700];
	[tilespmem:s13+$0xA690] =	vst v17;
	v17 =	vmul.f32 v35, v36  }
0xd7: {  	v46 =	vld [tilespmem:s13+$0xA710];
	[tilespmem:s13+$0xA6A0] =	vst v41;
	v45 =	vmul.f32 v37, v36  }
0xd8: {  	v47 =	vld [tilespmem:s13+$0xA720];
	[tilespmem:s13+$0xA6B0] =	vst v17;
	v17 =	vmul.f32 v39, v43  }
0xd9: {  	v49 =	vld [tilespmem:s13+$0xA730];
	[tilespmem:s13+$0xA6C0] =	vst v45;
	v48 =	vmul.f32 v40, v43  }
0xda: {  	v50 =	vperm.xlane v16, v12;
	v51 =	vld [tilespmem:s13+$0xA740];
	[tilespmem:s13+$0xA6D0] =	vst v17;
	v17 =	vmul.f32 v42, v43  }
0xdb: {  	v53 =	vld [tilespmem:s13+$0xA750];
	[tilespmem:s13+$0xA6E0] =	vst v48;
	v52 =	vmul.f32 v44, v43  }
0xdc: {  	v54 =	vld [tilespmem:s13+$0xA760];
	[tilespmem:s13+$0xA6F0] =	vst v17;
	v17 =	vmul.f32 v46, v50  }
0xdd: {  	v56 =	vld [tilespmem:s13+$0xA770];
	[tilespmem:s13+$0xA700] =	vst v52;
	v55 =	vmul.f32 v47, v50  }
0xde: {  	v57 =	vperm.xlane v16, v13;
	v58 =	vld [tilespmem:s13+$0xA780];
	[tilespmem:s13+$0xA710] =	vst v17;
	v17 =	vmul.f32 v49, v50  }
0xdf: {  	v60 =	vld [tilespmem:s13+$0xA790];
	[tilespmem:s13+$0xA720] =	vst v55;
	v59 =	vmul.f32 v51, v50  }
0xe0: {  	v61 =	vld [tilespmem:s13+$0xA7A0];
	[tilespmem:s13+$0xA730] =	vst v17;
	v17 =	vmul.f32 v53, v57  }
0xe1: {  	v63 =	vld [tilespmem:s13+$0xA7B0];
	[tilespmem:s13+$0xA740] =	vst v59;
	v62 =	vmul.f32 v54, v57  }
0xe2: {  	v28 =	vperm.xlane v16, v14;
	v29 =	vld [tilespmem:s13+$0xA7C0];
	[tilespmem:s13+$0xA750] =	vst v17;
	v17 =	vmul.f32 v56, v57  }
0xe3: {  	v31 =	vld [tilespmem:s13+$0xA7D0];
	[tilespmem:s13+$0xA760] =	vst v62;
	v30 =	vmul.f32 v58, v57  }
0xe4: {  	v32 =	vld [tilespmem:s13+$0xA7E0];
	[tilespmem:s13+$0xA770] =	vst v17;
	v17 =	vmul.f32 v60, v28  }
0xe5: {  	v34 =	vld [tilespmem:s13+$0xA7F0];
	[tilespmem:s13+$0xA780] =	vst v30;
	v33 =	vmul.f32 v61, v28  }
0xe6: {  	v16 =	vperm.xlane v16, v15;
	v35 =	vld [tilespmem:s13+$0xA800];
	[tilespmem:s13+$0xA790] =	vst v17;
	v17 =	vmul.f32 v63, v28  }
0xe7: {  	[tilespmem:s13+$0xA7A0] =	vst v33;
	v36 =	vmul.f32 v29, v28  }
0xe8: {  	[tilespmem:s13+$0xA7B0] =	vst v17;
	v17 =	vmul.f32 v31, v16  }
0xe9: {  	[tilespmem:s13+$0xA7C0] =	vst v36;
	v37 =	vmul.f32 v32, v16  }
0xea: {  	[tilespmem:s13+$0xA7D0] =	vst v17;
	v17 =	vmul.f32 v34, v16  }
0xeb: {  	[tilespmem:s13+$0xA7E0] =	vst v37;
	v16 =	vmul.f32 v35, v16  }
0xec: {  	[tilespmem:s13+$0xA7F0] =	vst v17  }
0xed: {  	[tilespmem:s13+$0xA800] =	vst v16  }
0xee: {  	v16 =	vld [tilespmem:s14+$0x2EF0];
	_ =	sdelay $0x1  }
0xef: {  	v17 =	vld [tilespmem:s13+$0xA810]  }
0xf0: {  	v38 =	vld [tilespmem:s13+$0xA820]  }
0xf1: {  	v41 =	vld [tilespmem:s13+$0xA840]  }
0xf2: {  	v39 =	vld [tilespmem:s13+$0xA830];
	v40 =	vperm.xlane v16, v0  }
0xf3: {  	v43 =	vld [tilespmem:s13+$0xA860]  }
0xf4: {  	v42 =	vld [tilespmem:s13+$0xA850];
	v17 =	vmul.f32 v17, v40  }
0xf5: {  	v46 =	vld [tilespmem:s13+$0xA880];
	v18 =	vmul.f32 v38, v40  }
0xf6: {  	v44 =	vld [tilespmem:s13+$0xA870];
	v45 =	vperm.xlane v16, v1;
	v47 =	vmul.f32 v41, v40;
	[tilespmem:s13+$0xA810] =	vst v17  }
0xf7: {  	v17 =	vmul.f32 v39, v40;
	[tilespmem:s13+$0xA820] =	vst v18  }
0xf8: {  	v48 =	vmul.f32 v43, v45;
	[tilespmem:s13+$0xA840] =	vst v47  }
0xf9: {  	[tilespmem:s13+$0xA830] =	vst v17;
	v17 =	vmul.f32 v42, v45  }
0xfa: {  	v49 =	vmul.f32 v46, v45;
	[tilespmem:s13+$0xA860] =	vst v48  }
0xfb: {  	[tilespmem:s13+$0xA850] =	vst v17;
	v17 =	vmul.f32 v44, v45  }
0xfc: {  	[tilespmem:s13+$0xA880] =	vst v49  }
0xfd: {  	[tilespmem:s13+$0xA870] =	vst v17  }
0xfe: {  	v17 =	vld [tilespmem:s13+$0xA890]  }
0xff: {  	v50 =	vld [tilespmem:s13+$0xA8A0]  }
0x100: {  	v51 =	vld [tilespmem:s13+$0xA8B0]  }
0x101: {  	v52 =	vperm.xlane v16, v2;
	v53 =	vld [tilespmem:s13+$0xA8C0]  }
0x102: {  	v54 =	vld [tilespmem:s13+$0xA8D0]  }
0x103: {  	v55 =	vld [tilespmem:s13+$0xA8E0];
	v17 =	vmul.f32 v17, v52  }
0x104: {  	v56 =	vld [tilespmem:s13+$0xA8F0];
	v18 =	vmul.f32 v50, v52  }
0x105: {  	v57 =	vperm.xlane v16, v3;
	v58 =	vld [tilespmem:s13+$0xA900];
	[tilespmem:s13+$0xA890] =	vst v17;
	v17 =	vmul.f32 v51, v52  }
0x106: {  	v60 =	vld [tilespmem:s13+$0xA910];
	v59 =	vmul.f32 v53, v52;
	[tilespmem:s13+$0xA8A0] =	vst v18  }
0x107: {  	v61 =	vld [tilespmem:s13+$0xA920];
	[tilespmem:s13+$0xA8B0] =	vst v17;
	v17 =	vmul.f32 v54, v57  }
0x108: {  	v63 =	vld [tilespmem:s13+$0xA930];
	v62 =	vmul.f32 v55, v57;
	[tilespmem:s13+$0xA8C0] =	vst v59  }
0x109: {  	v28 =	vperm.xlane v16, v4;
	v29 =	vld [tilespmem:s13+$0xA940];
	[tilespmem:s13+$0xA8D0] =	vst v17;
	v17 =	vmul.f32 v56, v57  }
0x10a: {  	v31 =	vld [tilespmem:s13+$0xA950];
	v30 =	vmul.f32 v58, v57;
	[tilespmem:s13+$0xA8E0] =	vst v62  }
0x10b: {  	v32 =	vld [tilespmem:s13+$0xA960];
	[tilespmem:s13+$0xA8F0] =	vst v17;
	v17 =	vmul.f32 v60, v28  }
0x10c: {  	v34 =	vld [tilespmem:s13+$0xA970];
	v33 =	vmul.f32 v61, v28;
	[tilespmem:s13+$0xA900] =	vst v30  }
0x10d: {  	v35 =	vperm.xlane v16, v5;
	v36 =	vld [tilespmem:s13+$0xA980];
	[tilespmem:s13+$0xA910] =	vst v17;
	v17 =	vmul.f32 v63, v28  }
0x10e: {  	v38 =	vld [tilespmem:s13+$0xA990];
	v37 =	vmul.f32 v29, v28;
	[tilespmem:s13+$0xA920] =	vst v33  }
0x10f: {  	v39 =	vld [tilespmem:s13+$0xA9A0];
	[tilespmem:s13+$0xA930] =	vst v17;
	v17 =	vmul.f32 v31, v35  }
0x110: {  	v41 =	vld [tilespmem:s13+$0xA9B0];
	v40 =	vmul.f32 v32, v35;
	[tilespmem:s13+$0xA940] =	vst v37  }
0x111: {  	v42 =	vperm.xlane v16, v6;
	v43 =	vld [tilespmem:s13+$0xA9C0];
	[tilespmem:s13+$0xA950] =	vst v17;
	v17 =	vmul.f32 v34, v35  }
0x112: {  	v45 =	vld [tilespmem:s13+$0xA9D0];
	v44 =	vmul.f32 v36, v35;
	[tilespmem:s13+$0xA960] =	vst v40  }
0x113: {  	v46 =	vld [tilespmem:s13+$0xA9E0];
	[tilespmem:s13+$0xA970] =	vst v17;
	v17 =	vmul.f32 v38, v42  }
0x114: {  	v48 =	vld [tilespmem:s13+$0xA9F0];
	v47 =	vmul.f32 v39, v42;
	[tilespmem:s13+$0xA980] =	vst v44  }
0x115: {  	v49 =	vperm.xlane v16, v7;
	v50 =	vld [tilespmem:s13+$0xAA00];
	[tilespmem:s13+$0xA990] =	vst v17;
	v17 =	vmul.f32 v41, v42  }
0x116: {  	[tilespmem:s13+$0xA9A0] =	vst v47;
	v51 =	vmul.f32 v43, v42;
	v52 =	vld [tilespmem:s13+$0xAA10]  }
0x117: {  	v53 =	vld [tilespmem:s13+$0xAA20];
	[tilespmem:s13+$0xA9B0] =	vst v17;
	v17 =	vmul.f32 v45, v49  }
0x118: {  	v55 =	vld [tilespmem:s13+$0xAA30];
	[tilespmem:s13+$0xA9C0] =	vst v51;
	v54 =	vmul.f32 v46, v49  }
0x119: {  	v56 =	vperm.xlane v16, v8;
	v57 =	vld [tilespmem:s13+$0xAA40];
	[tilespmem:s13+$0xA9D0] =	vst v17;
	v17 =	vmul.f32 v48, v49  }
0x11a: {  	v59 =	vld [tilespmem:s13+$0xAA50];
	v58 =	vmul.f32 v50, v49;
	[tilespmem:s13+$0xA9E0] =	vst v54  }
0x11b: {  	v60 =	vld [tilespmem:s13+$0xAA60];
	[tilespmem:s13+$0xA9F0] =	vst v17;
	v17 =	vmul.f32 v52, v56  }
0x11c: {  	v62 =	vld [tilespmem:s13+$0xAA70];
	[tilespmem:s13+$0xAA00] =	vst v58;
	v61 =	vmul.f32 v53, v56  }
0x11d: {  	v63 =	vperm.xlane v16, v9;
	v28 =	vld [tilespmem:s13+$0xAA80];
	[tilespmem:s13+$0xAA10] =	vst v17;
	v17 =	vmul.f32 v55, v56  }
0x11e: {  	v30 =	vld [tilespmem:s13+$0xAA90];
	[tilespmem:s13+$0xAA20] =	vst v61;
	v29 =	vmul.f32 v57, v56  }
0x11f: {  	v31 =	vld [tilespmem:s13+$0xAAA0];
	[tilespmem:s13+$0xAA30] =	vst v17;
	v17 =	vmul.f32 v59, v63  }
0x120: {  	v33 =	vld [tilespmem:s13+$0xAAB0];
	[tilespmem:s13+$0xAA40] =	vst v29;
	v32 =	vmul.f32 v60, v63  }
0x121: {  	v34 =	vperm.xlane v16, v10;
	v35 =	vld [tilespmem:s13+$0xAAC0];
	[tilespmem:s13+$0xAA50] =	vst v17;
	v17 =	vmul.f32 v62, v63  }
0x122: {  	v37 =	vld [tilespmem:s13+$0xAAD0];
	[tilespmem:s13+$0xAA60] =	vst v32;
	v36 =	vmul.f32 v28, v63  }
0x123: {  	v38 =	vld [tilespmem:s13+$0xAAE0];
	[tilespmem:s13+$0xAA70] =	vst v17;
	v17 =	vmul.f32 v30, v34  }
0x124: {  	v40 =	vld [tilespmem:s13+$0xAAF0];
	[tilespmem:s13+$0xAA80] =	vst v36;
	v39 =	vmul.f32 v31, v34  }
0x125: {  	v41 =	vperm.xlane v16, v11;
	v42 =	vld [tilespmem:s13+$0xAB00];
	[tilespmem:s13+$0xAA90] =	vst v17;
	v17 =	vmul.f32 v33, v34  }
0x126: {  	v44 =	vld [tilespmem:s13+$0xAB10];
	[tilespmem:s13+$0xAAA0] =	vst v39;
	v43 =	vmul.f32 v35, v34  }
0x127: {  	v45 =	vld [tilespmem:s13+$0xAB20];
	[tilespmem:s13+$0xAAB0] =	vst v17;
	v17 =	vmul.f32 v37, v41  }
0x128: {  	v47 =	vld [tilespmem:s13+$0xAB30];
	[tilespmem:s13+$0xAAC0] =	vst v43;
	v46 =	vmul.f32 v38, v41  }
0x129: {  	v48 =	vperm.xlane v16, v12;
	v49 =	vld [tilespmem:s13+$0xAB40];
	[tilespmem:s13+$0xAAD0] =	vst v17;
	v17 =	vmul.f32 v40, v41  }
0x12a: {  	v51 =	vld [tilespmem:s13+$0xAB50];
	[tilespmem:s13+$0xAAE0] =	vst v46;
	v50 =	vmul.f32 v42, v41  }
0x12b: {  	v52 =	vld [tilespmem:s13+$0xAB60];
	[tilespmem:s13+$0xAAF0] =	vst v17;
	v17 =	vmul.f32 v44, v48  }
0x12c: {  	v54 =	vld [tilespmem:s13+$0xAB70];
	[tilespmem:s13+$0xAB00] =	vst v50;
	v53 =	vmul.f32 v45, v48  }
0x12d: {  	v55 =	vperm.xlane v16, v13;
	v56 =	vld [tilespmem:s13+$0xAB80];
	[tilespmem:s13+$0xAB10] =	vst v17;
	v17 =	vmul.f32 v47, v48  }
0x12e: {  	v58 =	vld [tilespmem:s13+$0xAB90];
	[tilespmem:s13+$0xAB20] =	vst v53;
	v57 =	vmul.f32 v49, v48  }
0x12f: {  	v59 =	vld [tilespmem:s13+$0xABA0];
	[tilespmem:s13+$0xAB30] =	vst v17;
	v17 =	vmul.f32 v51, v55  }
0x130: {  	v61 =	vld [tilespmem:s13+$0xABB0];
	[tilespmem:s13+$0xAB40] =	vst v57;
	v60 =	vmul.f32 v52, v55  }
0x131: {  	v29 =	vld [tilespmem:s13+$0xABE0];
	v62 =	vperm.xlane v16, v14;
	[tilespmem:s13+$0xAB50] =	vst v17;
	v17 =	vmul.f32 v54, v55  }
0x132: {  	v28 =	vld [tilespmem:s13+$0xABD0];
	[tilespmem:s13+$0xAB60] =	vst v60;
	v27 =	vmul.f32 v56, v55  }
0x133: {  	v63 =	vld [tilespmem:s13+$0xABC0];
	[tilespmem:s13+$0xAB70] =	vst v17;
	v17 =	vmul.f32 v58, v62  }
0x134: {  	v31 =	vld [tilespmem:s13+$0xABF0];
	v16 =	vperm.xlane v16, v15;
	[tilespmem:s13+$0xAB80] =	vst v27;
	v30 =	vmul.f32 v59, v62  }
0x135: {  	v32 =	vld [tilespmem:s13+$0xAC00];
	[tilespmem:s13+$0xAB90] =	vst v17;
	v17 =	vmul.f32 v61, v62  }
0x136: {  	v34 =	vmul.f32 v29, v16;
	[tilespmem:s13+$0xABA0] =	vst v30  }
0x137: {  	[tilespmem:s13+$0xABB0] =	vst v17;
	v17 =	vmul.f32 v28, v16  }
0x138: {  	v33 =	vmul.f32 v63, v62;
	[tilespmem:s13+$0xABE0] =	vst v34  }
0x139: {  	[tilespmem:s13+$0xABD0] =	vst v17;
	v17 =	vmul.f32 v31, v16  }
0x13a: {  	[tilespmem:s13+$0xABC0] =	vst v33;
	v16 =	vmul.f32 v32, v16  }
0x13b: {  	[tilespmem:s13+$0xABF0] =	vst v17  }
0x13c: {  	[tilespmem:s13+$0xAC00] =	vst v16  }
0x13d: {  	v16 =	vld [tilespmem:s14+$0x2F00];
	_ =	sdelay $0x1  }
0x13e: {  	v17 =	vld [tilespmem:s13+$0xAC10]  }
0x13f: {  	v35 =	vld [tilespmem:s13+$0xAC20]  }
0x140: {  	v36 =	vld [tilespmem:s13+$0xAC30]  }
0x141: {  	v38 =	vld [tilespmem:s13+$0xAC40];
	v37 =	vperm.xlane v16, v0  }
0x142: {  	v39 =	vld [tilespmem:s13+$0xAC50]  }
0x143: {  	v40 =	vld [tilespmem:s13+$0xAC60];
	v17 =	vmul.f32 v17, v37  }
0x144: {  	v41 =	vld [tilespmem:s13+$0xAC70];
	v18 =	vmul.f32 v35, v37  }
0x145: {  	v43 =	vld [tilespmem:s13+$0xAC80];
	v42 =	vperm.xlane v16, v1;
	[tilespmem:s13+$0xAC10] =	vst v17;
	v17 =	vmul.f32 v36, v37  }
0x146: {  	v45 =	vld [tilespmem:s13+$0xAC90];
	v44 =	vmul.f32 v38, v37;
	[tilespmem:s13+$0xAC20] =	vst v18  }
0x147: {  	v46 =	vld [tilespmem:s13+$0xACA0];
	[tilespmem:s13+$0xAC30] =	vst v17;
	v17 =	vmul.f32 v39, v42  }
0x148: {  	v48 =	vld [tilespmem:s13+$0xACB0];
	v47 =	vmul.f32 v40, v42;
	[tilespmem:s13+$0xAC40] =	vst v44  }
0x149: {  	v50 =	vld [tilespmem:s13+$0xACC0];
	v49 =	vperm.xlane v16, v2;
	[tilespmem:s13+$0xAC50] =	vst v17;
	v17 =	vmul.f32 v41, v42  }
0x14a: {  	v52 =	vld [tilespmem:s13+$0xACD0];
	v51 =	vmul.f32 v43, v42;
	[tilespmem:s13+$0xAC60] =	vst v47  }
0x14b: {  	v53 =	vld [tilespmem:s13+$0xACE0];
	[tilespmem:s13+$0xAC70] =	vst v17;
	v17 =	vmul.f32 v45, v49  }
0x14c: {  	v55 =	vld [tilespmem:s13+$0xACF0];
	v54 =	vmul.f32 v46, v49;
	[tilespmem:s13+$0xAC80] =	vst v51  }
0x14d: {  	v57 =	vld [tilespmem:s13+$0xAD00];
	v56 =	vperm.xlane v16, v3;
	[tilespmem:s13+$0xAC90] =	vst v17;
	v17 =	vmul.f32 v48, v49  }
0x14e: {  	v59 =	vld [tilespmem:s13+$0xAD10];
	v58 =	vmul.f32 v50, v49;
	[tilespmem:s13+$0xACA0] =	vst v54  }
0x14f: {  	v60 =	vld [tilespmem:s13+$0xAD20];
	[tilespmem:s13+$0xACB0] =	vst v17;
	v17 =	vmul.f32 v52, v56  }
0x150: {  	v62 =	vld [tilespmem:s13+$0xAD30];
	v61 =	vmul.f32 v53, v56;
	[tilespmem:s13+$0xACC0] =	vst v58  }
0x151: {  	v28 =	vld [tilespmem:s13+$0xAD40];
	v63 =	vperm.xlane v16, v4;
	[tilespmem:s13+$0xACD0] =	vst v17;
	v17 =	vmul.f32 v55, v56  }
0x152: {  	v30 =	vld [tilespmem:s13+$0xAD50];
	v29 =	vmul.f32 v57, v56;
	[tilespmem:s13+$0xACE0] =	vst v61  }
0x153: {  	v31 =	vld [tilespmem:s13+$0xAD60];
	[tilespmem:s13+$0xACF0] =	vst v17;
	v17 =	vmul.f32 v59, v63  }
0x154: {  	v33 =	vld [tilespmem:s13+$0xAD70];
	v32 =	vmul.f32 v60, v63;
	[tilespmem:s13+$0xAD00] =	vst v29  }
0x155: {  	v34 =	vperm.xlane v16, v5;
	v35 =	vld [tilespmem:s13+$0xAD80];
	[tilespmem:s13+$0xAD10] =	vst v17;
	v17 =	vmul.f32 v62, v63  }
0x156: {  	[tilespmem:s13+$0xAD20] =	vst v32;
	v36 =	vmul.f32 v28, v63;
	v37 =	vld [tilespmem:s13+$0xAD90]  }
0x157: {  	v38 =	vld [tilespmem:s13+$0xADA0];
	[tilespmem:s13+$0xAD30] =	vst v17;
	v17 =	vmul.f32 v30, v34  }
0x158: {  	v40 =	vld [tilespmem:s13+$0xADB0];
	[tilespmem:s13+$0xAD40] =	vst v36;
	v39 =	vmul.f32 v31, v34  }
0x159: {  	v41 =	vperm.xlane v16, v6;
	v42 =	vld [tilespmem:s13+$0xADC0];
	[tilespmem:s13+$0xAD50] =	vst v17;
	v17 =	vmul.f32 v33, v34  }
0x15a: {  	v44 =	vld [tilespmem:s13+$0xADD0];
	v43 =	vmul.f32 v35, v34;
	[tilespmem:s13+$0xAD60] =	vst v39  }
0x15b: {  	v45 =	vld [tilespmem:s13+$0xADE0];
	[tilespmem:s13+$0xAD70] =	vst v17;
	v17 =	vmul.f32 v37, v41  }
0x15c: {  	v47 =	vld [tilespmem:s13+$0xADF0];
	[tilespmem:s13+$0xAD80] =	vst v43;
	v46 =	vmul.f32 v38, v41  }
0x15d: {  	v48 =	vperm.xlane v16, v7;
	v49 =	vld [tilespmem:s13+$0xAE00];
	[tilespmem:s13+$0xAD90] =	vst v17;
	v17 =	vmul.f32 v40, v41  }
0x15e: {  	v51 =	vld [tilespmem:s13+$0xAE10];
	[tilespmem:s13+$0xADA0] =	vst v46;
	v50 =	vmul.f32 v42, v41  }
0x15f: {  	v52 =	vld [tilespmem:s13+$0xAE20];
	[tilespmem:s13+$0xADB0] =	vst v17;
	v17 =	vmul.f32 v44, v48  }
0x160: {  	v54 =	vld [tilespmem:s13+$0xAE30];
	[tilespmem:s13+$0xADC0] =	vst v50;
	v53 =	vmul.f32 v45, v48  }
0x161: {  	v55 =	vperm.xlane v16, v8;
	v56 =	vld [tilespmem:s13+$0xAE40];
	[tilespmem:s13+$0xADD0] =	vst v17;
	v17 =	vmul.f32 v47, v48  }
0x162: {  	v58 =	vld [tilespmem:s13+$0xAE50];
	[tilespmem:s13+$0xADE0] =	vst v53;
	v57 =	vmul.f32 v49, v48  }
0x163: {  	v59 =	vld [tilespmem:s13+$0xAE60];
	[tilespmem:s13+$0xADF0] =	vst v17;
	v17 =	vmul.f32 v51, v55  }
0x164: {  	v61 =	vld [tilespmem:s13+$0xAE70];
	[tilespmem:s13+$0xAE00] =	vst v57;
	v60 =	vmul.f32 v52, v55  }
0x165: {  	v57 =	vld [tilespmem:s13+$0xAFA0];
	v62 =	vperm.xlane v16, v9;
	[tilespmem:s13+$0xAE10] =	vst v17;
	v17 =	vmul.f32 v54, v55  }
0x166: {  	v28 =	vld [tilespmem:s13+$0xAE90];
	[tilespmem:s13+$0xAE20] =	vst v60;
	v27 =	vmul.f32 v56, v55  }
0x167: {  	v32 =	vperm.xlane v16, v10;
	v63 =	vld [tilespmem:s13+$0xAE80];
	[tilespmem:s13+$0xAE30] =	vst v17;
	v17 =	vmul.f32 v58, v62  }
0x168: {  	v31 =	vld [tilespmem:s13+$0xAEB0];
	v60 =	vperm.xlane v16, v14;
	[tilespmem:s13+$0xAE40] =	vst v27;
	v30 =	vmul.f32 v59, v62  }
0x169: {  	v25 =	vld [tilespmem:s13+$0xAFE0];
	v39 =	vperm.xlane v16, v11;
	[tilespmem:s13+$0xAE50] =	vst v17;
	v17 =	vmul.f32 v61, v62  }
0x16a: {  	v35 =	vld [tilespmem:s13+$0xAED0];
	v46 =	vperm.xlane v16, v12;
	v26 =	vmul.f32 v57, v60;
	[tilespmem:s13+$0xAE60] =	vst v30  }
0x16b: {  	v29 =	vld [tilespmem:s13+$0xAEA0];
	v53 =	vperm.xlane v16, v13;
	[tilespmem:s13+$0xAE70] =	vst v17;
	v17 =	vmul.f32 v28, v32  }
0x16c: {  	v38 =	vld [tilespmem:s13+$0xAEF0];
	v16 =	vperm.xlane v16, v15;
	v34 =	vmul.f32 v63, v62;
	[tilespmem:s13+$0xAFA0] =	vst v26  }
0x16d: {  	v33 =	vld [tilespmem:s13+$0xAEC0];
	[tilespmem:s13+$0xAE90] =	vst v17;
	v17 =	vmul.f32 v31, v32  }
0x16e: {  	v42 =	vld [tilespmem:s13+$0xAF10];
	v30 =	vmul.f32 v25, v16;
	[tilespmem:s13+$0xAE80] =	vst v34  }
0x16f: {  	v36 =	vld [tilespmem:s13+$0xAEE0];
	[tilespmem:s13+$0xAEB0] =	vst v17;
	v17 =	vmul.f32 v35, v39  }
0x170: {  	v45 =	vld [tilespmem:s13+$0xAF30];
	v37 =	vmul.f32 v29, v32;
	[tilespmem:s13+$0xAFE0] =	vst v30  }
0x171: {  	v40 =	vld [tilespmem:s13+$0xAF00];
	[tilespmem:s13+$0xAED0] =	vst v17;
	v17 =	vmul.f32 v38, v39  }
0x172: {  	v49 =	vld [tilespmem:s13+$0xAF50];
	[tilespmem:s13+$0xAEA0] =	vst v37;
	v41 =	vmul.f32 v33, v32  }
0x173: {  	v43 =	vld [tilespmem:s13+$0xAF20];
	[tilespmem:s13+$0xAEF0] =	vst v17;
	v17 =	vmul.f32 v42, v46  }
0x174: {  	v52 =	vld [tilespmem:s13+$0xAF70];
	v44 =	vmul.f32 v36, v39;
	[tilespmem:s13+$0xAEC0] =	vst v41  }
0x175: {  	v47 =	vld [tilespmem:s13+$0xAF40];
	[tilespmem:s13+$0xAF10] =	vst v17;
	v17 =	vmul.f32 v45, v46  }
0x176: {  	v56 =	vld [tilespmem:s13+$0xAF90];
	[tilespmem:s13+$0xAEE0] =	vst v44;
	v48 =	vmul.f32 v40, v39  }
0x177: {  	v50 =	vld [tilespmem:s13+$0xAF60];
	[tilespmem:s13+$0xAF30] =	vst v17;
	v17 =	vmul.f32 v49, v53  }
0x178: {  	v59 =	vld [tilespmem:s13+$0xAFB0];
	v51 =	vmul.f32 v43, v46;
	[tilespmem:s13+$0xAF00] =	vst v48  }
0x179: {  	v54 =	vld [tilespmem:s13+$0xAF80];
	[tilespmem:s13+$0xAF50] =	vst v17;
	v17 =	vmul.f32 v52, v53  }
0x17a: {  	v63 =	vld [tilespmem:s13+$0xAFD0];
	[tilespmem:s13+$0xAF20] =	vst v51;
	v55 =	vmul.f32 v47, v46  }
0x17b: {  	v61 =	vld [tilespmem:s13+$0xAFC0];
	[tilespmem:s13+$0xAF70] =	vst v17;
	v17 =	vmul.f32 v56, v60  }
0x17c: {  	v27 =	vld [tilespmem:s13+$0xAFF0];
	v58 =	vmul.f32 v50, v53;
	[tilespmem:s13+$0xAF40] =	vst v55  }
0x17d: {  	v28 =	vld [tilespmem:s13+$0xB000];
	[tilespmem:s13+$0xAF90] =	vst v17;
	v17 =	vmul.f32 v59, v60  }
0x17e: {  	[tilespmem:s13+$0xAF60] =	vst v58;
	v62 =	vmul.f32 v54, v53  }
0x17f: {  	[tilespmem:s13+$0xAFB0] =	vst v17;
	v17 =	vmul.f32 v63, v16  }
0x180: {  	[tilespmem:s13+$0xAF80] =	vst v62;
	v29 =	vmul.f32 v61, v60  }
0x181: {  	[tilespmem:s13+$0xAFD0] =	vst v17;
	v17 =	vmul.f32 v27, v16  }
0x182: {  	[tilespmem:s13+$0xAFC0] =	vst v29;
	v16 =	vmul.f32 v28, v16  }
0x183: {  	[tilespmem:s13+$0xAFF0] =	vst v17  }
0x184: {  	[tilespmem:s13+$0xB000] =	vst v16  }
0x185: {  	v16 =	vld [tilespmem:s14+$0x2F10];
	_ =	sdelay $0x1  }
0x186: {  	v17 =	vld [tilespmem:s13+$0xB010]  }
0x187: {  	v31 =	vld [tilespmem:s13+$0xB020]  }
0x188: {  	v32 =	vld [tilespmem:s13+$0xB030]  }
0x189: {  	v34 =	vld [tilespmem:s13+$0xB040];
	v33 =	vperm.xlane v16, v0  }
0x18a: {  	v35 =	vld [tilespmem:s13+$0xB050]  }
0x18b: {  	v36 =	vld [tilespmem:s13+$0xB060];
	v17 =	vmul.f32 v17, v33  }
0x18c: {  	v37 =	vld [tilespmem:s13+$0xB070];
	v18 =	vmul.f32 v31, v33  }
0x18d: {  	v39 =	vld [tilespmem:s13+$0xB080];
	v38 =	vperm.xlane v16, v1;
	[tilespmem:s13+$0xB010] =	vst v17;
	v17 =	vmul.f32 v32, v33  }
0x18e: {  	v41 =	vld [tilespmem:s13+$0xB090];
	v40 =	vmul.f32 v34, v33;
	[tilespmem:s13+$0xB020] =	vst v18  }
0x18f: {  	v42 =	vld [tilespmem:s13+$0xB0A0];
	[tilespmem:s13+$0xB030] =	vst v17;
	v17 =	vmul.f32 v35, v38  }
0x190: {  	v44 =	vld [tilespmem:s13+$0xB0B0];
	v43 =	vmul.f32 v36, v38;
	[tilespmem:s13+$0xB040] =	vst v40  }
0x191: {  	v46 =	vld [tilespmem:s13+$0xB0C0];
	v45 =	vperm.xlane v16, v2;
	[tilespmem:s13+$0xB050] =	vst v17;
	v17 =	vmul.f32 v37, v38  }
0x192: {  	v48 =	vld [tilespmem:s13+$0xB0D0];
	v47 =	vmul.f32 v39, v38;
	[tilespmem:s13+$0xB060] =	vst v43  }
0x193: {  	v49 =	vld [tilespmem:s13+$0xB0E0];
	[tilespmem:s13+$0xB070] =	vst v17;
	v17 =	vmul.f32 v41, v45  }
0x194: {  	v51 =	vld [tilespmem:s13+$0xB0F0];
	v50 =	vmul.f32 v42, v45;
	[tilespmem:s13+$0xB080] =	vst v47  }
0x195: {  	v53 =	vld [tilespmem:s13+$0xB100];
	v52 =	vperm.xlane v16, v3;
	[tilespmem:s13+$0xB090] =	vst v17;
	v17 =	vmul.f32 v44, v45  }
0x196: {  	v55 =	vld [tilespmem:s13+$0xB110];
	v54 =	vmul.f32 v46, v45;
	[tilespmem:s13+$0xB0A0] =	vst v50  }
0x197: {  	v56 =	vld [tilespmem:s13+$0xB120];
	[tilespmem:s13+$0xB0B0] =	vst v17;
	v17 =	vmul.f32 v48, v52  }
0x198: {  	v58 =	vld [tilespmem:s13+$0xB130];
	v57 =	vmul.f32 v49, v52;
	[tilespmem:s13+$0xB0C0] =	vst v54  }
0x199: {  	v60 =	vld [tilespmem:s13+$0xB140];
	v59 =	vperm.xlane v16, v4;
	[tilespmem:s13+$0xB0D0] =	vst v17;
	v17 =	vmul.f32 v51, v52  }
0x19a: {  	v62 =	vld [tilespmem:s13+$0xB150];
	v61 =	vmul.f32 v53, v52;
	[tilespmem:s13+$0xB0E0] =	vst v57  }
0x19b: {  	v63 =	vld [tilespmem:s13+$0xB160];
	[tilespmem:s13+$0xB0F0] =	vst v17;
	v17 =	vmul.f32 v55, v59  }
0x19c: {  	v29 =	vld [tilespmem:s13+$0xB170];
	v28 =	vmul.f32 v56, v59;
	[tilespmem:s13+$0xB100] =	vst v61  }
0x19d: {  	v30 =	vperm.xlane v16, v5;
	v31 =	vld [tilespmem:s13+$0xB180];
	[tilespmem:s13+$0xB110] =	vst v17;
	v17 =	vmul.f32 v58, v59  }
0x19e: {  	[tilespmem:s13+$0xB120] =	vst v28;
	v32 =	vmul.f32 v60, v59;
	v33 =	vld [tilespmem:s13+$0xB190]  }
0x19f: {  	v34 =	vld [tilespmem:s13+$0xB1A0];
	[tilespmem:s13+$0xB130] =	vst v17;
	v17 =	vmul.f32 v62, v30  }
0x1a0: {  	v36 =	vld [tilespmem:s13+$0xB1B0];
	[tilespmem:s13+$0xB140] =	vst v32;
	v35 =	vmul.f32 v63, v30  }
0x1a1: {  	v37 =	vperm.xlane v16, v6;
	v38 =	vld [tilespmem:s13+$0xB1C0];
	[tilespmem:s13+$0xB150] =	vst v17;
	v17 =	vmul.f32 v29, v30  }
0x1a2: {  	v40 =	vld [tilespmem:s13+$0xB1D0];
	v39 =	vmul.f32 v31, v30;
	[tilespmem:s13+$0xB160] =	vst v35  }
0x1a3: {  	v41 =	vld [tilespmem:s13+$0xB1E0];
	[tilespmem:s13+$0xB170] =	vst v17;
	v17 =	vmul.f32 v33, v37  }
0x1a4: {  	v43 =	vld [tilespmem:s13+$0xB1F0];
	[tilespmem:s13+$0xB180] =	vst v39;
	v42 =	vmul.f32 v34, v37  }
0x1a5: {  	v44 =	vperm.xlane v16, v7;
	v45 =	vld [tilespmem:s13+$0xB200];
	[tilespmem:s13+$0xB190] =	vst v17;
	v17 =	vmul.f32 v36, v37  }
0x1a6: {  	v47 =	vld [tilespmem:s13+$0xB210];
	[tilespmem:s13+$0xB1A0] =	vst v42;
	v46 =	vmul.f32 v38, v37  }
0x1a7: {  	v48 =	vld [tilespmem:s13+$0xB220];
	[tilespmem:s13+$0xB1B0] =	vst v17;
	v17 =	vmul.f32 v40, v44  }
0x1a8: {  	v50 =	vld [tilespmem:s13+$0xB230];
	[tilespmem:s13+$0xB1C0] =	vst v46;
	v49 =	vmul.f32 v41, v44  }
0x1a9: {  	v51 =	vperm.xlane v16, v8;
	v52 =	vld [tilespmem:s13+$0xB240];
	[tilespmem:s13+$0xB1D0] =	vst v17;
	v17 =	vmul.f32 v43, v44  }
0x1aa: {  	v54 =	vld [tilespmem:s13+$0xB250];
	[tilespmem:s13+$0xB1E0] =	vst v49;
	v53 =	vmul.f32 v45, v44  }
0x1ab: {  	v55 =	vld [tilespmem:s13+$0xB260];
	[tilespmem:s13+$0xB1F0] =	vst v17;
	v17 =	vmul.f32 v47, v51  }
0x1ac: {  	v57 =	vld [tilespmem:s13+$0xB270];
	[tilespmem:s13+$0xB200] =	vst v53;
	v56 =	vmul.f32 v48, v51  }
0x1ad: {  	v58 =	vperm.xlane v16, v9;
	v59 =	vld [tilespmem:s13+$0xB280];
	[tilespmem:s13+$0xB210] =	vst v17;
	v17 =	vmul.f32 v50, v51  }
0x1ae: {  	v61 =	vld [tilespmem:s13+$0xB290];
	[tilespmem:s13+$0xB220] =	vst v56;
	v60 =	vmul.f32 v52, v51  }
0x1af: {  	v62 =	vld [tilespmem:s13+$0xB2A0];
	[tilespmem:s13+$0xB230] =	vst v17;
	v17 =	vmul.f32 v54, v58  }
0x1b0: {  	v28 =	vld [tilespmem:s13+$0xB2B0];
	[tilespmem:s13+$0xB240] =	vst v60;
	v63 =	vmul.f32 v55, v58  }
0x1b1: {  	v29 =	vperm.xlane v16, v10;
	v30 =	vld [tilespmem:s13+$0xB2C0];
	[tilespmem:s13+$0xB250] =	vst v17;
	v17 =	vmul.f32 v57, v58  }
0x1b2: {  	v32 =	vld [tilespmem:s13+$0xB2D0];
	[tilespmem:s13+$0xB260] =	vst v63;
	v31 =	vmul.f32 v59, v58  }
0x1b3: {  	v33 =	vld [tilespmem:s13+$0xB2E0];
	[tilespmem:s13+$0xB270] =	vst v17;
	v17 =	vmul.f32 v61, v29  }
0x1b4: {  	v35 =	vld [tilespmem:s13+$0xB2F0];
	[tilespmem:s13+$0xB280] =	vst v31;
	v34 =	vmul.f32 v62, v29  }
0x1b5: {  	v36 =	vperm.xlane v16, v11;
	v37 =	vld [tilespmem:s13+$0xB300];
	[tilespmem:s13+$0xB290] =	vst v17;
	v17 =	vmul.f32 v28, v29  }
0x1b6: {  	v39 =	vld [tilespmem:s13+$0xB310];
	[tilespmem:s13+$0xB2A0] =	vst v34;
	v38 =	vmul.f32 v30, v29  }
0x1b7: {  	v40 =	vld [tilespmem:s13+$0xB320];
	[tilespmem:s13+$0xB2B0] =	vst v17;
	v17 =	vmul.f32 v32, v36  }
0x1b8: {  	v42 =	vld [tilespmem:s13+$0xB330];
	[tilespmem:s13+$0xB2C0] =	vst v38;
	v41 =	vmul.f32 v33, v36  }
0x1b9: {  	v43 =	vperm.xlane v16, v12;
	v44 =	vld [tilespmem:s13+$0xB340];
	[tilespmem:s13+$0xB2D0] =	vst v17;
	v17 =	vmul.f32 v35, v36  }
0x1ba: {  	v46 =	vld [tilespmem:s13+$0xB350];
	[tilespmem:s13+$0xB2E0] =	vst v41;
	v45 =	vmul.f32 v37, v36  }
0x1bb: {  	v47 =	vld [tilespmem:s13+$0xB360];
	[tilespmem:s13+$0xB2F0] =	vst v17;
	v17 =	vmul.f32 v39, v43  }
0x1bc: {  	v49 =	vld [tilespmem:s13+$0xB370];
	[tilespmem:s13+$0xB300] =	vst v45;
	v48 =	vmul.f32 v40, v43  }
0x1bd: {  	v50 =	vperm.xlane v16, v13;
	v51 =	vld [tilespmem:s13+$0xB380];
	[tilespmem:s13+$0xB310] =	vst v17;
	v17 =	vmul.f32 v42, v43  }
0x1be: {  	v53 =	vld [tilespmem:s13+$0xB390];
	[tilespmem:s13+$0xB320] =	vst v48;
	v52 =	vmul.f32 v44, v43  }
0x1bf: {  	v54 =	vld [tilespmem:s13+$0xB3A0];
	[tilespmem:s13+$0xB330] =	vst v17;
	v17 =	vmul.f32 v46, v50  }
0x1c0: {  	v56 =	vld [tilespmem:s13+$0xB3B0];
	[tilespmem:s13+$0xB340] =	vst v52;
	v55 =	vmul.f32 v47, v50  }
0x1c1: {  	v57 =	vperm.xlane v16, v14;
	v58 =	vld [tilespmem:s13+$0xB3C0];
	[tilespmem:s13+$0xB350] =	vst v17;
	v17 =	vmul.f32 v49, v50  }
0x1c2: {  	v60 =	vld [tilespmem:s13+$0xB3D0];
	[tilespmem:s13+$0xB360] =	vst v55;
	v59 =	vmul.f32 v51, v50  }
0x1c3: {  	v61 =	vld [tilespmem:s13+$0xB3E0];
	[tilespmem:s13+$0xB370] =	vst v17;
	v17 =	vmul.f32 v53, v57  }
0x1c4: {  	v63 =	vld [tilespmem:s13+$0xB3F0];
	[tilespmem:s13+$0xB380] =	vst v59;
	v62 =	vmul.f32 v54, v57  }
0x1c5: {  	v25 =	vld [tilespmem:s13+$0xB400];
	v16 =	vperm.xlane v16, v15;
	[tilespmem:s13+$0xB390] =	vst v17;
	v17 =	vmul.f32 v56, v57  }
0x1c6: {  	[tilespmem:s13+$0xB3A0] =	vst v62;
	v26 =	vmul.f32 v58, v57  }
0x1c7: {  	[tilespmem:s13+$0xB3B0] =	vst v17;
	v17 =	vmul.f32 v60, v16  }
0x1c8: {  	[tilespmem:s13+$0xB3C0] =	vst v26;
	v27 =	vmul.f32 v61, v16  }
0x1c9: {  	[tilespmem:s13+$0xB3D0] =	vst v17;
	v17 =	vmul.f32 v63, v16  }
0x1ca: {  	[tilespmem:s13+$0xB3E0] =	vst v27;
	v16 =	vmul.f32 v25, v16  }
0x1cb: {  	[tilespmem:s13+$0xB3F0] =	vst v17  }
0x1cc: {  	[tilespmem:s13+$0xB400] =	vst v16  }
0x1cd: {  	v16 =	vld [tilespmem:s14+$0x2F20];
	_ =	sdelay $0x1  }
0x1ce: {  	v17 =	vld [tilespmem:s13+$0xB410]  }
0x1cf: {  	v28 =	vld [tilespmem:s13+$0xB420]  }
0x1d0: {  	v29 =	vld [tilespmem:s13+$0xB430]  }
0x1d1: {  	v31 =	vld [tilespmem:s13+$0xB440];
	v30 =	vperm.xlane v16, v0  }
0x1d2: {  	v32 =	vld [tilespmem:s13+$0xB450]  }
0x1d3: {  	v33 =	vld [tilespmem:s13+$0xB460];
	v17 =	vmul.f32 v17, v30  }
0x1d4: {  	v34 =	vld [tilespmem:s13+$0xB470];
	v18 =	vmul.f32 v28, v30  }
0x1d5: {  	v36 =	vld [tilespmem:s13+$0xB480];
	v35 =	vperm.xlane v16, v1;
	[tilespmem:s13+$0xB410] =	vst v17;
	v17 =	vmul.f32 v29, v30  }
0x1d6: {  	v38 =	vld [tilespmem:s13+$0xB490];
	v37 =	vmul.f32 v31, v30;
	[tilespmem:s13+$0xB420] =	vst v18  }
0x1d7: {  	v39 =	vld [tilespmem:s13+$0xB4A0];
	[tilespmem:s13+$0xB430] =	vst v17;
	v17 =	vmul.f32 v32, v35  }
0x1d8: {  	v41 =	vld [tilespmem:s13+$0xB4B0];
	v40 =	vmul.f32 v33, v35;
	[tilespmem:s13+$0xB440] =	vst v37  }
0x1d9: {  	v43 =	vld [tilespmem:s13+$0xB4C0];
	v42 =	vperm.xlane v16, v2;
	[tilespmem:s13+$0xB450] =	vst v17;
	v17 =	vmul.f32 v34, v35  }
0x1da: {  	v45 =	vld [tilespmem:s13+$0xB4D0];
	v44 =	vmul.f32 v36, v35;
	[tilespmem:s13+$0xB460] =	vst v40  }
0x1db: {  	v46 =	vld [tilespmem:s13+$0xB4E0];
	[tilespmem:s13+$0xB470] =	vst v17;
	v17 =	vmul.f32 v38, v42  }
0x1dc: {  	v48 =	vld [tilespmem:s13+$0xB4F0];
	v47 =	vmul.f32 v39, v42;
	[tilespmem:s13+$0xB480] =	vst v44  }
0x1dd: {  	v50 =	vld [tilespmem:s13+$0xB500];
	v49 =	vperm.xlane v16, v3;
	[tilespmem:s13+$0xB490] =	vst v17;
	v17 =	vmul.f32 v41, v42  }
0x1de: {  	v52 =	vld [tilespmem:s13+$0xB510];
	v51 =	vmul.f32 v43, v42;
	[tilespmem:s13+$0xB4A0] =	vst v47  }
0x1df: {  	v53 =	vld [tilespmem:s13+$0xB520];
	[tilespmem:s13+$0xB4B0] =	vst v17;
	v17 =	vmul.f32 v45, v49  }
0x1e0: {  	v55 =	vld [tilespmem:s13+$0xB530];
	v54 =	vmul.f32 v46, v49;
	[tilespmem:s13+$0xB4C0] =	vst v51  }
0x1e1: {  	v57 =	vld [tilespmem:s13+$0xB540];
	v56 =	vperm.xlane v16, v4;
	[tilespmem:s13+$0xB4D0] =	vst v17;
	v17 =	vmul.f32 v48, v49  }
0x1e2: {  	v59 =	vld [tilespmem:s13+$0xB550];
	v58 =	vmul.f32 v50, v49;
	[tilespmem:s13+$0xB4E0] =	vst v54  }
0x1e3: {  	v60 =	vld [tilespmem:s13+$0xB560];
	[tilespmem:s13+$0xB4F0] =	vst v17;
	v17 =	vmul.f32 v52, v56  }
0x1e4: {  	v62 =	vld [tilespmem:s13+$0xB570];
	v61 =	vmul.f32 v53, v56;
	[tilespmem:s13+$0xB500] =	vst v58  }
0x1e5: {  	v63 =	vperm.xlane v16, v5;
	v28 =	vld [tilespmem:s13+$0xB580];
	[tilespmem:s13+$0xB510] =	vst v17;
	v17 =	vmul.f32 v55, v56  }
0x1e6: {  	[tilespmem:s13+$0xB520] =	vst v61;
	v29 =	vmul.f32 v57, v56;
	v30 =	vld [tilespmem:s13+$0xB590]  }
0x1e7: {  	v31 =	vld [tilespmem:s13+$0xB5A0];
	[tilespmem:s13+$0xB530] =	vst v17;
	v17 =	vmul.f32 v59, v63  }
0x1e8: {  	v33 =	vld [tilespmem:s13+$0xB5B0];
	[tilespmem:s13+$0xB540] =	vst v29;
	v32 =	vmul.f32 v60, v63  }
0x1e9: {  	v34 =	vperm.xlane v16, v6;
	v35 =	vld [tilespmem:s13+$0xB5C0];
	[tilespmem:s13+$0xB550] =	vst v17;
	v17 =	vmul.f32 v62, v63  }
0x1ea: {  	v37 =	vld [tilespmem:s13+$0xB5D0];
	v36 =	vmul.f32 v28, v63;
	[tilespmem:s13+$0xB560] =	vst v32  }
0x1eb: {  	v38 =	vld [tilespmem:s13+$0xB5E0];
	[tilespmem:s13+$0xB570] =	vst v17;
	v17 =	vmul.f32 v30, v34  }
0x1ec: {  	v40 =	vld [tilespmem:s13+$0xB5F0];
	[tilespmem:s13+$0xB580] =	vst v36;
	v39 =	vmul.f32 v31, v34  }
0x1ed: {  	v41 =	vperm.xlane v16, v7;
	v42 =	vld [tilespmem:s13+$0xB600];
	[tilespmem:s13+$0xB590] =	vst v17;
	v17 =	vmul.f32 v33, v34  }
0x1ee: {  	v44 =	vld [tilespmem:s13+$0xB610];
	[tilespmem:s13+$0xB5A0] =	vst v39;
	v43 =	vmul.f32 v35, v34  }
0x1ef: {  	v45 =	vld [tilespmem:s13+$0xB620];
	[tilespmem:s13+$0xB5B0] =	vst v17;
	v17 =	vmul.f32 v37, v41  }
0x1f0: {  	v47 =	vld [tilespmem:s13+$0xB630];
	[tilespmem:s13+$0xB5C0] =	vst v43;
	v46 =	vmul.f32 v38, v41  }
0x1f1: {  	v48 =	vperm.xlane v16, v8;
	v49 =	vld [tilespmem:s13+$0xB640];
	[tilespmem:s13+$0xB5D0] =	vst v17;
	v17 =	vmul.f32 v40, v41  }
0x1f2: {  	v51 =	vld [tilespmem:s13+$0xB650];
	[tilespmem:s13+$0xB5E0] =	vst v46;
	v50 =	vmul.f32 v42, v41  }
0x1f3: {  	v52 =	vld [tilespmem:s13+$0xB660];
	[tilespmem:s13+$0xB5F0] =	vst v17;
	v17 =	vmul.f32 v44, v48  }
0x1f4: {  	v54 =	vld [tilespmem:s13+$0xB670];
	[tilespmem:s13+$0xB600] =	vst v50;
	v53 =	vmul.f32 v45, v48  }
0x1f5: {  	v55 =	vperm.xlane v16, v9;
	v56 =	vld [tilespmem:s13+$0xB680];
	[tilespmem:s13+$0xB610] =	vst v17;
	v17 =	vmul.f32 v47, v48  }
0x1f6: {  	v58 =	vld [tilespmem:s13+$0xB690];
	[tilespmem:s13+$0xB620] =	vst v53;
	v57 =	vmul.f32 v49, v48  }
0x1f7: {  	v59 =	vld [tilespmem:s13+$0xB6A0];
	[tilespmem:s13+$0xB630] =	vst v17;
	v17 =	vmul.f32 v51, v55  }
0x1f8: {  	v61 =	vld [tilespmem:s13+$0xB6B0];
	[tilespmem:s13+$0xB640] =	vst v57;
	v60 =	vmul.f32 v52, v55  }
0x1f9: {  	v62 =	vperm.xlane v16, v10;
	v63 =	vld [tilespmem:s13+$0xB6C0];
	[tilespmem:s13+$0xB650] =	vst v17;
	v17 =	vmul.f32 v54, v55  }
0x1fa: {  	v29 =	vld [tilespmem:s13+$0xB6D0];
	[tilespmem:s13+$0xB660] =	vst v60;
	v28 =	vmul.f32 v56, v55  }
0x1fb: {  	v30 =	vld [tilespmem:s13+$0xB6E0];
	[tilespmem:s13+$0xB670] =	vst v17;
	v17 =	vmul.f32 v58, v62  }
0x1fc: {  	v32 =	vld [tilespmem:s13+$0xB6F0];
	[tilespmem:s13+$0xB680] =	vst v28;
	v31 =	vmul.f32 v59, v62  }
0x1fd: {  	v33 =	vperm.xlane v16, v11;
	v34 =	vld [tilespmem:s13+$0xB700];
	[tilespmem:s13+$0xB690] =	vst v17;
	v17 =	vmul.f32 v61, v62  }
0x1fe: {  	v36 =	vld [tilespmem:s13+$0xB710];
	[tilespmem:s13+$0xB6A0] =	vst v31;
	v35 =	vmul.f32 v63, v62  }
0x1ff: {  	v37 =	vld [tilespmem:s13+$0xB720];
	[tilespmem:s13+$0xB6B0] =	vst v17;
	v17 =	vmul.f32 v29, v33  }
0x200: {  	v39 =	vld [tilespmem:s13+$0xB730];
	[tilespmem:s13+$0xB6C0] =	vst v35;
	v38 =	vmul.f32 v30, v33  }
0x201: {  	v40 =	vperm.xlane v16, v12;
	v41 =	vld [tilespmem:s13+$0xB740];
	[tilespmem:s13+$0xB6D0] =	vst v17;
	v17 =	vmul.f32 v32, v33  }
0x202: {  	v43 =	vld [tilespmem:s13+$0xB750];
	[tilespmem:s13+$0xB6E0] =	vst v38;
	v42 =	vmul.f32 v34, v33  }
0x203: {  	v44 =	vld [tilespmem:s13+$0xB760];
	[tilespmem:s13+$0xB6F0] =	vst v17;
	v17 =	vmul.f32 v36, v40  }
0x204: {  	v46 =	vld [tilespmem:s13+$0xB770];
	[tilespmem:s13+$0xB700] =	vst v42;
	v45 =	vmul.f32 v37, v40  }
0x205: {  	v47 =	vperm.xlane v16, v13;
	v48 =	vld [tilespmem:s13+$0xB780];
	[tilespmem:s13+$0xB710] =	vst v17;
	v17 =	vmul.f32 v39, v40  }
0x206: {  	v50 =	vld [tilespmem:s13+$0xB790];
	[tilespmem:s13+$0xB720] =	vst v45;
	v49 =	vmul.f32 v41, v40  }
0x207: {  	v51 =	vld [tilespmem:s13+$0xB7A0];
	[tilespmem:s13+$0xB730] =	vst v17;
	v17 =	vmul.f32 v43, v47  }
0x208: {  	v53 =	vld [tilespmem:s13+$0xB7B0];
	[tilespmem:s13+$0xB740] =	vst v49;
	v52 =	vmul.f32 v44, v47  }
0x209: {  	v54 =	vperm.xlane v16, v14;
	v55 =	vld [tilespmem:s13+$0xB7C0];
	[tilespmem:s13+$0xB750] =	vst v17;
	v17 =	vmul.f32 v46, v47  }
0x20a: {  	v57 =	vld [tilespmem:s13+$0xB7D0];
	[tilespmem:s13+$0xB760] =	vst v52;
	v56 =	vmul.f32 v48, v47  }
0x20b: {  	v58 =	vld [tilespmem:s13+$0xB7E0];
	[tilespmem:s13+$0xB770] =	vst v17;
	v17 =	vmul.f32 v50, v54  }
0x20c: {  	v60 =	vld [tilespmem:s13+$0xB7F0];
	[tilespmem:s13+$0xB780] =	vst v56;
	v59 =	vmul.f32 v51, v54  }
0x20d: {  	v16 =	vperm.xlane v16, v15;
	v61 =	vld [tilespmem:s13+$0xB800];
	[tilespmem:s13+$0xB790] =	vst v17;
	v17 =	vmul.f32 v53, v54  }
0x20e: {  	[tilespmem:s13+$0xB7A0] =	vst v59;
	v62 =	vmul.f32 v55, v54  }
0x20f: {  	s10 =	sadd.s32 $0x1, s10;
	[tilespmem:s13+$0xB7B0] =	vst v17;
	v17 =	vmul.f32 v57, v16  }
0x210: {  	p1 =	sne.s32 s10, $0x32;
	[tilespmem:s13+$0xB7C0] =	vst v62;
	v63 =	vmul.f32 v58, v16  }
.Ltmp1:
0x211: {  	[tilespmem:s13+$0xB7D0] =	vst v17;
	v17 =	vmul.f32 v60, v16;
	(pc) =	sbr.rel @p1 .LBB2_5-.Ltmp1, $4  }
0x212: {  	[tilespmem:s13+$0xB7E0] =	vst v63;
	v16 =	vmul.f32 v61, v16  }
0x213: {  	s11 =	sshra.s32 s11, $0x2;
	[tilespmem:s13+$0xB7F0] =	vst v17  }
0x214: {  	s11 =	sadd.s32 $0xFA0, s11;
	s12 =	sadd.s32 $0x4, s12;
	s15 =	sadd.s32 $0xA410, s13;
	[tilespmem:s13+$0xB800] =	vst v16  }
0x215: {  	[spmem:s2] =	stream.indirect.scatter.add.f32 [tilespmem:s15], [sflag:s12], $0x40, s11, s31, $0xb8;
	[tilespmem:$0x1AE50] =	vst v63  }
0x216: {  	s8 =	sadd.s32 $0x1, s8  }
0x217: {  	p1 =	sne.s32 s8, $0x5  }
.Ltmp2:
0x218: {  	_ = 	snop;
	(pc) =	sbr.rel @p1 .LBB2_2-.Ltmp2, $2  }
0x219: {  	_ =	sdelay $0x2  }
0x21a: {  	s1 =	sadd.s32 $0xFA0, s1  }
0x21b: {  	_ =	swait.ge [sflag:s0], $0x1400  }
0x21c: {  	[sflag:s0] =	ssyncset.done $0x0  }
0x21d: {  	[sflag:s0] =	ssyncadd.s32 $0xFFFFEC00  }
0x21e: {  	s1 =	simm.s32 @!p0 $0xE010;
	s8 =	simm.s32 @!p0 $0x7;
	[bflag:$0x0] =	sbarrier.arrive $0xFFFF  }
0x21f: {  	[tilespmem:s1], [sflag:$0x7] =	stream.linear.gather @!p0 [spmem:s21], $0x3200, $0x38;
	[tilespmem:$0x1AE50] =	vst v63  }
0x220: {  	_ =	swait.ge @!p0 [sflag:s8], $0x3200  }
0x221: {  	s9 =	simm.s32 @!p0 $0x40;
	[sflag:s8] =	ssyncset.done @!p0 $0x0  }
0x222: {  	s10 =	simm.s32 @!p0 $0x80;
	s11 =	rddreg [dreg:$0xa];
	[sflag:s8] =	ssyncadd.s32 @!p0 $0xFFFFCE00  }
0x223: {  	[hbm4b:s11+s9] =	stream.strided.scatter @!p0 [tilespmem:s1], [sflag:$0x7], $0x3200, s10, s9, $0x38;
	[tilespmem:$0x1AE50] =	vst v63  }
0x224: {  	_ =	swait.ge @!p0 [sflag:s8], $0x3200  }
0x225: {  	[sflag:s8] =	ssyncset.done @!p0 $0x0  }
0x226: {  	[sflag:s8] =	ssyncadd.s32 @!p0 $0xFFFFCE00  }
0x227: {  	[tilespmem:s1], [sflag:$0x7] =	stream.linear.gather @!p0 [spmem:s22], $0x3200, $0x38;
	[tilespmem:$0x1AE50] =	vst v63  }
0x228: {  	_ =	swait.ge @!p0 [sflag:s8], $0x3200  }
0x229: {  	[sflag:s8] =	ssyncset.done @!p0 $0x0  }
0x22a: {  	s11 =	rddreg [dreg:$0xb];
	[sflag:s8] =	ssyncadd.s32 @!p0 $0xFFFFCE00  }
0x22b: {  	[hbm4b:s11+s9] =	stream.strided.scatter @!p0 [tilespmem:s1], [sflag:$0x7], $0x3200, s10, s9, $0x38;
	[tilespmem:$0x1AE50] =	vst v63  }
0x22c: {  	_ =	swait.ge @!p0 [sflag:s8], $0x3200  }
0x22d: {  	[sflag:s8] =	ssyncset.done @!p0 $0x0  }
0x22e: {  	[sflag:s8] =	ssyncadd.s32 @!p0 $0xFFFFCE00  }
0x22f: {  	[tilespmem:s1], [sflag:$0x7] =	stream.linear.gather @!p0 [spmem:s23], $0x3200, $0x38;
	[tilespmem:$0x1AE50] =	vst v63  }
0x230: {  	_ =	swait.ge @!p0 [sflag:s8], $0x3200  }
0x231: {  	[sflag:s8] =	ssyncset.done @!p0 $0x0  }
0x232: {  	s11 =	rddreg [dreg:$0xc];
	[sflag:s8] =	ssyncadd.s32 @!p0 $0xFFFFCE00  }
0x233: {  	[hbm4b:s11+s9] =	stream.strided.scatter @!p0 [tilespmem:s1], [sflag:$0x7], $0x3200, s10, s9, $0x38;
	[tilespmem:$0x1AE50] =	vst v63  }
0x234: {  	_ =	swait.ge @!p0 [sflag:s8], $0x3200  }
0x235: {  	[sflag:s8] =	ssyncset.done @!p0 $0x0  }
0x236: {  	[sflag:s8] =	ssyncadd.s32 @!p0 $0xFFFFCE00  }
0x237: {  	[tilespmem:s1], [sflag:$0x7] =	stream.linear.gather @!p0 [spmem:s24], $0x3200, $0x38;
	[tilespmem:$0x1AE50] =	vst v63  }
0x238: {  	_ =	swait.ge @!p0 [sflag:s8], $0x3200  }
0x239: {  	[sflag:s8] =	ssyncset.done @!p0 $0x0  }
0x23a: {  	[sflag:s8] =	ssyncadd.s32 @!p0 $0xFFFFCE00  }
0x23b: {  	[hbm4b:s16+s9] =	stream.strided.scatter @!p0 [tilespmem:s1], [sflag:$0x7], $0x3200, s10, s9, $0x38;
	[tilespmem:$0x1AE50] =	vst v63  }
0x23c: {  	_ =	swait.ge @!p0 [sflag:s8], $0x3200  }
0x23d: {  	[sflag:s8] =	ssyncset.done @!p0 $0x0  }
0x23e: {  	[sflag:s8] =	ssyncadd.s32 @!p0 $0xFFFFCE00  }
0x23f: {  	[tilespmem:s1], [sflag:$0x7] =	stream.linear.gather @!p0 [spmem:s25], $0x3200, $0x38;
	[tilespmem:$0x1AE50] =	vst v63  }
0x240: {  	s4 =	sadd.s32 $0x1, s4;
	_ =	swait.ge @!p0 [sflag:s8], $0x3200  }
0x241: {  	p1 =	sne.s32 s4, s20;
	[sflag:s8] =	ssyncset.done @!p0 $0x0  }
.Ltmp3:
0x242: {  	[sflag:s8] =	ssyncadd.s32 @!p0 $0xFFFFCE00;
	(pc) =	sbr.rel @p1 .LBB2_1-.Ltmp3, $4  }
0x243: {  	[hbm4b:s17+s9] =	stream.strided.scatter @!p0 [tilespmem:s1], [sflag:$0x7], $0x3200, s10, s9, $0x38;
	[tilespmem:$0x1AE50] =	vst v63  }
0x244: {  	_ =	swait.ge @!p0 [sflag:s8], $0x3200  }
0x245: {  	[sflag:s8] =	ssyncset.done @!p0 $0x0  }
0x246: {  	[sflag:s8] =	ssyncadd.s32 @!p0 $0xFFFFCE00  }
0x247: {  	_ =	sfence.sel $0x180000  }
0x248: {  	[bflag:$0x0] =	sbarrier.arrive $0xFFFF  }
0x249: {  	_ =	strace $0x9000004A  }
0x24a: {  	s0 =	stileid.u32;
	[bflag:$0x2] =	sbarrier.arrive $0xFFFF  }
0x24b: {  	p0 =	sne.s32 s0, $0x0;
	s0 =	rddreg [dreg:$0x4]  }
0x24c: {  	s0 =	sadd.s32 @!p0 $0x100000, s0  }
0x24d: {  	[sflag:s0] =	ssyncadd.tile.s32 @!p0 $0x1;
	_ =	shalt  }
.Lfunc_end2:
_tile_overlayer_lowered:
.L_overlay_start_2:
0x24e: {  	(tag) =	ssettag $0x2  }
0x24f: {  	s0 =	rddreg [dreg:$0x0];
	s2 =	stileid.u32  }
0x250: {  	s1 =	rddreg [dreg:$0x1];
	p0 =	sne.s32 s2, $0x0  }
0x251: {  	s3 =	rddreg [dreg:$0x2];
	[bflag:$0x3] =	sbarrier.arrive $0xFFFF;
	s2 =	simm.s32 @!p0 $0x1C07  }
0x252: {  	[timem:s3], [sflag:s2] =	dma.local @!p0 [hbm:s0], s1  }
0x253: {  	s0 =	simm.s32 @!p0 $0x7  }
0x254: {  	_ =	swait.ge @!p0 [sflag:s0], s1  }
0x255: {  	s1 =	ssub.s32 @!p0 $0x0, s1;
	[sflag:s0] =	ssyncset.done @!p0 $0x0  }
0x256: {  	[sflag:s0] =	ssyncadd.s32 @!p0 s1  }
0x257: {  	[bflag:$0x3] =	sbarrier.arrive $0xFFFF  }
0x258: {  	_ =	shalt  }

</sc_bundles>
